<compile_context>
chip_gen: v7x
topology: tpu7x:2x2x1
jax: 0.10.2.dev20260603
libtpu: 0.0.44.dev20260713+nightly
codegen_flags: <defaults>
</compile_context>

<pallas_src>
import functools
import math

import jax
import jax.numpy as jnp
import numpy as np
from jax.experimental import pallas as pl
from jax.experimental.pallas import tpu as pltpu
from jax.experimental.pallas import tpu_sc as plsc

_N, _E, _D, _R = 10000, 320000, 128, 4
_SCALING = 8.0 / 4.0

_NC, _NS, _L = 2, 16, 16
_NW = _NC * _NS
_ET = _E // _NW
_EC = -(-_ET // 128)
_ETP = _EC * 128
_CH = 64
_EC2 = _ETP // _CH
_TRASH = _N
_NPAD = 10240
_ZROWS = _NPAD // _NS


def _pe_full_table():
    pe = np.zeros((2000, _D), dtype=np.float32)
    position = np.arange(0, 2000, dtype=np.float32)[:, None]
    div_term = np.exp(
        np.arange(0, _D, 2, dtype=np.float32) * (-math.log(10000.0) / _D))
    pe[:, 0::2] = np.sin(position * div_term)
    pe[:, 1::2] = np.cos(position * div_term[: _D // 2])
    return np.ascontiguousarray(np.concatenate(
        [pe, np.broadcast_to(pe[1999], (_N - 2000, _D))], axis=0))


_PE_FULL = _pe_full_table()



def _sc_mesh():
    return plsc.VectorSubcoreMesh(
        core_axis_name="c", subcore_axis_name="s",
        num_cores=_NC, num_subcores=_NS)


def _munge_body(src_hbm, dst_hbm, srcp_hbm, dstp_hbm, dego_hbm, degi_hbm,
                src_v, dst_v, dego_v, degi_v, dstp_v):
    c = jax.lax.axis_index("c")
    s = jax.lax.axis_index("s")
    wid = c * _NS + s
    base = wid * _ET
    pltpu.sync_copy(src_hbm.at[pl.ds(base, _ET)], src_v.at[pl.ds(0, _ET)])
    pltpu.sync_copy(dst_hbm.at[pl.ds(base, _ET)], dst_v.at[pl.ds(0, _ET)])
    izero = jnp.zeros((_L,), jnp.int32)
    fzero = jnp.zeros((_L,), jnp.float32)
    trash = jnp.full((_L,), _TRASH, jnp.int32)
    for j in range((_ETP - _ET) // _L):
        src_v[pl.ds(_ET + j * _L, _L)] = izero
        dst_v[pl.ds(_ET + j * _L, _L)] = izero

    def zbody(i, carry):
        dego_v[pl.ds(i * _L, _L)] = fzero
        degi_v[pl.ds(i * _L, _L)] = fzero
        return carry
    jax.lax.fori_loop(0, _N // _L, zbody, 0)

    def mbody(r, carry):
        for j in range(8):
            off = r * 128 + j * _L
            s16 = src_v[pl.ds(off, _L)]
            d16 = dst_v[pl.ds(off, _L)]
            keep = s16 != d16
            keepf = jnp.where(keep, 1.0, 0.0).astype(jnp.float32)
            plsc.addupdate_scatter(dego_v, [s16], keepf)
            plsc.addupdate_scatter(degi_v, [d16], keepf)
            dstp_v[r * 2 + j // 4, pl.ds((j % 4) * _L, _L)] = (
                jnp.where(keep, d16, trash))
        return carry
    jax.lax.fori_loop(0, _EC, mbody, 0)

    pltpu.sync_copy(src_v, srcp_hbm.at[wid])
    pltpu.sync_copy(dstp_v, dstp_hbm.at[wid])
    pltpu.sync_copy(dego_v, dego_hbm.at[wid])
    pltpu.sync_copy(degi_v, degi_hbm.at[wid])


@functools.cache
def _sc_munge():
    return pl.kernel(
        _munge_body,
        out_type=(
            jax.ShapeDtypeStruct((_NW, _ETP), jnp.int32),
            jax.ShapeDtypeStruct((_NW, _EC2, _CH), jnp.int32),
            jax.ShapeDtypeStruct((_NW, _N), jnp.float32),
            jax.ShapeDtypeStruct((_NW, _N), jnp.float32),
        ),
        mesh=_sc_mesh(),
        compiler_params=pltpu.CompilerParams(needs_layout_passes=False),
        scratch_types=[
            pltpu.VMEM((_ETP,), jnp.int32),
            pltpu.VMEM((_ETP,), jnp.int32),
            pltpu.VMEM((_N,), jnp.float32),
            pltpu.VMEM((_N,), jnp.float32),
            pltpu.VMEM((_EC2, _CH), jnp.int32),
        ],
    )


def _edge_body(hs_hbm, srcp_hbm, dstp_hbm, out_hbm,
               src_v, dstst, rows0, rows1, rows2, acc_shr, gsem, isem, ssem):
    c = jax.lax.axis_index("c")
    s = jax.lax.axis_index("s")
    wid = c * _NS + s
    fzero = jnp.zeros((_L,), jnp.float32)

    def zbody(r, carry):
        for j in range(8):
            rows0[r, pl.ds(j * _L, _L)] = fzero
        return carry
    jax.lax.fori_loop(0, _CH, zbody, 0)
    for k in range(_ZROWS // _CH):
        pltpu.sync_copy(rows0, acc_shr.at[pl.ds(s * _ZROWS + k * _CH, _CH)])
    pltpu.sync_copy(srcp_hbm.at[wid], src_v)
    plsc.subcore_barrier()

    bufs = (rows0, rows1, rows2)
    nbuf = len(bufs)

    def _gather(ch):
        return hs_hbm.at[src_v.at[pl.ds(ch * _CH, _CH)]]

    def _istage(ch, slot):
        return (dstp_hbm.at[wid, ch], dstst.at[slot])

    def _scat(slot):
        return (bufs[slot], acc_shr.at[dstst.at[slot]])

    for p in range(nbuf - 1):
        pltpu.async_copy(*_istage(p, p), isem)
        pltpu.async_copy(_gather(p), bufs[p], gsem)

    def _step(ch, par, do_wait):
        slot = (par + nbuf - 1) % nbuf
        if do_wait:
            pltpu.make_async_copy(*_scat(slot), ssem).wait()
        pltpu.async_copy(*_istage(ch + nbuf - 1, slot), isem)
        pltpu.async_copy(_gather(ch + nbuf - 1), bufs[slot], gsem)
        pltpu.make_async_copy(_gather(ch), bufs[par], gsem).wait()
        pltpu.make_async_copy(*_istage(ch, par), isem).wait()
        pltpu.async_copy(*_scat(par), ssem, add=True)

    for par in range(nbuf):
        _step(par, par, do_wait=(par >= 1))
    nloop = (_EC2 - (nbuf - 1)) // nbuf - 1

    def cbody(i, carry):
        g = (i + 1) * nbuf
        for par in range(nbuf):
            _step(g + par, par, do_wait=True)
        return carry
    jax.lax.fori_loop(0, nloop, cbody, 0)
    for ch in range((nloop + 1) * nbuf, _EC2):
        par = ch % nbuf
        pltpu.make_async_copy(_gather(ch), bufs[par], gsem).wait()
        pltpu.make_async_copy(*_istage(ch, par), isem).wait()
        pltpu.async_copy(*_scat(par), ssem, add=True)
    for _ in range(nbuf):
        pltpu.make_async_copy(*_scat(0), ssem).wait()
    plsc.subcore_barrier()
    pltpu.sync_copy(acc_shr.at[pl.ds(s * _ZROWS, _ZROWS)],
                    out_hbm.at[c, pl.ds(s * _ZROWS, _ZROWS)])


@functools.cache
def _sc_edge():
    return pl.kernel(
        _edge_body,
        out_type=jax.ShapeDtypeStruct((_NC, _NPAD, _D), jnp.float32),
        mesh=_sc_mesh(),
        compiler_params=pltpu.CompilerParams(needs_layout_passes=False),
        scratch_types=[
            pltpu.VMEM((_ETP,), jnp.int32),
            pltpu.VMEM((3, _CH), jnp.int32),
            pltpu.VMEM((_CH, _D), jnp.float32),
            pltpu.VMEM((_CH, _D), jnp.float32),
            pltpu.VMEM((_CH, _D), jnp.float32),
            pltpu.VMEM_SHARED((_NPAD, _D), jnp.float32),
            pltpu.SemaphoreType.DMA,
            pltpu.SemaphoreType.DMA,
            pltpu.SemaphoreType.DMA,
        ],
    )



def _prologue_body(x_ref, pe_ref, w_ref, b_ref, a_ref, bb_ref,
                   dego_ref, degi_ref, h_ref, hs_ref, invi_ref, invo_ref):
    w_eff = w_ref[...] + _SCALING * jnp.dot(
        bb_ref[...], a_ref[...], preferred_element_type=jnp.float32)
    h = jnp.dot(x_ref[...], w_eff.T, preferred_element_type=jnp.float32)
    h = h + b_ref[...][None, :] + pe_ref[...]
    invo = jax.lax.rsqrt(jnp.sum(dego_ref[...], axis=0) + 1.0)[:, None]
    invi = jax.lax.rsqrt(jnp.sum(degi_ref[...], axis=0) + 1.0)[:, None]
    h_ref[...] = h
    hs_ref[...] = h * invo
    invi_ref[...] = invi
    invo_ref[...] = invo


def _tc_prologue(x, pe, W_in, b_in, A_in, B_in, dego, degi):
    return pl.pallas_call(
        _prologue_body,
        out_shape=(
            jax.ShapeDtypeStruct((_N, _D), jnp.float32),
            jax.ShapeDtypeStruct((_N, _D), jnp.float32),
            jax.ShapeDtypeStruct((_N, 1), jnp.float32),
            jax.ShapeDtypeStruct((_N, 1), jnp.float32),
        ),
    )(x, pe, W_in, b_in, A_in, B_in, dego, degi)


def _layer_body(is_last, agg_ref, h_ref, hs_ref, invi_ref, invo_ref,
                gw_ref, gb_ref, lw_ref, lb_ref, la_ref, lbb_ref,
                g_ref, be_ref, wo_ref, bo_ref, ao_ref, bbo_ref,
                out0_ref, out1_ref=None):
    agg = (agg_ref[0, :_N] + agg_ref[1, :_N] + hs_ref[...]) * invi_ref[...]
    lw_eff = lw_ref[...] + _SCALING * jnp.dot(
        lbb_ref[...], la_ref[...], preferred_element_type=jnp.float32)
    hn = jnp.dot(agg, gw_ref[...].T, preferred_element_type=jnp.float32)
    hn = hn + gb_ref[...][None, :]
    hn = hn + jnp.dot(h_ref[...], lw_eff.T,
                      preferred_element_type=jnp.float32) + lb_ref[...][None, :]
    mu = jnp.mean(hn, axis=-1, keepdims=True)
    var = jnp.mean((hn - mu) ** 2, axis=-1, keepdims=True)
    hn = (hn - mu) * jax.lax.rsqrt(var + 1e-5)
    hn = hn * g_ref[...][None, :] + be_ref[...][None, :]
    hn = 0.5 * hn * (1.0 + jax.lax.erf(hn * (1.0 / np.sqrt(2.0))))
    h_next = h_ref[...] + hn
    if is_last:
        wo_eff = wo_ref[...] + _SCALING * jnp.dot(
            bbo_ref[...], ao_ref[...], preferred_element_type=jnp.float32)
        out0_ref[...] = jnp.dot(
            h_next, wo_eff.T,
            preferred_element_type=jnp.float32) + bo_ref[...][None, :]
    else:
        out0_ref[...] = h_next
        out1_ref[...] = h_next * invo_ref[...]


def _tc_layer(agg, h, hs, inv_in, inv_out, gW, gb, lW, lb, lA, lB, g, be):
    return pl.pallas_call(
        functools.partial(_layer_body, False),
        out_shape=(
            jax.ShapeDtypeStruct((_N, _D), jnp.float32),
            jax.ShapeDtypeStruct((_N, _D), jnp.float32),
        ),
    )(agg, h, hs, inv_in, inv_out, gW, gb, lW, lb, lA, lB, g, be,
      gW, gb, lA, lB)


def _tc_layer_last(agg, h, hs, inv_in, gW, gb, lW, lb, lA, lB, g, be,
                   W_out, b_out, A_out, B_out):
    return pl.pallas_call(
        functools.partial(_layer_body, True),
        out_shape=jax.ShapeDtypeStruct((_N, _D), jnp.float32),
    )(agg, h, hs, inv_in, inv_in, gW, gb, lW, lb, lA, lB, g, be,
      W_out, b_out, A_out, B_out)



def kernel(x, edge_index, W_in, b_in, A_in, B_in, gW1, gb1, lW1, lb1, lA1,
           lB1, g1, be1, gW2, gb2, lW2, lb2, lA2, lB2, g2, be2, W_out, b_out,
           A_out, B_out):
    src = edge_index[0]
    dst = edge_index[1]

    srcp, dstp, dego, degi = _sc_munge()(src, dst)
    h, hs, inv_in, inv_out = _tc_prologue(
        x, _PE_FULL, W_in, b_in, A_in, B_in, dego, degi)

    aggp = _sc_edge()(hs, srcp, dstp)
    h, hs = _tc_layer(aggp, h, hs, inv_in, inv_out,
                      gW1, gb1, lW1, lb1, lA1, lB1, g1, be1)

    aggp = _sc_edge()(hs, srcp, dstp)
    out = _tc_layer_last(aggp, h, hs, inv_in, gW2, gb2, lW2, lb2, lA2, lB2,
                         g2, be2, W_out, b_out, A_out, B_out)
    return out

# --- scband reference (transcript-rebuilt; emitter-appended) ---
"""Pipeline reference for scband-lo-ragnnadapter-2929167695979 (READ-ONLY COPY).

The authoritative reference and input builder live on the scoring server;
editing this copy changes nothing except your own understanding.
"""

import jax, jax.numpy as jnp
import numpy as np
import math

N, E, D, R = 10000, 320000, 128, 4
SCALING = 8.0 / 4.0

def _pe_table():
    pe = np.zeros((2000, D), dtype=np.float32)
    position = np.arange(0, 2000, dtype=np.float32)[:, None]
    div_term = np.exp(np.arange(0, D, 2, dtype=np.float32) * (-math.log(10000.0) / D))
    pe[:, 0::2] = np.sin(position * div_term)
    pe[:, 1::2] = np.cos(position * div_term[: D // 2])
    return jnp.asarray(pe)

def setup_inputs(seed: int = 0):
    key = jax.random.key(seed)
    ks = jax.random.split(key, 40)
    def nrm(i, shape, scale):
        return jax.random.normal(ks[i], shape, dtype=jnp.float32) * scale
    s = 1.0 / math.sqrt(D)
    inp = {}
    inp['x'] = jax.random.normal(ks[0], (N, D), dtype=jnp.float32)
    inp['edge_index'] = jax.random.randint(ks[1], (2, E), 0, N, dtype=jnp.int32)
    inp['W_in'] = nrm(2, (D, D), s); inp['b_in'] = nrm(3, (D,), 0.01)
    inp['A_in'] = nrm(4, (R, D), s); inp['B_in'] = nrm(5, (D, R), 0.01)
    inp['gW1'] = nrm(6, (D, D), s); inp['gb1'] = nrm(7, (D,), 0.01)
    inp['lW1'] = nrm(8, (D, D), s); inp['lb1'] = nrm(9, (D,), 0.01)
    inp['lA1'] = nrm(10, (R, D), s); inp['lB1'] = nrm(11, (D, R), 0.01)
    inp['g1'] = jnp.ones((D,), jnp.float32); inp['be1'] = jnp.zeros((D,), jnp.float32)
    inp['gW2'] = nrm(12, (D, D), s); inp['gb2'] = nrm(13, (D,), 0.01)
    inp['lW2'] = nrm(14, (D, D), s); inp['lb2'] = nrm(15, (D,), 0.01)
    inp['lA2'] = nrm(16, (R, D), s); inp['lB2'] = nrm(17, (D, R), 0.01)
    inp['g2'] = jnp.ones((D,), jnp.float32); inp['be2'] = jnp.zeros((D,), jnp.float32)
    inp['W_out'] = nrm(18, (D, D), s); inp['b_out'] = nrm(19, (D,), 0.01)
    inp['A_out'] = nrm(20, (R, D), s); inp['B_out'] = nrm(21, (D, R), 0.01)
    return inp

def _lora(x, W, b, A, B):
    return x @ W.T + b + (x @ A.T @ B.T) * SCALING

def _graph_conv(h, src, dst, keep, W, b):
    deg_out = jnp.zeros((N,), h.dtype).at[src].add(keep) + 1.0
    deg_in = jnp.zeros((N,), h.dtype).at[dst].add(keep) + 1.0
    hs = h * (deg_out ** -0.5)[:, None]
    agg = jnp.zeros((N, D), h.dtype).at[dst].add(hs[src] * keep[:, None]) + hs
    agg = agg * (deg_in ** -0.5)[:, None]
    return agg @ W.T + b

def _layernorm(x, g, b):
    mu = jnp.mean(x, axis=-1, keepdims=True)
    var = jnp.var(x, axis=-1, keepdims=True)
    return (x - mu) / jnp.sqrt(var + 1e-5) * g + b

def reference(x, edge_index, W_in, b_in, A_in, B_in, gW1, gb1, lW1, lb1, lA1, lB1, g1, be1, gW2, gb2, lW2, lb2, lA2, lB2, g2, be2, W_out, b_out, A_out, B_out):
    pe = _pe_table()
    src = edge_index[0]; dst = edge_index[1]
    keep = (src != dst).astype(jnp.float32)
    h = _lora(x, W_in, b_in, A_in, B_in)
    pos = jnp.clip(jnp.arange(N), 0, 1999)
    h = h + pe[pos]
    for (gW, gb, lW, lb, lA, lB, g, be) in ((gW1, gb1, lW1, lb1, lA1, lB1, g1, be1), (gW2, gb2, lW2, lb2, lA2, lB2, g2, be2)):
        h_new = _graph_conv(h, src, dst, keep, gW, gb) + _lora(h, lW, lb, lA, lB)
        h_new = _layernorm(h_new, g, be)
        h_new = jax.nn.gelu(h_new, approximate=False)
        h = h + h_new
    return _lora(h, W_out, b_out, A_out, B_out)

if __name__ == "__main__":
    import jax
    _d = setup_inputs()
    print(jax.jit(kernel)(*tuple(_d.values())))

</pallas_src>

<mosaic_0001>
#map = affine_map<(d0, d1) -> (0)>
#map1 = affine_map<(d0, d1) -> (0, 0)>
#map2 = affine_map<(d0, d1) -> (0, 0, 0)>
module attributes {stable_mosaic.version = 14 : i64} {
  func.func @_munge_body(%arg0: i32, %arg1: i32, %arg2: memref<320000xi32, #tpu.memory_space<hbm>>, %arg3: memref<320000xi32, #tpu.memory_space<hbm>>, %arg4: memref<32x10112xi32, #tpu.memory_space<hbm>>, %arg5: memref<32x158x64xi32, #tpu.memory_space<hbm>>, %arg6: memref<32x10000xf32, #tpu.memory_space<hbm>>, %arg7: memref<32x10000xf32, #tpu.memory_space<hbm>>, %arg8: memref<10112xi32, #tpu.memory_space<vmem>>, %arg9: memref<10112xi32, #tpu.memory_space<vmem>>, %arg10: memref<10000xf32, #tpu.memory_space<vmem>>, %arg11: memref<10000xf32, #tpu.memory_space<vmem>>, %arg12: memref<158x64xi32, #tpu.memory_space<vmem>>) attributes {dimension_semantics = [#tpu.dimension_semantics<core_parallel>, #tpu.dimension_semantics<subcore_parallel>], iteration_bounds = array<i64: 2, 16>, scalar_prefetch = 0 : i64, scratch_operands = 5 : i64, tpu.core_type = #tpu.core_type<sc_vector_subcore>, window_params = [{transform_indices = #map}, {transform_indices = #map}, {transform_indices = #map1}, {transform_indices = #map2}, {transform_indices = #map1}, {transform_indices = #map1}]} {
    %mul3A = arith.constant 16 : i32
    %mul3A_0 = arith.muli %arg0, %mul3A : i32
    %add3A = arith.addi %mul3A_0, %arg1 : i32
    %mul3A_1 = arith.constant 10000 : i32
    %mul3A_2 = arith.muli %add3A, %mul3A_1 : i32
    "tpu.region"() ({
      %run_scoped3A = tpu.sem_alloc : memref<!tpu.dma_semaphore, #tpu.memory_space<semaphore_mem>>
      %dma_start3A = arith.constant 0 : i32
      %dma_start3A_46 = tpu.memref_slice %arg8[%dma_start3A] : memref<10112xi32, #tpu.memory_space<vmem>> -> memref<10000xi32, #tpu.memory_space<vmem>>
      %dma_start3A_47 = tpu.memref_slice %arg2[%mul3A_2] : memref<320000xi32, #tpu.memory_space<hbm>> -> memref<10000xi32, #tpu.memory_space<hbm>>
      %dma_start3A_48 = arith.constant 0 : i32
      %dma_start3A_49 = tpu.memref_slice %arg8[%dma_start3A_48] : memref<10112xi32, #tpu.memory_space<vmem>> -> memref<10000xi32, #tpu.memory_space<vmem>>
      %dma_start3A_50 = tpu.memref_slice %arg2[%mul3A_2] : memref<320000xi32, #tpu.memory_space<hbm>> -> memref<10000xi32, #tpu.memory_space<hbm>>
      tpu.enqueue_dma source(%dma_start3A_50 : memref<10000xi32, #tpu.memory_space<hbm>>) target(%dma_start3A_49 : memref<10000xi32, #tpu.memory_space<vmem>>) target_semaphore(%run_scoped3A : memref<!tpu.dma_semaphore, #tpu.memory_space<semaphore_mem>>)
      %dma_wait3A = arith.constant 0 : i32
      %dma_wait3A_51 = tpu.memref_slice %arg8[%dma_wait3A] : memref<10112xi32, #tpu.memory_space<vmem>> -> memref<10000xi32, #tpu.memory_space<vmem>>
      %dma_wait3A_52 = tpu.memref_slice %arg2[%mul3A_2] : memref<320000xi32, #tpu.memory_space<hbm>> -> memref<10000xi32, #tpu.memory_space<hbm>>
      %dma_wait3A_53 = arith.constant 0 : i32
      %dma_wait3A_54 = tpu.memref_slice %arg8[%dma_wait3A_53] : memref<10112xi32, #tpu.memory_space<vmem>> -> memref<10000xi32, #tpu.memory_space<vmem>>
      %dma_wait3A_55 = tpu.memref_slice %arg2[%mul3A_2] : memref<320000xi32, #tpu.memory_space<hbm>> -> memref<10000xi32, #tpu.memory_space<hbm>>
      tpu.wait_dma2 semaphore(%run_scoped3A : memref<!tpu.dma_semaphore, #tpu.memory_space<semaphore_mem>>) src(%dma_wait3A_55 : memref<10000xi32, #tpu.memory_space<hbm>>) dst(%dma_wait3A_54 : memref<10000xi32, #tpu.memory_space<vmem>>)
      tpu.yield
    }) : () -> ()
    "tpu.region"() ({
      %run_scoped3A = tpu.sem_alloc : memref<!tpu.dma_semaphore, #tpu.memory_space<semaphore_mem>>
      %dma_start3A = arith.constant 0 : i32
      %dma_start3A_46 = tpu.memref_slice %arg9[%dma_start3A] : memref<10112xi32, #tpu.memory_space<vmem>> -> memref<10000xi32, #tpu.memory_space<vmem>>
      %dma_start3A_47 = tpu.memref_slice %arg3[%mul3A_2] : memref<320000xi32, #tpu.memory_space<hbm>> -> memref<10000xi32, #tpu.memory_space<hbm>>
      %dma_start3A_48 = arith.constant 0 : i32
      %dma_start3A_49 = tpu.memref_slice %arg9[%dma_start3A_48] : memref<10112xi32, #tpu.memory_space<vmem>> -> memref<10000xi32, #tpu.memory_space<vmem>>
      %dma_start3A_50 = tpu.memref_slice %arg3[%mul3A_2] : memref<320000xi32, #tpu.memory_space<hbm>> -> memref<10000xi32, #tpu.memory_space<hbm>>
      tpu.enqueue_dma source(%dma_start3A_50 : memref<10000xi32, #tpu.memory_space<hbm>>) target(%dma_start3A_49 : memref<10000xi32, #tpu.memory_space<vmem>>) target_semaphore(%run_scoped3A : memref<!tpu.dma_semaphore, #tpu.memory_space<semaphore_mem>>)
      %dma_wait3A = arith.constant 0 : i32
      %dma_wait3A_51 = tpu.memref_slice %arg9[%dma_wait3A] : memref<10112xi32, #tpu.memory_space<vmem>> -> memref<10000xi32, #tpu.memory_space<vmem>>
      %dma_wait3A_52 = tpu.memref_slice %arg3[%mul3A_2] : memref<320000xi32, #tpu.memory_space<hbm>> -> memref<10000xi32, #tpu.memory_space<hbm>>
      %dma_wait3A_53 = arith.constant 0 : i32
      %dma_wait3A_54 = tpu.memref_slice %arg9[%dma_wait3A_53] : memref<10112xi32, #tpu.memory_space<vmem>> -> memref<10000xi32, #tpu.memory_space<vmem>>
      %dma_wait3A_55 = tpu.memref_slice %arg3[%mul3A_2] : memref<320000xi32, #tpu.memory_space<hbm>> -> memref<10000xi32, #tpu.memory_space<hbm>>
      tpu.wait_dma2 semaphore(%run_scoped3A : memref<!tpu.dma_semaphore, #tpu.memory_space<semaphore_mem>>) src(%dma_wait3A_55 : memref<10000xi32, #tpu.memory_space<hbm>>) dst(%dma_wait3A_54 : memref<10000xi32, #tpu.memory_space<vmem>>)
      tpu.yield
    }) : () -> ()
    %broadcast_in_dim3A = arith.constant 0 : i32
    %broadcast_in_dim3A_3 = vector.broadcast %broadcast_in_dim3A : i32 to vector<16xi32>
    %broadcast_in_dim3A_4 = arith.constant 0.000000e+00 : f32
    %broadcast_in_dim3A_5 = vector.broadcast %broadcast_in_dim3A_4 : f32 to vector<16xf32>
    %broadcast_in_dim3A_6 = arith.constant 10000 : i32
    %broadcast_in_dim3A_7 = vector.broadcast %broadcast_in_dim3A_6 : i32 to vector<16xi32>
    %swap3A = arith.constant 10000 : index
    %swap3A_8 = tpu.vector_load %arg8[%swap3A] {strides = array<i32>} : memref<10112xi32, #tpu.memory_space<vmem>>, vector<16xi32>,
    tpu.vector_store %arg8[%swap3A], %broadcast_in_dim3A_3 {strides = array<i32>} : memref<10112xi32, #tpu.memory_space<vmem>>, vector<16xi32>,
    %swap3A_9 = arith.constant 10000 : index
    %swap3A_10 = tpu.vector_load %arg9[%swap3A_9] {strides = array<i32>} : memref<10112xi32, #tpu.memory_space<vmem>>, vector<16xi32>,
    tpu.vector_store %arg9[%swap3A_9], %broadcast_in_dim3A_3 {strides = array<i32>} : memref<10112xi32, #tpu.memory_space<vmem>>, vector<16xi32>,
    %swap3A_11 = arith.constant 10016 : index
    %swap3A_12 = tpu.vector_load %arg8[%swap3A_11] {strides = array<i32>} : memref<10112xi32, #tpu.memory_space<vmem>>, vector<16xi32>,
    tpu.vector_store %arg8[%swap3A_11], %broadcast_in_dim3A_3 {strides = array<i32>} : memref<10112xi32, #tpu.memory_space<vmem>>, vector<16xi32>,
    %swap3A_13 = arith.constant 10016 : index
    %swap3A_14 = tpu.vector_load %arg9[%swap3A_13] {strides = array<i32>} : memref<10112xi32, #tpu.memory_space<vmem>>, vector<16xi32>,
    tpu.vector_store %arg9[%swap3A_13], %broadcast_in_dim3A_3 {strides = array<i32>} : memref<10112xi32, #tpu.memory_space<vmem>>, vector<16xi32>,
    %swap3A_15 = arith.constant 10032 : index
    %swap3A_16 = tpu.vector_load %arg8[%swap3A_15] {strides = array<i32>} : memref<10112xi32, #tpu.memory_space<vmem>>, vector<16xi32>,
    tpu.vector_store %arg8[%swap3A_15], %broadcast_in_dim3A_3 {strides = array<i32>} : memref<10112xi32, #tpu.memory_space<vmem>>, vector<16xi32>,
    %swap3A_17 = arith.constant 10032 : index
    %swap3A_18 = tpu.vector_load %arg9[%swap3A_17] {strides = array<i32>} : memref<10112xi32, #tpu.memory_space<vmem>>, vector<16xi32>,
    tpu.vector_store %arg9[%swap3A_17], %broadcast_in_dim3A_3 {strides = array<i32>} : memref<10112xi32, #tpu.memory_space<vmem>>, vector<16xi32>,
    %swap3A_19 = arith.constant 10048 : index
    %swap3A_20 = tpu.vector_load %arg8[%swap3A_19] {strides = array<i32>} : memref<10112xi32, #tpu.memory_space<vmem>>, vector<16xi32>,
    tpu.vector_store %arg8[%swap3A_19], %broadcast_in_dim3A_3 {strides = array<i32>} : memref<10112xi32, #tpu.memory_space<vmem>>, vector<16xi32>,
    %swap3A_21 = arith.constant 10048 : index
    %swap3A_22 = tpu.vector_load %arg9[%swap3A_21] {strides = array<i32>} : memref<10112xi32, #tpu.memory_space<vmem>>, vector<16xi32>,
    tpu.vector_store %arg9[%swap3A_21], %broadcast_in_dim3A_3 {strides = array<i32>} : memref<10112xi32, #tpu.memory_space<vmem>>, vector<16xi32>,
    %swap3A_23 = arith.constant 10064 : index
    %swap3A_24 = tpu.vector_load %arg8[%swap3A_23] {strides = array<i32>} : memref<10112xi32, #tpu.memory_space<vmem>>, vector<16xi32>,
    tpu.vector_store %arg8[%swap3A_23], %broadcast_in_dim3A_3 {strides = array<i32>} : memref<10112xi32, #tpu.memory_space<vmem>>, vector<16xi32>,
    %swap3A_25 = arith.constant 10064 : index
    %swap3A_26 = tpu.vector_load %arg9[%swap3A_25] {strides = array<i32>} : memref<10112xi32, #tpu.memory_space<vmem>>, vector<16xi32>,
    tpu.vector_store %arg9[%swap3A_25], %broadcast_in_dim3A_3 {strides = array<i32>} : memref<10112xi32, #tpu.memory_space<vmem>>, vector<16xi32>,
    %swap3A_27 = arith.constant 10080 : index
    %swap3A_28 = tpu.vector_load %arg8[%swap3A_27] {strides = array<i32>} : memref<10112xi32, #tpu.memory_space<vmem>>, vector<16xi32>,
    tpu.vector_store %arg8[%swap3A_27], %broadcast_in_dim3A_3 {strides = array<i32>} : memref<10112xi32, #tpu.memory_space<vmem>>, vector<16xi32>,
    %swap3A_29 = arith.constant 10080 : index
    %swap3A_30 = tpu.vector_load %arg9[%swap3A_29] {strides = array<i32>} : memref<10112xi32, #tpu.memory_space<vmem>>, vector<16xi32>,
    tpu.vector_store %arg9[%swap3A_29], %broadcast_in_dim3A_3 {strides = array<i32>} : memref<10112xi32, #tpu.memory_space<vmem>>, vector<16xi32>,
    %swap3A_31 = arith.constant 10096 : index
    %swap3A_32 = tpu.vector_load %arg8[%swap3A_31] {strides = array<i32>} : memref<10112xi32, #tpu.memory_space<vmem>>, vector<16xi32>,
    tpu.vector_store %arg8[%swap3A_31], %broadcast_in_dim3A_3 {strides = array<i32>} : memref<10112xi32, #tpu.memory_space<vmem>>, vector<16xi32>,
    %swap3A_33 = arith.constant 10096 : index
    %swap3A_34 = tpu.vector_load %arg9[%swap3A_33] {strides = array<i32>} : memref<10112xi32, #tpu.memory_space<vmem>>, vector<16xi32>,
    tpu.vector_store %arg9[%swap3A_33], %broadcast_in_dim3A_3 {strides = array<i32>} : memref<10112xi32, #tpu.memory_space<vmem>>, vector<16xi32>,
    %scan3A = arith.constant 0 : i32
    %scan3A_35 = arith.constant 0 : i32
    %scan3A_36 = arith.constant 625 : i32
    %scan3A_37 = arith.addi %scan3A_35, %scan3A_36 : i32
    %scan3A_38 = arith.constant 1 : i32
    scf.for %scan3A_46 = %scan3A_35 to %scan3A_37 step %scan3A_38  : i32 {
      %mul3A_47 = arith.constant 16 : i32
      %mul3A_48 = arith.muli %scan3A_46, %mul3A_47 : i32
      %swap3A_49 = arith.index_cast %mul3A_48 : i32 to index
      %swap3A_50 = tpu.vector_load %arg10[%swap3A_49] {strides = array<i32>} : memref<10000xf32, #tpu.memory_space<vmem>>, vector<16xf32>,
      tpu.vector_store %arg10[%swap3A_49], %broadcast_in_dim3A_5 {strides = array<i32>} : memref<10000xf32, #tpu.memory_space<vmem>>, vector<16xf32>,
      %mul3A_51 = arith.constant 16 : i32
      %mul3A_52 = arith.muli %scan3A_46, %mul3A_51 : i32
      %swap3A_53 = arith.index_cast %mul3A_52 : i32 to index
      %swap3A_54 = tpu.vector_load %arg11[%swap3A_53] {strides = array<i32>} : memref<10000xf32, #tpu.memory_space<vmem>>, vector<16xf32>,
      tpu.vector_store %arg11[%swap3A_53], %broadcast_in_dim3A_5 {strides = array<i32>} : memref<10000xf32, #tpu.memory_space<vmem>>, vector<16xf32>,
    }
    %scan3A_39 = arith.constant 625 : i32
    %scan3A_40 = arith.constant 0 : i32
    %scan3A_41 = arith.constant 0 : i32
    %scan3A_42 = arith.constant 79 : i32
    %scan3A_43 = arith.addi %scan3A_41, %scan3A_42 : i32
    %scan3A_44 = arith.constant 1 : i32
    scf.for %scan3A_46 = %scan3A_41 to %scan3A_43 step %scan3A_44  : i32 {
      %mul3A_47 = arith.constant 128 : i32
      %mul3A_48 = arith.muli %scan3A_46, %mul3A_47 : i32
      %add3A_49 = arith.constant 0 : i32
      %add3A_50 = arith.addi %mul3A_48, %add3A_49 : i32
      %get3A = arith.index_cast %add3A_50 : i32 to index
      %get3A_51 = tpu.vector_load %arg8[%get3A] {strides = array<i32>} : memref<10112xi32, #tpu.memory_space<vmem>>, vector<16xi32>,
      %get3A_52 = arith.index_cast %add3A_50 : i32 to index
      %get3A_53 = tpu.vector_load %arg9[%get3A_52] {strides = array<i32>} : memref<10112xi32, #tpu.memory_space<vmem>>, vector<16xi32>,
      %ne3A = arith.cmpi ne, %get3A_51, %get3A_53 : vector<16xi32>
      %jit3A = arith.constant 1.000000e+00 : f32
      %jit3A_54 = arith.constant 0.000000e+00 : f32
      %broadcast_in_dim3A_55 = vector.broadcast %jit3A : f32 to vector<16xf32>
      %broadcast_in_dim3A_56 = vector.broadcast %jit3A_54 : f32 to vector<16xf32>
      %select_n3A = arith.select %ne3A, %broadcast_in_dim3A_55, %broadcast_in_dim3A_56 : vector<16xi1>, vector<16xf32>
      tpu.vector_store_idx %arg10[%get3A_51], %select_n3A {add = true} : memref<10000xf32, #tpu.memory_space<vmem>>[vector<16xi32>], vector<16xf32>,
      tpu.vector_store_idx %arg11[%get3A_53], %select_n3A {add = true} : memref<10000xf32, #tpu.memory_space<vmem>>[vector<16xi32>], vector<16xf32>,
      %select_n3A_57 = arith.select %ne3A, %get3A_53, %broadcast_in_dim3A_7 : vector<16xi1>, vector<16xi32>
      %mul3A_58 = arith.constant 2 : i32
      %mul3A_59 = arith.muli %scan3A_46, %mul3A_58 : i32
      %add3A_60 = arith.constant 0 : i32
      %add3A_61 = arith.addi %mul3A_59, %add3A_60 : i32
      %swap3A_62 = arith.index_cast %add3A_61 : i32 to index
      %swap3A_63 = arith.constant 0 : index
      %swap3A_64 = tpu.vector_load %arg12[%swap3A_62, %swap3A_63] {strides = array<i32>} : memref<158x64xi32, #tpu.memory_space<vmem>>, vector<16xi32>,
      tpu.vector_store %arg12[%swap3A_62, %swap3A_63], %select_n3A_57 {strides = array<i32>} : memref<158x64xi32, #tpu.memory_space<vmem>>, vector<16xi32>,
      %mul3A_65 = arith.constant 128 : i32
      %mul3A_66 = arith.muli %scan3A_46, %mul3A_65 : i32
      %add3A_67 = arith.constant 16 : i32
      %add3A_68 = arith.addi %mul3A_66, %add3A_67 : i32
      %get3A_69 = arith.index_cast %add3A_68 : i32 to index
      %get3A_70 = tpu.vector_load %arg8[%get3A_69] {strides = array<i32>} : memref<10112xi32, #tpu.memory_space<vmem>>, vector<16xi32>,
      %get3A_71 = arith.index_cast %add3A_68 : i32 to index
      %get3A_72 = tpu.vector_load %arg9[%get3A_71] {strides = array<i32>} : memref<10112xi32, #tpu.memory_space<vmem>>, vector<16xi32>,
      %ne3A_73 = arith.cmpi ne, %get3A_70, %get3A_72 : vector<16xi32>
      %jit3A_74 = arith.constant 1.000000e+00 : f32
      %jit3A_75 = arith.constant 0.000000e+00 : f32
      %broadcast_in_dim3A_76 = vector.broadcast %jit3A_74 : f32 to vector<16xf32>
      %broadcast_in_dim3A_77 = vector.broadcast %jit3A_75 : f32 to vector<16xf32>
      %select_n3A_78 = arith.select %ne3A_73, %broadcast_in_dim3A_76, %broadcast_in_dim3A_77 : vector<16xi1>, vector<16xf32>
      tpu.vector_store_idx %arg10[%get3A_70], %select_n3A_78 {add = true} : memref<10000xf32, #tpu.memory_space<vmem>>[vector<16xi32>], vector<16xf32>,
      tpu.vector_store_idx %arg11[%get3A_72], %select_n3A_78 {add = true} : memref<10000xf32, #tpu.memory_space<vmem>>[vector<16xi32>], vector<16xf32>,
      %select_n3A_79 = arith.select %ne3A_73, %get3A_72, %broadcast_in_dim3A_7 : vector<16xi1>, vector<16xi32>
      %mul3A_80 = arith.constant 2 : i32
      %mul3A_81 = arith.muli %scan3A_46, %mul3A_80 : i32
      %add3A_82 = arith.constant 0 : i32
      %add3A_83 = arith.addi %mul3A_81, %add3A_82 : i32
      %swap3A_84 = arith.index_cast %add3A_83 : i32 to index
      %swap3A_85 = arith.constant 16 : index
      %swap3A_86 = tpu.vector_load %arg12[%swap3A_84, %swap3A_85] {strides = array<i32>} : memref<158x64xi32, #tpu.memory_space<vmem>>, vector<16xi32>,
      tpu.vector_store %arg12[%swap3A_84, %swap3A_85], %select_n3A_79 {strides = array<i32>} : memref<158x64xi32, #tpu.memory_space<vmem>>, vector<16xi32>,
      %mul3A_87 = arith.constant 128 : i32
      %mul3A_88 = arith.muli %scan3A_46, %mul3A_87 : i32
      %add3A_89 = arith.constant 32 : i32
      %add3A_90 = arith.addi %mul3A_88, %add3A_89 : i32
      %get3A_91 = arith.index_cast %add3A_90 : i32 to index
      %get3A_92 = tpu.vector_load %arg8[%get3A_91] {strides = array<i32>} : memref<10112xi32, #tpu.memory_space<vmem>>, vector<16xi32>,
      %get3A_93 = arith.index_cast %add3A_90 : i32 to index
      %get3A_94 = tpu.vector_load %arg9[%get3A_93] {strides = array<i32>} : memref<10112xi32, #tpu.memory_space<vmem>>, vector<16xi32>,
      %ne3A_95 = arith.cmpi ne, %get3A_92, %get3A_94 : vector<16xi32>
      %jit3A_96 = arith.constant 1.000000e+00 : f32
      %jit3A_97 = arith.constant 0.000000e+00 : f32
      %broadcast_in_dim3A_98 = vector.broadcast %jit3A_96 : f32 to vector<16xf32>
      %broadcast_in_dim3A_99 = vector.broadcast %jit3A_97 : f32 to vector<16xf32>
      %select_n3A_100 = arith.select %ne3A_95, %broadcast_in_dim3A_98, %broadcast_in_dim3A_99 : vector<16xi1>, vector<16xf32>
      tpu.vector_store_idx %arg10[%get3A_92], %select_n3A_100 {add = true} : memref<10000xf32, #tpu.memory_space<vmem>>[vector<16xi32>], vector<16xf32>,
      tpu.vector_store_idx %arg11[%get3A_94], %select_n3A_100 {add = true} : memref<10000xf32, #tpu.memory_space<vmem>>[vector<16xi32>], vector<16xf32>,
      %select_n3A_101 = arith.select %ne3A_95, %get3A_94, %broadcast_in_dim3A_7 : vector<16xi1>, vector<16xi32>
      %mul3A_102 = arith.constant 2 : i32
      %mul3A_103 = arith.muli %scan3A_46, %mul3A_102 : i32
      %add3A_104 = arith.constant 0 : i32
      %add3A_105 = arith.addi %mul3A_103, %add3A_104 : i32
      %swap3A_106 = arith.index_cast %add3A_105 : i32 to index
      %swap3A_107 = arith.constant 32 : index
      %swap3A_108 = tpu.vector_load %arg12[%swap3A_106, %swap3A_107] {strides = array<i32>} : memref<158x64xi32, #tpu.memory_space<vmem>>, vector<16xi32>,
      tpu.vector_store %arg12[%swap3A_106, %swap3A_107], %select_n3A_101 {strides = array<i32>} : memref<158x64xi32, #tpu.memory_space<vmem>>, vector<16xi32>,
      %mul3A_109 = arith.constant 128 : i32
      %mul3A_110 = arith.muli %scan3A_46, %mul3A_109 : i32
      %add3A_111 = arith.constant 48 : i32
      %add3A_112 = arith.addi %mul3A_110, %add3A_111 : i32
      %get3A_113 = arith.index_cast %add3A_112 : i32 to index
      %get3A_114 = tpu.vector_load %arg8[%get3A_113] {strides = array<i32>} : memref<10112xi32, #tpu.memory_space<vmem>>, vector<16xi32>,
      %get3A_115 = arith.index_cast %add3A_112 : i32 to index
      %get3A_116 = tpu.vector_load %arg9[%get3A_115] {strides = array<i32>} : memref<10112xi32, #tpu.memory_space<vmem>>, vector<16xi32>,
      %ne3A_117 = arith.cmpi ne, %get3A_114, %get3A_116 : vector<16xi32>
      %jit3A_118 = arith.constant 1.000000e+00 : f32
      %jit3A_119 = arith.constant 0.000000e+00 : f32
      %broadcast_in_dim3A_120 = vector.broadcast %jit3A_118 : f32 to vector<16xf32>
      %broadcast_in_dim3A_121 = vector.broadcast %jit3A_119 : f32 to vector<16xf32>
      %select_n3A_122 = arith.select %ne3A_117, %broadcast_in_dim3A_120, %broadcast_in_dim3A_121 : vector<16xi1>, vector<16xf32>
      tpu.vector_store_idx %arg10[%get3A_114], %select_n3A_122 {add = true} : memref<10000xf32, #tpu.memory_space<vmem>>[vector<16xi32>], vector<16xf32>,
      tpu.vector_store_idx %arg11[%get3A_116], %select_n3A_122 {add = true} : memref<10000xf32, #tpu.memory_space<vmem>>[vector<16xi32>], vector<16xf32>,
      %select_n3A_123 = arith.select %ne3A_117, %get3A_116, %broadcast_in_dim3A_7 : vector<16xi1>, vector<16xi32>
      %mul3A_124 = arith.constant 2 : i32
      %mul3A_125 = arith.muli %scan3A_46, %mul3A_124 : i32
      %add3A_126 = arith.constant 0 : i32
      %add3A_127 = arith.addi %mul3A_125, %add3A_126 : i32
      %swap3A_128 = arith.index_cast %add3A_127 : i32 to index
      %swap3A_129 = arith.constant 48 : index
      %swap3A_130 = tpu.vector_load %arg12[%swap3A_128, %swap3A_129] {strides = array<i32>} : memref<158x64xi32, #tpu.memory_space<vmem>>, vector<16xi32>,
      tpu.vector_store %arg12[%swap3A_128, %swap3A_129], %select_n3A_123 {strides = array<i32>} : memref<158x64xi32, #tpu.memory_space<vmem>>, vector<16xi32>,
      %mul3A_131 = arith.constant 128 : i32
      %mul3A_132 = arith.muli %scan3A_46, %mul3A_131 : i32
      %add3A_133 = arith.constant 64 : i32
      %add3A_134 = arith.addi %mul3A_132, %add3A_133 : i32
      %get3A_135 = arith.index_cast %add3A_134 : i32 to index
      %get3A_136 = tpu.vector_load %arg8[%get3A_135] {strides = array<i32>} : memref<10112xi32, #tpu.memory_space<vmem>>, vector<16xi32>,
      %get3A_137 = arith.index_cast %add3A_134 : i32 to index
      %get3A_138 = tpu.vector_load %arg9[%get3A_137] {strides = array<i32>} : memref<10112xi32, #tpu.memory_space<vmem>>, vector<16xi32>,
      %ne3A_139 = arith.cmpi ne, %get3A_136, %get3A_138 : vector<16xi32>
      %jit3A_140 = arith.constant 1.000000e+00 : f32
      %jit3A_141 = arith.constant 0.000000e+00 : f32
      %broadcast_in_dim3A_142 = vector.broadcast %jit3A_140 : f32 to vector<16xf32>
      %broadcast_in_dim3A_143 = vector.broadcast %jit3A_141 : f32 to vector<16xf32>
      %select_n3A_144 = arith.select %ne3A_139, %broadcast_in_dim3A_142, %broadcast_in_dim3A_143 : vector<16xi1>, vector<16xf32>
      tpu.vector_store_idx %arg10[%get3A_136], %select_n3A_144 {add = true} : memref<10000xf32, #tpu.memory_space<vmem>>[vector<16xi32>], vector<16xf32>,
      tpu.vector_store_idx %arg11[%get3A_138], %select_n3A_144 {add = true} : memref<10000xf32, #tpu.memory_space<vmem>>[vector<16xi32>], vector<16xf32>,
      %select_n3A_145 = arith.select %ne3A_139, %get3A_138, %broadcast_in_dim3A_7 : vector<16xi1>, vector<16xi32>
      %mul3A_146 = arith.constant 2 : i32
      %mul3A_147 = arith.muli %scan3A_46, %mul3A_146 : i32
      %add3A_148 = arith.constant 1 : i32
      %add3A_149 = arith.addi %mul3A_147, %add3A_148 : i32
      %swap3A_150 = arith.index_cast %add3A_149 : i32 to index
      %swap3A_151 = arith.constant 0 : index
      %swap3A_152 = tpu.vector_load %arg12[%swap3A_150, %swap3A_151] {strides = array<i32>} : memref<158x64xi32, #tpu.memory_space<vmem>>, vector<16xi32>,
      tpu.vector_store %arg12[%swap3A_150, %swap3A_151], %select_n3A_145 {strides = array<i32>} : memref<158x64xi32, #tpu.memory_space<vmem>>, vector<16xi32>,
      %mul3A_153 = arith.constant 128 : i32
      %mul3A_154 = arith.muli %scan3A_46, %mul3A_153 : i32
      %add3A_155 = arith.constant 80 : i32
      %add3A_156 = arith.addi %mul3A_154, %add3A_155 : i32
      %get3A_157 = arith.index_cast %add3A_156 : i32 to index
      %get3A_158 = tpu.vector_load %arg8[%get3A_157] {strides = array<i32>} : memref<10112xi32, #tpu.memory_space<vmem>>, vector<16xi32>,
      %get3A_159 = arith.index_cast %add3A_156 : i32 to index
      %get3A_160 = tpu.vector_load %arg9[%get3A_159] {strides = array<i32>} : memref<10112xi32, #tpu.memory_space<vmem>>, vector<16xi32>,
      %ne3A_161 = arith.cmpi ne, %get3A_158, %get3A_160 : vector<16xi32>
      %jit3A_162 = arith.constant 1.000000e+00 : f32
      %jit3A_163 = arith.constant 0.000000e+00 : f32
      %broadcast_in_dim3A_164 = vector.broadcast %jit3A_162 : f32 to vector<16xf32>
      %broadcast_in_dim3A_165 = vector.broadcast %jit3A_163 : f32 to vector<16xf32>
      %select_n3A_166 = arith.select %ne3A_161, %broadcast_in_dim3A_164, %broadcast_in_dim3A_165 : vector<16xi1>, vector<16xf32>
      tpu.vector_store_idx %arg10[%get3A_158], %select_n3A_166 {add = true} : memref<10000xf32, #tpu.memory_space<vmem>>[vector<16xi32>], vector<16xf32>,
      tpu.vector_store_idx %arg11[%get3A_160], %select_n3A_166 {add = true} : memref<10000xf32, #tpu.memory_space<vmem>>[vector<16xi32>], vector<16xf32>,
      %select_n3A_167 = arith.select %ne3A_161, %get3A_160, %broadcast_in_dim3A_7 : vector<16xi1>, vector<16xi32>
      %mul3A_168 = arith.constant 2 : i32
      %mul3A_169 = arith.muli %scan3A_46, %mul3A_168 : i32
      %add3A_170 = arith.constant 1 : i32
      %add3A_171 = arith.addi %mul3A_169, %add3A_170 : i32
      %swap3A_172 = arith.index_cast %add3A_171 : i32 to index
      %swap3A_173 = arith.constant 16 : index
      %swap3A_174 = tpu.vector_load %arg12[%swap3A_172, %swap3A_173] {strides = array<i32>} : memref<158x64xi32, #tpu.memory_space<vmem>>, vector<16xi32>,
      tpu.vector_store %arg12[%swap3A_172, %swap3A_173], %select_n3A_167 {strides = array<i32>} : memref<158x64xi32, #tpu.memory_space<vmem>>, vector<16xi32>,
      %mul3A_175 = arith.constant 128 : i32
      %mul3A_176 = arith.muli %scan3A_46, %mul3A_175 : i32
      %add3A_177 = arith.constant 96 : i32
      %add3A_178 = arith.addi %mul3A_176, %add3A_177 : i32
      %get3A_179 = arith.index_cast %add3A_178 : i32 to index
      %get3A_180 = tpu.vector_load %arg8[%get3A_179] {strides = array<i32>} : memref<10112xi32, #tpu.memory_space<vmem>>, vector<16xi32>,
      %get3A_181 = arith.index_cast %add3A_178 : i32 to index
      %get3A_182 = tpu.vector_load %arg9[%get3A_181] {strides = array<i32>} : memref<10112xi32, #tpu.memory_space<vmem>>, vector<16xi32>,
      %ne3A_183 = arith.cmpi ne, %get3A_180, %get3A_182 : vector<16xi32>
      %jit3A_184 = arith.constant 1.000000e+00 : f32
      %jit3A_185 = arith.constant 0.000000e+00 : f32
      %broadcast_in_dim3A_186 = vector.broadcast %jit3A_184 : f32 to vector<16xf32>
      %broadcast_in_dim3A_187 = vector.broadcast %jit3A_185 : f32 to vector<16xf32>
      %select_n3A_188 = arith.select %ne3A_183, %broadcast_in_dim3A_186, %broadcast_in_dim3A_187 : vector<16xi1>, vector<16xf32>
      tpu.vector_store_idx %arg10[%get3A_180], %select_n3A_188 {add = true} : memref<10000xf32, #tpu.memory_space<vmem>>[vector<16xi32>], vector<16xf32>,
      tpu.vector_store_idx %arg11[%get3A_182], %select_n3A_188 {add = true} : memref<10000xf32, #tpu.memory_space<vmem>>[vector<16xi32>], vector<16xf32>,
      %select_n3A_189 = arith.select %ne3A_183, %get3A_182, %broadcast_in_dim3A_7 : vector<16xi1>, vector<16xi32>
      %mul3A_190 = arith.constant 2 : i32
      %mul3A_191 = arith.muli %scan3A_46, %mul3A_190 : i32
      %add3A_192 = arith.constant 1 : i32
      %add3A_193 = arith.addi %mul3A_191, %add3A_192 : i32
      %swap3A_194 = arith.index_cast %add3A_193 : i32 to index
      %swap3A_195 = arith.constant 32 : index
      %swap3A_196 = tpu.vector_load %arg12[%swap3A_194, %swap3A_195] {strides = array<i32>} : memref<158x64xi32, #tpu.memory_space<vmem>>, vector<16xi32>,
      tpu.vector_store %arg12[%swap3A_194, %swap3A_195], %select_n3A_189 {strides = array<i32>} : memref<158x64xi32, #tpu.memory_space<vmem>>, vector<16xi32>,
      %mul3A_197 = arith.constant 128 : i32
      %mul3A_198 = arith.muli %scan3A_46, %mul3A_197 : i32
      %add3A_199 = arith.constant 112 : i32
      %add3A_200 = arith.addi %mul3A_198, %add3A_199 : i32
      %get3A_201 = arith.index_cast %add3A_200 : i32 to index
      %get3A_202 = tpu.vector_load %arg8[%get3A_201] {strides = array<i32>} : memref<10112xi32, #tpu.memory_space<vmem>>, vector<16xi32>,
      %get3A_203 = arith.index_cast %add3A_200 : i32 to index
      %get3A_204 = tpu.vector_load %arg9[%get3A_203] {strides = array<i32>} : memref<10112xi32, #tpu.memory_space<vmem>>, vector<16xi32>,
      %ne3A_205 = arith.cmpi ne, %get3A_202, %get3A_204 : vector<16xi32>
      %jit3A_206 = arith.constant 1.000000e+00 : f32
      %jit3A_207 = arith.constant 0.000000e+00 : f32
      %broadcast_in_dim3A_208 = vector.broadcast %jit3A_206 : f32 to vector<16xf32>
      %broadcast_in_dim3A_209 = vector.broadcast %jit3A_207 : f32 to vector<16xf32>
      %select_n3A_210 = arith.select %ne3A_205, %broadcast_in_dim3A_208, %broadcast_in_dim3A_209 : vector<16xi1>, vector<16xf32>
      tpu.vector_store_idx %arg10[%get3A_202], %select_n3A_210 {add = true} : memref<10000xf32, #tpu.memory_space<vmem>>[vector<16xi32>], vector<16xf32>,
      tpu.vector_store_idx %arg11[%get3A_204], %select_n3A_210 {add = true} : memref<10000xf32, #tpu.memory_space<vmem>>[vector<16xi32>], vector<16xf32>,
      %select_n3A_211 = arith.select %ne3A_205, %get3A_204, %broadcast_in_dim3A_7 : vector<16xi1>, vector<16xi32>
      %mul3A_212 = arith.constant 2 : i32
      %mul3A_213 = arith.muli %scan3A_46, %mul3A_212 : i32
      %add3A_214 = arith.constant 1 : i32
      %add3A_215 = arith.addi %mul3A_213, %add3A_214 : i32
      %swap3A_216 = arith.index_cast %add3A_215 : i32 to index
      %swap3A_217 = arith.constant 48 : index
      %swap3A_218 = tpu.vector_load %arg12[%swap3A_216, %swap3A_217] {strides = array<i32>} : memref<158x64xi32, #tpu.memory_space<vmem>>, vector<16xi32>,
      tpu.vector_store %arg12[%swap3A_216, %swap3A_217], %select_n3A_211 {strides = array<i32>} : memref<158x64xi32, #tpu.memory_space<vmem>>, vector<16xi32>,
    }
    %scan3A_45 = arith.constant 79 : i32
    "tpu.region"() ({
      %run_scoped3A = tpu.sem_alloc : memref<!tpu.dma_semaphore, #tpu.memory_space<semaphore_mem>>
      %dma_start3A = arith.constant 0 : i32
      %dma_start3A_46 = tpu.memref_slice %arg4[%add3A, %dma_start3A] : memref<32x10112xi32, #tpu.memory_space<hbm>> -> memref<1x10112xi32, #tpu.memory_space<hbm>>
      %dma_start3A_47 = tpu.memref_squeeze %dma_start3A_46 : memref<1x10112xi32, #tpu.memory_space<hbm>> -> memref<10112xi32, #tpu.memory_space<hbm>>
      %dma_start3A_48 = arith.constant 0 : i32
      %dma_start3A_49 = tpu.memref_slice %arg4[%add3A, %dma_start3A_48] : memref<32x10112xi32, #tpu.memory_space<hbm>> -> memref<1x10112xi32, #tpu.memory_space<hbm>>
      %dma_start3A_50 = tpu.memref_squeeze %dma_start3A_49 : memref<1x10112xi32, #tpu.memory_space<hbm>> -> memref<10112xi32, #tpu.memory_space<hbm>>
      tpu.enqueue_dma source(%arg8 : memref<10112xi32, #tpu.memory_space<vmem>>) target(%dma_start3A_50 : memref<10112xi32, #tpu.memory_space<hbm>>) target_semaphore(%run_scoped3A : memref<!tpu.dma_semaphore, #tpu.memory_space<semaphore_mem>>)
      %dma_wait3A = arith.constant 0 : i32
      %dma_wait3A_51 = tpu.memref_slice %arg4[%add3A, %dma_wait3A] : memref<32x10112xi32, #tpu.memory_space<hbm>> -> memref<1x10112xi32, #tpu.memory_space<hbm>>
      %dma_wait3A_52 = tpu.memref_squeeze %dma_wait3A_51 : memref<1x10112xi32, #tpu.memory_space<hbm>> -> memref<10112xi32, #tpu.memory_space<hbm>>
      %dma_wait3A_53 = arith.constant 0 : i32
      %dma_wait3A_54 = tpu.memref_slice %arg4[%add3A, %dma_wait3A_53] : memref<32x10112xi32, #tpu.memory_space<hbm>> -> memref<1x10112xi32, #tpu.memory_space<hbm>>
      %dma_wait3A_55 = tpu.memref_squeeze %dma_wait3A_54 : memref<1x10112xi32, #tpu.memory_space<hbm>> -> memref<10112xi32, #tpu.memory_space<hbm>>
      tpu.wait_dma2 semaphore(%run_scoped3A : memref<!tpu.dma_semaphore, #tpu.memory_space<semaphore_mem>>) src(%arg8 : memref<10112xi32, #tpu.memory_space<vmem>>) dst(%dma_wait3A_55 : memref<10112xi32, #tpu.memory_space<hbm>>)
      tpu.yield
    }) : () -> ()
    "tpu.region"() ({
      %run_scoped3A = tpu.sem_alloc : memref<!tpu.dma_semaphore, #tpu.memory_space<semaphore_mem>>
      %dma_start3A = arith.constant 0 : i32
      %dma_start3A_46 = arith.constant 0 : i32
      %dma_start3A_47 = tpu.memref_slice %arg5[%add3A, %dma_start3A, %dma_start3A_46] : memref<32x158x64xi32, #tpu.memory_space<hbm>> -> memref<1x158x64xi32, #tpu.memory_space<hbm>>
      %dma_start3A_48 = tpu.memref_squeeze %dma_start3A_47 : memref<1x158x64xi32, #tpu.memory_space<hbm>> -> memref<158x64xi32, #tpu.memory_space<hbm>>
      %dma_start3A_49 = arith.constant 0 : i32
      %dma_start3A_50 = arith.constant 0 : i32
      %dma_start3A_51 = tpu.memref_slice %arg5[%add3A, %dma_start3A_49, %dma_start3A_50] : memref<32x158x64xi32, #tpu.memory_space<hbm>> -> memref<1x158x64xi32, #tpu.memory_space<hbm>>
      %dma_start3A_52 = tpu.memref_squeeze %dma_start3A_51 : memref<1x158x64xi32, #tpu.memory_space<hbm>> -> memref<158x64xi32, #tpu.memory_space<hbm>>
      tpu.enqueue_dma source(%arg12 : memref<158x64xi32, #tpu.memory_space<vmem>>) target(%dma_start3A_52 : memref<158x64xi32, #tpu.memory_space<hbm>>) target_semaphore(%run_scoped3A : memref<!tpu.dma_semaphore, #tpu.memory_space<semaphore_mem>>)
      %dma_wait3A = arith.constant 0 : i32
      %dma_wait3A_53 = arith.constant 0 : i32
      %dma_wait3A_54 = tpu.memref_slice %arg5[%add3A, %dma_wait3A, %dma_wait3A_53] : memref<32x158x64xi32, #tpu.memory_space<hbm>> -> memref<1x158x64xi32, #tpu.memory_space<hbm>>
      %dma_wait3A_55 = tpu.memref_squeeze %dma_wait3A_54 : memref<1x158x64xi32, #tpu.memory_space<hbm>> -> memref<158x64xi32, #tpu.memory_space<hbm>>
      %dma_wait3A_56 = arith.constant 0 : i32
      %dma_wait3A_57 = arith.constant 0 : i32
      %dma_wait3A_58 = tpu.memref_slice %arg5[%add3A, %dma_wait3A_56, %dma_wait3A_57] : memref<32x158x64xi32, #tpu.memory_space<hbm>> -> memref<1x158x64xi32, #tpu.memory_space<hbm>>
      %dma_wait3A_59 = tpu.memref_squeeze %dma_wait3A_58 : memref<1x158x64xi32, #tpu.memory_space<hbm>> -> memref<158x64xi32, #tpu.memory_space<hbm>>
      tpu.wait_dma2 semaphore(%run_scoped3A : memref<!tpu.dma_semaphore, #tpu.memory_space<semaphore_mem>>) src(%arg12 : memref<158x64xi32, #tpu.memory_space<vmem>>) dst(%dma_wait3A_59 : memref<158x64xi32, #tpu.memory_space<hbm>>)
      tpu.yield
    }) : () -> ()
    "tpu.region"() ({
      %run_scoped3A = tpu.sem_alloc : memref<!tpu.dma_semaphore, #tpu.memory_space<semaphore_mem>>
      %dma_start3A = arith.constant 0 : i32
      %dma_start3A_46 = tpu.memref_slice %arg6[%add3A, %dma_start3A] : memref<32x10000xf32, #tpu.memory_space<hbm>> -> memref<1x10000xf32, #tpu.memory_space<hbm>>
      %dma_start3A_47 = tpu.memref_squeeze %dma_start3A_46 : memref<1x10000xf32, #tpu.memory_space<hbm>> -> memref<10000xf32, #tpu.memory_space<hbm>>
      %dma_start3A_48 = arith.constant 0 : i32
      %dma_start3A_49 = tpu.memref_slice %arg6[%add3A, %dma_start3A_48] : memref<32x10000xf32, #tpu.memory_space<hbm>> -> memref<1x10000xf32, #tpu.memory_space<hbm>>
      %dma_start3A_50 = tpu.memref_squeeze %dma_start3A_49 : memref<1x10000xf32, #tpu.memory_space<hbm>> -> memref<10000xf32, #tpu.memory_space<hbm>>
      tpu.enqueue_dma source(%arg10 : memref<10000xf32, #tpu.memory_space<vmem>>) target(%dma_start3A_50 : memref<10000xf32, #tpu.memory_space<hbm>>) target_semaphore(%run_scoped3A : memref<!tpu.dma_semaphore, #tpu.memory_space<semaphore_mem>>)
      %dma_wait3A = arith.constant 0 : i32
      %dma_wait3A_51 = tpu.memref_slice %arg6[%add3A, %dma_wait3A] : memref<32x10000xf32, #tpu.memory_space<hbm>> -> memref<1x10000xf32, #tpu.memory_space<hbm>>
      %dma_wait3A_52 = tpu.memref_squeeze %dma_wait3A_51 : memref<1x10000xf32, #tpu.memory_space<hbm>> -> memref<10000xf32, #tpu.memory_space<hbm>>
      %dma_wait3A_53 = arith.constant 0 : i32
      %dma_wait3A_54 = tpu.memref_slice %arg6[%add3A, %dma_wait3A_53] : memref<32x10000xf32, #tpu.memory_space<hbm>> -> memref<1x10000xf32, #tpu.memory_space<hbm>>
      %dma_wait3A_55 = tpu.memref_squeeze %dma_wait3A_54 : memref<1x10000xf32, #tpu.memory_space<hbm>> -> memref<10000xf32, #tpu.memory_space<hbm>>
      tpu.wait_dma2 semaphore(%run_scoped3A : memref<!tpu.dma_semaphore, #tpu.memory_space<semaphore_mem>>) src(%arg10 : memref<10000xf32, #tpu.memory_space<vmem>>) dst(%dma_wait3A_55 : memref<10000xf32, #tpu.memory_space<hbm>>)
      tpu.yield
    }) : () -> ()
    "tpu.region"() ({
      %run_scoped3A = tpu.sem_alloc : memref<!tpu.dma_semaphore, #tpu.memory_space<semaphore_mem>>
      %dma_start3A = arith.constant 0 : i32
      %dma_start3A_46 = tpu.memref_slice %arg7[%add3A, %dma_start3A] : memref<32x10000xf32, #tpu.memory_space<hbm>> -> memref<1x10000xf32, #tpu.memory_space<hbm>>
      %dma_start3A_47 = tpu.memref_squeeze %dma_start3A_46 : memref<1x10000xf32, #tpu.memory_space<hbm>> -> memref<10000xf32, #tpu.memory_space<hbm>>
      %dma_start3A_48 = arith.constant 0 : i32
      %dma_start3A_49 = tpu.memref_slice %arg7[%add3A, %dma_start3A_48] : memref<32x10000xf32, #tpu.memory_space<hbm>> -> memref<1x10000xf32, #tpu.memory_space<hbm>>
      %dma_start3A_50 = tpu.memref_squeeze %dma_start3A_49 : memref<1x10000xf32, #tpu.memory_space<hbm>> -> memref<10000xf32, #tpu.memory_space<hbm>>
      tpu.enqueue_dma source(%arg11 : memref<10000xf32, #tpu.memory_space<vmem>>) target(%dma_start3A_50 : memref<10000xf32, #tpu.memory_space<hbm>>) target_semaphore(%run_scoped3A : memref<!tpu.dma_semaphore, #tpu.memory_space<semaphore_mem>>)
      %dma_wait3A = arith.constant 0 : i32
      %dma_wait3A_51 = tpu.memref_slice %arg7[%add3A, %dma_wait3A] : memref<32x10000xf32, #tpu.memory_space<hbm>> -> memref<1x10000xf32, #tpu.memory_space<hbm>>
      %dma_wait3A_52 = tpu.memref_squeeze %dma_wait3A_51 : memref<1x10000xf32, #tpu.memory_space<hbm>> -> memref<10000xf32, #tpu.memory_space<hbm>>
      %dma_wait3A_53 = arith.constant 0 : i32
      %dma_wait3A_54 = tpu.memref_slice %arg7[%add3A, %dma_wait3A_53] : memref<32x10000xf32, #tpu.memory_space<hbm>> -> memref<1x10000xf32, #tpu.memory_space<hbm>>
      %dma_wait3A_55 = tpu.memref_squeeze %dma_wait3A_54 : memref<1x10000xf32, #tpu.memory_space<hbm>> -> memref<10000xf32, #tpu.memory_space<hbm>>
      tpu.wait_dma2 semaphore(%run_scoped3A : memref<!tpu.dma_semaphore, #tpu.memory_space<semaphore_mem>>) src(%arg11 : memref<10000xf32, #tpu.memory_space<vmem>>) dst(%dma_wait3A_55 : memref<10000xf32, #tpu.memory_space<hbm>>)
      tpu.yield
    }) : () -> ()
    return
  }
}

#map = affine_map<(d0, d1) -> (0, 0)>
#map1 = affine_map<(d0, d1) -> (0, 0, 0)>
module attributes {stable_mosaic.version = 14 : i64} {
  func.func @_edge_body(%arg0: i32, %arg1: i32, %arg2: memref<10000x128xf32, #tpu.memory_space<hbm>>, %arg3: memref<32x10112xi32, #tpu.memory_space<hbm>>, %arg4: memref<32x158x64xi32, #tpu.memory_space<hbm>>, %arg5: memref<2x10240x128xf32, #tpu.memory_space<hbm>>, %arg6: memref<10112xi32, #tpu.memory_space<vmem>>, %arg7: memref<3x64xi32, #tpu.memory_space<vmem>>, %arg8: memref<64x128xf32, #tpu.memory_space<vmem>>, %arg9: memref<64x128xf32, #tpu.memory_space<vmem>>, %arg10: memref<64x128xf32, #tpu.memory_space<vmem>>, %arg11: memref<10240x128xf32, #tpu.memory_space<vmem_shared>>, %arg12: memref<!tpu.dma_semaphore, #tpu.memory_space<semaphore_mem>>, %arg13: memref<!tpu.dma_semaphore, #tpu.memory_space<semaphore_mem>>, %arg14: memref<!tpu.dma_semaphore, #tpu.memory_space<semaphore_mem>>) attributes {dimension_semantics = [#tpu.dimension_semantics<core_parallel>, #tpu.dimension_semantics<subcore_parallel>], iteration_bounds = array<i64: 2, 16>, scalar_prefetch = 0 : i64, scratch_operands = 9 : i64, tpu.core_type = #tpu.core_type<sc_vector_subcore>, window_params = [{transform_indices = #map}, {transform_indices = #map}, {transform_indices = #map1}, {transform_indices = #map1}]} {
    %mul3A = arith.constant 16 : i32
    %mul3A_0 = arith.muli %arg0, %mul3A : i32
    %add3A = arith.addi %mul3A_0, %arg1 : i32
    %broadcast_in_dim3A = arith.constant 0.000000e+00 : f32
    %broadcast_in_dim3A_1 = vector.broadcast %broadcast_in_dim3A : f32 to vector<16xf32>
    %scan3A = arith.constant 0 : i32
    %scan3A_2 = arith.constant 0 : i32
    %scan3A_3 = arith.constant 64 : i32
    %scan3A_4 = arith.addi %scan3A_2, %scan3A_3 : i32
    %scan3A_5 = arith.constant 1 : i32
    scf.for %scan3A_316 = %scan3A_2 to %scan3A_4 step %scan3A_5  : i32 {
      %swap3A = arith.index_cast %scan3A_316 : i32 to index
      %swap3A_317 = arith.constant 0 : index
      %swap3A_318 = tpu.vector_load %arg8[%swap3A, %swap3A_317] {strides = array<i32>} : memref<64x128xf32, #tpu.memory_space<vmem>>, vector<16xf32>,
      tpu.vector_store %arg8[%swap3A, %swap3A_317], %broadcast_in_dim3A_1 {strides = array<i32>} : memref<64x128xf32, #tpu.memory_space<vmem>>, vector<16xf32>,
      %swap3A_319 = arith.index_cast %scan3A_316 : i32 to index
      %swap3A_320 = arith.constant 16 : index
      %swap3A_321 = tpu.vector_load %arg8[%swap3A_319, %swap3A_320] {strides = array<i32>} : memref<64x128xf32, #tpu.memory_space<vmem>>, vector<16xf32>,
      tpu.vector_store %arg8[%swap3A_319, %swap3A_320], %broadcast_in_dim3A_1 {strides = array<i32>} : memref<64x128xf32, #tpu.memory_space<vmem>>, vector<16xf32>,
      %swap3A_322 = arith.index_cast %scan3A_316 : i32 to index
      %swap3A_323 = arith.constant 32 : index
      %swap3A_324 = tpu.vector_load %arg8[%swap3A_322, %swap3A_323] {strides = array<i32>} : memref<64x128xf32, #tpu.memory_space<vmem>>, vector<16xf32>,
      tpu.vector_store %arg8[%swap3A_322, %swap3A_323], %broadcast_in_dim3A_1 {strides = array<i32>} : memref<64x128xf32, #tpu.memory_space<vmem>>, vector<16xf32>,
      %swap3A_325 = arith.index_cast %scan3A_316 : i32 to index
      %swap3A_326 = arith.constant 48 : index
      %swap3A_327 = tpu.vector_load %arg8[%swap3A_325, %swap3A_326] {strides = array<i32>} : memref<64x128xf32, #tpu.memory_space<vmem>>, vector<16xf32>,
      tpu.vector_store %arg8[%swap3A_325, %swap3A_326], %broadcast_in_dim3A_1 {strides = array<i32>} : memref<64x128xf32, #tpu.memory_space<vmem>>, vector<16xf32>,
      %swap3A_328 = arith.index_cast %scan3A_316 : i32 to index
      %swap3A_329 = arith.constant 64 : index
      %swap3A_330 = tpu.vector_load %arg8[%swap3A_328, %swap3A_329] {strides = array<i32>} : memref<64x128xf32, #tpu.memory_space<vmem>>, vector<16xf32>,
      tpu.vector_store %arg8[%swap3A_328, %swap3A_329], %broadcast_in_dim3A_1 {strides = array<i32>} : memref<64x128xf32, #tpu.memory_space<vmem>>, vector<16xf32>,
      %swap3A_331 = arith.index_cast %scan3A_316 : i32 to index
      %swap3A_332 = arith.constant 80 : index
      %swap3A_333 = tpu.vector_load %arg8[%swap3A_331, %swap3A_332] {strides = array<i32>} : memref<64x128xf32, #tpu.memory_space<vmem>>, vector<16xf32>,
      tpu.vector_store %arg8[%swap3A_331, %swap3A_332], %broadcast_in_dim3A_1 {strides = array<i32>} : memref<64x128xf32, #tpu.memory_space<vmem>>, vector<16xf32>,
      %swap3A_334 = arith.index_cast %scan3A_316 : i32 to index
      %swap3A_335 = arith.constant 96 : index
      %swap3A_336 = tpu.vector_load %arg8[%swap3A_334, %swap3A_335] {strides = array<i32>} : memref<64x128xf32, #tpu.memory_space<vmem>>, vector<16xf32>,
      tpu.vector_store %arg8[%swap3A_334, %swap3A_335], %broadcast_in_dim3A_1 {strides = array<i32>} : memref<64x128xf32, #tpu.memory_space<vmem>>, vector<16xf32>,
      %swap3A_337 = arith.index_cast %scan3A_316 : i32 to index
      %swap3A_338 = arith.constant 112 : index
      %swap3A_339 = tpu.vector_load %arg8[%swap3A_337, %swap3A_338] {strides = array<i32>} : memref<64x128xf32, #tpu.memory_space<vmem>>, vector<16xf32>,
      tpu.vector_store %arg8[%swap3A_337, %swap3A_338], %broadcast_in_dim3A_1 {strides = array<i32>} : memref<64x128xf32, #tpu.memory_space<vmem>>, vector<16xf32>,
    }
    %scan3A_6 = arith.constant 64 : i32
    %mul3A_7 = arith.constant 640 : i32
    %mul3A_8 = arith.muli %arg1, %mul3A_7 : i32
    %add3A_9 = arith.constant 0 : i32
    %add3A_10 = arith.addi %mul3A_8, %add3A_9 : i32
    "tpu.region"() ({
      %run_scoped3A = tpu.sem_alloc : memref<!tpu.dma_semaphore, #tpu.memory_space<semaphore_mem>>
      %dma_start3A_316 = arith.constant 0 : i32
      %dma_start3A_317 = tpu.memref_slice %arg11[%add3A_10, %dma_start3A_316] : memref<10240x128xf32, #tpu.memory_space<vmem_shared>> -> memref<64x128xf32, #tpu.memory_space<vmem_shared>>
      %dma_start3A_318 = arith.constant 0 : i32
      %dma_start3A_319 = tpu.memref_slice %arg11[%add3A_10, %dma_start3A_318] : memref<10240x128xf32, #tpu.memory_space<vmem_shared>> -> memref<64x128xf32, #tpu.memory_space<vmem_shared>>
      tpu.enqueue_dma source(%arg8 : memref<64x128xf32, #tpu.memory_space<vmem>>) target(%dma_start3A_319 : memref<64x128xf32, #tpu.memory_space<vmem_shared>>) target_semaphore(%run_scoped3A : memref<!tpu.dma_semaphore, #tpu.memory_space<semaphore_mem>>)
      %dma_wait3A_320 = arith.constant 0 : i32
      %dma_wait3A_321 = tpu.memref_slice %arg11[%add3A_10, %dma_wait3A_320] : memref<10240x128xf32, #tpu.memory_space<vmem_shared>> -> memref<64x128xf32, #tpu.memory_space<vmem_shared>>
      %dma_wait3A_322 = arith.constant 0 : i32
      %dma_wait3A_323 = tpu.memref_slice %arg11[%add3A_10, %dma_wait3A_322] : memref<10240x128xf32, #tpu.memory_space<vmem_shared>> -> memref<64x128xf32, #tpu.memory_space<vmem_shared>>
      tpu.wait_dma2 semaphore(%run_scoped3A : memref<!tpu.dma_semaphore, #tpu.memory_space<semaphore_mem>>) src(%arg8 : memref<64x128xf32, #tpu.memory_space<vmem>>) dst(%dma_wait3A_323 : memref<64x128xf32, #tpu.memory_space<vmem_shared>>)
      tpu.yield
    }) : () -> ()
    %mul3A_11 = arith.constant 640 : i32
    %mul3A_12 = arith.muli %arg1, %mul3A_11 : i32
    %add3A_13 = arith.constant 64 : i32
    %add3A_14 = arith.addi %mul3A_12, %add3A_13 : i32
    "tpu.region"() ({
      %run_scoped3A = tpu.sem_alloc : memref<!tpu.dma_semaphore, #tpu.memory_space<semaphore_mem>>
      %dma_start3A_316 = arith.constant 0 : i32
      %dma_start3A_317 = tpu.memref_slice %arg11[%add3A_14, %dma_start3A_316] : memref<10240x128xf32, #tpu.memory_space<vmem_shared>> -> memref<64x128xf32, #tpu.memory_space<vmem_shared>>
      %dma_start3A_318 = arith.constant 0 : i32
      %dma_start3A_319 = tpu.memref_slice %arg11[%add3A_14, %dma_start3A_318] : memref<10240x128xf32, #tpu.memory_space<vmem_shared>> -> memref<64x128xf32, #tpu.memory_space<vmem_shared>>
      tpu.enqueue_dma source(%arg8 : memref<64x128xf32, #tpu.memory_space<vmem>>) target(%dma_start3A_319 : memref<64x128xf32, #tpu.memory_space<vmem_shared>>) target_semaphore(%run_scoped3A : memref<!tpu.dma_semaphore, #tpu.memory_space<semaphore_mem>>)
      %dma_wait3A_320 = arith.constant 0 : i32
      %dma_wait3A_321 = tpu.memref_slice %arg11[%add3A_14, %dma_wait3A_320] : memref<10240x128xf32, #tpu.memory_space<vmem_shared>> -> memref<64x128xf32, #tpu.memory_space<vmem_shared>>
      %dma_wait3A_322 = arith.constant 0 : i32
      %dma_wait3A_323 = tpu.memref_slice %arg11[%add3A_14, %dma_wait3A_322] : memref<10240x128xf32, #tpu.memory_space<vmem_shared>> -> memref<64x128xf32, #tpu.memory_space<vmem_shared>>
      tpu.wait_dma2 semaphore(%run_scoped3A : memref<!tpu.dma_semaphore, #tpu.memory_space<semaphore_mem>>) src(%arg8 : memref<64x128xf32, #tpu.memory_space<vmem>>) dst(%dma_wait3A_323 : memref<64x128xf32, #tpu.memory_space<vmem_shared>>)
      tpu.yield
    }) : () -> ()
    %mul3A_15 = arith.constant 640 : i32
    %mul3A_16 = arith.muli %arg1, %mul3A_15 : i32
    %add3A_17 = arith.constant 128 : i32
    %add3A_18 = arith.addi %mul3A_16, %add3A_17 : i32
    "tpu.region"() ({
      %run_scoped3A = tpu.sem_alloc : memref<!tpu.dma_semaphore, #tpu.memory_space<semaphore_mem>>
      %dma_start3A_316 = arith.constant 0 : i32
      %dma_start3A_317 = tpu.memref_slice %arg11[%add3A_18, %dma_start3A_316] : memref<10240x128xf32, #tpu.memory_space<vmem_shared>> -> memref<64x128xf32, #tpu.memory_space<vmem_shared>>
      %dma_start3A_318 = arith.constant 0 : i32
      %dma_start3A_319 = tpu.memref_slice %arg11[%add3A_18, %dma_start3A_318] : memref<10240x128xf32, #tpu.memory_space<vmem_shared>> -> memref<64x128xf32, #tpu.memory_space<vmem_shared>>
      tpu.enqueue_dma source(%arg8 : memref<64x128xf32, #tpu.memory_space<vmem>>) target(%dma_start3A_319 : memref<64x128xf32, #tpu.memory_space<vmem_shared>>) target_semaphore(%run_scoped3A : memref<!tpu.dma_semaphore, #tpu.memory_space<semaphore_mem>>)
      %dma_wait3A_320 = arith.constant 0 : i32
      %dma_wait3A_321 = tpu.memref_slice %arg11[%add3A_18, %dma_wait3A_320] : memref<10240x128xf32, #tpu.memory_space<vmem_shared>> -> memref<64x128xf32, #tpu.memory_space<vmem_shared>>
      %dma_wait3A_322 = arith.constant 0 : i32
      %dma_wait3A_323 = tpu.memref_slice %arg11[%add3A_18, %dma_wait3A_322] : memref<10240x128xf32, #tpu.memory_space<vmem_shared>> -> memref<64x128xf32, #tpu.memory_space<vmem_shared>>
      tpu.wait_dma2 semaphore(%run_scoped3A : memref<!tpu.dma_semaphore, #tpu.memory_space<semaphore_mem>>) src(%arg8 : memref<64x128xf32, #tpu.memory_space<vmem>>) dst(%dma_wait3A_323 : memref<64x128xf32, #tpu.memory_space<vmem_shared>>)
      tpu.yield
    }) : () -> ()
    %mul3A_19 = arith.constant 640 : i32
    %mul3A_20 = arith.muli %arg1, %mul3A_19 : i32
    %add3A_21 = arith.constant 192 : i32
    %add3A_22 = arith.addi %mul3A_20, %add3A_21 : i32
    "tpu.region"() ({
      %run_scoped3A = tpu.sem_alloc : memref<!tpu.dma_semaphore, #tpu.memory_space<semaphore_mem>>
      %dma_start3A_316 = arith.constant 0 : i32
      %dma_start3A_317 = tpu.memref_slice %arg11[%add3A_22, %dma_start3A_316] : memref<10240x128xf32, #tpu.memory_space<vmem_shared>> -> memref<64x128xf32, #tpu.memory_space<vmem_shared>>
      %dma_start3A_318 = arith.constant 0 : i32
      %dma_start3A_319 = tpu.memref_slice %arg11[%add3A_22, %dma_start3A_318] : memref<10240x128xf32, #tpu.memory_space<vmem_shared>> -> memref<64x128xf32, #tpu.memory_space<vmem_shared>>
      tpu.enqueue_dma source(%arg8 : memref<64x128xf32, #tpu.memory_space<vmem>>) target(%dma_start3A_319 : memref<64x128xf32, #tpu.memory_space<vmem_shared>>) target_semaphore(%run_scoped3A : memref<!tpu.dma_semaphore, #tpu.memory_space<semaphore_mem>>)
      %dma_wait3A_320 = arith.constant 0 : i32
      %dma_wait3A_321 = tpu.memref_slice %arg11[%add3A_22, %dma_wait3A_320] : memref<10240x128xf32, #tpu.memory_space<vmem_shared>> -> memref<64x128xf32, #tpu.memory_space<vmem_shared>>
      %dma_wait3A_322 = arith.constant 0 : i32
      %dma_wait3A_323 = tpu.memref_slice %arg11[%add3A_22, %dma_wait3A_322] : memref<10240x128xf32, #tpu.memory_space<vmem_shared>> -> memref<64x128xf32, #tpu.memory_space<vmem_shared>>
      tpu.wait_dma2 semaphore(%run_scoped3A : memref<!tpu.dma_semaphore, #tpu.memory_space<semaphore_mem>>) src(%arg8 : memref<64x128xf32, #tpu.memory_space<vmem>>) dst(%dma_wait3A_323 : memref<64x128xf32, #tpu.memory_space<vmem_shared>>)
      tpu.yield
    }) : () -> ()
    %mul3A_23 = arith.constant 640 : i32
    %mul3A_24 = arith.muli %arg1, %mul3A_23 : i32
    %add3A_25 = arith.constant 256 : i32
    %add3A_26 = arith.addi %mul3A_24, %add3A_25 : i32
    "tpu.region"() ({
      %run_scoped3A = tpu.sem_alloc : memref<!tpu.dma_semaphore, #tpu.memory_space<semaphore_mem>>
      %dma_start3A_316 = arith.constant 0 : i32
      %dma_start3A_317 = tpu.memref_slice %arg11[%add3A_26, %dma_start3A_316] : memref<10240x128xf32, #tpu.memory_space<vmem_shared>> -> memref<64x128xf32, #tpu.memory_space<vmem_shared>>
      %dma_start3A_318 = arith.constant 0 : i32
      %dma_start3A_319 = tpu.memref_slice %arg11[%add3A_26, %dma_start3A_318] : memref<10240x128xf32, #tpu.memory_space<vmem_shared>> -> memref<64x128xf32, #tpu.memory_space<vmem_shared>>
      tpu.enqueue_dma source(%arg8 : memref<64x128xf32, #tpu.memory_space<vmem>>) target(%dma_start3A_319 : memref<64x128xf32, #tpu.memory_space<vmem_shared>>) target_semaphore(%run_scoped3A : memref<!tpu.dma_semaphore, #tpu.memory_space<semaphore_mem>>)
      %dma_wait3A_320 = arith.constant 0 : i32
      %dma_wait3A_321 = tpu.memref_slice %arg11[%add3A_26, %dma_wait3A_320] : memref<10240x128xf32, #tpu.memory_space<vmem_shared>> -> memref<64x128xf32, #tpu.memory_space<vmem_shared>>
      %dma_wait3A_322 = arith.constant 0 : i32
      %dma_wait3A_323 = tpu.memref_slice %arg11[%add3A_26, %dma_wait3A_322] : memref<10240x128xf32, #tpu.memory_space<vmem_shared>> -> memref<64x128xf32, #tpu.memory_space<vmem_shared>>
      tpu.wait_dma2 semaphore(%run_scoped3A : memref<!tpu.dma_semaphore, #tpu.memory_space<semaphore_mem>>) src(%arg8 : memref<64x128xf32, #tpu.memory_space<vmem>>) dst(%dma_wait3A_323 : memref<64x128xf32, #tpu.memory_space<vmem_shared>>)
      tpu.yield
    }) : () -> ()
    %mul3A_27 = arith.constant 640 : i32
    %mul3A_28 = arith.muli %arg1, %mul3A_27 : i32
    %add3A_29 = arith.constant 320 : i32
    %add3A_30 = arith.addi %mul3A_28, %add3A_29 : i32
    "tpu.region"() ({
      %run_scoped3A = tpu.sem_alloc : memref<!tpu.dma_semaphore, #tpu.memory_space<semaphore_mem>>
      %dma_start3A_316 = arith.constant 0 : i32
      %dma_start3A_317 = tpu.memref_slice %arg11[%add3A_30, %dma_start3A_316] : memref<10240x128xf32, #tpu.memory_space<vmem_shared>> -> memref<64x128xf32, #tpu.memory_space<vmem_shared>>
      %dma_start3A_318 = arith.constant 0 : i32
      %dma_start3A_319 = tpu.memref_slice %arg11[%add3A_30, %dma_start3A_318] : memref<10240x128xf32, #tpu.memory_space<vmem_shared>> -> memref<64x128xf32, #tpu.memory_space<vmem_shared>>
      tpu.enqueue_dma source(%arg8 : memref<64x128xf32, #tpu.memory_space<vmem>>) target(%dma_start3A_319 : memref<64x128xf32, #tpu.memory_space<vmem_shared>>) target_semaphore(%run_scoped3A : memref<!tpu.dma_semaphore, #tpu.memory_space<semaphore_mem>>)
      %dma_wait3A_320 = arith.constant 0 : i32
      %dma_wait3A_321 = tpu.memref_slice %arg11[%add3A_30, %dma_wait3A_320] : memref<10240x128xf32, #tpu.memory_space<vmem_shared>> -> memref<64x128xf32, #tpu.memory_space<vmem_shared>>
      %dma_wait3A_322 = arith.constant 0 : i32
      %dma_wait3A_323 = tpu.memref_slice %arg11[%add3A_30, %dma_wait3A_322] : memref<10240x128xf32, #tpu.memory_space<vmem_shared>> -> memref<64x128xf32, #tpu.memory_space<vmem_shared>>
      tpu.wait_dma2 semaphore(%run_scoped3A : memref<!tpu.dma_semaphore, #tpu.memory_space<semaphore_mem>>) src(%arg8 : memref<64x128xf32, #tpu.memory_space<vmem>>) dst(%dma_wait3A_323 : memref<64x128xf32, #tpu.memory_space<vmem_shared>>)
      tpu.yield
    }) : () -> ()
    %mul3A_31 = arith.constant 640 : i32
    %mul3A_32 = arith.muli %arg1, %mul3A_31 : i32
    %add3A_33 = arith.constant 384 : i32
    %add3A_34 = arith.addi %mul3A_32, %add3A_33 : i32
    "tpu.region"() ({
      %run_scoped3A = tpu.sem_alloc : memref<!tpu.dma_semaphore, #tpu.memory_space<semaphore_mem>>
      %dma_start3A_316 = arith.constant 0 : i32
      %dma_start3A_317 = tpu.memref_slice %arg11[%add3A_34, %dma_start3A_316] : memref<10240x128xf32, #tpu.memory_space<vmem_shared>> -> memref<64x128xf32, #tpu.memory_space<vmem_shared>>
      %dma_start3A_318 = arith.constant 0 : i32
      %dma_start3A_319 = tpu.memref_slice %arg11[%add3A_34, %dma_start3A_318] : memref<10240x128xf32, #tpu.memory_space<vmem_shared>> -> memref<64x128xf32, #tpu.memory_space<vmem_shared>>
      tpu.enqueue_dma source(%arg8 : memref<64x128xf32, #tpu.memory_space<vmem>>) target(%dma_start3A_319 : memref<64x128xf32, #tpu.memory_space<vmem_shared>>) target_semaphore(%run_scoped3A : memref<!tpu.dma_semaphore, #tpu.memory_space<semaphore_mem>>)
      %dma_wait3A_320 = arith.constant 0 : i32
      %dma_wait3A_321 = tpu.memref_slice %arg11[%add3A_34, %dma_wait3A_320] : memref<10240x128xf32, #tpu.memory_space<vmem_shared>> -> memref<64x128xf32, #tpu.memory_space<vmem_shared>>
      %dma_wait3A_322 = arith.constant 0 : i32
      %dma_wait3A_323 = tpu.memref_slice %arg11[%add3A_34, %dma_wait3A_322] : memref<10240x128xf32, #tpu.memory_space<vmem_shared>> -> memref<64x128xf32, #tpu.memory_space<vmem_shared>>
      tpu.wait_dma2 semaphore(%run_scoped3A : memref<!tpu.dma_semaphore, #tpu.memory_space<semaphore_mem>>) src(%arg8 : memref<64x128xf32, #tpu.memory_space<vmem>>) dst(%dma_wait3A_323 : memref<64x128xf32, #tpu.memory_space<vmem_shared>>)
      tpu.yield
    }) : () -> ()
    %mul3A_35 = arith.constant 640 : i32
    %mul3A_36 = arith.muli %arg1, %mul3A_35 : i32
    %add3A_37 = arith.constant 448 : i32
    %add3A_38 = arith.addi %mul3A_36, %add3A_37 : i32
    "tpu.region"() ({
      %run_scoped3A = tpu.sem_alloc : memref<!tpu.dma_semaphore, #tpu.memory_space<semaphore_mem>>
      %dma_start3A_316 = arith.constant 0 : i32
      %dma_start3A_317 = tpu.memref_slice %arg11[%add3A_38, %dma_start3A_316] : memref<10240x128xf32, #tpu.memory_space<vmem_shared>> -> memref<64x128xf32, #tpu.memory_space<vmem_shared>>
      %dma_start3A_318 = arith.constant 0 : i32
      %dma_start3A_319 = tpu.memref_slice %arg11[%add3A_38, %dma_start3A_318] : memref<10240x128xf32, #tpu.memory_space<vmem_shared>> -> memref<64x128xf32, #tpu.memory_space<vmem_shared>>
      tpu.enqueue_dma source(%arg8 : memref<64x128xf32, #tpu.memory_space<vmem>>) target(%dma_start3A_319 : memref<64x128xf32, #tpu.memory_space<vmem_shared>>) target_semaphore(%run_scoped3A : memref<!tpu.dma_semaphore, #tpu.memory_space<semaphore_mem>>)
      %dma_wait3A_320 = arith.constant 0 : i32
      %dma_wait3A_321 = tpu.memref_slice %arg11[%add3A_38, %dma_wait3A_320] : memref<10240x128xf32, #tpu.memory_space<vmem_shared>> -> memref<64x128xf32, #tpu.memory_space<vmem_shared>>
      %dma_wait3A_322 = arith.constant 0 : i32
      %dma_wait3A_323 = tpu.memref_slice %arg11[%add3A_38, %dma_wait3A_322] : memref<10240x128xf32, #tpu.memory_space<vmem_shared>> -> memref<64x128xf32, #tpu.memory_space<vmem_shared>>
      tpu.wait_dma2 semaphore(%run_scoped3A : memref<!tpu.dma_semaphore, #tpu.memory_space<semaphore_mem>>) src(%arg8 : memref<64x128xf32, #tpu.memory_space<vmem>>) dst(%dma_wait3A_323 : memref<64x128xf32, #tpu.memory_space<vmem_shared>>)
      tpu.yield
    }) : () -> ()
    %mul3A_39 = arith.constant 640 : i32
    %mul3A_40 = arith.muli %arg1, %mul3A_39 : i32
    %add3A_41 = arith.constant 512 : i32
    %add3A_42 = arith.addi %mul3A_40, %add3A_41 : i32
    "tpu.region"() ({
      %run_scoped3A = tpu.sem_alloc : memref<!tpu.dma_semaphore, #tpu.memory_space<semaphore_mem>>
      %dma_start3A_316 = arith.constant 0 : i32
      %dma_start3A_317 = tpu.memref_slice %arg11[%add3A_42, %dma_start3A_316] : memref<10240x128xf32, #tpu.memory_space<vmem_shared>> -> memref<64x128xf32, #tpu.memory_space<vmem_shared>>
      %dma_start3A_318 = arith.constant 0 : i32
      %dma_start3A_319 = tpu.memref_slice %arg11[%add3A_42, %dma_start3A_318] : memref<10240x128xf32, #tpu.memory_space<vmem_shared>> -> memref<64x128xf32, #tpu.memory_space<vmem_shared>>
      tpu.enqueue_dma source(%arg8 : memref<64x128xf32, #tpu.memory_space<vmem>>) target(%dma_start3A_319 : memref<64x128xf32, #tpu.memory_space<vmem_shared>>) target_semaphore(%run_scoped3A : memref<!tpu.dma_semaphore, #tpu.memory_space<semaphore_mem>>)
      %dma_wait3A_320 = arith.constant 0 : i32
      %dma_wait3A_321 = tpu.memref_slice %arg11[%add3A_42, %dma_wait3A_320] : memref<10240x128xf32, #tpu.memory_space<vmem_shared>> -> memref<64x128xf32, #tpu.memory_space<vmem_shared>>
      %dma_wait3A_322 = arith.constant 0 : i32
      %dma_wait3A_323 = tpu.memref_slice %arg11[%add3A_42, %dma_wait3A_322] : memref<10240x128xf32, #tpu.memory_space<vmem_shared>> -> memref<64x128xf32, #tpu.memory_space<vmem_shared>>
      tpu.wait_dma2 semaphore(%run_scoped3A : memref<!tpu.dma_semaphore, #tpu.memory_space<semaphore_mem>>) src(%arg8 : memref<64x128xf32, #tpu.memory_space<vmem>>) dst(%dma_wait3A_323 : memref<64x128xf32, #tpu.memory_space<vmem_shared>>)
      tpu.yield
    }) : () -> ()
    %mul3A_43 = arith.constant 640 : i32
    %mul3A_44 = arith.muli %arg1, %mul3A_43 : i32
    %add3A_45 = arith.constant 576 : i32
    %add3A_46 = arith.addi %mul3A_44, %add3A_45 : i32
    "tpu.region"() ({
      %run_scoped3A = tpu.sem_alloc : memref<!tpu.dma_semaphore, #tpu.memory_space<semaphore_mem>>
      %dma_start3A_316 = arith.constant 0 : i32
      %dma_start3A_317 = tpu.memref_slice %arg11[%add3A_46, %dma_start3A_316] : memref<10240x128xf32, #tpu.memory_space<vmem_shared>> -> memref<64x128xf32, #tpu.memory_space<vmem_shared>>
      %dma_start3A_318 = arith.constant 0 : i32
      %dma_start3A_319 = tpu.memref_slice %arg11[%add3A_46, %dma_start3A_318] : memref<10240x128xf32, #tpu.memory_space<vmem_shared>> -> memref<64x128xf32, #tpu.memory_space<vmem_shared>>
      tpu.enqueue_dma source(%arg8 : memref<64x128xf32, #tpu.memory_space<vmem>>) target(%dma_start3A_319 : memref<64x128xf32, #tpu.memory_space<vmem_shared>>) target_semaphore(%run_scoped3A : memref<!tpu.dma_semaphore, #tpu.memory_space<semaphore_mem>>)
      %dma_wait3A_320 = arith.constant 0 : i32
      %dma_wait3A_321 = tpu.memref_slice %arg11[%add3A_46, %dma_wait3A_320] : memref<10240x128xf32, #tpu.memory_space<vmem_shared>> -> memref<64x128xf32, #tpu.memory_space<vmem_shared>>
      %dma_wait3A_322 = arith.constant 0 : i32
      %dma_wait3A_323 = tpu.memref_slice %arg11[%add3A_46, %dma_wait3A_322] : memref<10240x128xf32, #tpu.memory_space<vmem_shared>> -> memref<64x128xf32, #tpu.memory_space<vmem_shared>>
      tpu.wait_dma2 semaphore(%run_scoped3A : memref<!tpu.dma_semaphore, #tpu.memory_space<semaphore_mem>>) src(%arg8 : memref<64x128xf32, #tpu.memory_space<vmem>>) dst(%dma_wait3A_323 : memref<64x128xf32, #tpu.memory_space<vmem_shared>>)
      tpu.yield
    }) : () -> ()
    "tpu.region"() ({
      %run_scoped3A = tpu.sem_alloc : memref<!tpu.dma_semaphore, #tpu.memory_space<semaphore_mem>>
      %dma_start3A_316 = arith.constant 0 : i32
      %dma_start3A_317 = tpu.memref_slice %arg3[%add3A, %dma_start3A_316] : memref<32x10112xi32, #tpu.memory_space<hbm>> -> memref<1x10112xi32, #tpu.memory_space<hbm>>
      %dma_start3A_318 = tpu.memref_squeeze %dma_start3A_317 : memref<1x10112xi32, #tpu.memory_space<hbm>> -> memref<10112xi32, #tpu.memory_space<hbm>>
      %dma_start3A_319 = arith.constant 0 : i32
      %dma_start3A_320 = tpu.memref_slice %arg3[%add3A, %dma_start3A_319] : memref<32x10112xi32, #tpu.memory_space<hbm>> -> memref<1x10112xi32, #tpu.memory_space<hbm>>
      %dma_start3A_321 = tpu.memref_squeeze %dma_start3A_320 : memref<1x10112xi32, #tpu.memory_space<hbm>> -> memref<10112xi32, #tpu.memory_space<hbm>>
      tpu.enqueue_dma source(%dma_start3A_321 : memref<10112xi32, #tpu.memory_space<hbm>>) target(%arg6 : memref<10112xi32, #tpu.memory_space<vmem>>) target_semaphore(%run_scoped3A : memref<!tpu.dma_semaphore, #tpu.memory_space<semaphore_mem>>)
      %dma_wait3A_322 = arith.constant 0 : i32
      %dma_wait3A_323 = tpu.memref_slice %arg3[%add3A, %dma_wait3A_322] : memref<32x10112xi32, #tpu.memory_space<hbm>> -> memref<1x10112xi32, #tpu.memory_space<hbm>>
      %dma_wait3A_324 = tpu.memref_squeeze %dma_wait3A_323 : memref<1x10112xi32, #tpu.memory_space<hbm>> -> memref<10112xi32, #tpu.memory_space<hbm>>
      %dma_wait3A_325 = arith.constant 0 : i32
      %dma_wait3A_326 = tpu.memref_slice %arg3[%add3A, %dma_wait3A_325] : memref<32x10112xi32, #tpu.memory_space<hbm>> -> memref<1x10112xi32, #tpu.memory_space<hbm>>
      %dma_wait3A_327 = tpu.memref_squeeze %dma_wait3A_326 : memref<1x10112xi32, #tpu.memory_space<hbm>> -> memref<10112xi32, #tpu.memory_space<hbm>>
      tpu.wait_dma2 semaphore(%run_scoped3A : memref<!tpu.dma_semaphore, #tpu.memory_space<semaphore_mem>>) src(%dma_wait3A_327 : memref<10112xi32, #tpu.memory_space<hbm>>) dst(%arg6 : memref<10112xi32, #tpu.memory_space<vmem>>)
      tpu.yield
    }) : () -> ()
    %barrier3A = arith.constant 0 : index
    tpu.barrier barrier_id(%barrier3A)
    %dma_start3A = arith.constant 0 : i32
    %dma_start3A_47 = arith.constant 0 : i32
    %dma_start3A_48 = arith.constant 0 : i32
    %dma_start3A_49 = tpu.memref_slice %arg7[%dma_start3A_47, %dma_start3A_48] : memref<3x64xi32, #tpu.memory_space<vmem>> -> memref<1x64xi32, #tpu.memory_space<vmem>>
    %dma_start3A_50 = tpu.memref_squeeze %dma_start3A_49 : memref<1x64xi32, #tpu.memory_space<vmem>> -> memref<64xi32, #tpu.memory_space<vmem>>
    %dma_start3A_51 = arith.constant 0 : i32
    %dma_start3A_52 = tpu.memref_slice %arg4[%add3A, %dma_start3A, %dma_start3A_51] : memref<32x158x64xi32, #tpu.memory_space<hbm>> -> memref<1x1x64xi32, #tpu.memory_space<hbm>>
    %dma_start3A_53 = tpu.memref_squeeze %dma_start3A_52 : memref<1x1x64xi32, #tpu.memory_space<hbm>> -> memref<64xi32, #tpu.memory_space<hbm>>
    %dma_start3A_54 = arith.constant 0 : i32
    %dma_start3A_55 = tpu.memref_slice %arg7[%dma_start3A_47, %dma_start3A_54] : memref<3x64xi32, #tpu.memory_space<vmem>> -> memref<1x64xi32, #tpu.memory_space<vmem>>
    %dma_start3A_56 = tpu.memref_squeeze %dma_start3A_55 : memref<1x64xi32, #tpu.memory_space<vmem>> -> memref<64xi32, #tpu.memory_space<vmem>>
    %dma_start3A_57 = arith.constant 0 : i32
    %dma_start3A_58 = tpu.memref_slice %arg4[%add3A, %dma_start3A, %dma_start3A_57] : memref<32x158x64xi32, #tpu.memory_space<hbm>> -> memref<1x1x64xi32, #tpu.memory_space<hbm>>
    %dma_start3A_59 = tpu.memref_squeeze %dma_start3A_58 : memref<1x1x64xi32, #tpu.memory_space<hbm>> -> memref<64xi32, #tpu.memory_space<hbm>>
    tpu.enqueue_dma source(%dma_start3A_59 : memref<64xi32, #tpu.memory_space<hbm>>) target(%dma_start3A_56 : memref<64xi32, #tpu.memory_space<vmem>>) target_semaphore(%arg13 : memref<!tpu.dma_semaphore, #tpu.memory_space<semaphore_mem>>)
    %dma_start3A_60 = arith.constant 0 : i32
    %dma_start3A_61 = tpu.memref_slice %arg6[%dma_start3A_60] : memref<10112xi32, #tpu.memory_space<vmem>> -> memref<64xi32, #tpu.memory_space<vmem>>
    %dma_start3A_62 = arith.constant 0 : i32
    %dma_start3A_63 = arith.constant 0 : i32
    %dma_start3A_64 = tpu.memref_slice %arg2[%dma_start3A_62, %dma_start3A_63] : memref<10000x128xf32, #tpu.memory_space<hbm>> -> memref<10000x128xf32, #tpu.memory_space<hbm>>
    tpu.enqueue_indirect_dma source(%dma_start3A_64 : memref<10000x128xf32, #tpu.memory_space<hbm>>) target(%arg8 : memref<64x128xf32, #tpu.memory_space<vmem>>) offsets(%dma_start3A_61 : memref<64xi32, #tpu.memory_space<vmem>>) semaphore(%arg12 : memref<!tpu.dma_semaphore, #tpu.memory_space<semaphore_mem>>)
    %dma_start3A_65 = arith.constant 1 : i32
    %dma_start3A_66 = arith.constant 1 : i32
    %dma_start3A_67 = arith.constant 0 : i32
    %dma_start3A_68 = tpu.memref_slice %arg7[%dma_start3A_66, %dma_start3A_67] : memref<3x64xi32, #tpu.memory_space<vmem>> -> memref<1x64xi32, #tpu.memory_space<vmem>>
    %dma_start3A_69 = tpu.memref_squeeze %dma_start3A_68 : memref<1x64xi32, #tpu.memory_space<vmem>> -> memref<64xi32, #tpu.memory_space<vmem>>
    %dma_start3A_70 = arith.constant 0 : i32
    %dma_start3A_71 = tpu.memref_slice %arg4[%add3A, %dma_start3A_65, %dma_start3A_70] : memref<32x158x64xi32, #tpu.memory_space<hbm>> -> memref<1x1x64xi32, #tpu.memory_space<hbm>>
    %dma_start3A_72 = tpu.memref_squeeze %dma_start3A_71 : memref<1x1x64xi32, #tpu.memory_space<hbm>> -> memref<64xi32, #tpu.memory_space<hbm>>
    %dma_start3A_73 = arith.constant 0 : i32
    %dma_start3A_74 = tpu.memref_slice %arg7[%dma_start3A_66, %dma_start3A_73] : memref<3x64xi32, #tpu.memory_space<vmem>> -> memref<1x64xi32, #tpu.memory_space<vmem>>
    %dma_start3A_75 = tpu.memref_squeeze %dma_start3A_74 : memref<1x64xi32, #tpu.memory_space<vmem>> -> memref<64xi32, #tpu.memory_space<vmem>>
    %dma_start3A_76 = arith.constant 0 : i32
    %dma_start3A_77 = tpu.memref_slice %arg4[%add3A, %dma_start3A_65, %dma_start3A_76] : memref<32x158x64xi32, #tpu.memory_space<hbm>> -> memref<1x1x64xi32, #tpu.memory_space<hbm>>
    %dma_start3A_78 = tpu.memref_squeeze %dma_start3A_77 : memref<1x1x64xi32, #tpu.memory_space<hbm>> -> memref<64xi32, #tpu.memory_space<hbm>>
    tpu.enqueue_dma source(%dma_start3A_78 : memref<64xi32, #tpu.memory_space<hbm>>) target(%dma_start3A_75 : memref<64xi32, #tpu.memory_space<vmem>>) target_semaphore(%arg13 : memref<!tpu.dma_semaphore, #tpu.memory_space<semaphore_mem>>)
    %dma_start3A_79 = arith.constant 64 : i32
    %dma_start3A_80 = tpu.memref_slice %arg6[%dma_start3A_79] : memref<10112xi32, #tpu.memory_space<vmem>> -> memref<64xi32, #tpu.memory_space<vmem>>
    %dma_start3A_81 = arith.constant 0 : i32
    %dma_start3A_82 = arith.constant 0 : i32
    %dma_start3A_83 = tpu.memref_slice %arg2[%dma_start3A_81, %dma_start3A_82] : memref<10000x128xf32, #tpu.memory_space<hbm>> -> memref<10000x128xf32, #tpu.memory_space<hbm>>
    tpu.enqueue_indirect_dma source(%dma_start3A_83 : memref<10000x128xf32, #tpu.memory_space<hbm>>) target(%arg9 : memref<64x128xf32, #tpu.memory_space<vmem>>) offsets(%dma_start3A_80 : memref<64xi32, #tpu.memory_space<vmem>>) semaphore(%arg12 : memref<!tpu.dma_semaphore, #tpu.memory_space<semaphore_mem>>)
    %dma_start3A_84 = arith.constant 2 : i32
    %dma_start3A_85 = arith.constant 2 : i32
    %dma_start3A_86 = arith.constant 0 : i32
    %dma_start3A_87 = tpu.memref_slice %arg7[%dma_start3A_85, %dma_start3A_86] : memref<3x64xi32, #tpu.memory_space<vmem>> -> memref<1x64xi32, #tpu.memory_space<vmem>>
    %dma_start3A_88 = tpu.memref_squeeze %dma_start3A_87 : memref<1x64xi32, #tpu.memory_space<vmem>> -> memref<64xi32, #tpu.memory_space<vmem>>
    %dma_start3A_89 = arith.constant 0 : i32
    %dma_start3A_90 = tpu.memref_slice %arg4[%add3A, %dma_start3A_84, %dma_start3A_89] : memref<32x158x64xi32, #tpu.memory_space<hbm>> -> memref<1x1x64xi32, #tpu.memory_space<hbm>>
    %dma_start3A_91 = tpu.memref_squeeze %dma_start3A_90 : memref<1x1x64xi32, #tpu.memory_space<hbm>> -> memref<64xi32, #tpu.memory_space<hbm>>
    %dma_start3A_92 = arith.constant 0 : i32
    %dma_start3A_93 = tpu.memref_slice %arg7[%dma_start3A_85, %dma_start3A_92] : memref<3x64xi32, #tpu.memory_space<vmem>> -> memref<1x64xi32, #tpu.memory_space<vmem>>
    %dma_start3A_94 = tpu.memref_squeeze %dma_start3A_93 : memref<1x64xi32, #tpu.memory_space<vmem>> -> memref<64xi32, #tpu.memory_space<vmem>>
    %dma_start3A_95 = arith.constant 0 : i32
    %dma_start3A_96 = tpu.memref_slice %arg4[%add3A, %dma_start3A_84, %dma_start3A_95] : memref<32x158x64xi32, #tpu.memory_space<hbm>> -> memref<1x1x64xi32, #tpu.memory_space<hbm>>
    %dma_start3A_97 = tpu.memref_squeeze %dma_start3A_96 : memref<1x1x64xi32, #tpu.memory_space<hbm>> -> memref<64xi32, #tpu.memory_space<hbm>>
    tpu.enqueue_dma source(%dma_start3A_97 : memref<64xi32, #tpu.memory_space<hbm>>) target(%dma_start3A_94 : memref<64xi32, #tpu.memory_space<vmem>>) target_semaphore(%arg13 : memref<!tpu.dma_semaphore, #tpu.memory_space<semaphore_mem>>)
    %dma_start3A_98 = arith.constant 128 : i32
    %dma_start3A_99 = tpu.memref_slice %arg6[%dma_start3A_98] : memref<10112xi32, #tpu.memory_space<vmem>> -> memref<64xi32, #tpu.memory_space<vmem>>
    %dma_start3A_100 = arith.constant 0 : i32
    %dma_start3A_101 = arith.constant 0 : i32
    %dma_start3A_102 = tpu.memref_slice %arg2[%dma_start3A_100, %dma_start3A_101] : memref<10000x128xf32, #tpu.memory_space<hbm>> -> memref<10000x128xf32, #tpu.memory_space<hbm>>
    tpu.enqueue_indirect_dma source(%dma_start3A_102 : memref<10000x128xf32, #tpu.memory_space<hbm>>) target(%arg10 : memref<64x128xf32, #tpu.memory_space<vmem>>) offsets(%dma_start3A_99 : memref<64xi32, #tpu.memory_space<vmem>>) semaphore(%arg12 : memref<!tpu.dma_semaphore, #tpu.memory_space<semaphore_mem>>)
    %dma_wait3A = arith.constant 0 : i32
    %dma_wait3A_103 = tpu.memref_slice %arg6[%dma_wait3A] : memref<10112xi32, #tpu.memory_space<vmem>> -> memref<64xi32, #tpu.memory_space<vmem>>
    %dma_wait3A_104 = arith.constant 0 : i32
    %dma_wait3A_105 = arith.constant 0 : i32
    %dma_wait3A_106 = tpu.memref_slice %arg2[%dma_wait3A_104, %dma_wait3A_105] : memref<10000x128xf32, #tpu.memory_space<hbm>> -> memref<10000x128xf32, #tpu.memory_space<hbm>>
    tpu.wait_indirect_dma semaphore(%arg12 : memref<!tpu.dma_semaphore, #tpu.memory_space<semaphore_mem>>) src(%dma_wait3A_106 : memref<10000x128xf32, #tpu.memory_space<hbm>>) dst(%arg8 : memref<64x128xf32, #tpu.memory_space<vmem>>)
    %dma_wait3A_107 = arith.constant 0 : i32
    %dma_wait3A_108 = arith.constant 0 : i32
    %dma_wait3A_109 = arith.constant 0 : i32
    %dma_wait3A_110 = tpu.memref_slice %arg7[%dma_wait3A_108, %dma_wait3A_109] : memref<3x64xi32, #tpu.memory_space<vmem>> -> memref<1x64xi32, #tpu.memory_space<vmem>>
    %dma_wait3A_111 = tpu.memref_squeeze %dma_wait3A_110 : memref<1x64xi32, #tpu.memory_space<vmem>> -> memref<64xi32, #tpu.memory_space<vmem>>
    %dma_wait3A_112 = arith.constant 0 : i32
    %dma_wait3A_113 = tpu.memref_slice %arg4[%add3A, %dma_wait3A_107, %dma_wait3A_112] : memref<32x158x64xi32, #tpu.memory_space<hbm>> -> memref<1x1x64xi32, #tpu.memory_space<hbm>>
    %dma_wait3A_114 = tpu.memref_squeeze %dma_wait3A_113 : memref<1x1x64xi32, #tpu.memory_space<hbm>> -> memref<64xi32, #tpu.memory_space<hbm>>
    %dma_wait3A_115 = arith.constant 0 : i32
    %dma_wait3A_116 = tpu.memref_slice %arg7[%dma_wait3A_108, %dma_wait3A_115] : memref<3x64xi32, #tpu.memory_space<vmem>> -> memref<1x64xi32, #tpu.memory_space<vmem>>
    %dma_wait3A_117 = tpu.memref_squeeze %dma_wait3A_116 : memref<1x64xi32, #tpu.memory_space<vmem>> -> memref<64xi32, #tpu.memory_space<vmem>>
    %dma_wait3A_118 = arith.constant 0 : i32
    %dma_wait3A_119 = tpu.memref_slice %arg4[%add3A, %dma_wait3A_107, %dma_wait3A_118] : memref<32x158x64xi32, #tpu.memory_space<hbm>> -> memref<1x1x64xi32, #tpu.memory_space<hbm>>
    %dma_wait3A_120 = tpu.memref_squeeze %dma_wait3A_119 : memref<1x1x64xi32, #tpu.memory_space<hbm>> -> memref<64xi32, #tpu.memory_space<hbm>>
    tpu.wait_dma2 semaphore(%arg13 : memref<!tpu.dma_semaphore, #tpu.memory_space<semaphore_mem>>) src(%dma_wait3A_120 : memref<64xi32, #tpu.memory_space<hbm>>) dst(%dma_wait3A_117 : memref<64xi32, #tpu.memory_space<vmem>>)
    %dma_start3A_121 = arith.constant 0 : i32
    %dma_start3A_122 = arith.constant 0 : i32
    %dma_start3A_123 = tpu.memref_slice %arg7[%dma_start3A_121, %dma_start3A_122] : memref<3x64xi32, #tpu.memory_space<vmem>> -> memref<1x64xi32, #tpu.memory_space<vmem>>
    %dma_start3A_124 = tpu.memref_squeeze %dma_start3A_123 : memref<1x64xi32, #tpu.memory_space<vmem>> -> memref<64xi32, #tpu.memory_space<vmem>>
    %dma_start3A_125 = arith.constant 0 : i32
    %dma_start3A_126 = arith.constant 0 : i32
    %dma_start3A_127 = tpu.memref_slice %arg11[%dma_start3A_125, %dma_start3A_126] : memref<10240x128xf32, #tpu.memory_space<vmem_shared>> -> memref<10240x128xf32, #tpu.memory_space<vmem_shared>>
    tpu.enqueue_indirect_dma source(%arg8 : memref<64x128xf32, #tpu.memory_space<vmem>>) target(%dma_start3A_127 : memref<10240x128xf32, #tpu.memory_space<vmem_shared>>) offsets(%dma_start3A_124 : memref<64xi32, #tpu.memory_space<vmem>>) semaphore(%arg14 : memref<!tpu.dma_semaphore, #tpu.memory_space<semaphore_mem>>) {add = true}
    %dma_wait3A_128 = arith.constant 0 : i32
    %dma_wait3A_129 = arith.constant 0 : i32
    %dma_wait3A_130 = tpu.memref_slice %arg7[%dma_wait3A_128, %dma_wait3A_129] : memref<3x64xi32, #tpu.memory_space<vmem>> -> memref<1x64xi32, #tpu.memory_space<vmem>>
    %dma_wait3A_131 = tpu.memref_squeeze %dma_wait3A_130 : memref<1x64xi32, #tpu.memory_space<vmem>> -> memref<64xi32, #tpu.memory_space<vmem>>
    %dma_wait3A_132 = arith.constant 0 : i32
    %dma_wait3A_133 = arith.constant 0 : i32
    %dma_wait3A_134 = tpu.memref_slice %arg11[%dma_wait3A_132, %dma_wait3A_133] : memref<10240x128xf32, #tpu.memory_space<vmem_shared>> -> memref<10240x128xf32, #tpu.memory_space<vmem_shared>>
    tpu.wait_indirect_dma semaphore(%arg14 : memref<!tpu.dma_semaphore, #tpu.memory_space<semaphore_mem>>) src(%arg8 : memref<64x128xf32, #tpu.memory_space<vmem>>) dst(%dma_wait3A_134 : memref<10240x128xf32, #tpu.memory_space<vmem_shared>>)
    %dma_start3A_135 = arith.constant 3 : i32
    %dma_start3A_136 = arith.constant 0 : i32
    %dma_start3A_137 = arith.constant 0 : i32
    %dma_start3A_138 = tpu.memref_slice %arg7[%dma_start3A_136, %dma_start3A_137] : memref<3x64xi32, #tpu.memory_space<vmem>> -> memref<1x64xi32, #tpu.memory_space<vmem>>
    %dma_start3A_139 = tpu.memref_squeeze %dma_start3A_138 : memref<1x64xi32, #tpu.memory_space<vmem>> -> memref<64xi32, #tpu.memory_space<vmem>>
    %dma_start3A_140 = arith.constant 0 : i32
    %dma_start3A_141 = tpu.memref_slice %arg4[%add3A, %dma_start3A_135, %dma_start3A_140] : memref<32x158x64xi32, #tpu.memory_space<hbm>> -> memref<1x1x64xi32, #tpu.memory_space<hbm>>
    %dma_start3A_142 = tpu.memref_squeeze %dma_start3A_141 : memref<1x1x64xi32, #tpu.memory_space<hbm>> -> memref<64xi32, #tpu.memory_space<hbm>>
    %dma_start3A_143 = arith.constant 0 : i32
    %dma_start3A_144 = tpu.memref_slice %arg7[%dma_start3A_136, %dma_start3A_143] : memref<3x64xi32, #tpu.memory_space<vmem>> -> memref<1x64xi32, #tpu.memory_space<vmem>>
    %dma_start3A_145 = tpu.memref_squeeze %dma_start3A_144 : memref<1x64xi32, #tpu.memory_space<vmem>> -> memref<64xi32, #tpu.memory_space<vmem>>
    %dma_start3A_146 = arith.constant 0 : i32
    %dma_start3A_147 = tpu.memref_slice %arg4[%add3A, %dma_start3A_135, %dma_start3A_146] : memref<32x158x64xi32, #tpu.memory_space<hbm>> -> memref<1x1x64xi32, #tpu.memory_space<hbm>>
    %dma_start3A_148 = tpu.memref_squeeze %dma_start3A_147 : memref<1x1x64xi32, #tpu.memory_space<hbm>> -> memref<64xi32, #tpu.memory_space<hbm>>
    tpu.enqueue_dma source(%dma_start3A_148 : memref<64xi32, #tpu.memory_space<hbm>>) target(%dma_start3A_145 : memref<64xi32, #tpu.memory_space<vmem>>) target_semaphore(%arg13 : memref<!tpu.dma_semaphore, #tpu.memory_space<semaphore_mem>>)
    %dma_start3A_149 = arith.constant 192 : i32
    %dma_start3A_150 = tpu.memref_slice %arg6[%dma_start3A_149] : memref<10112xi32, #tpu.memory_space<vmem>> -> memref<64xi32, #tpu.memory_space<vmem>>
    %dma_start3A_151 = arith.constant 0 : i32
    %dma_start3A_152 = arith.constant 0 : i32
    %dma_start3A_153 = tpu.memref_slice %arg2[%dma_start3A_151, %dma_start3A_152] : memref<10000x128xf32, #tpu.memory_space<hbm>> -> memref<10000x128xf32, #tpu.memory_space<hbm>>
    tpu.enqueue_indirect_dma source(%dma_start3A_153 : memref<10000x128xf32, #tpu.memory_space<hbm>>) target(%arg8 : memref<64x128xf32, #tpu.memory_space<vmem>>) offsets(%dma_start3A_150 : memref<64xi32, #tpu.memory_space<vmem>>) semaphore(%arg12 : memref<!tpu.dma_semaphore, #tpu.memory_space<semaphore_mem>>)
    %dma_wait3A_154 = arith.constant 64 : i32
    %dma_wait3A_155 = tpu.memref_slice %arg6[%dma_wait3A_154] : memref<10112xi32, #tpu.memory_space<vmem>> -> memref<64xi32, #tpu.memory_space<vmem>>
    %dma_wait3A_156 = arith.constant 0 : i32
    %dma_wait3A_157 = arith.constant 0 : i32
    %dma_wait3A_158 = tpu.memref_slice %arg2[%dma_wait3A_156, %dma_wait3A_157] : memref<10000x128xf32, #tpu.memory_space<hbm>> -> memref<10000x128xf32, #tpu.memory_space<hbm>>
    tpu.wait_indirect_dma semaphore(%arg12 : memref<!tpu.dma_semaphore, #tpu.memory_space<semaphore_mem>>) src(%dma_wait3A_158 : memref<10000x128xf32, #tpu.memory_space<hbm>>) dst(%arg9 : memref<64x128xf32, #tpu.memory_space<vmem>>)
    %dma_wait3A_159 = arith.constant 1 : i32
    %dma_wait3A_160 = arith.constant 1 : i32
    %dma_wait3A_161 = arith.constant 0 : i32
    %dma_wait3A_162 = tpu.memref_slice %arg7[%dma_wait3A_160, %dma_wait3A_161] : memref<3x64xi32, #tpu.memory_space<vmem>> -> memref<1x64xi32, #tpu.memory_space<vmem>>
    %dma_wait3A_163 = tpu.memref_squeeze %dma_wait3A_162 : memref<1x64xi32, #tpu.memory_space<vmem>> -> memref<64xi32, #tpu.memory_space<vmem>>
    %dma_wait3A_164 = arith.constant 0 : i32
    %dma_wait3A_165 = tpu.memref_slice %arg4[%add3A, %dma_wait3A_159, %dma_wait3A_164] : memref<32x158x64xi32, #tpu.memory_space<hbm>> -> memref<1x1x64xi32, #tpu.memory_space<hbm>>
    %dma_wait3A_166 = tpu.memref_squeeze %dma_wait3A_165 : memref<1x1x64xi32, #tpu.memory_space<hbm>> -> memref<64xi32, #tpu.memory_space<hbm>>
    %dma_wait3A_167 = arith.constant 0 : i32
    %dma_wait3A_168 = tpu.memref_slice %arg7[%dma_wait3A_160, %dma_wait3A_167] : memref<3x64xi32, #tpu.memory_space<vmem>> -> memref<1x64xi32, #tpu.memory_space<vmem>>
    %dma_wait3A_169 = tpu.memref_squeeze %dma_wait3A_168 : memref<1x64xi32, #tpu.memory_space<vmem>> -> memref<64xi32, #tpu.memory_space<vmem>>
    %dma_wait3A_170 = arith.constant 0 : i32
    %dma_wait3A_171 = tpu.memref_slice %arg4[%add3A, %dma_wait3A_159, %dma_wait3A_170] : memref<32x158x64xi32, #tpu.memory_space<hbm>> -> memref<1x1x64xi32, #tpu.memory_space<hbm>>
    %dma_wait3A_172 = tpu.memref_squeeze %dma_wait3A_171 : memref<1x1x64xi32, #tpu.memory_space<hbm>> -> memref<64xi32, #tpu.memory_space<hbm>>
    tpu.wait_dma2 semaphore(%arg13 : memref<!tpu.dma_semaphore, #tpu.memory_space<semaphore_mem>>) src(%dma_wait3A_172 : memref<64xi32, #tpu.memory_space<hbm>>) dst(%dma_wait3A_169 : memref<64xi32, #tpu.memory_space<vmem>>)
    %dma_start3A_173 = arith.constant 1 : i32
    %dma_start3A_174 = arith.constant 0 : i32
    %dma_start3A_175 = tpu.memref_slice %arg7[%dma_start3A_173, %dma_start3A_174] : memref<3x64xi32, #tpu.memory_space<vmem>> -> memref<1x64xi32, #tpu.memory_space<vmem>>
    %dma_start3A_176 = tpu.memref_squeeze %dma_start3A_175 : memref<1x64xi32, #tpu.memory_space<vmem>> -> memref<64xi32, #tpu.memory_space<vmem>>
    %dma_start3A_177 = arith.constant 0 : i32
    %dma_start3A_178 = arith.constant 0 : i32
    %dma_start3A_179 = tpu.memref_slice %arg11[%dma_start3A_177, %dma_start3A_178] : memref<10240x128xf32, #tpu.memory_space<vmem_shared>> -> memref<10240x128xf32, #tpu.memory_space<vmem_shared>>
    tpu.enqueue_indirect_dma source(%arg9 : memref<64x128xf32, #tpu.memory_space<vmem>>) target(%dma_start3A_179 : memref<10240x128xf32, #tpu.memory_space<vmem_shared>>) offsets(%dma_start3A_176 : memref<64xi32, #tpu.memory_space<vmem>>) semaphore(%arg14 : memref<!tpu.dma_semaphore, #tpu.memory_space<semaphore_mem>>) {add = true}
    %dma_wait3A_180 = arith.constant 1 : i32
    %dma_wait3A_181 = arith.constant 0 : i32
    %dma_wait3A_182 = tpu.memref_slice %arg7[%dma_wait3A_180, %dma_wait3A_181] : memref<3x64xi32, #tpu.memory_space<vmem>> -> memref<1x64xi32, #tpu.memory_space<vmem>>
    %dma_wait3A_183 = tpu.memref_squeeze %dma_wait3A_182 : memref<1x64xi32, #tpu.memory_space<vmem>> -> memref<64xi32, #tpu.memory_space<vmem>>
    %dma_wait3A_184 = arith.constant 0 : i32
    %dma_wait3A_185 = arith.constant 0 : i32
    %dma_wait3A_186 = tpu.memref_slice %arg11[%dma_wait3A_184, %dma_wait3A_185] : memref<10240x128xf32, #tpu.memory_space<vmem_shared>> -> memref<10240x128xf32, #tpu.memory_space<vmem_shared>>
    tpu.wait_indirect_dma semaphore(%arg14 : memref<!tpu.dma_semaphore, #tpu.memory_space<semaphore_mem>>) src(%arg9 : memref<64x128xf32, #tpu.memory_space<vmem>>) dst(%dma_wait3A_186 : memref<10240x128xf32, #tpu.memory_space<vmem_shared>>)
    %dma_start3A_187 = arith.constant 4 : i32
    %dma_start3A_188 = arith.constant 1 : i32
    %dma_start3A_189 = arith.constant 0 : i32
    %dma_start3A_190 = tpu.memref_slice %arg7[%dma_start3A_188, %dma_start3A_189] : memref<3x64xi32, #tpu.memory_space<vmem>> -> memref<1x64xi32, #tpu.memory_space<vmem>>
    %dma_start3A_191 = tpu.memref_squeeze %dma_start3A_190 : memref<1x64xi32, #tpu.memory_space<vmem>> -> memref<64xi32, #tpu.memory_space<vmem>>
    %dma_start3A_192 = arith.constant 0 : i32
    %dma_start3A_193 = tpu.memref_slice %arg4[%add3A, %dma_start3A_187, %dma_start3A_192] : memref<32x158x64xi32, #tpu.memory_space<hbm>> -> memref<1x1x64xi32, #tpu.memory_space<hbm>>
    %dma_start3A_194 = tpu.memref_squeeze %dma_start3A_193 : memref<1x1x64xi32, #tpu.memory_space<hbm>> -> memref<64xi32, #tpu.memory_space<hbm>>
    %dma_start3A_195 = arith.constant 0 : i32
    %dma_start3A_196 = tpu.memref_slice %arg7[%dma_start3A_188, %dma_start3A_195] : memref<3x64xi32, #tpu.memory_space<vmem>> -> memref<1x64xi32, #tpu.memory_space<vmem>>
    %dma_start3A_197 = tpu.memref_squeeze %dma_start3A_196 : memref<1x64xi32, #tpu.memory_space<vmem>> -> memref<64xi32, #tpu.memory_space<vmem>>
    %dma_start3A_198 = arith.constant 0 : i32
    %dma_start3A_199 = tpu.memref_slice %arg4[%add3A, %dma_start3A_187, %dma_start3A_198] : memref<32x158x64xi32, #tpu.memory_space<hbm>> -> memref<1x1x64xi32, #tpu.memory_space<hbm>>
    %dma_start3A_200 = tpu.memref_squeeze %dma_start3A_199 : memref<1x1x64xi32, #tpu.memory_space<hbm>> -> memref<64xi32, #tpu.memory_space<hbm>>
    tpu.enqueue_dma source(%dma_start3A_200 : memref<64xi32, #tpu.memory_space<hbm>>) target(%dma_start3A_197 : memref<64xi32, #tpu.memory_space<vmem>>) target_semaphore(%arg13 : memref<!tpu.dma_semaphore, #tpu.memory_space<semaphore_mem>>)
    %dma_start3A_201 = arith.constant 256 : i32
    %dma_start3A_202 = tpu.memref_slice %arg6[%dma_start3A_201] : memref<10112xi32, #tpu.memory_space<vmem>> -> memref<64xi32, #tpu.memory_space<vmem>>
    %dma_start3A_203 = arith.constant 0 : i32
    %dma_start3A_204 = arith.constant 0 : i32
    %dma_start3A_205 = tpu.memref_slice %arg2[%dma_start3A_203, %dma_start3A_204] : memref<10000x128xf32, #tpu.memory_space<hbm>> -> memref<10000x128xf32, #tpu.memory_space<hbm>>
    tpu.enqueue_indirect_dma source(%dma_start3A_205 : memref<10000x128xf32, #tpu.memory_space<hbm>>) target(%arg9 : memref<64x128xf32, #tpu.memory_space<vmem>>) offsets(%dma_start3A_202 : memref<64xi32, #tpu.memory_space<vmem>>) semaphore(%arg12 : memref<!tpu.dma_semaphore, #tpu.memory_space<semaphore_mem>>)
    %dma_wait3A_206 = arith.constant 128 : i32
    %dma_wait3A_207 = tpu.memref_slice %arg6[%dma_wait3A_206] : memref<10112xi32, #tpu.memory_space<vmem>> -> memref<64xi32, #tpu.memory_space<vmem>>
    %dma_wait3A_208 = arith.constant 0 : i32
    %dma_wait3A_209 = arith.constant 0 : i32
    %dma_wait3A_210 = tpu.memref_slice %arg2[%dma_wait3A_208, %dma_wait3A_209] : memref<10000x128xf32, #tpu.memory_space<hbm>> -> memref<10000x128xf32, #tpu.memory_space<hbm>>
    tpu.wait_indirect_dma semaphore(%arg12 : memref<!tpu.dma_semaphore, #tpu.memory_space<semaphore_mem>>) src(%dma_wait3A_210 : memref<10000x128xf32, #tpu.memory_space<hbm>>) dst(%arg10 : memref<64x128xf32, #tpu.memory_space<vmem>>)
    %dma_wait3A_211 = arith.constant 2 : i32
    %dma_wait3A_212 = arith.constant 2 : i32
    %dma_wait3A_213 = arith.constant 0 : i32
    %dma_wait3A_214 = tpu.memref_slice %arg7[%dma_wait3A_212, %dma_wait3A_213] : memref<3x64xi32, #tpu.memory_space<vmem>> -> memref<1x64xi32, #tpu.memory_space<vmem>>
    %dma_wait3A_215 = tpu.memref_squeeze %dma_wait3A_214 : memref<1x64xi32, #tpu.memory_space<vmem>> -> memref<64xi32, #tpu.memory_space<vmem>>
    %dma_wait3A_216 = arith.constant 0 : i32
    %dma_wait3A_217 = tpu.memref_slice %arg4[%add3A, %dma_wait3A_211, %dma_wait3A_216] : memref<32x158x64xi32, #tpu.memory_space<hbm>> -> memref<1x1x64xi32, #tpu.memory_space<hbm>>
    %dma_wait3A_218 = tpu.memref_squeeze %dma_wait3A_217 : memref<1x1x64xi32, #tpu.memory_space<hbm>> -> memref<64xi32, #tpu.memory_space<hbm>>
    %dma_wait3A_219 = arith.constant 0 : i32
    %dma_wait3A_220 = tpu.memref_slice %arg7[%dma_wait3A_212, %dma_wait3A_219] : memref<3x64xi32, #tpu.memory_space<vmem>> -> memref<1x64xi32, #tpu.memory_space<vmem>>
    %dma_wait3A_221 = tpu.memref_squeeze %dma_wait3A_220 : memref<1x64xi32, #tpu.memory_space<vmem>> -> memref<64xi32, #tpu.memory_space<vmem>>
    %dma_wait3A_222 = arith.constant 0 : i32
    %dma_wait3A_223 = tpu.memref_slice %arg4[%add3A, %dma_wait3A_211, %dma_wait3A_222] : memref<32x158x64xi32, #tpu.memory_space<hbm>> -> memref<1x1x64xi32, #tpu.memory_space<hbm>>
    %dma_wait3A_224 = tpu.memref_squeeze %dma_wait3A_223 : memref<1x1x64xi32, #tpu.memory_space<hbm>> -> memref<64xi32, #tpu.memory_space<hbm>>
    tpu.wait_dma2 semaphore(%arg13 : memref<!tpu.dma_semaphore, #tpu.memory_space<semaphore_mem>>) src(%dma_wait3A_224 : memref<64xi32, #tpu.memory_space<hbm>>) dst(%dma_wait3A_221 : memref<64xi32, #tpu.memory_space<vmem>>)
    %dma_start3A_225 = arith.constant 2 : i32
    %dma_start3A_226 = arith.constant 0 : i32
    %dma_start3A_227 = tpu.memref_slice %arg7[%dma_start3A_225, %dma_start3A_226] : memref<3x64xi32, #tpu.memory_space<vmem>> -> memref<1x64xi32, #tpu.memory_space<vmem>>
    %dma_start3A_228 = tpu.memref_squeeze %dma_start3A_227 : memref<1x64xi32, #tpu.memory_space<vmem>> -> memref<64xi32, #tpu.memory_space<vmem>>
    %dma_start3A_229 = arith.constant 0 : i32
    %dma_start3A_230 = arith.constant 0 : i32
    %dma_start3A_231 = tpu.memref_slice %arg11[%dma_start3A_229, %dma_start3A_230] : memref<10240x128xf32, #tpu.memory_space<vmem_shared>> -> memref<10240x128xf32, #tpu.memory_space<vmem_shared>>
    tpu.enqueue_indirect_dma source(%arg10 : memref<64x128xf32, #tpu.memory_space<vmem>>) target(%dma_start3A_231 : memref<10240x128xf32, #tpu.memory_space<vmem_shared>>) offsets(%dma_start3A_228 : memref<64xi32, #tpu.memory_space<vmem>>) semaphore(%arg14 : memref<!tpu.dma_semaphore, #tpu.memory_space<semaphore_mem>>) {add = true}
    %scan3A_232 = arith.constant 0 : i32
    %scan3A_233 = arith.constant 0 : i32
    %scan3A_234 = arith.constant 51 : i32
    %scan3A_235 = arith.addi %scan3A_233, %scan3A_234 : i32
    %scan3A_236 = arith.constant 1 : i32
    scf.for %scan3A_316 = %scan3A_233 to %scan3A_235 step %scan3A_236  : i32 {
      %add3A_317 = arith.constant 1 : i32
      %add3A_318 = arith.addi %scan3A_316, %add3A_317 : i32
      %mul3A_319 = arith.constant 3 : i32
      %mul3A_320 = arith.muli %add3A_318, %mul3A_319 : i32
      %add3A_321 = arith.constant 0 : i32
      %add3A_322 = arith.addi %mul3A_320, %add3A_321 : i32
      %dma_wait3A_323 = arith.constant 2 : i32
      %dma_wait3A_324 = arith.constant 0 : i32
      %dma_wait3A_325 = tpu.memref_slice %arg7[%dma_wait3A_323, %dma_wait3A_324] : memref<3x64xi32, #tpu.memory_space<vmem>> -> memref<1x64xi32, #tpu.memory_space<vmem>>
      %dma_wait3A_326 = tpu.memref_squeeze %dma_wait3A_325 : memref<1x64xi32, #tpu.memory_space<vmem>> -> memref<64xi32, #tpu.memory_space<vmem>>
      %dma_wait3A_327 = arith.constant 0 : i32
      %dma_wait3A_328 = arith.constant 0 : i32
      %dma_wait3A_329 = tpu.memref_slice %arg11[%dma_wait3A_327, %dma_wait3A_328] : memref<10240x128xf32, #tpu.memory_space<vmem_shared>> -> memref<10240x128xf32, #tpu.memory_space<vmem_shared>>
      tpu.wait_indirect_dma semaphore(%arg14 : memref<!tpu.dma_semaphore, #tpu.memory_space<semaphore_mem>>) src(%arg10 : memref<64x128xf32, #tpu.memory_space<vmem>>) dst(%dma_wait3A_329 : memref<10240x128xf32, #tpu.memory_space<vmem_shared>>)
      %add3A_330 = arith.constant 3 : i32
      %add3A_331 = arith.addi %add3A_322, %add3A_330 : i32
      %sub3A = arith.constant 1 : i32
      %sub3A_332 = arith.subi %add3A_331, %sub3A : i32
      %dma_start3A_333 = arith.constant 2 : i32
      %dma_start3A_334 = arith.constant 0 : i32
      %dma_start3A_335 = tpu.memref_slice %arg7[%dma_start3A_333, %dma_start3A_334] : memref<3x64xi32, #tpu.memory_space<vmem>> -> memref<1x64xi32, #tpu.memory_space<vmem>>
      %dma_start3A_336 = tpu.memref_squeeze %dma_start3A_335 : memref<1x64xi32, #tpu.memory_space<vmem>> -> memref<64xi32, #tpu.memory_space<vmem>>
      %dma_start3A_337 = arith.constant 0 : i32
      %dma_start3A_338 = tpu.memref_slice %arg4[%add3A, %sub3A_332, %dma_start3A_337] : memref<32x158x64xi32, #tpu.memory_space<hbm>> -> memref<1x1x64xi32, #tpu.memory_space<hbm>>
      %dma_start3A_339 = tpu.memref_squeeze %dma_start3A_338 : memref<1x1x64xi32, #tpu.memory_space<hbm>> -> memref<64xi32, #tpu.memory_space<hbm>>
      %dma_start3A_340 = arith.constant 0 : i32
      %dma_start3A_341 = tpu.memref_slice %arg7[%dma_start3A_333, %dma_start3A_340] : memref<3x64xi32, #tpu.memory_space<vmem>> -> memref<1x64xi32, #tpu.memory_space<vmem>>
      %dma_start3A_342 = tpu.memref_squeeze %dma_start3A_341 : memref<1x64xi32, #tpu.memory_space<vmem>> -> memref<64xi32, #tpu.memory_space<vmem>>
      %dma_start3A_343 = arith.constant 0 : i32
      %dma_start3A_344 = tpu.memref_slice %arg4[%add3A, %sub3A_332, %dma_start3A_343] : memref<32x158x64xi32, #tpu.memory_space<hbm>> -> memref<1x1x64xi32, #tpu.memory_space<hbm>>
      %dma_start3A_345 = tpu.memref_squeeze %dma_start3A_344 : memref<1x1x64xi32, #tpu.memory_space<hbm>> -> memref<64xi32, #tpu.memory_space<hbm>>
      tpu.enqueue_dma source(%dma_start3A_345 : memref<64xi32, #tpu.memory_space<hbm>>) target(%dma_start3A_342 : memref<64xi32, #tpu.memory_space<vmem>>) target_semaphore(%arg13 : memref<!tpu.dma_semaphore, #tpu.memory_space<semaphore_mem>>)
      %add3A_346 = arith.constant 3 : i32
      %add3A_347 = arith.addi %add3A_322, %add3A_346 : i32
      %sub3A_348 = arith.constant 1 : i32
      %sub3A_349 = arith.subi %add3A_347, %sub3A_348 : i32
      %mul3A_350 = arith.constant 64 : i32
      %mul3A_351 = arith.muli %sub3A_349, %mul3A_350 : i32
      %dma_start3A_352 = tpu.memref_slice %arg6[%mul3A_351] : memref<10112xi32, #tpu.memory_space<vmem>> -> memref<64xi32, #tpu.memory_space<vmem>>
      %dma_start3A_353 = arith.constant 0 : i32
      %dma_start3A_354 = arith.constant 0 : i32
      %dma_start3A_355 = tpu.memref_slice %arg2[%dma_start3A_353, %dma_start3A_354] : memref<10000x128xf32, #tpu.memory_space<hbm>> -> memref<10000x128xf32, #tpu.memory_space<hbm>>
      tpu.enqueue_indirect_dma source(%dma_start3A_355 : memref<10000x128xf32, #tpu.memory_space<hbm>>) target(%arg10 : memref<64x128xf32, #tpu.memory_space<vmem>>) offsets(%dma_start3A_352 : memref<64xi32, #tpu.memory_space<vmem>>) semaphore(%arg12 : memref<!tpu.dma_semaphore, #tpu.memory_space<semaphore_mem>>)
      %mul3A_356 = arith.constant 64 : i32
      %mul3A_357 = arith.muli %add3A_322, %mul3A_356 : i32
      %dma_wait3A_358 = tpu.memref_slice %arg6[%mul3A_357] : memref<10112xi32, #tpu.memory_space<vmem>> -> memref<64xi32, #tpu.memory_space<vmem>>
      %dma_wait3A_359 = arith.constant 0 : i32
      %dma_wait3A_360 = arith.constant 0 : i32
      %dma_wait3A_361 = tpu.memref_slice %arg2[%dma_wait3A_359, %dma_wait3A_360] : memref<10000x128xf32, #tpu.memory_space<hbm>> -> memref<10000x128xf32, #tpu.memory_space<hbm>>
      tpu.wait_indirect_dma semaphore(%arg12 : memref<!tpu.dma_semaphore, #tpu.memory_space<semaphore_mem>>) src(%dma_wait3A_361 : memref<10000x128xf32, #tpu.memory_space<hbm>>) dst(%arg8 : memref<64x128xf32, #tpu.memory_space<vmem>>)
      %dma_wait3A_362 = arith.constant 0 : i32
      %dma_wait3A_363 = arith.constant 0 : i32
      %dma_wait3A_364 = tpu.memref_slice %arg7[%dma_wait3A_362, %dma_wait3A_363] : memref<3x64xi32, #tpu.memory_space<vmem>> -> memref<1x64xi32, #tpu.memory_space<vmem>>
      %dma_wait3A_365 = tpu.memref_squeeze %dma_wait3A_364 : memref<1x64xi32, #tpu.memory_space<vmem>> -> memref<64xi32, #tpu.memory_space<vmem>>
      %dma_wait3A_366 = arith.constant 0 : i32
      %dma_wait3A_367 = tpu.memref_slice %arg4[%add3A, %add3A_322, %dma_wait3A_366] : memref<32x158x64xi32, #tpu.memory_space<hbm>> -> memref<1x1x64xi32, #tpu.memory_space<hbm>>
      %dma_wait3A_368 = tpu.memref_squeeze %dma_wait3A_367 : memref<1x1x64xi32, #tpu.memory_space<hbm>> -> memref<64xi32, #tpu.memory_space<hbm>>
      %dma_wait3A_369 = arith.constant 0 : i32
      %dma_wait3A_370 = tpu.memref_slice %arg7[%dma_wait3A_362, %dma_wait3A_369] : memref<3x64xi32, #tpu.memory_space<vmem>> -> memref<1x64xi32, #tpu.memory_space<vmem>>
      %dma_wait3A_371 = tpu.memref_squeeze %dma_wait3A_370 : memref<1x64xi32, #tpu.memory_space<vmem>> -> memref<64xi32, #tpu.memory_space<vmem>>
      %dma_wait3A_372 = arith.constant 0 : i32
      %dma_wait3A_373 = tpu.memref_slice %arg4[%add3A, %add3A_322, %dma_wait3A_372] : memref<32x158x64xi32, #tpu.memory_space<hbm>> -> memref<1x1x64xi32, #tpu.memory_space<hbm>>
      %dma_wait3A_374 = tpu.memref_squeeze %dma_wait3A_373 : memref<1x1x64xi32, #tpu.memory_space<hbm>> -> memref<64xi32, #tpu.memory_space<hbm>>
      tpu.wait_dma2 semaphore(%arg13 : memref<!tpu.dma_semaphore, #tpu.memory_space<semaphore_mem>>) src(%dma_wait3A_374 : memref<64xi32, #tpu.memory_space<hbm>>) dst(%dma_wait3A_371 : memref<64xi32, #tpu.memory_space<vmem>>)
      %dma_start3A_375 = arith.constant 0 : i32
      %dma_start3A_376 = arith.constant 0 : i32
      %dma_start3A_377 = tpu.memref_slice %arg7[%dma_start3A_375, %dma_start3A_376] : memref<3x64xi32, #tpu.memory_space<vmem>> -> memref<1x64xi32, #tpu.memory_space<vmem>>
      %dma_start3A_378 = tpu.memref_squeeze %dma_start3A_377 : memref<1x64xi32, #tpu.memory_space<vmem>> -> memref<64xi32, #tpu.memory_space<vmem>>
      %dma_start3A_379 = arith.constant 0 : i32
      %dma_start3A_380 = arith.constant 0 : i32
      %dma_start3A_381 = tpu.memref_slice %arg11[%dma_start3A_379, %dma_start3A_380] : memref<10240x128xf32, #tpu.memory_space<vmem_shared>> -> memref<10240x128xf32, #tpu.memory_space<vmem_shared>>
      tpu.enqueue_indirect_dma source(%arg8 : memref<64x128xf32, #tpu.memory_space<vmem>>) target(%dma_start3A_381 : memref<10240x128xf32, #tpu.memory_space<vmem_shared>>) offsets(%dma_start3A_378 : memref<64xi32, #tpu.memory_space<vmem>>) semaphore(%arg14 : memref<!tpu.dma_semaphore, #tpu.memory_space<semaphore_mem>>) {add = true}
      %add3A_382 = arith.constant 1 : i32
      %add3A_383 = arith.addi %mul3A_320, %add3A_382 : i32
      %dma_wait3A_384 = arith.constant 0 : i32
      %dma_wait3A_385 = arith.constant 0 : i32
      %dma_wait3A_386 = tpu.memref_slice %arg7[%dma_wait3A_384, %dma_wait3A_385] : memref<3x64xi32, #tpu.memory_space<vmem>> -> memref<1x64xi32, #tpu.memory_space<vmem>>
      %dma_wait3A_387 = tpu.memref_squeeze %dma_wait3A_386 : memref<1x64xi32, #tpu.memory_space<vmem>> -> memref<64xi32, #tpu.memory_space<vmem>>
      %dma_wait3A_388 = arith.constant 0 : i32
      %dma_wait3A_389 = arith.constant 0 : i32
      %dma_wait3A_390 = tpu.memref_slice %arg11[%dma_wait3A_388, %dma_wait3A_389] : memref<10240x128xf32, #tpu.memory_space<vmem_shared>> -> memref<10240x128xf32, #tpu.memory_space<vmem_shared>>
      tpu.wait_indirect_dma semaphore(%arg14 : memref<!tpu.dma_semaphore, #tpu.memory_space<semaphore_mem>>) src(%arg8 : memref<64x128xf32, #tpu.memory_space<vmem>>) dst(%dma_wait3A_390 : memref<10240x128xf32, #tpu.memory_space<vmem_shared>>)
      %add3A_391 = arith.constant 3 : i32
      %add3A_392 = arith.addi %add3A_383, %add3A_391 : i32
      %sub3A_393 = arith.constant 1 : i32
      %sub3A_394 = arith.subi %add3A_392, %sub3A_393 : i32
      %dma_start3A_395 = arith.constant 0 : i32
      %dma_start3A_396 = arith.constant 0 : i32
      %dma_start3A_397 = tpu.memref_slice %arg7[%dma_start3A_395, %dma_start3A_396] : memref<3x64xi32, #tpu.memory_space<vmem>> -> memref<1x64xi32, #tpu.memory_space<vmem>>
      %dma_start3A_398 = tpu.memref_squeeze %dma_start3A_397 : memref<1x64xi32, #tpu.memory_space<vmem>> -> memref<64xi32, #tpu.memory_space<vmem>>
      %dma_start3A_399 = arith.constant 0 : i32
      %dma_start3A_400 = tpu.memref_slice %arg4[%add3A, %sub3A_394, %dma_start3A_399] : memref<32x158x64xi32, #tpu.memory_space<hbm>> -> memref<1x1x64xi32, #tpu.memory_space<hbm>>
      %dma_start3A_401 = tpu.memref_squeeze %dma_start3A_400 : memref<1x1x64xi32, #tpu.memory_space<hbm>> -> memref<64xi32, #tpu.memory_space<hbm>>
      %dma_start3A_402 = arith.constant 0 : i32
      %dma_start3A_403 = tpu.memref_slice %arg7[%dma_start3A_395, %dma_start3A_402] : memref<3x64xi32, #tpu.memory_space<vmem>> -> memref<1x64xi32, #tpu.memory_space<vmem>>
      %dma_start3A_404 = tpu.memref_squeeze %dma_start3A_403 : memref<1x64xi32, #tpu.memory_space<vmem>> -> memref<64xi32, #tpu.memory_space<vmem>>
      %dma_start3A_405 = arith.constant 0 : i32
      %dma_start3A_406 = tpu.memref_slice %arg4[%add3A, %sub3A_394, %dma_start3A_405] : memref<32x158x64xi32, #tpu.memory_space<hbm>> -> memref<1x1x64xi32, #tpu.memory_space<hbm>>
      %dma_start3A_407 = tpu.memref_squeeze %dma_start3A_406 : memref<1x1x64xi32, #tpu.memory_space<hbm>> -> memref<64xi32, #tpu.memory_space<hbm>>
      tpu.enqueue_dma source(%dma_start3A_407 : memref<64xi32, #tpu.memory_space<hbm>>) target(%dma_start3A_404 : memref<64xi32, #tpu.memory_space<vmem>>) target_semaphore(%arg13 : memref<!tpu.dma_semaphore, #tpu.memory_space<semaphore_mem>>)
      %add3A_408 = arith.constant 3 : i32
      %add3A_409 = arith.addi %add3A_383, %add3A_408 : i32
      %sub3A_410 = arith.constant 1 : i32
      %sub3A_411 = arith.subi %add3A_409, %sub3A_410 : i32
      %mul3A_412 = arith.constant 64 : i32
      %mul3A_413 = arith.muli %sub3A_411, %mul3A_412 : i32
      %dma_start3A_414 = tpu.memref_slice %arg6[%mul3A_413] : memref<10112xi32, #tpu.memory_space<vmem>> -> memref<64xi32, #tpu.memory_space<vmem>>
      %dma_start3A_415 = arith.constant 0 : i32
      %dma_start3A_416 = arith.constant 0 : i32
      %dma_start3A_417 = tpu.memref_slice %arg2[%dma_start3A_415, %dma_start3A_416] : memref<10000x128xf32, #tpu.memory_space<hbm>> -> memref<10000x128xf32, #tpu.memory_space<hbm>>
      tpu.enqueue_indirect_dma source(%dma_start3A_417 : memref<10000x128xf32, #tpu.memory_space<hbm>>) target(%arg8 : memref<64x128xf32, #tpu.memory_space<vmem>>) offsets(%dma_start3A_414 : memref<64xi32, #tpu.memory_space<vmem>>) semaphore(%arg12 : memref<!tpu.dma_semaphore, #tpu.memory_space<semaphore_mem>>)
      %mul3A_418 = arith.constant 64 : i32
      %mul3A_419 = arith.muli %add3A_383, %mul3A_418 : i32
      %dma_wait3A_420 = tpu.memref_slice %arg6[%mul3A_419] : memref<10112xi32, #tpu.memory_space<vmem>> -> memref<64xi32, #tpu.memory_space<vmem>>
      %dma_wait3A_421 = arith.constant 0 : i32
      %dma_wait3A_422 = arith.constant 0 : i32
      %dma_wait3A_423 = tpu.memref_slice %arg2[%dma_wait3A_421, %dma_wait3A_422] : memref<10000x128xf32, #tpu.memory_space<hbm>> -> memref<10000x128xf32, #tpu.memory_space<hbm>>
      tpu.wait_indirect_dma semaphore(%arg12 : memref<!tpu.dma_semaphore, #tpu.memory_space<semaphore_mem>>) src(%dma_wait3A_423 : memref<10000x128xf32, #tpu.memory_space<hbm>>) dst(%arg9 : memref<64x128xf32, #tpu.memory_space<vmem>>)
      %dma_wait3A_424 = arith.constant 1 : i32
      %dma_wait3A_425 = arith.constant 0 : i32
      %dma_wait3A_426 = tpu.memref_slice %arg7[%dma_wait3A_424, %dma_wait3A_425] : memref<3x64xi32, #tpu.memory_space<vmem>> -> memref<1x64xi32, #tpu.memory_space<vmem>>
      %dma_wait3A_427 = tpu.memref_squeeze %dma_wait3A_426 : memref<1x64xi32, #tpu.memory_space<vmem>> -> memref<64xi32, #tpu.memory_space<vmem>>
      %dma_wait3A_428 = arith.constant 0 : i32
      %dma_wait3A_429 = tpu.memref_slice %arg4[%add3A, %add3A_383, %dma_wait3A_428] : memref<32x158x64xi32, #tpu.memory_space<hbm>> -> memref<1x1x64xi32, #tpu.memory_space<hbm>>
      %dma_wait3A_430 = tpu.memref_squeeze %dma_wait3A_429 : memref<1x1x64xi32, #tpu.memory_space<hbm>> -> memref<64xi32, #tpu.memory_space<hbm>>
      %dma_wait3A_431 = arith.constant 0 : i32
      %dma_wait3A_432 = tpu.memref_slice %arg7[%dma_wait3A_424, %dma_wait3A_431] : memref<3x64xi32, #tpu.memory_space<vmem>> -> memref<1x64xi32, #tpu.memory_space<vmem>>
      %dma_wait3A_433 = tpu.memref_squeeze %dma_wait3A_432 : memref<1x64xi32, #tpu.memory_space<vmem>> -> memref<64xi32, #tpu.memory_space<vmem>>
      %dma_wait3A_434 = arith.constant 0 : i32
      %dma_wait3A_435 = tpu.memref_slice %arg4[%add3A, %add3A_383, %dma_wait3A_434] : memref<32x158x64xi32, #tpu.memory_space<hbm>> -> memref<1x1x64xi32, #tpu.memory_space<hbm>>
      %dma_wait3A_436 = tpu.memref_squeeze %dma_wait3A_435 : memref<1x1x64xi32, #tpu.memory_space<hbm>> -> memref<64xi32, #tpu.memory_space<hbm>>
      tpu.wait_dma2 semaphore(%arg13 : memref<!tpu.dma_semaphore, #tpu.memory_space<semaphore_mem>>) src(%dma_wait3A_436 : memref<64xi32, #tpu.memory_space<hbm>>) dst(%dma_wait3A_433 : memref<64xi32, #tpu.memory_space<vmem>>)
      %dma_start3A_437 = arith.constant 1 : i32
      %dma_start3A_438 = arith.constant 0 : i32
      %dma_start3A_439 = tpu.memref_slice %arg7[%dma_start3A_437, %dma_start3A_438] : memref<3x64xi32, #tpu.memory_space<vmem>> -> memref<1x64xi32, #tpu.memory_space<vmem>>
      %dma_start3A_440 = tpu.memref_squeeze %dma_start3A_439 : memref<1x64xi32, #tpu.memory_space<vmem>> -> memref<64xi32, #tpu.memory_space<vmem>>
      %dma_start3A_441 = arith.constant 0 : i32
      %dma_start3A_442 = arith.constant 0 : i32
      %dma_start3A_443 = tpu.memref_slice %arg11[%dma_start3A_441, %dma_start3A_442] : memref<10240x128xf32, #tpu.memory_space<vmem_shared>> -> memref<10240x128xf32, #tpu.memory_space<vmem_shared>>
      tpu.enqueue_indirect_dma source(%arg9 : memref<64x128xf32, #tpu.memory_space<vmem>>) target(%dma_start3A_443 : memref<10240x128xf32, #tpu.memory_space<vmem_shared>>) offsets(%dma_start3A_440 : memref<64xi32, #tpu.memory_space<vmem>>) semaphore(%arg14 : memref<!tpu.dma_semaphore, #tpu.memory_space<semaphore_mem>>) {add = true}
      %add3A_444 = arith.constant 2 : i32
      %add3A_445 = arith.addi %mul3A_320, %add3A_444 : i32
      %dma_wait3A_446 = arith.constant 1 : i32
      %dma_wait3A_447 = arith.constant 0 : i32
      %dma_wait3A_448 = tpu.memref_slice %arg7[%dma_wait3A_446, %dma_wait3A_447] : memref<3x64xi32, #tpu.memory_space<vmem>> -> memref<1x64xi32, #tpu.memory_space<vmem>>
      %dma_wait3A_449 = tpu.memref_squeeze %dma_wait3A_448 : memref<1x64xi32, #tpu.memory_space<vmem>> -> memref<64xi32, #tpu.memory_space<vmem>>
      %dma_wait3A_450 = arith.constant 0 : i32
      %dma_wait3A_451 = arith.constant 0 : i32
      %dma_wait3A_452 = tpu.memref_slice %arg11[%dma_wait3A_450, %dma_wait3A_451] : memref<10240x128xf32, #tpu.memory_space<vmem_shared>> -> memref<10240x128xf32, #tpu.memory_space<vmem_shared>>
      tpu.wait_indirect_dma semaphore(%arg14 : memref<!tpu.dma_semaphore, #tpu.memory_space<semaphore_mem>>) src(%arg9 : memref<64x128xf32, #tpu.memory_space<vmem>>) dst(%dma_wait3A_452 : memref<10240x128xf32, #tpu.memory_space<vmem_shared>>)
      %add3A_453 = arith.constant 3 : i32
      %add3A_454 = arith.addi %add3A_445, %add3A_453 : i32
      %sub3A_455 = arith.constant 1 : i32
      %sub3A_456 = arith.subi %add3A_454, %sub3A_455 : i32
      %dma_start3A_457 = arith.constant 1 : i32
      %dma_start3A_458 = arith.constant 0 : i32
      %dma_start3A_459 = tpu.memref_slice %arg7[%dma_start3A_457, %dma_start3A_458] : memref<3x64xi32, #tpu.memory_space<vmem>> -> memref<1x64xi32, #tpu.memory_space<vmem>>
      %dma_start3A_460 = tpu.memref_squeeze %dma_start3A_459 : memref<1x64xi32, #tpu.memory_space<vmem>> -> memref<64xi32, #tpu.memory_space<vmem>>
      %dma_start3A_461 = arith.constant 0 : i32
      %dma_start3A_462 = tpu.memref_slice %arg4[%add3A, %sub3A_456, %dma_start3A_461] : memref<32x158x64xi32, #tpu.memory_space<hbm>> -> memref<1x1x64xi32, #tpu.memory_space<hbm>>
      %dma_start3A_463 = tpu.memref_squeeze %dma_start3A_462 : memref<1x1x64xi32, #tpu.memory_space<hbm>> -> memref<64xi32, #tpu.memory_space<hbm>>
      %dma_start3A_464 = arith.constant 0 : i32
      %dma_start3A_465 = tpu.memref_slice %arg7[%dma_start3A_457, %dma_start3A_464] : memref<3x64xi32, #tpu.memory_space<vmem>> -> memref<1x64xi32, #tpu.memory_space<vmem>>
      %dma_start3A_466 = tpu.memref_squeeze %dma_start3A_465 : memref<1x64xi32, #tpu.memory_space<vmem>> -> memref<64xi32, #tpu.memory_space<vmem>>
      %dma_start3A_467 = arith.constant 0 : i32
      %dma_start3A_468 = tpu.memref_slice %arg4[%add3A, %sub3A_456, %dma_start3A_467] : memref<32x158x64xi32, #tpu.memory_space<hbm>> -> memref<1x1x64xi32, #tpu.memory_space<hbm>>
      %dma_start3A_469 = tpu.memref_squeeze %dma_start3A_468 : memref<1x1x64xi32, #tpu.memory_space<hbm>> -> memref<64xi32, #tpu.memory_space<hbm>>
      tpu.enqueue_dma source(%dma_start3A_469 : memref<64xi32, #tpu.memory_space<hbm>>) target(%dma_start3A_466 : memref<64xi32, #tpu.memory_space<vmem>>) target_semaphore(%arg13 : memref<!tpu.dma_semaphore, #tpu.memory_space<semaphore_mem>>)
      %add3A_470 = arith.constant 3 : i32
      %add3A_471 = arith.addi %add3A_445, %add3A_470 : i32
      %sub3A_472 = arith.constant 1 : i32
      %sub3A_473 = arith.subi %add3A_471, %sub3A_472 : i32
      %mul3A_474 = arith.constant 64 : i32
      %mul3A_475 = arith.muli %sub3A_473, %mul3A_474 : i32
      %dma_start3A_476 = tpu.memref_slice %arg6[%mul3A_475] : memref<10112xi32, #tpu.memory_space<vmem>> -> memref<64xi32, #tpu.memory_space<vmem>>
      %dma_start3A_477 = arith.constant 0 : i32
      %dma_start3A_478 = arith.constant 0 : i32
      %dma_start3A_479 = tpu.memref_slice %arg2[%dma_start3A_477, %dma_start3A_478] : memref<10000x128xf32, #tpu.memory_space<hbm>> -> memref<10000x128xf32, #tpu.memory_space<hbm>>
      tpu.enqueue_indirect_dma source(%dma_start3A_479 : memref<10000x128xf32, #tpu.memory_space<hbm>>) target(%arg9 : memref<64x128xf32, #tpu.memory_space<vmem>>) offsets(%dma_start3A_476 : memref<64xi32, #tpu.memory_space<vmem>>) semaphore(%arg12 : memref<!tpu.dma_semaphore, #tpu.memory_space<semaphore_mem>>)
      %mul3A_480 = arith.constant 64 : i32
      %mul3A_481 = arith.muli %add3A_445, %mul3A_480 : i32
      %dma_wait3A_482 = tpu.memref_slice %arg6[%mul3A_481] : memref<10112xi32, #tpu.memory_space<vmem>> -> memref<64xi32, #tpu.memory_space<vmem>>
      %dma_wait3A_483 = arith.constant 0 : i32
      %dma_wait3A_484 = arith.constant 0 : i32
      %dma_wait3A_485 = tpu.memref_slice %arg2[%dma_wait3A_483, %dma_wait3A_484] : memref<10000x128xf32, #tpu.memory_space<hbm>> -> memref<10000x128xf32, #tpu.memory_space<hbm>>
      tpu.wait_indirect_dma semaphore(%arg12 : memref<!tpu.dma_semaphore, #tpu.memory_space<semaphore_mem>>) src(%dma_wait3A_485 : memref<10000x128xf32, #tpu.memory_space<hbm>>) dst(%arg10 : memref<64x128xf32, #tpu.memory_space<vmem>>)
      %dma_wait3A_486 = arith.constant 2 : i32
      %dma_wait3A_487 = arith.constant 0 : i32
      %dma_wait3A_488 = tpu.memref_slice %arg7[%dma_wait3A_486, %dma_wait3A_487] : memref<3x64xi32, #tpu.memory_space<vmem>> -> memref<1x64xi32, #tpu.memory_space<vmem>>
      %dma_wait3A_489 = tpu.memref_squeeze %dma_wait3A_488 : memref<1x64xi32, #tpu.memory_space<vmem>> -> memref<64xi32, #tpu.memory_space<vmem>>
      %dma_wait3A_490 = arith.constant 0 : i32
      %dma_wait3A_491 = tpu.memref_slice %arg4[%add3A, %add3A_445, %dma_wait3A_490] : memref<32x158x64xi32, #tpu.memory_space<hbm>> -> memref<1x1x64xi32, #tpu.memory_space<hbm>>
      %dma_wait3A_492 = tpu.memref_squeeze %dma_wait3A_491 : memref<1x1x64xi32, #tpu.memory_space<hbm>> -> memref<64xi32, #tpu.memory_space<hbm>>
      %dma_wait3A_493 = arith.constant 0 : i32
      %dma_wait3A_494 = tpu.memref_slice %arg7[%dma_wait3A_486, %dma_wait3A_493] : memref<3x64xi32, #tpu.memory_space<vmem>> -> memref<1x64xi32, #tpu.memory_space<vmem>>
      %dma_wait3A_495 = tpu.memref_squeeze %dma_wait3A_494 : memref<1x64xi32, #tpu.memory_space<vmem>> -> memref<64xi32, #tpu.memory_space<vmem>>
      %dma_wait3A_496 = arith.constant 0 : i32
      %dma_wait3A_497 = tpu.memref_slice %arg4[%add3A, %add3A_445, %dma_wait3A_496] : memref<32x158x64xi32, #tpu.memory_space<hbm>> -> memref<1x1x64xi32, #tpu.memory_space<hbm>>
      %dma_wait3A_498 = tpu.memref_squeeze %dma_wait3A_497 : memref<1x1x64xi32, #tpu.memory_space<hbm>> -> memref<64xi32, #tpu.memory_space<hbm>>
      tpu.wait_dma2 semaphore(%arg13 : memref<!tpu.dma_semaphore, #tpu.memory_space<semaphore_mem>>) src(%dma_wait3A_498 : memref<64xi32, #tpu.memory_space<hbm>>) dst(%dma_wait3A_495 : memref<64xi32, #tpu.memory_space<vmem>>)
      %dma_start3A_499 = arith.constant 2 : i32
      %dma_start3A_500 = arith.constant 0 : i32
      %dma_start3A_501 = tpu.memref_slice %arg7[%dma_start3A_499, %dma_start3A_500] : memref<3x64xi32, #tpu.memory_space<vmem>> -> memref<1x64xi32, #tpu.memory_space<vmem>>
      %dma_start3A_502 = tpu.memref_squeeze %dma_start3A_501 : memref<1x64xi32, #tpu.memory_space<vmem>> -> memref<64xi32, #tpu.memory_space<vmem>>
      %dma_start3A_503 = arith.constant 0 : i32
      %dma_start3A_504 = arith.constant 0 : i32
      %dma_start3A_505 = tpu.memref_slice %arg11[%dma_start3A_503, %dma_start3A_504] : memref<10240x128xf32, #tpu.memory_space<vmem_shared>> -> memref<10240x128xf32, #tpu.memory_space<vmem_shared>>
      tpu.enqueue_indirect_dma source(%arg10 : memref<64x128xf32, #tpu.memory_space<vmem>>) target(%dma_start3A_505 : memref<10240x128xf32, #tpu.memory_space<vmem_shared>>) offsets(%dma_start3A_502 : memref<64xi32, #tpu.memory_space<vmem>>) semaphore(%arg14 : memref<!tpu.dma_semaphore, #tpu.memory_space<semaphore_mem>>) {add = true}
    }
    %scan3A_237 = arith.constant 51 : i32
    %dma_wait3A_238 = arith.constant 9984 : i32
    %dma_wait3A_239 = tpu.memref_slice %arg6[%dma_wait3A_238] : memref<10112xi32, #tpu.memory_space<vmem>> -> memref<64xi32, #tpu.memory_space<vmem>>
    %dma_wait3A_240 = arith.constant 0 : i32
    %dma_wait3A_241 = arith.constant 0 : i32
    %dma_wait3A_242 = tpu.memref_slice %arg2[%dma_wait3A_240, %dma_wait3A_241] : memref<10000x128xf32, #tpu.memory_space<hbm>> -> memref<10000x128xf32, #tpu.memory_space<hbm>>
    tpu.wait_indirect_dma semaphore(%arg12 : memref<!tpu.dma_semaphore, #tpu.memory_space<semaphore_mem>>) src(%dma_wait3A_242 : memref<10000x128xf32, #tpu.memory_space<hbm>>) dst(%arg8 : memref<64x128xf32, #tpu.memory_space<vmem>>)
    %dma_wait3A_243 = arith.constant 156 : i32
    %dma_wait3A_244 = arith.constant 0 : i32
    %dma_wait3A_245 = arith.constant 0 : i32
    %dma_wait3A_246 = tpu.memref_slice %arg7[%dma_wait3A_244, %dma_wait3A_245] : memref<3x64xi32, #tpu.memory_space<vmem>> -> memref<1x64xi32, #tpu.memory_space<vmem>>
    %dma_wait3A_247 = tpu.memref_squeeze %dma_wait3A_246 : memref<1x64xi32, #tpu.memory_space<vmem>> -> memref<64xi32, #tpu.memory_space<vmem>>
    %dma_wait3A_248 = arith.constant 0 : i32
    %dma_wait3A_249 = tpu.memref_slice %arg4[%add3A, %dma_wait3A_243, %dma_wait3A_248] : memref<32x158x64xi32, #tpu.memory_space<hbm>> -> memref<1x1x64xi32, #tpu.memory_space<hbm>>
    %dma_wait3A_250 = tpu.memref_squeeze %dma_wait3A_249 : memref<1x1x64xi32, #tpu.memory_space<hbm>> -> memref<64xi32, #tpu.memory_space<hbm>>
    %dma_wait3A_251 = arith.constant 0 : i32
    %dma_wait3A_252 = tpu.memref_slice %arg7[%dma_wait3A_244, %dma_wait3A_251] : memref<3x64xi32, #tpu.memory_space<vmem>> -> memref<1x64xi32, #tpu.memory_space<vmem>>
    %dma_wait3A_253 = tpu.memref_squeeze %dma_wait3A_252 : memref<1x64xi32, #tpu.memory_space<vmem>> -> memref<64xi32, #tpu.memory_space<vmem>>
    %dma_wait3A_254 = arith.constant 0 : i32
    %dma_wait3A_255 = tpu.memref_slice %arg4[%add3A, %dma_wait3A_243, %dma_wait3A_254] : memref<32x158x64xi32, #tpu.memory_space<hbm>> -> memref<1x1x64xi32, #tpu.memory_space<hbm>>
    %dma_wait3A_256 = tpu.memref_squeeze %dma_wait3A_255 : memref<1x1x64xi32, #tpu.memory_space<hbm>> -> memref<64xi32, #tpu.memory_space<hbm>>
    tpu.wait_dma2 semaphore(%arg13 : memref<!tpu.dma_semaphore, #tpu.memory_space<semaphore_mem>>) src(%dma_wait3A_256 : memref<64xi32, #tpu.memory_space<hbm>>) dst(%dma_wait3A_253 : memref<64xi32, #tpu.memory_space<vmem>>)
    %dma_start3A_257 = arith.constant 0 : i32
    %dma_start3A_258 = arith.constant 0 : i32
    %dma_start3A_259 = tpu.memref_slice %arg7[%dma_start3A_257, %dma_start3A_258] : memref<3x64xi32, #tpu.memory_space<vmem>> -> memref<1x64xi32, #tpu.memory_space<vmem>>
    %dma_start3A_260 = tpu.memref_squeeze %dma_start3A_259 : memref<1x64xi32, #tpu.memory_space<vmem>> -> memref<64xi32, #tpu.memory_space<vmem>>
    %dma_start3A_261 = arith.constant 0 : i32
    %dma_start3A_262 = arith.constant 0 : i32
    %dma_start3A_263 = tpu.memref_slice %arg11[%dma_start3A_261, %dma_start3A_262] : memref<10240x128xf32, #tpu.memory_space<vmem_shared>> -> memref<10240x128xf32, #tpu.memory_space<vmem_shared>>
    tpu.enqueue_indirect_dma source(%arg8 : memref<64x128xf32, #tpu.memory_space<vmem>>) target(%dma_start3A_263 : memref<10240x128xf32, #tpu.memory_space<vmem_shared>>) offsets(%dma_start3A_260 : memref<64xi32, #tpu.memory_space<vmem>>) semaphore(%arg14 : memref<!tpu.dma_semaphore, #tpu.memory_space<semaphore_mem>>) {add = true}
    %dma_wait3A_264 = arith.constant 10048 : i32
    %dma_wait3A_265 = tpu.memref_slice %arg6[%dma_wait3A_264] : memref<10112xi32, #tpu.memory_space<vmem>> -> memref<64xi32, #tpu.memory_space<vmem>>
    %dma_wait3A_266 = arith.constant 0 : i32
    %dma_wait3A_267 = arith.constant 0 : i32
    %dma_wait3A_268 = tpu.memref_slice %arg2[%dma_wait3A_266, %dma_wait3A_267] : memref<10000x128xf32, #tpu.memory_space<hbm>> -> memref<10000x128xf32, #tpu.memory_space<hbm>>
    tpu.wait_indirect_dma semaphore(%arg12 : memref<!tpu.dma_semaphore, #tpu.memory_space<semaphore_mem>>) src(%dma_wait3A_268 : memref<10000x128xf32, #tpu.memory_space<hbm>>) dst(%arg9 : memref<64x128xf32, #tpu.memory_space<vmem>>)
    %dma_wait3A_269 = arith.constant 157 : i32
    %dma_wait3A_270 = arith.constant 1 : i32
    %dma_wait3A_271 = arith.constant 0 : i32
    %dma_wait3A_272 = tpu.memref_slice %arg7[%dma_wait3A_270, %dma_wait3A_271] : memref<3x64xi32, #tpu.memory_space<vmem>> -> memref<1x64xi32, #tpu.memory_space<vmem>>
    %dma_wait3A_273 = tpu.memref_squeeze %dma_wait3A_272 : memref<1x64xi32, #tpu.memory_space<vmem>> -> memref<64xi32, #tpu.memory_space<vmem>>
    %dma_wait3A_274 = arith.constant 0 : i32
    %dma_wait3A_275 = tpu.memref_slice %arg4[%add3A, %dma_wait3A_269, %dma_wait3A_274] : memref<32x158x64xi32, #tpu.memory_space<hbm>> -> memref<1x1x64xi32, #tpu.memory_space<hbm>>
    %dma_wait3A_276 = tpu.memref_squeeze %dma_wait3A_275 : memref<1x1x64xi32, #tpu.memory_space<hbm>> -> memref<64xi32, #tpu.memory_space<hbm>>
    %dma_wait3A_277 = arith.constant 0 : i32
    %dma_wait3A_278 = tpu.memref_slice %arg7[%dma_wait3A_270, %dma_wait3A_277] : memref<3x64xi32, #tpu.memory_space<vmem>> -> memref<1x64xi32, #tpu.memory_space<vmem>>
    %dma_wait3A_279 = tpu.memref_squeeze %dma_wait3A_278 : memref<1x64xi32, #tpu.memory_space<vmem>> -> memref<64xi32, #tpu.memory_space<vmem>>
    %dma_wait3A_280 = arith.constant 0 : i32
    %dma_wait3A_281 = tpu.memref_slice %arg4[%add3A, %dma_wait3A_269, %dma_wait3A_280] : memref<32x158x64xi32, #tpu.memory_space<hbm>> -> memref<1x1x64xi32, #tpu.memory_space<hbm>>
    %dma_wait3A_282 = tpu.memref_squeeze %dma_wait3A_281 : memref<1x1x64xi32, #tpu.memory_space<hbm>> -> memref<64xi32, #tpu.memory_space<hbm>>
    tpu.wait_dma2 semaphore(%arg13 : memref<!tpu.dma_semaphore, #tpu.memory_space<semaphore_mem>>) src(%dma_wait3A_282 : memref<64xi32, #tpu.memory_space<hbm>>) dst(%dma_wait3A_279 : memref<64xi32, #tpu.memory_space<vmem>>)
    %dma_start3A_283 = arith.constant 1 : i32
    %dma_start3A_284 = arith.constant 0 : i32
    %dma_start3A_285 = tpu.memref_slice %arg7[%dma_start3A_283, %dma_start3A_284] : memref<3x64xi32, #tpu.memory_space<vmem>> -> memref<1x64xi32, #tpu.memory_space<vmem>>
    %dma_start3A_286 = tpu.memref_squeeze %dma_start3A_285 : memref<1x64xi32, #tpu.memory_space<vmem>> -> memref<64xi32, #tpu.memory_space<vmem>>
    %dma_start3A_287 = arith.constant 0 : i32
    %dma_start3A_288 = arith.constant 0 : i32
    %dma_start3A_289 = tpu.memref_slice %arg11[%dma_start3A_287, %dma_start3A_288] : memref<10240x128xf32, #tpu.memory_space<vmem_shared>> -> memref<10240x128xf32, #tpu.memory_space<vmem_shared>>
    tpu.enqueue_indirect_dma source(%arg9 : memref<64x128xf32, #tpu.memory_space<vmem>>) target(%dma_start3A_289 : memref<10240x128xf32, #tpu.memory_space<vmem_shared>>) offsets(%dma_start3A_286 : memref<64xi32, #tpu.memory_space<vmem>>) semaphore(%arg14 : memref<!tpu.dma_semaphore, #tpu.memory_space<semaphore_mem>>) {add = true}
    %dma_wait3A_290 = arith.constant 0 : i32
    %dma_wait3A_291 = arith.constant 0 : i32
    %dma_wait3A_292 = tpu.memref_slice %arg7[%dma_wait3A_290, %dma_wait3A_291] : memref<3x64xi32, #tpu.memory_space<vmem>> -> memref<1x64xi32, #tpu.memory_space<vmem>>
    %dma_wait3A_293 = tpu.memref_squeeze %dma_wait3A_292 : memref<1x64xi32, #tpu.memory_space<vmem>> -> memref<64xi32, #tpu.memory_space<vmem>>
    %dma_wait3A_294 = arith.constant 0 : i32
    %dma_wait3A_295 = arith.constant 0 : i32
    %dma_wait3A_296 = tpu.memref_slice %arg11[%dma_wait3A_294, %dma_wait3A_295] : memref<10240x128xf32, #tpu.memory_space<vmem_shared>> -> memref<10240x128xf32, #tpu.memory_space<vmem_shared>>
    tpu.wait_indirect_dma semaphore(%arg14 : memref<!tpu.dma_semaphore, #tpu.memory_space<semaphore_mem>>) src(%arg8 : memref<64x128xf32, #tpu.memory_space<vmem>>) dst(%dma_wait3A_296 : memref<10240x128xf32, #tpu.memory_space<vmem_shared>>)
    %dma_wait3A_297 = arith.constant 0 : i32
    %dma_wait3A_298 = arith.constant 0 : i32
    %dma_wait3A_299 = tpu.memref_slice %arg7[%dma_wait3A_297, %dma_wait3A_298] : memref<3x64xi32, #tpu.memory_space<vmem>> -> memref<1x64xi32, #tpu.memory_space<vmem>>
    %dma_wait3A_300 = tpu.memref_squeeze %dma_wait3A_299 : memref<1x64xi32, #tpu.memory_space<vmem>> -> memref<64xi32, #tpu.memory_space<vmem>>
    %dma_wait3A_301 = arith.constant 0 : i32
    %dma_wait3A_302 = arith.constant 0 : i32
    %dma_wait3A_303 = tpu.memref_slice %arg11[%dma_wait3A_301, %dma_wait3A_302] : memref<10240x128xf32, #tpu.memory_space<vmem_shared>> -> memref<10240x128xf32, #tpu.memory_space<vmem_shared>>
    tpu.wait_indirect_dma semaphore(%arg14 : memref<!tpu.dma_semaphore, #tpu.memory_space<semaphore_mem>>) src(%arg8 : memref<64x128xf32, #tpu.memory_space<vmem>>) dst(%dma_wait3A_303 : memref<10240x128xf32, #tpu.memory_space<vmem_shared>>)
    %dma_wait3A_304 = arith.constant 0 : i32
    %dma_wait3A_305 = arith.constant 0 : i32
    %dma_wait3A_306 = tpu.memref_slice %arg7[%dma_wait3A_304, %dma_wait3A_305] : memref<3x64xi32, #tpu.memory_space<vmem>> -> memref<1x64xi32, #tpu.memory_space<vmem>>
    %dma_wait3A_307 = tpu.memref_squeeze %dma_wait3A_306 : memref<1x64xi32, #tpu.memory_space<vmem>> -> memref<64xi32, #tpu.memory_space<vmem>>
    %dma_wait3A_308 = arith.constant 0 : i32
    %dma_wait3A_309 = arith.constant 0 : i32
    %dma_wait3A_310 = tpu.memref_slice %arg11[%dma_wait3A_308, %dma_wait3A_309] : memref<10240x128xf32, #tpu.memory_space<vmem_shared>> -> memref<10240x128xf32, #tpu.memory_space<vmem_shared>>
    tpu.wait_indirect_dma semaphore(%arg14 : memref<!tpu.dma_semaphore, #tpu.memory_space<semaphore_mem>>) src(%arg8 : memref<64x128xf32, #tpu.memory_space<vmem>>) dst(%dma_wait3A_310 : memref<10240x128xf32, #tpu.memory_space<vmem_shared>>)
    %barrier3A_311 = arith.constant 0 : index
    tpu.barrier barrier_id(%barrier3A_311)
    %mul3A_312 = arith.constant 640 : i32
    %mul3A_313 = arith.muli %arg1, %mul3A_312 : i32
    %mul3A_314 = arith.constant 640 : i32
    %mul3A_315 = arith.muli %arg1, %mul3A_314 : i32
    "tpu.region"() ({
      %run_scoped3A = tpu.sem_alloc : memref<!tpu.dma_semaphore, #tpu.memory_space<semaphore_mem>>
      %dma_start3A_316 = arith.constant 0 : i32
      %dma_start3A_317 = tpu.memref_slice %arg5[%arg0, %mul3A_315, %dma_start3A_316] : memref<2x10240x128xf32, #tpu.memory_space<hbm>> -> memref<1x640x128xf32, #tpu.memory_space<hbm>>
      %dma_start3A_318 = tpu.memref_squeeze %dma_start3A_317 : memref<1x640x128xf32, #tpu.memory_space<hbm>> -> memref<640x128xf32, #tpu.memory_space<hbm>>
      %dma_start3A_319 = arith.constant 0 : i32
      %dma_start3A_320 = tpu.memref_slice %arg11[%mul3A_313, %dma_start3A_319] : memref<10240x128xf32, #tpu.memory_space<vmem_shared>> -> memref<640x128xf32, #tpu.memory_space<vmem_shared>>
      tpu.enqueue_dma source(%dma_start3A_320 : memref<640x128xf32, #tpu.memory_space<vmem_shared>>) target(%dma_start3A_318 : memref<640x128xf32, #tpu.memory_space<hbm>>) target_semaphore(%run_scoped3A : memref<!tpu.dma_semaphore, #tpu.memory_space<semaphore_mem>>)
      %dma_wait3A_321 = arith.constant 0 : i32
      %dma_wait3A_322 = tpu.memref_slice %arg5[%arg0, %mul3A_315, %dma_wait3A_321] : memref<2x10240x128xf32, #tpu.memory_space<hbm>> -> memref<1x640x128xf32, #tpu.memory_space<hbm>>
      %dma_wait3A_323 = tpu.memref_squeeze %dma_wait3A_322 : memref<1x640x128xf32, #tpu.memory_space<hbm>> -> memref<640x128xf32, #tpu.memory_space<hbm>>
      %dma_wait3A_324 = arith.constant 0 : i32
      %dma_wait3A_325 = tpu.memref_slice %arg11[%mul3A_313, %dma_wait3A_324] : memref<10240x128xf32, #tpu.memory_space<vmem_shared>> -> memref<640x128xf32, #tpu.memory_space<vmem_shared>>
      tpu.wait_dma2 semaphore(%run_scoped3A : memref<!tpu.dma_semaphore, #tpu.memory_space<semaphore_mem>>) src(%dma_wait3A_325 : memref<640x128xf32, #tpu.memory_space<vmem_shared>>) dst(%dma_wait3A_323 : memref<640x128xf32, #tpu.memory_space<hbm>>)
      tpu.yield
    }) : () -> ()
    return
  }
}

#map = affine_map<(d0, d1) -> (0, 0)>
#map1 = affine_map<(d0, d1) -> (0, 0, 0)>
module attributes {stable_mosaic.version = 14 : i64} {
  func.func @_edge_body(%arg0: i32, %arg1: i32, %arg2: memref<10000x128xf32, #tpu.memory_space<hbm>>, %arg3: memref<32x10112xi32, #tpu.memory_space<hbm>>, %arg4: memref<32x158x64xi32, #tpu.memory_space<hbm>>, %arg5: memref<2x10240x128xf32, #tpu.memory_space<hbm>>, %arg6: memref<10112xi32, #tpu.memory_space<vmem>>, %arg7: memref<3x64xi32, #tpu.memory_space<vmem>>, %arg8: memref<64x128xf32, #tpu.memory_space<vmem>>, %arg9: memref<64x128xf32, #tpu.memory_space<vmem>>, %arg10: memref<64x128xf32, #tpu.memory_space<vmem>>, %arg11: memref<10240x128xf32, #tpu.memory_space<vmem_shared>>, %arg12: memref<!tpu.dma_semaphore, #tpu.memory_space<semaphore_mem>>, %arg13: memref<!tpu.dma_semaphore, #tpu.memory_space<semaphore_mem>>, %arg14: memref<!tpu.dma_semaphore, #tpu.memory_space<semaphore_mem>>) attributes {dimension_semantics = [#tpu.dimension_semantics<core_parallel>, #tpu.dimension_semantics<subcore_parallel>], iteration_bounds = array<i64: 2, 16>, scalar_prefetch = 0 : i64, scratch_operands = 9 : i64, tpu.core_type = #tpu.core_type<sc_vector_subcore>, window_params = [{transform_indices = #map}, {transform_indices = #map}, {transform_indices = #map1}, {transform_indices = #map1}]} {
    %mul3A = arith.constant 16 : i32
    %mul3A_0 = arith.muli %arg0, %mul3A : i32
    %add3A = arith.addi %mul3A_0, %arg1 : i32
    %broadcast_in_dim3A = arith.constant 0.000000e+00 : f32
    %broadcast_in_dim3A_1 = vector.broadcast %broadcast_in_dim3A : f32 to vector<16xf32>
    %scan3A = arith.constant 0 : i32
    %scan3A_2 = arith.constant 0 : i32
    %scan3A_3 = arith.constant 64 : i32
    %scan3A_4 = arith.addi %scan3A_2, %scan3A_3 : i32
    %scan3A_5 = arith.constant 1 : i32
    scf.for %scan3A_316 = %scan3A_2 to %scan3A_4 step %scan3A_5  : i32 {
      %swap3A = arith.index_cast %scan3A_316 : i32 to index
      %swap3A_317 = arith.constant 0 : index
      %swap3A_318 = tpu.vector_load %arg8[%swap3A, %swap3A_317] {strides = array<i32>} : memref<64x128xf32, #tpu.memory_space<vmem>>, vector<16xf32>,
      tpu.vector_store %arg8[%swap3A, %swap3A_317], %broadcast_in_dim3A_1 {strides = array<i32>} : memref<64x128xf32, #tpu.memory_space<vmem>>, vector<16xf32>,
      %swap3A_319 = arith.index_cast %scan3A_316 : i32 to index
      %swap3A_320 = arith.constant 16 : index
      %swap3A_321 = tpu.vector_load %arg8[%swap3A_319, %swap3A_320] {strides = array<i32>} : memref<64x128xf32, #tpu.memory_space<vmem>>, vector<16xf32>,
      tpu.vector_store %arg8[%swap3A_319, %swap3A_320], %broadcast_in_dim3A_1 {strides = array<i32>} : memref<64x128xf32, #tpu.memory_space<vmem>>, vector<16xf32>,
      %swap3A_322 = arith.index_cast %scan3A_316 : i32 to index
      %swap3A_323 = arith.constant 32 : index
      %swap3A_324 = tpu.vector_load %arg8[%swap3A_322, %swap3A_323] {strides = array<i32>} : memref<64x128xf32, #tpu.memory_space<vmem>>, vector<16xf32>,
      tpu.vector_store %arg8[%swap3A_322, %swap3A_323], %broadcast_in_dim3A_1 {strides = array<i32>} : memref<64x128xf32, #tpu.memory_space<vmem>>, vector<16xf32>,
      %swap3A_325 = arith.index_cast %scan3A_316 : i32 to index
      %swap3A_326 = arith.constant 48 : index
      %swap3A_327 = tpu.vector_load %arg8[%swap3A_325, %swap3A_326] {strides = array<i32>} : memref<64x128xf32, #tpu.memory_space<vmem>>, vector<16xf32>,
      tpu.vector_store %arg8[%swap3A_325, %swap3A_326], %broadcast_in_dim3A_1 {strides = array<i32>} : memref<64x128xf32, #tpu.memory_space<vmem>>, vector<16xf32>,
      %swap3A_328 = arith.index_cast %scan3A_316 : i32 to index
      %swap3A_329 = arith.constant 64 : index
      %swap3A_330 = tpu.vector_load %arg8[%swap3A_328, %swap3A_329] {strides = array<i32>} : memref<64x128xf32, #tpu.memory_space<vmem>>, vector<16xf32>,
      tpu.vector_store %arg8[%swap3A_328, %swap3A_329], %broadcast_in_dim3A_1 {strides = array<i32>} : memref<64x128xf32, #tpu.memory_space<vmem>>, vector<16xf32>,
      %swap3A_331 = arith.index_cast %scan3A_316 : i32 to index
      %swap3A_332 = arith.constant 80 : index
      %swap3A_333 = tpu.vector_load %arg8[%swap3A_331, %swap3A_332] {strides = array<i32>} : memref<64x128xf32, #tpu.memory_space<vmem>>, vector<16xf32>,
      tpu.vector_store %arg8[%swap3A_331, %swap3A_332], %broadcast_in_dim3A_1 {strides = array<i32>} : memref<64x128xf32, #tpu.memory_space<vmem>>, vector<16xf32>,
      %swap3A_334 = arith.index_cast %scan3A_316 : i32 to index
      %swap3A_335 = arith.constant 96 : index
      %swap3A_336 = tpu.vector_load %arg8[%swap3A_334, %swap3A_335] {strides = array<i32>} : memref<64x128xf32, #tpu.memory_space<vmem>>, vector<16xf32>,
      tpu.vector_store %arg8[%swap3A_334, %swap3A_335], %broadcast_in_dim3A_1 {strides = array<i32>} : memref<64x128xf32, #tpu.memory_space<vmem>>, vector<16xf32>,
      %swap3A_337 = arith.index_cast %scan3A_316 : i32 to index
      %swap3A_338 = arith.constant 112 : index
      %swap3A_339 = tpu.vector_load %arg8[%swap3A_337, %swap3A_338] {strides = array<i32>} : memref<64x128xf32, #tpu.memory_space<vmem>>, vector<16xf32>,
      tpu.vector_store %arg8[%swap3A_337, %swap3A_338], %broadcast_in_dim3A_1 {strides = array<i32>} : memref<64x128xf32, #tpu.memory_space<vmem>>, vector<16xf32>,
    }
    %scan3A_6 = arith.constant 64 : i32
    %mul3A_7 = arith.constant 640 : i32
    %mul3A_8 = arith.muli %arg1, %mul3A_7 : i32
    %add3A_9 = arith.constant 0 : i32
    %add3A_10 = arith.addi %mul3A_8, %add3A_9 : i32
    "tpu.region"() ({
      %run_scoped3A = tpu.sem_alloc : memref<!tpu.dma_semaphore, #tpu.memory_space<semaphore_mem>>
      %dma_start3A_316 = arith.constant 0 : i32
      %dma_start3A_317 = tpu.memref_slice %arg11[%add3A_10, %dma_start3A_316] : memref<10240x128xf32, #tpu.memory_space<vmem_shared>> -> memref<64x128xf32, #tpu.memory_space<vmem_shared>>
      %dma_start3A_318 = arith.constant 0 : i32
      %dma_start3A_319 = tpu.memref_slice %arg11[%add3A_10, %dma_start3A_318] : memref<10240x128xf32, #tpu.memory_space<vmem_shared>> -> memref<64x128xf32, #tpu.memory_space<vmem_shared>>
      tpu.enqueue_dma source(%arg8 : memref<64x128xf32, #tpu.memory_space<vmem>>) target(%dma_start3A_319 : memref<64x128xf32, #tpu.memory_space<vmem_shared>>) target_semaphore(%run_scoped3A : memref<!tpu.dma_semaphore, #tpu.memory_space<semaphore_mem>>)
      %dma_wait3A_320 = arith.constant 0 : i32
      %dma_wait3A_321 = tpu.memref_slice %arg11[%add3A_10, %dma_wait3A_320] : memref<10240x128xf32, #tpu.memory_space<vmem_shared>> -> memref<64x128xf32, #tpu.memory_space<vmem_shared>>
      %dma_wait3A_322 = arith.constant 0 : i32
      %dma_wait3A_323 = tpu.memref_slice %arg11[%add3A_10, %dma_wait3A_322] : memref<10240x128xf32, #tpu.memory_space<vmem_shared>> -> memref<64x128xf32, #tpu.memory_space<vmem_shared>>
      tpu.wait_dma2 semaphore(%run_scoped3A : memref<!tpu.dma_semaphore, #tpu.memory_space<semaphore_mem>>) src(%arg8 : memref<64x128xf32, #tpu.memory_space<vmem>>) dst(%dma_wait3A_323 : memref<64x128xf32, #tpu.memory_space<vmem_shared>>)
      tpu.yield
    }) : () -> ()
    %mul3A_11 = arith.constant 640 : i32
    %mul3A_12 = arith.muli %arg1, %mul3A_11 : i32
    %add3A_13 = arith.constant 64 : i32
    %add3A_14 = arith.addi %mul3A_12, %add3A_13 : i32
    "tpu.region"() ({
      %run_scoped3A = tpu.sem_alloc : memref<!tpu.dma_semaphore, #tpu.memory_space<semaphore_mem>>
      %dma_start3A_316 = arith.constant 0 : i32
      %dma_start3A_317 = tpu.memref_slice %arg11[%add3A_14, %dma_start3A_316] : memref<10240x128xf32, #tpu.memory_space<vmem_shared>> -> memref<64x128xf32, #tpu.memory_space<vmem_shared>>
      %dma_start3A_318 = arith.constant 0 : i32
      %dma_start3A_319 = tpu.memref_slice %arg11[%add3A_14, %dma_start3A_318] : memref<10240x128xf32, #tpu.memory_space<vmem_shared>> -> memref<64x128xf32, #tpu.memory_space<vmem_shared>>
      tpu.enqueue_dma source(%arg8 : memref<64x128xf32, #tpu.memory_space<vmem>>) target(%dma_start3A_319 : memref<64x128xf32, #tpu.memory_space<vmem_shared>>) target_semaphore(%run_scoped3A : memref<!tpu.dma_semaphore, #tpu.memory_space<semaphore_mem>>)
      %dma_wait3A_320 = arith.constant 0 : i32
      %dma_wait3A_321 = tpu.memref_slice %arg11[%add3A_14, %dma_wait3A_320] : memref<10240x128xf32, #tpu.memory_space<vmem_shared>> -> memref<64x128xf32, #tpu.memory_space<vmem_shared>>
      %dma_wait3A_322 = arith.constant 0 : i32
      %dma_wait3A_323 = tpu.memref_slice %arg11[%add3A_14, %dma_wait3A_322] : memref<10240x128xf32, #tpu.memory_space<vmem_shared>> -> memref<64x128xf32, #tpu.memory_space<vmem_shared>>
      tpu.wait_dma2 semaphore(%run_scoped3A : memref<!tpu.dma_semaphore, #tpu.memory_space<semaphore_mem>>) src(%arg8 : memref<64x128xf32, #tpu.memory_space<vmem>>) dst(%dma_wait3A_323 : memref<64x128xf32, #tpu.memory_space<vmem_shared>>)
      tpu.yield
    }) : () -> ()
    %mul3A_15 = arith.constant 640 : i32
    %mul3A_16 = arith.muli %arg1, %mul3A_15 : i32
    %add3A_17 = arith.constant 128 : i32
    %add3A_18 = arith.addi %mul3A_16, %add3A_17 : i32
    "tpu.region"() ({
      %run_scoped3A = tpu.sem_alloc : memref<!tpu.dma_semaphore, #tpu.memory_space<semaphore_mem>>
      %dma_start3A_316 = arith.constant 0 : i32
      %dma_start3A_317 = tpu.memref_slice %arg11[%add3A_18, %dma_start3A_316] : memref<10240x128xf32, #tpu.memory_space<vmem_shared>> -> memref<64x128xf32, #tpu.memory_space<vmem_shared>>
      %dma_start3A_318 = arith.constant 0 : i32
      %dma_start3A_319 = tpu.memref_slice %arg11[%add3A_18, %dma_start3A_318] : memref<10240x128xf32, #tpu.memory_space<vmem_shared>> -> memref<64x128xf32, #tpu.memory_space<vmem_shared>>
      tpu.enqueue_dma source(%arg8 : memref<64x128xf32, #tpu.memory_space<vmem>>) target(%dma_start3A_319 : memref<64x128xf32, #tpu.memory_space<vmem_shared>>) target_semaphore(%run_scoped3A : memref<!tpu.dma_semaphore, #tpu.memory_space<semaphore_mem>>)
      %dma_wait3A_320 = arith.constant 0 : i32
      %dma_wait3A_321 = tpu.memref_slice %arg11[%add3A_18, %dma_wait3A_320] : memref<10240x128xf32, #tpu.memory_space<vmem_shared>> -> memref<64x128xf32, #tpu.memory_space<vmem_shared>>
      %dma_wait3A_322 = arith.constant 0 : i32
      %dma_wait3A_323 = tpu.memref_slice %arg11[%add3A_18, %dma_wait3A_322] : memref<10240x128xf32, #tpu.memory_space<vmem_shared>> -> memref<64x128xf32, #tpu.memory_space<vmem_shared>>
      tpu.wait_dma2 semaphore(%run_scoped3A : memref<!tpu.dma_semaphore, #tpu.memory_space<semaphore_mem>>) src(%arg8 : memref<64x128xf32, #tpu.memory_space<vmem>>) dst(%dma_wait3A_323 : memref<64x128xf32, #tpu.memory_space<vmem_shared>>)
      tpu.yield
    }) : () -> ()
    %mul3A_19 = arith.constant 640 : i32
    %mul3A_20 = arith.muli %arg1, %mul3A_19 : i32
    %add3A_21 = arith.constant 192 : i32
    %add3A_22 = arith.addi %mul3A_20, %add3A_21 : i32
    "tpu.region"() ({
      %run_scoped3A = tpu.sem_alloc : memref<!tpu.dma_semaphore, #tpu.memory_space<semaphore_mem>>
      %dma_start3A_316 = arith.constant 0 : i32
      %dma_start3A_317 = tpu.memref_slice %arg11[%add3A_22, %dma_start3A_316] : memref<10240x128xf32, #tpu.memory_space<vmem_shared>> -> memref<64x128xf32, #tpu.memory_space<vmem_shared>>
      %dma_start3A_318 = arith.constant 0 : i32
      %dma_start3A_319 = tpu.memref_slice %arg11[%add3A_22, %dma_start3A_318] : memref<10240x128xf32, #tpu.memory_space<vmem_shared>> -> memref<64x128xf32, #tpu.memory_space<vmem_shared>>
      tpu.enqueue_dma source(%arg8 : memref<64x128xf32, #tpu.memory_space<vmem>>) target(%dma_start3A_319 : memref<64x128xf32, #tpu.memory_space<vmem_shared>>) target_semaphore(%run_scoped3A : memref<!tpu.dma_semaphore, #tpu.memory_space<semaphore_mem>>)
      %dma_wait3A_320 = arith.constant 0 : i32
      %dma_wait3A_321 = tpu.memref_slice %arg11[%add3A_22, %dma_wait3A_320] : memref<10240x128xf32, #tpu.memory_space<vmem_shared>> -> memref<64x128xf32, #tpu.memory_space<vmem_shared>>
      %dma_wait3A_322 = arith.constant 0 : i32
      %dma_wait3A_323 = tpu.memref_slice %arg11[%add3A_22, %dma_wait3A_322] : memref<10240x128xf32, #tpu.memory_space<vmem_shared>> -> memref<64x128xf32, #tpu.memory_space<vmem_shared>>
      tpu.wait_dma2 semaphore(%run_scoped3A : memref<!tpu.dma_semaphore, #tpu.memory_space<semaphore_mem>>) src(%arg8 : memref<64x128xf32, #tpu.memory_space<vmem>>) dst(%dma_wait3A_323 : memref<64x128xf32, #tpu.memory_space<vmem_shared>>)
      tpu.yield
    }) : () -> ()
    %mul3A_23 = arith.constant 640 : i32
    %mul3A_24 = arith.muli %arg1, %mul3A_23 : i32
    %add3A_25 = arith.constant 256 : i32
    %add3A_26 = arith.addi %mul3A_24, %add3A_25 : i32
    "tpu.region"() ({
      %run_scoped3A = tpu.sem_alloc : memref<!tpu.dma_semaphore, #tpu.memory_space<semaphore_mem>>
      %dma_start3A_316 = arith.constant 0 : i32
      %dma_start3A_317 = tpu.memref_slice %arg11[%add3A_26, %dma_start3A_316] : memref<10240x128xf32, #tpu.memory_space<vmem_shared>> -> memref<64x128xf32, #tpu.memory_space<vmem_shared>>
      %dma_start3A_318 = arith.constant 0 : i32
      %dma_start3A_319 = tpu.memref_slice %arg11[%add3A_26, %dma_start3A_318] : memref<10240x128xf32, #tpu.memory_space<vmem_shared>> -> memref<64x128xf32, #tpu.memory_space<vmem_shared>>
      tpu.enqueue_dma source(%arg8 : memref<64x128xf32, #tpu.memory_space<vmem>>) target(%dma_start3A_319 : memref<64x128xf32, #tpu.memory_space<vmem_shared>>) target_semaphore(%run_scoped3A : memref<!tpu.dma_semaphore, #tpu.memory_space<semaphore_mem>>)
      %dma_wait3A_320 = arith.constant 0 : i32
      %dma_wait3A_321 = tpu.memref_slice %arg11[%add3A_26, %dma_wait3A_320] : memref<10240x128xf32, #tpu.memory_space<vmem_shared>> -> memref<64x128xf32, #tpu.memory_space<vmem_shared>>
      %dma_wait3A_322 = arith.constant 0 : i32
      %dma_wait3A_323 = tpu.memref_slice %arg11[%add3A_26, %dma_wait3A_322] : memref<10240x128xf32, #tpu.memory_space<vmem_shared>> -> memref<64x128xf32, #tpu.memory_space<vmem_shared>>
      tpu.wait_dma2 semaphore(%run_scoped3A : memref<!tpu.dma_semaphore, #tpu.memory_space<semaphore_mem>>) src(%arg8 : memref<64x128xf32, #tpu.memory_space<vmem>>) dst(%dma_wait3A_323 : memref<64x128xf32, #tpu.memory_space<vmem_shared>>)
      tpu.yield
    }) : () -> ()
    %mul3A_27 = arith.constant 640 : i32
    %mul3A_28 = arith.muli %arg1, %mul3A_27 : i32
    %add3A_29 = arith.constant 320 : i32
    %add3A_30 = arith.addi %mul3A_28, %add3A_29 : i32
    "tpu.region"() ({
      %run_scoped3A = tpu.sem_alloc : memref<!tpu.dma_semaphore, #tpu.memory_space<semaphore_mem>>
      %dma_start3A_316 = arith.constant 0 : i32
      %dma_start3A_317 = tpu.memref_slice %arg11[%add3A_30, %dma_start3A_316] : memref<10240x128xf32, #tpu.memory_space<vmem_shared>> -> memref<64x128xf32, #tpu.memory_space<vmem_shared>>
      %dma_start3A_318 = arith.constant 0 : i32
      %dma_start3A_319 = tpu.memref_slice %arg11[%add3A_30, %dma_start3A_318] : memref<10240x128xf32, #tpu.memory_space<vmem_shared>> -> memref<64x128xf32, #tpu.memory_space<vmem_shared>>
      tpu.enqueue_dma source(%arg8 : memref<64x128xf32, #tpu.memory_space<vmem>>) target(%dma_start3A_319 : memref<64x128xf32, #tpu.memory_space<vmem_shared>>) target_semaphore(%run_scoped3A : memref<!tpu.dma_semaphore, #tpu.memory_space<semaphore_mem>>)
      %dma_wait3A_320 = arith.constant 0 : i32
      %dma_wait3A_321 = tpu.memref_slice %arg11[%add3A_30, %dma_wait3A_320] : memref<10240x128xf32, #tpu.memory_space<vmem_shared>> -> memref<64x128xf32, #tpu.memory_space<vmem_shared>>
      %dma_wait3A_322 = arith.constant 0 : i32
      %dma_wait3A_323 = tpu.memref_slice %arg11[%add3A_30, %dma_wait3A_322] : memref<10240x128xf32, #tpu.memory_space<vmem_shared>> -> memref<64x128xf32, #tpu.memory_space<vmem_shared>>
      tpu.wait_dma2 semaphore(%run_scoped3A : memref<!tpu.dma_semaphore, #tpu.memory_space<semaphore_mem>>) src(%arg8 : memref<64x128xf32, #tpu.memory_space<vmem>>) dst(%dma_wait3A_323 : memref<64x128xf32, #tpu.memory_space<vmem_shared>>)
      tpu.yield
    }) : () -> ()
    %mul3A_31 = arith.constant 640 : i32
    %mul3A_32 = arith.muli %arg1, %mul3A_31 : i32
    %add3A_33 = arith.constant 384 : i32
    %add3A_34 = arith.addi %mul3A_32, %add3A_33 : i32
    "tpu.region"() ({
      %run_scoped3A = tpu.sem_alloc : memref<!tpu.dma_semaphore, #tpu.memory_space<semaphore_mem>>
      %dma_start3A_316 = arith.constant 0 : i32
      %dma_start3A_317 = tpu.memref_slice %arg11[%add3A_34, %dma_start3A_316] : memref<10240x128xf32, #tpu.memory_space<vmem_shared>> -> memref<64x128xf32, #tpu.memory_space<vmem_shared>>
      %dma_start3A_318 = arith.constant 0 : i32
      %dma_start3A_319 = tpu.memref_slice %arg11[%add3A_34, %dma_start3A_318] : memref<10240x128xf32, #tpu.memory_space<vmem_shared>> -> memref<64x128xf32, #tpu.memory_space<vmem_shared>>
      tpu.enqueue_dma source(%arg8 : memref<64x128xf32, #tpu.memory_space<vmem>>) target(%dma_start3A_319 : memref<64x128xf32, #tpu.memory_space<vmem_shared>>) target_semaphore(%run_scoped3A : memref<!tpu.dma_semaphore, #tpu.memory_space<semaphore_mem>>)
      %dma_wait3A_320 = arith.constant 0 : i32
      %dma_wait3A_321 = tpu.memref_slice %arg11[%add3A_34, %dma_wait3A_320] : memref<10240x128xf32, #tpu.memory_space<vmem_shared>> -> memref<64x128xf32, #tpu.memory_space<vmem_shared>>
      %dma_wait3A_322 = arith.constant 0 : i32
      %dma_wait3A_323 = tpu.memref_slice %arg11[%add3A_34, %dma_wait3A_322] : memref<10240x128xf32, #tpu.memory_space<vmem_shared>> -> memref<64x128xf32, #tpu.memory_space<vmem_shared>>
      tpu.wait_dma2 semaphore(%run_scoped3A : memref<!tpu.dma_semaphore, #tpu.memory_space<semaphore_mem>>) src(%arg8 : memref<64x128xf32, #tpu.memory_space<vmem>>) dst(%dma_wait3A_323 : memref<64x128xf32, #tpu.memory_space<vmem_shared>>)
      tpu.yield
    }) : () -> ()
    %mul3A_35 = arith.constant 640 : i32
    %mul3A_36 = arith.muli %arg1, %mul3A_35 : i32
    %add3A_37 = arith.constant 448 : i32
    %add3A_38 = arith.addi %mul3A_36, %add3A_37 : i32
    "tpu.region"() ({
      %run_scoped3A = tpu.sem_alloc : memref<!tpu.dma_semaphore, #tpu.memory_space<semaphore_mem>>
      %dma_start3A_316 = arith.constant 0 : i32
      %dma_start3A_317 = tpu.memref_slice %arg11[%add3A_38, %dma_start3A_316] : memref<10240x128xf32, #tpu.memory_space<vmem_shared>> -> memref<64x128xf32, #tpu.memory_space<vmem_shared>>
      %dma_start3A_318 = arith.constant 0 : i32
      %dma_start3A_319 = tpu.memref_slice %arg11[%add3A_38, %dma_start3A_318] : memref<10240x128xf32, #tpu.memory_space<vmem_shared>> -> memref<64x128xf32, #tpu.memory_space<vmem_shared>>
      tpu.enqueue_dma source(%arg8 : memref<64x128xf32, #tpu.memory_space<vmem>>) target(%dma_start3A_319 : memref<64x128xf32, #tpu.memory_space<vmem_shared>>) target_semaphore(%run_scoped3A : memref<!tpu.dma_semaphore, #tpu.memory_space<semaphore_mem>>)
      %dma_wait3A_320 = arith.constant 0 : i32
      %dma_wait3A_321 = tpu.memref_slice %arg11[%add3A_38, %dma_wait3A_320] : memref<10240x128xf32, #tpu.memory_space<vmem_shared>> -> memref<64x128xf32, #tpu.memory_space<vmem_shared>>
      %dma_wait3A_322 = arith.constant 0 : i32
      %dma_wait3A_323 = tpu.memref_slice %arg11[%add3A_38, %dma_wait3A_322] : memref<10240x128xf32, #tpu.memory_space<vmem_shared>> -> memref<64x128xf32, #tpu.memory_space<vmem_shared>>
      tpu.wait_dma2 semaphore(%run_scoped3A : memref<!tpu.dma_semaphore, #tpu.memory_space<semaphore_mem>>) src(%arg8 : memref<64x128xf32, #tpu.memory_space<vmem>>) dst(%dma_wait3A_323 : memref<64x128xf32, #tpu.memory_space<vmem_shared>>)
      tpu.yield
    }) : () -> ()
    %mul3A_39 = arith.constant 640 : i32
    %mul3A_40 = arith.muli %arg1, %mul3A_39 : i32
    %add3A_41 = arith.constant 512 : i32
    %add3A_42 = arith.addi %mul3A_40, %add3A_41 : i32
    "tpu.region"() ({
      %run_scoped3A = tpu.sem_alloc : memref<!tpu.dma_semaphore, #tpu.memory_space<semaphore_mem>>
      %dma_start3A_316 = arith.constant 0 : i32
      %dma_start3A_317 = tpu.memref_slice %arg11[%add3A_42, %dma_start3A_316] : memref<10240x128xf32, #tpu.memory_space<vmem_shared>> -> memref<64x128xf32, #tpu.memory_space<vmem_shared>>
      %dma_start3A_318 = arith.constant 0 : i32
      %dma_start3A_319 = tpu.memref_slice %arg11[%add3A_42, %dma_start3A_318] : memref<10240x128xf32, #tpu.memory_space<vmem_shared>> -> memref<64x128xf32, #tpu.memory_space<vmem_shared>>
      tpu.enqueue_dma source(%arg8 : memref<64x128xf32, #tpu.memory_space<vmem>>) target(%dma_start3A_319 : memref<64x128xf32, #tpu.memory_space<vmem_shared>>) target_semaphore(%run_scoped3A : memref<!tpu.dma_semaphore, #tpu.memory_space<semaphore_mem>>)
      %dma_wait3A_320 = arith.constant 0 : i32
      %dma_wait3A_321 = tpu.memref_slice %arg11[%add3A_42, %dma_wait3A_320] : memref<10240x128xf32, #tpu.memory_space<vmem_shared>> -> memref<64x128xf32, #tpu.memory_space<vmem_shared>>
      %dma_wait3A_322 = arith.constant 0 : i32
      %dma_wait3A_323 = tpu.memref_slice %arg11[%add3A_42, %dma_wait3A_322] : memref<10240x128xf32, #tpu.memory_space<vmem_shared>> -> memref<64x128xf32, #tpu.memory_space<vmem_shared>>
      tpu.wait_dma2 semaphore(%run_scoped3A : memref<!tpu.dma_semaphore, #tpu.memory_space<semaphore_mem>>) src(%arg8 : memref<64x128xf32, #tpu.memory_space<vmem>>) dst(%dma_wait3A_323 : memref<64x128xf32, #tpu.memory_space<vmem_shared>>)
      tpu.yield
    }) : () -> ()
    %mul3A_43 = arith.constant 640 : i32
    %mul3A_44 = arith.muli %arg1, %mul3A_43 : i32
    %add3A_45 = arith.constant 576 : i32
    %add3A_46 = arith.addi %mul3A_44, %add3A_45 : i32
    "tpu.region"() ({
      %run_scoped3A = tpu.sem_alloc : memref<!tpu.dma_semaphore, #tpu.memory_space<semaphore_mem>>
      %dma_start3A_316 = arith.constant 0 : i32
      %dma_start3A_317 = tpu.memref_slice %arg11[%add3A_46, %dma_start3A_316] : memref<10240x128xf32, #tpu.memory_space<vmem_shared>> -> memref<64x128xf32, #tpu.memory_space<vmem_shared>>
      %dma_start3A_318 = arith.constant 0 : i32
      %dma_start3A_319 = tpu.memref_slice %arg11[%add3A_46, %dma_start3A_318] : memref<10240x128xf32, #tpu.memory_space<vmem_shared>> -> memref<64x128xf32, #tpu.memory_space<vmem_shared>>
      tpu.enqueue_dma source(%arg8 : memref<64x128xf32, #tpu.memory_space<vmem>>) target(%dma_start3A_319 : memref<64x128xf32, #tpu.memory_space<vmem_shared>>) target_semaphore(%run_scoped3A : memref<!tpu.dma_semaphore, #tpu.memory_space<semaphore_mem>>)
      %dma_wait3A_320 = arith.constant 0 : i32
      %dma_wait3A_321 = tpu.memref_slice %arg11[%add3A_46, %dma_wait3A_320] : memref<10240x128xf32, #tpu.memory_space<vmem_shared>> -> memref<64x128xf32, #tpu.memory_space<vmem_shared>>
      %dma_wait3A_322 = arith.constant 0 : i32
      %dma_wait3A_323 = tpu.memref_slice %arg11[%add3A_46, %dma_wait3A_322] : memref<10240x128xf32, #tpu.memory_space<vmem_shared>> -> memref<64x128xf32, #tpu.memory_space<vmem_shared>>
      tpu.wait_dma2 semaphore(%run_scoped3A : memref<!tpu.dma_semaphore, #tpu.memory_space<semaphore_mem>>) src(%arg8 : memref<64x128xf32, #tpu.memory_space<vmem>>) dst(%dma_wait3A_323 : memref<64x128xf32, #tpu.memory_space<vmem_shared>>)
      tpu.yield
    }) : () -> ()
    "tpu.region"() ({
      %run_scoped3A = tpu.sem_alloc : memref<!tpu.dma_semaphore, #tpu.memory_space<semaphore_mem>>
      %dma_start3A_316 = arith.constant 0 : i32
      %dma_start3A_317 = tpu.memref_slice %arg3[%add3A, %dma_start3A_316] : memref<32x10112xi32, #tpu.memory_space<hbm>> -> memref<1x10112xi32, #tpu.memory_space<hbm>>
      %dma_start3A_318 = tpu.memref_squeeze %dma_start3A_317 : memref<1x10112xi32, #tpu.memory_space<hbm>> -> memref<10112xi32, #tpu.memory_space<hbm>>
      %dma_start3A_319 = arith.constant 0 : i32
      %dma_start3A_320 = tpu.memref_slice %arg3[%add3A, %dma_start3A_319] : memref<32x10112xi32, #tpu.memory_space<hbm>> -> memref<1x10112xi32, #tpu.memory_space<hbm>>
      %dma_start3A_321 = tpu.memref_squeeze %dma_start3A_320 : memref<1x10112xi32, #tpu.memory_space<hbm>> -> memref<10112xi32, #tpu.memory_space<hbm>>
      tpu.enqueue_dma source(%dma_start3A_321 : memref<10112xi32, #tpu.memory_space<hbm>>) target(%arg6 : memref<10112xi32, #tpu.memory_space<vmem>>) target_semaphore(%run_scoped3A : memref<!tpu.dma_semaphore, #tpu.memory_space<semaphore_mem>>)
      %dma_wait3A_322 = arith.constant 0 : i32
      %dma_wait3A_323 = tpu.memref_slice %arg3[%add3A, %dma_wait3A_322] : memref<32x10112xi32, #tpu.memory_space<hbm>> -> memref<1x10112xi32, #tpu.memory_space<hbm>>
      %dma_wait3A_324 = tpu.memref_squeeze %dma_wait3A_323 : memref<1x10112xi32, #tpu.memory_space<hbm>> -> memref<10112xi32, #tpu.memory_space<hbm>>
      %dma_wait3A_325 = arith.constant 0 : i32
      %dma_wait3A_326 = tpu.memref_slice %arg3[%add3A, %dma_wait3A_325] : memref<32x10112xi32, #tpu.memory_space<hbm>> -> memref<1x10112xi32, #tpu.memory_space<hbm>>
      %dma_wait3A_327 = tpu.memref_squeeze %dma_wait3A_326 : memref<1x10112xi32, #tpu.memory_space<hbm>> -> memref<10112xi32, #tpu.memory_space<hbm>>
      tpu.wait_dma2 semaphore(%run_scoped3A : memref<!tpu.dma_semaphore, #tpu.memory_space<semaphore_mem>>) src(%dma_wait3A_327 : memref<10112xi32, #tpu.memory_space<hbm>>) dst(%arg6 : memref<10112xi32, #tpu.memory_space<vmem>>)
      tpu.yield
    }) : () -> ()
    %barrier3A = arith.constant 0 : index
    tpu.barrier barrier_id(%barrier3A)
    %dma_start3A = arith.constant 0 : i32
    %dma_start3A_47 = arith.constant 0 : i32
    %dma_start3A_48 = arith.constant 0 : i32
    %dma_start3A_49 = tpu.memref_slice %arg7[%dma_start3A_47, %dma_start3A_48] : memref<3x64xi32, #tpu.memory_space<vmem>> -> memref<1x64xi32, #tpu.memory_space<vmem>>
    %dma_start3A_50 = tpu.memref_squeeze %dma_start3A_49 : memref<1x64xi32, #tpu.memory_space<vmem>> -> memref<64xi32, #tpu.memory_space<vmem>>
    %dma_start3A_51 = arith.constant 0 : i32
    %dma_start3A_52 = tpu.memref_slice %arg4[%add3A, %dma_start3A, %dma_start3A_51] : memref<32x158x64xi32, #tpu.memory_space<hbm>> -> memref<1x1x64xi32, #tpu.memory_space<hbm>>
    %dma_start3A_53 = tpu.memref_squeeze %dma_start3A_52 : memref<1x1x64xi32, #tpu.memory_space<hbm>> -> memref<64xi32, #tpu.memory_space<hbm>>
    %dma_start3A_54 = arith.constant 0 : i32
    %dma_start3A_55 = tpu.memref_slice %arg7[%dma_start3A_47, %dma_start3A_54] : memref<3x64xi32, #tpu.memory_space<vmem>> -> memref<1x64xi32, #tpu.memory_space<vmem>>
    %dma_start3A_56 = tpu.memref_squeeze %dma_start3A_55 : memref<1x64xi32, #tpu.memory_space<vmem>> -> memref<64xi32, #tpu.memory_space<vmem>>
    %dma_start3A_57 = arith.constant 0 : i32
    %dma_start3A_58 = tpu.memref_slice %arg4[%add3A, %dma_start3A, %dma_start3A_57] : memref<32x158x64xi32, #tpu.memory_space<hbm>> -> memref<1x1x64xi32, #tpu.memory_space<hbm>>
    %dma_start3A_59 = tpu.memref_squeeze %dma_start3A_58 : memref<1x1x64xi32, #tpu.memory_space<hbm>> -> memref<64xi32, #tpu.memory_space<hbm>>
    tpu.enqueue_dma source(%dma_start3A_59 : memref<64xi32, #tpu.memory_space<hbm>>) target(%dma_start3A_56 : memref<64xi32, #tpu.memory_space<vmem>>) target_semaphore(%arg13 : memref<!tpu.dma_semaphore, #tpu.memory_space<semaphore_mem>>)
    %dma_start3A_60 = arith.constant 0 : i32
    %dma_start3A_61 = tpu.memref_slice %arg6[%dma_start3A_60] : memref<10112xi32, #tpu.memory_space<vmem>> -> memref<64xi32, #tpu.memory_space<vmem>>
    %dma_start3A_62 = arith.constant 0 : i32
    %dma_start3A_63 = arith.constant 0 : i32
    %dma_start3A_64 = tpu.memref_slice %arg2[%dma_start3A_62, %dma_start3A_63] : memref<10000x128xf32, #tpu.memory_space<hbm>> -> memref<10000x128xf32, #tpu.memory_space<hbm>>
    tpu.enqueue_indirect_dma source(%dma_start3A_64 : memref<10000x128xf32, #tpu.memory_space<hbm>>) target(%arg8 : memref<64x128xf32, #tpu.memory_space<vmem>>) offsets(%dma_start3A_61 : memref<64xi32, #tpu.memory_space<vmem>>) semaphore(%arg12 : memref<!tpu.dma_semaphore, #tpu.memory_space<semaphore_mem>>)
    %dma_start3A_65 = arith.constant 1 : i32
    %dma_start3A_66 = arith.constant 1 : i32
    %dma_start3A_67 = arith.constant 0 : i32
    %dma_start3A_68 = tpu.memref_slice %arg7[%dma_start3A_66, %dma_start3A_67] : memref<3x64xi32, #tpu.memory_space<vmem>> -> memref<1x64xi32, #tpu.memory_space<vmem>>
    %dma_start3A_69 = tpu.memref_squeeze %dma_start3A_68 : memref<1x64xi32, #tpu.memory_space<vmem>> -> memref<64xi32, #tpu.memory_space<vmem>>
    %dma_start3A_70 = arith.constant 0 : i32
    %dma_start3A_71 = tpu.memref_slice %arg4[%add3A, %dma_start3A_65, %dma_start3A_70] : memref<32x158x64xi32, #tpu.memory_space<hbm>> -> memref<1x1x64xi32, #tpu.memory_space<hbm>>
    %dma_start3A_72 = tpu.memref_squeeze %dma_start3A_71 : memref<1x1x64xi32, #tpu.memory_space<hbm>> -> memref<64xi32, #tpu.memory_space<hbm>>
    %dma_start3A_73 = arith.constant 0 : i32
    %dma_start3A_74 = tpu.memref_slice %arg7[%dma_start3A_66, %dma_start3A_73] : memref<3x64xi32, #tpu.memory_space<vmem>> -> memref<1x64xi32, #tpu.memory_space<vmem>>
    %dma_start3A_75 = tpu.memref_squeeze %dma_start3A_74 : memref<1x64xi32, #tpu.memory_space<vmem>> -> memref<64xi32, #tpu.memory_space<vmem>>
    %dma_start3A_76 = arith.constant 0 : i32
    %dma_start3A_77 = tpu.memref_slice %arg4[%add3A, %dma_start3A_65, %dma_start3A_76] : memref<32x158x64xi32, #tpu.memory_space<hbm>> -> memref<1x1x64xi32, #tpu.memory_space<hbm>>
    %dma_start3A_78 = tpu.memref_squeeze %dma_start3A_77 : memref<1x1x64xi32, #tpu.memory_space<hbm>> -> memref<64xi32, #tpu.memory_space<hbm>>
    tpu.enqueue_dma source(%dma_start3A_78 : memref<64xi32, #tpu.memory_space<hbm>>) target(%dma_start3A_75 : memref<64xi32, #tpu.memory_space<vmem>>) target_semaphore(%arg13 : memref<!tpu.dma_semaphore, #tpu.memory_space<semaphore_mem>>)
    %dma_start3A_79 = arith.constant 64 : i32
    %dma_start3A_80 = tpu.memref_slice %arg6[%dma_start3A_79] : memref<10112xi32, #tpu.memory_space<vmem>> -> memref<64xi32, #tpu.memory_space<vmem>>
    %dma_start3A_81 = arith.constant 0 : i32
    %dma_start3A_82 = arith.constant 0 : i32
    %dma_start3A_83 = tpu.memref_slice %arg2[%dma_start3A_81, %dma_start3A_82] : memref<10000x128xf32, #tpu.memory_space<hbm>> -> memref<10000x128xf32, #tpu.memory_space<hbm>>
    tpu.enqueue_indirect_dma source(%dma_start3A_83 : memref<10000x128xf32, #tpu.memory_space<hbm>>) target(%arg9 : memref<64x128xf32, #tpu.memory_space<vmem>>) offsets(%dma_start3A_80 : memref<64xi32, #tpu.memory_space<vmem>>) semaphore(%arg12 : memref<!tpu.dma_semaphore, #tpu.memory_space<semaphore_mem>>)
    %dma_start3A_84 = arith.constant 2 : i32
    %dma_start3A_85 = arith.constant 2 : i32
    %dma_start3A_86 = arith.constant 0 : i32
    %dma_start3A_87 = tpu.memref_slice %arg7[%dma_start3A_85, %dma_start3A_86] : memref<3x64xi32, #tpu.memory_space<vmem>> -> memref<1x64xi32, #tpu.memory_space<vmem>>
    %dma_start3A_88 = tpu.memref_squeeze %dma_start3A_87 : memref<1x64xi32, #tpu.memory_space<vmem>> -> memref<64xi32, #tpu.memory_space<vmem>>
    %dma_start3A_89 = arith.constant 0 : i32
    %dma_start3A_90 = tpu.memref_slice %arg4[%add3A, %dma_start3A_84, %dma_start3A_89] : memref<32x158x64xi32, #tpu.memory_space<hbm>> -> memref<1x1x64xi32, #tpu.memory_space<hbm>>
    %dma_start3A_91 = tpu.memref_squeeze %dma_start3A_90 : memref<1x1x64xi32, #tpu.memory_space<hbm>> -> memref<64xi32, #tpu.memory_space<hbm>>
    %dma_start3A_92 = arith.constant 0 : i32
    %dma_start3A_93 = tpu.memref_slice %arg7[%dma_start3A_85, %dma_start3A_92] : memref<3x64xi32, #tpu.memory_space<vmem>> -> memref<1x64xi32, #tpu.memory_space<vmem>>
    %dma_start3A_94 = tpu.memref_squeeze %dma_start3A_93 : memref<1x64xi32, #tpu.memory_space<vmem>> -> memref<64xi32, #tpu.memory_space<vmem>>
    %dma_start3A_95 = arith.constant 0 : i32
    %dma_start3A_96 = tpu.memref_slice %arg4[%add3A, %dma_start3A_84, %dma_start3A_95] : memref<32x158x64xi32, #tpu.memory_space<hbm>> -> memref<1x1x64xi32, #tpu.memory_space<hbm>>
    %dma_start3A_97 = tpu.memref_squeeze %dma_start3A_96 : memref<1x1x64xi32, #tpu.memory_space<hbm>> -> memref<64xi32, #tpu.memory_space<hbm>>
    tpu.enqueue_dma source(%dma_start3A_97 : memref<64xi32, #tpu.memory_space<hbm>>) target(%dma_start3A_94 : memref<64xi32, #tpu.memory_space<vmem>>) target_semaphore(%arg13 : memref<!tpu.dma_semaphore, #tpu.memory_space<semaphore_mem>>)
    %dma_start3A_98 = arith.constant 128 : i32
    %dma_start3A_99 = tpu.memref_slice %arg6[%dma_start3A_98] : memref<10112xi32, #tpu.memory_space<vmem>> -> memref<64xi32, #tpu.memory_space<vmem>>
    %dma_start3A_100 = arith.constant 0 : i32
    %dma_start3A_101 = arith.constant 0 : i32
    %dma_start3A_102 = tpu.memref_slice %arg2[%dma_start3A_100, %dma_start3A_101] : memref<10000x128xf32, #tpu.memory_space<hbm>> -> memref<10000x128xf32, #tpu.memory_space<hbm>>
    tpu.enqueue_indirect_dma source(%dma_start3A_102 : memref<10000x128xf32, #tpu.memory_space<hbm>>) target(%arg10 : memref<64x128xf32, #tpu.memory_space<vmem>>) offsets(%dma_start3A_99 : memref<64xi32, #tpu.memory_space<vmem>>) semaphore(%arg12 : memref<!tpu.dma_semaphore, #tpu.memory_space<semaphore_mem>>)
    %dma_wait3A = arith.constant 0 : i32
    %dma_wait3A_103 = tpu.memref_slice %arg6[%dma_wait3A] : memref<10112xi32, #tpu.memory_space<vmem>> -> memref<64xi32, #tpu.memory_space<vmem>>
    %dma_wait3A_104 = arith.constant 0 : i32
    %dma_wait3A_105 = arith.constant 0 : i32
    %dma_wait3A_106 = tpu.memref_slice %arg2[%dma_wait3A_104, %dma_wait3A_105] : memref<10000x128xf32, #tpu.memory_space<hbm>> -> memref<10000x128xf32, #tpu.memory_space<hbm>>
    tpu.wait_indirect_dma semaphore(%arg12 : memref<!tpu.dma_semaphore, #tpu.memory_space<semaphore_mem>>) src(%dma_wait3A_106 : memref<10000x128xf32, #tpu.memory_space<hbm>>) dst(%arg8 : memref<64x128xf32, #tpu.memory_space<vmem>>)
    %dma_wait3A_107 = arith.constant 0 : i32
    %dma_wait3A_108 = arith.constant 0 : i32
    %dma_wait3A_109 = arith.constant 0 : i32
    %dma_wait3A_110 = tpu.memref_slice %arg7[%dma_wait3A_108, %dma_wait3A_109] : memref<3x64xi32, #tpu.memory_space<vmem>> -> memref<1x64xi32, #tpu.memory_space<vmem>>
    %dma_wait3A_111 = tpu.memref_squeeze %dma_wait3A_110 : memref<1x64xi32, #tpu.memory_space<vmem>> -> memref<64xi32, #tpu.memory_space<vmem>>
    %dma_wait3A_112 = arith.constant 0 : i32
    %dma_wait3A_113 = tpu.memref_slice %arg4[%add3A, %dma_wait3A_107, %dma_wait3A_112] : memref<32x158x64xi32, #tpu.memory_space<hbm>> -> memref<1x1x64xi32, #tpu.memory_space<hbm>>
    %dma_wait3A_114 = tpu.memref_squeeze %dma_wait3A_113 : memref<1x1x64xi32, #tpu.memory_space<hbm>> -> memref<64xi32, #tpu.memory_space<hbm>>
    %dma_wait3A_115 = arith.constant 0 : i32
    %dma_wait3A_116 = tpu.memref_slice %arg7[%dma_wait3A_108, %dma_wait3A_115] : memref<3x64xi32, #tpu.memory_space<vmem>> -> memref<1x64xi32, #tpu.memory_space<vmem>>
    %dma_wait3A_117 = tpu.memref_squeeze %dma_wait3A_116 : memref<1x64xi32, #tpu.memory_space<vmem>> -> memref<64xi32, #tpu.memory_space<vmem>>
    %dma_wait3A_118 = arith.constant 0 : i32
    %dma_wait3A_119 = tpu.memref_slice %arg4[%add3A, %dma_wait3A_107, %dma_wait3A_118] : memref<32x158x64xi32, #tpu.memory_space<hbm>> -> memref<1x1x64xi32, #tpu.memory_space<hbm>>
    %dma_wait3A_120 = tpu.memref_squeeze %dma_wait3A_119 : memref<1x1x64xi32, #tpu.memory_space<hbm>> -> memref<64xi32, #tpu.memory_space<hbm>>
    tpu.wait_dma2 semaphore(%arg13 : memref<!tpu.dma_semaphore, #tpu.memory_space<semaphore_mem>>) src(%dma_wait3A_120 : memref<64xi32, #tpu.memory_space<hbm>>) dst(%dma_wait3A_117 : memref<64xi32, #tpu.memory_space<vmem>>)
    %dma_start3A_121 = arith.constant 0 : i32
    %dma_start3A_122 = arith.constant 0 : i32
    %dma_start3A_123 = tpu.memref_slice %arg7[%dma_start3A_121, %dma_start3A_122] : memref<3x64xi32, #tpu.memory_space<vmem>> -> memref<1x64xi32, #tpu.memory_space<vmem>>
    %dma_start3A_124 = tpu.memref_squeeze %dma_start3A_123 : memref<1x64xi32, #tpu.memory_space<vmem>> -> memref<64xi32, #tpu.memory_space<vmem>>
    %dma_start3A_125 = arith.constant 0 : i32
    %dma_start3A_126 = arith.constant 0 : i32
    %dma_start3A_127 = tpu.memref_slice %arg11[%dma_start3A_125, %dma_start3A_126] : memref<10240x128xf32, #tpu.memory_space<vmem_shared>> -> memref<10240x128xf32, #tpu.memory_space<vmem_shared>>
    tpu.enqueue_indirect_dma source(%arg8 : memref<64x128xf32, #tpu.memory_space<vmem>>) target(%dma_start3A_127 : memref<10240x128xf32, #tpu.memory_space<vmem_shared>>) offsets(%dma_start3A_124 : memref<64xi32, #tpu.memory_space<vmem>>) semaphore(%arg14 : memref<!tpu.dma_semaphore, #tpu.memory_space<semaphore_mem>>) {add = true}
    %dma_wait3A_128 = arith.constant 0 : i32
    %dma_wait3A_129 = arith.constant 0 : i32
    %dma_wait3A_130 = tpu.memref_slice %arg7[%dma_wait3A_128, %dma_wait3A_129] : memref<3x64xi32, #tpu.memory_space<vmem>> -> memref<1x64xi32, #tpu.memory_space<vmem>>
    %dma_wait3A_131 = tpu.memref_squeeze %dma_wait3A_130 : memref<1x64xi32, #tpu.memory_space<vmem>> -> memref<64xi32, #tpu.memory_space<vmem>>
    %dma_wait3A_132 = arith.constant 0 : i32
    %dma_wait3A_133 = arith.constant 0 : i32
    %dma_wait3A_134 = tpu.memref_slice %arg11[%dma_wait3A_132, %dma_wait3A_133] : memref<10240x128xf32, #tpu.memory_space<vmem_shared>> -> memref<10240x128xf32, #tpu.memory_space<vmem_shared>>
    tpu.wait_indirect_dma semaphore(%arg14 : memref<!tpu.dma_semaphore, #tpu.memory_space<semaphore_mem>>) src(%arg8 : memref<64x128xf32, #tpu.memory_space<vmem>>) dst(%dma_wait3A_134 : memref<10240x128xf32, #tpu.memory_space<vmem_shared>>)
    %dma_start3A_135 = arith.constant 3 : i32
    %dma_start3A_136 = arith.constant 0 : i32
    %dma_start3A_137 = arith.constant 0 : i32
    %dma_start3A_138 = tpu.memref_slice %arg7[%dma_start3A_136, %dma_start3A_137] : memref<3x64xi32, #tpu.memory_space<vmem>> -> memref<1x64xi32, #tpu.memory_space<vmem>>
    %dma_start3A_139 = tpu.memref_squeeze %dma_start3A_138 : memref<1x64xi32, #tpu.memory_space<vmem>> -> memref<64xi32, #tpu.memory_space<vmem>>
    %dma_start3A_140 = arith.constant 0 : i32
    %dma_start3A_141 = tpu.memref_slice %arg4[%add3A, %dma_start3A_135, %dma_start3A_140] : memref<32x158x64xi32, #tpu.memory_space<hbm>> -> memref<1x1x64xi32, #tpu.memory_space<hbm>>
    %dma_start3A_142 = tpu.memref_squeeze %dma_start3A_141 : memref<1x1x64xi32, #tpu.memory_space<hbm>> -> memref<64xi32, #tpu.memory_space<hbm>>
    %dma_start3A_143 = arith.constant 0 : i32
    %dma_start3A_144 = tpu.memref_slice %arg7[%dma_start3A_136, %dma_start3A_143] : memref<3x64xi32, #tpu.memory_space<vmem>> -> memref<1x64xi32, #tpu.memory_space<vmem>>
    %dma_start3A_145 = tpu.memref_squeeze %dma_start3A_144 : memref<1x64xi32, #tpu.memory_space<vmem>> -> memref<64xi32, #tpu.memory_space<vmem>>
    %dma_start3A_146 = arith.constant 0 : i32
    %dma_start3A_147 = tpu.memref_slice %arg4[%add3A, %dma_start3A_135, %dma_start3A_146] : memref<32x158x64xi32, #tpu.memory_space<hbm>> -> memref<1x1x64xi32, #tpu.memory_space<hbm>>
    %dma_start3A_148 = tpu.memref_squeeze %dma_start3A_147 : memref<1x1x64xi32, #tpu.memory_space<hbm>> -> memref<64xi32, #tpu.memory_space<hbm>>
    tpu.enqueue_dma source(%dma_start3A_148 : memref<64xi32, #tpu.memory_space<hbm>>) target(%dma_start3A_145 : memref<64xi32, #tpu.memory_space<vmem>>) target_semaphore(%arg13 : memref<!tpu.dma_semaphore, #tpu.memory_space<semaphore_mem>>)
    %dma_start3A_149 = arith.constant 192 : i32
    %dma_start3A_150 = tpu.memref_slice %arg6[%dma_start3A_149] : memref<10112xi32, #tpu.memory_space<vmem>> -> memref<64xi32, #tpu.memory_space<vmem>>
    %dma_start3A_151 = arith.constant 0 : i32
    %dma_start3A_152 = arith.constant 0 : i32
    %dma_start3A_153 = tpu.memref_slice %arg2[%dma_start3A_151, %dma_start3A_152] : memref<10000x128xf32, #tpu.memory_space<hbm>> -> memref<10000x128xf32, #tpu.memory_space<hbm>>
    tpu.enqueue_indirect_dma source(%dma_start3A_153 : memref<10000x128xf32, #tpu.memory_space<hbm>>) target(%arg8 : memref<64x128xf32, #tpu.memory_space<vmem>>) offsets(%dma_start3A_150 : memref<64xi32, #tpu.memory_space<vmem>>) semaphore(%arg12 : memref<!tpu.dma_semaphore, #tpu.memory_space<semaphore_mem>>)
    %dma_wait3A_154 = arith.constant 64 : i32
    %dma_wait3A_155 = tpu.memref_slice %arg6[%dma_wait3A_154] : memref<10112xi32, #tpu.memory_space<vmem>> -> memref<64xi32, #tpu.memory_space<vmem>>
    %dma_wait3A_156 = arith.constant 0 : i32
    %dma_wait3A_157 = arith.constant 0 : i32
    %dma_wait3A_158 = tpu.memref_slice %arg2[%dma_wait3A_156, %dma_wait3A_157] : memref<10000x128xf32, #tpu.memory_space<hbm>> -> memref<10000x128xf32, #tpu.memory_space<hbm>>
    tpu.wait_indirect_dma semaphore(%arg12 : memref<!tpu.dma_semaphore, #tpu.memory_space<semaphore_mem>>) src(%dma_wait3A_158 : memref<10000x128xf32, #tpu.memory_space<hbm>>) dst(%arg9 : memref<64x128xf32, #tpu.memory_space<vmem>>)
    %dma_wait3A_159 = arith.constant 1 : i32
    %dma_wait3A_160 = arith.constant 1 : i32
    %dma_wait3A_161 = arith.constant 0 : i32
    %dma_wait3A_162 = tpu.memref_slice %arg7[%dma_wait3A_160, %dma_wait3A_161] : memref<3x64xi32, #tpu.memory_space<vmem>> -> memref<1x64xi32, #tpu.memory_space<vmem>>
    %dma_wait3A_163 = tpu.memref_squeeze %dma_wait3A_162 : memref<1x64xi32, #tpu.memory_space<vmem>> -> memref<64xi32, #tpu.memory_space<vmem>>
    %dma_wait3A_164 = arith.constant 0 : i32
    %dma_wait3A_165 = tpu.memref_slice %arg4[%add3A, %dma_wait3A_159, %dma_wait3A_164] : memref<32x158x64xi32, #tpu.memory_space<hbm>> -> memref<1x1x64xi32, #tpu.memory_space<hbm>>
    %dma_wait3A_166 = tpu.memref_squeeze %dma_wait3A_165 : memref<1x1x64xi32, #tpu.memory_space<hbm>> -> memref<64xi32, #tpu.memory_space<hbm>>
    %dma_wait3A_167 = arith.constant 0 : i32
    %dma_wait3A_168 = tpu.memref_slice %arg7[%dma_wait3A_160, %dma_wait3A_167] : memref<3x64xi32, #tpu.memory_space<vmem>> -> memref<1x64xi32, #tpu.memory_space<vmem>>
    %dma_wait3A_169 = tpu.memref_squeeze %dma_wait3A_168 : memref<1x64xi32, #tpu.memory_space<vmem>> -> memref<64xi32, #tpu.memory_space<vmem>>
    %dma_wait3A_170 = arith.constant 0 : i32
    %dma_wait3A_171 = tpu.memref_slice %arg4[%add3A, %dma_wait3A_159, %dma_wait3A_170] : memref<32x158x64xi32, #tpu.memory_space<hbm>> -> memref<1x1x64xi32, #tpu.memory_space<hbm>>
    %dma_wait3A_172 = tpu.memref_squeeze %dma_wait3A_171 : memref<1x1x64xi32, #tpu.memory_space<hbm>> -> memref<64xi32, #tpu.memory_space<hbm>>
    tpu.wait_dma2 semaphore(%arg13 : memref<!tpu.dma_semaphore, #tpu.memory_space<semaphore_mem>>) src(%dma_wait3A_172 : memref<64xi32, #tpu.memory_space<hbm>>) dst(%dma_wait3A_169 : memref<64xi32, #tpu.memory_space<vmem>>)
    %dma_start3A_173 = arith.constant 1 : i32
    %dma_start3A_174 = arith.constant 0 : i32
    %dma_start3A_175 = tpu.memref_slice %arg7[%dma_start3A_173, %dma_start3A_174] : memref<3x64xi32, #tpu.memory_space<vmem>> -> memref<1x64xi32, #tpu.memory_space<vmem>>
    %dma_start3A_176 = tpu.memref_squeeze %dma_start3A_175 : memref<1x64xi32, #tpu.memory_space<vmem>> -> memref<64xi32, #tpu.memory_space<vmem>>
    %dma_start3A_177 = arith.constant 0 : i32
    %dma_start3A_178 = arith.constant 0 : i32
    %dma_start3A_179 = tpu.memref_slice %arg11[%dma_start3A_177, %dma_start3A_178] : memref<10240x128xf32, #tpu.memory_space<vmem_shared>> -> memref<10240x128xf32, #tpu.memory_space<vmem_shared>>
    tpu.enqueue_indirect_dma source(%arg9 : memref<64x128xf32, #tpu.memory_space<vmem>>) target(%dma_start3A_179 : memref<10240x128xf32, #tpu.memory_space<vmem_shared>>) offsets(%dma_start3A_176 : memref<64xi32, #tpu.memory_space<vmem>>) semaphore(%arg14 : memref<!tpu.dma_semaphore, #tpu.memory_space<semaphore_mem>>) {add = true}
    %dma_wait3A_180 = arith.constant 1 : i32
    %dma_wait3A_181 = arith.constant 0 : i32
    %dma_wait3A_182 = tpu.memref_slice %arg7[%dma_wait3A_180, %dma_wait3A_181] : memref<3x64xi32, #tpu.memory_space<vmem>> -> memref<1x64xi32, #tpu.memory_space<vmem>>
    %dma_wait3A_183 = tpu.memref_squeeze %dma_wait3A_182 : memref<1x64xi32, #tpu.memory_space<vmem>> -> memref<64xi32, #tpu.memory_space<vmem>>
    %dma_wait3A_184 = arith.constant 0 : i32
    %dma_wait3A_185 = arith.constant 0 : i32
    %dma_wait3A_186 = tpu.memref_slice %arg11[%dma_wait3A_184, %dma_wait3A_185] : memref<10240x128xf32, #tpu.memory_space<vmem_shared>> -> memref<10240x128xf32, #tpu.memory_space<vmem_shared>>
    tpu.wait_indirect_dma semaphore(%arg14 : memref<!tpu.dma_semaphore, #tpu.memory_space<semaphore_mem>>) src(%arg9 : memref<64x128xf32, #tpu.memory_space<vmem>>) dst(%dma_wait3A_186 : memref<10240x128xf32, #tpu.memory_space<vmem_shared>>)
    %dma_start3A_187 = arith.constant 4 : i32
    %dma_start3A_188 = arith.constant 1 : i32
    %dma_start3A_189 = arith.constant 0 : i32
    %dma_start3A_190 = tpu.memref_slice %arg7[%dma_start3A_188, %dma_start3A_189] : memref<3x64xi32, #tpu.memory_space<vmem>> -> memref<1x64xi32, #tpu.memory_space<vmem>>
    %dma_start3A_191 = tpu.memref_squeeze %dma_start3A_190 : memref<1x64xi32, #tpu.memory_space<vmem>> -> memref<64xi32, #tpu.memory_space<vmem>>
    %dma_start3A_192 = arith.constant 0 : i32
    %dma_start3A_193 = tpu.memref_slice %arg4[%add3A, %dma_start3A_187, %dma_start3A_192] : memref<32x158x64xi32, #tpu.memory_space<hbm>> -> memref<1x1x64xi32, #tpu.memory_space<hbm>>
    %dma_start3A_194 = tpu.memref_squeeze %dma_start3A_193 : memref<1x1x64xi32, #tpu.memory_space<hbm>> -> memref<64xi32, #tpu.memory_space<hbm>>
    %dma_start3A_195 = arith.constant 0 : i32
    %dma_start3A_196 = tpu.memref_slice %arg7[%dma_start3A_188, %dma_start3A_195] : memref<3x64xi32, #tpu.memory_space<vmem>> -> memref<1x64xi32, #tpu.memory_space<vmem>>
    %dma_start3A_197 = tpu.memref_squeeze %dma_start3A_196 : memref<1x64xi32, #tpu.memory_space<vmem>> -> memref<64xi32, #tpu.memory_space<vmem>>
    %dma_start3A_198 = arith.constant 0 : i32
    %dma_start3A_199 = tpu.memref_slice %arg4[%add3A, %dma_start3A_187, %dma_start3A_198] : memref<32x158x64xi32, #tpu.memory_space<hbm>> -> memref<1x1x64xi32, #tpu.memory_space<hbm>>
    %dma_start3A_200 = tpu.memref_squeeze %dma_start3A_199 : memref<1x1x64xi32, #tpu.memory_space<hbm>> -> memref<64xi32, #tpu.memory_space<hbm>>
    tpu.enqueue_dma source(%dma_start3A_200 : memref<64xi32, #tpu.memory_space<hbm>>) target(%dma_start3A_197 : memref<64xi32, #tpu.memory_space<vmem>>) target_semaphore(%arg13 : memref<!tpu.dma_semaphore, #tpu.memory_space<semaphore_mem>>)
    %dma_start3A_201 = arith.constant 256 : i32
    %dma_start3A_202 = tpu.memref_slice %arg6[%dma_start3A_201] : memref<10112xi32, #tpu.memory_space<vmem>> -> memref<64xi32, #tpu.memory_space<vmem>>
    %dma_start3A_203 = arith.constant 0 : i32
    %dma_start3A_204 = arith.constant 0 : i32
    %dma_start3A_205 = tpu.memref_slice %arg2[%dma_start3A_203, %dma_start3A_204] : memref<10000x128xf32, #tpu.memory_space<hbm>> -> memref<10000x128xf32, #tpu.memory_space<hbm>>
    tpu.enqueue_indirect_dma source(%dma_start3A_205 : memref<10000x128xf32, #tpu.memory_space<hbm>>) target(%arg9 : memref<64x128xf32, #tpu.memory_space<vmem>>) offsets(%dma_start3A_202 : memref<64xi32, #tpu.memory_space<vmem>>) semaphore(%arg12 : memref<!tpu.dma_semaphore, #tpu.memory_space<semaphore_mem>>)
    %dma_wait3A_206 = arith.constant 128 : i32
    %dma_wait3A_207 = tpu.memref_slice %arg6[%dma_wait3A_206] : memref<10112xi32, #tpu.memory_space<vmem>> -> memref<64xi32, #tpu.memory_space<vmem>>
    %dma_wait3A_208 = arith.constant 0 : i32
    %dma_wait3A_209 = arith.constant 0 : i32
    %dma_wait3A_210 = tpu.memref_slice %arg2[%dma_wait3A_208, %dma_wait3A_209] : memref<10000x128xf32, #tpu.memory_space<hbm>> -> memref<10000x128xf32, #tpu.memory_space<hbm>>
    tpu.wait_indirect_dma semaphore(%arg12 : memref<!tpu.dma_semaphore, #tpu.memory_space<semaphore_mem>>) src(%dma_wait3A_210 : memref<10000x128xf32, #tpu.memory_space<hbm>>) dst(%arg10 : memref<64x128xf32, #tpu.memory_space<vmem>>)
    %dma_wait3A_211 = arith.constant 2 : i32
    %dma_wait3A_212 = arith.constant 2 : i32
    %dma_wait3A_213 = arith.constant 0 : i32
    %dma_wait3A_214 = tpu.memref_slice %arg7[%dma_wait3A_212, %dma_wait3A_213] : memref<3x64xi32, #tpu.memory_space<vmem>> -> memref<1x64xi32, #tpu.memory_space<vmem>>
    %dma_wait3A_215 = tpu.memref_squeeze %dma_wait3A_214 : memref<1x64xi32, #tpu.memory_space<vmem>> -> memref<64xi32, #tpu.memory_space<vmem>>
    %dma_wait3A_216 = arith.constant 0 : i32
    %dma_wait3A_217 = tpu.memref_slice %arg4[%add3A, %dma_wait3A_211, %dma_wait3A_216] : memref<32x158x64xi32, #tpu.memory_space<hbm>> -> memref<1x1x64xi32, #tpu.memory_space<hbm>>
    %dma_wait3A_218 = tpu.memref_squeeze %dma_wait3A_217 : memref<1x1x64xi32, #tpu.memory_space<hbm>> -> memref<64xi32, #tpu.memory_space<hbm>>
    %dma_wait3A_219 = arith.constant 0 : i32
    %dma_wait3A_220 = tpu.memref_slice %arg7[%dma_wait3A_212, %dma_wait3A_219] : memref<3x64xi32, #tpu.memory_space<vmem>> -> memref<1x64xi32, #tpu.memory_space<vmem>>
    %dma_wait3A_221 = tpu.memref_squeeze %dma_wait3A_220 : memref<1x64xi32, #tpu.memory_space<vmem>> -> memref<64xi32, #tpu.memory_space<vmem>>
    %dma_wait3A_222 = arith.constant 0 : i32
    %dma_wait3A_223 = tpu.memref_slice %arg4[%add3A, %dma_wait3A_211, %dma_wait3A_222] : memref<32x158x64xi32, #tpu.memory_space<hbm>> -> memref<1x1x64xi32, #tpu.memory_space<hbm>>
    %dma_wait3A_224 = tpu.memref_squeeze %dma_wait3A_223 : memref<1x1x64xi32, #tpu.memory_space<hbm>> -> memref<64xi32, #tpu.memory_space<hbm>>
    tpu.wait_dma2 semaphore(%arg13 : memref<!tpu.dma_semaphore, #tpu.memory_space<semaphore_mem>>) src(%dma_wait3A_224 : memref<64xi32, #tpu.memory_space<hbm>>) dst(%dma_wait3A_221 : memref<64xi32, #tpu.memory_space<vmem>>)
    %dma_start3A_225 = arith.constant 2 : i32
    %dma_start3A_226 = arith.constant 0 : i32
    %dma_start3A_227 = tpu.memref_slice %arg7[%dma_start3A_225, %dma_start3A_226] : memref<3x64xi32, #tpu.memory_space<vmem>> -> memref<1x64xi32, #tpu.memory_space<vmem>>
    %dma_start3A_228 = tpu.memref_squeeze %dma_start3A_227 : memref<1x64xi32, #tpu.memory_space<vmem>> -> memref<64xi32, #tpu.memory_space<vmem>>
    %dma_start3A_229 = arith.constant 0 : i32
    %dma_start3A_230 = arith.constant 0 : i32
    %dma_start3A_231 = tpu.memref_slice %arg11[%dma_start3A_229, %dma_start3A_230] : memref<10240x128xf32, #tpu.memory_space<vmem_shared>> -> memref<10240x128xf32, #tpu.memory_space<vmem_shared>>
    tpu.enqueue_indirect_dma source(%arg10 : memref<64x128xf32, #tpu.memory_space<vmem>>) target(%dma_start3A_231 : memref<10240x128xf32, #tpu.memory_space<vmem_shared>>) offsets(%dma_start3A_228 : memref<64xi32, #tpu.memory_space<vmem>>) semaphore(%arg14 : memref<!tpu.dma_semaphore, #tpu.memory_space<semaphore_mem>>) {add = true}
    %scan3A_232 = arith.constant 0 : i32
    %scan3A_233 = arith.constant 0 : i32
    %scan3A_234 = arith.constant 51 : i32
    %scan3A_235 = arith.addi %scan3A_233, %scan3A_234 : i32
    %scan3A_236 = arith.constant 1 : i32
    scf.for %scan3A_316 = %scan3A_233 to %scan3A_235 step %scan3A_236  : i32 {
      %add3A_317 = arith.constant 1 : i32
      %add3A_318 = arith.addi %scan3A_316, %add3A_317 : i32
      %mul3A_319 = arith.constant 3 : i32
      %mul3A_320 = arith.muli %add3A_318, %mul3A_319 : i32
      %add3A_321 = arith.constant 0 : i32
      %add3A_322 = arith.addi %mul3A_320, %add3A_321 : i32
      %dma_wait3A_323 = arith.constant 2 : i32
      %dma_wait3A_324 = arith.constant 0 : i32
      %dma_wait3A_325 = tpu.memref_slice %arg7[%dma_wait3A_323, %dma_wait3A_324] : memref<3x64xi32, #tpu.memory_space<vmem>> -> memref<1x64xi32, #tpu.memory_space<vmem>>
      %dma_wait3A_326 = tpu.memref_squeeze %dma_wait3A_325 : memref<1x64xi32, #tpu.memory_space<vmem>> -> memref<64xi32, #tpu.memory_space<vmem>>
      %dma_wait3A_327 = arith.constant 0 : i32
      %dma_wait3A_328 = arith.constant 0 : i32
      %dma_wait3A_329 = tpu.memref_slice %arg11[%dma_wait3A_327, %dma_wait3A_328] : memref<10240x128xf32, #tpu.memory_space<vmem_shared>> -> memref<10240x128xf32, #tpu.memory_space<vmem_shared>>
      tpu.wait_indirect_dma semaphore(%arg14 : memref<!tpu.dma_semaphore, #tpu.memory_space<semaphore_mem>>) src(%arg10 : memref<64x128xf32, #tpu.memory_space<vmem>>) dst(%dma_wait3A_329 : memref<10240x128xf32, #tpu.memory_space<vmem_shared>>)
      %add3A_330 = arith.constant 3 : i32
      %add3A_331 = arith.addi %add3A_322, %add3A_330 : i32
      %sub3A = arith.constant 1 : i32
      %sub3A_332 = arith.subi %add3A_331, %sub3A : i32
      %dma_start3A_333 = arith.constant 2 : i32
      %dma_start3A_334 = arith.constant 0 : i32
      %dma_start3A_335 = tpu.memref_slice %arg7[%dma_start3A_333, %dma_start3A_334] : memref<3x64xi32, #tpu.memory_space<vmem>> -> memref<1x64xi32, #tpu.memory_space<vmem>>
      %dma_start3A_336 = tpu.memref_squeeze %dma_start3A_335 : memref<1x64xi32, #tpu.memory_space<vmem>> -> memref<64xi32, #tpu.memory_space<vmem>>
      %dma_start3A_337 = arith.constant 0 : i32
      %dma_start3A_338 = tpu.memref_slice %arg4[%add3A, %sub3A_332, %dma_start3A_337] : memref<32x158x64xi32, #tpu.memory_space<hbm>> -> memref<1x1x64xi32, #tpu.memory_space<hbm>>
      %dma_start3A_339 = tpu.memref_squeeze %dma_start3A_338 : memref<1x1x64xi32, #tpu.memory_space<hbm>> -> memref<64xi32, #tpu.memory_space<hbm>>
      %dma_start3A_340 = arith.constant 0 : i32
      %dma_start3A_341 = tpu.memref_slice %arg7[%dma_start3A_333, %dma_start3A_340] : memref<3x64xi32, #tpu.memory_space<vmem>> -> memref<1x64xi32, #tpu.memory_space<vmem>>
      %dma_start3A_342 = tpu.memref_squeeze %dma_start3A_341 : memref<1x64xi32, #tpu.memory_space<vmem>> -> memref<64xi32, #tpu.memory_space<vmem>>
      %dma_start3A_343 = arith.constant 0 : i32
      %dma_start3A_344 = tpu.memref_slice %arg4[%add3A, %sub3A_332, %dma_start3A_343] : memref<32x158x64xi32, #tpu.memory_space<hbm>> -> memref<1x1x64xi32, #tpu.memory_space<hbm>>
      %dma_start3A_345 = tpu.memref_squeeze %dma_start3A_344 : memref<1x1x64xi32, #tpu.memory_space<hbm>> -> memref<64xi32, #tpu.memory_space<hbm>>
      tpu.enqueue_dma source(%dma_start3A_345 : memref<64xi32, #tpu.memory_space<hbm>>) target(%dma_start3A_342 : memref<64xi32, #tpu.memory_space<vmem>>) target_semaphore(%arg13 : memref<!tpu.dma_semaphore, #tpu.memory_space<semaphore_mem>>)
      %add3A_346 = arith.constant 3 : i32
      %add3A_347 = arith.addi %add3A_322, %add3A_346 : i32
      %sub3A_348 = arith.constant 1 : i32
      %sub3A_349 = arith.subi %add3A_347, %sub3A_348 : i32
      %mul3A_350 = arith.constant 64 : i32
      %mul3A_351 = arith.muli %sub3A_349, %mul3A_350 : i32
      %dma_start3A_352 = tpu.memref_slice %arg6[%mul3A_351] : memref<10112xi32, #tpu.memory_space<vmem>> -> memref<64xi32, #tpu.memory_space<vmem>>
      %dma_start3A_353 = arith.constant 0 : i32
      %dma_start3A_354 = arith.constant 0 : i32
      %dma_start3A_355 = tpu.memref_slice %arg2[%dma_start3A_353, %dma_start3A_354] : memref<10000x128xf32, #tpu.memory_space<hbm>> -> memref<10000x128xf32, #tpu.memory_space<hbm>>
      tpu.enqueue_indirect_dma source(%dma_start3A_355 : memref<10000x128xf32, #tpu.memory_space<hbm>>) target(%arg10 : memref<64x128xf32, #tpu.memory_space<vmem>>) offsets(%dma_start3A_352 : memref<64xi32, #tpu.memory_space<vmem>>) semaphore(%arg12 : memref<!tpu.dma_semaphore, #tpu.memory_space<semaphore_mem>>)
      %mul3A_356 = arith.constant 64 : i32
      %mul3A_357 = arith.muli %add3A_322, %mul3A_356 : i32
      %dma_wait3A_358 = tpu.memref_slice %arg6[%mul3A_357] : memref<10112xi32, #tpu.memory_space<vmem>> -> memref<64xi32, #tpu.memory_space<vmem>>
      %dma_wait3A_359 = arith.constant 0 : i32
      %dma_wait3A_360 = arith.constant 0 : i32
      %dma_wait3A_361 = tpu.memref_slice %arg2[%dma_wait3A_359, %dma_wait3A_360] : memref<10000x128xf32, #tpu.memory_space<hbm>> -> memref<10000x128xf32, #tpu.memory_space<hbm>>
      tpu.wait_indirect_dma semaphore(%arg12 : memref<!tpu.dma_semaphore, #tpu.memory_space<semaphore_mem>>) src(%dma_wait3A_361 : memref<10000x128xf32, #tpu.memory_space<hbm>>) dst(%arg8 : memref<64x128xf32, #tpu.memory_space<vmem>>)
      %dma_wait3A_362 = arith.constant 0 : i32
      %dma_wait3A_363 = arith.constant 0 : i32
      %dma_wait3A_364 = tpu.memref_slice %arg7[%dma_wait3A_362, %dma_wait3A_363] : memref<3x64xi32, #tpu.memory_space<vmem>> -> memref<1x64xi32, #tpu.memory_space<vmem>>
      %dma_wait3A_365 = tpu.memref_squeeze %dma_wait3A_364 : memref<1x64xi32, #tpu.memory_space<vmem>> -> memref<64xi32, #tpu.memory_space<vmem>>
      %dma_wait3A_366 = arith.constant 0 : i32
      %dma_wait3A_367 = tpu.memref_slice %arg4[%add3A, %add3A_322, %dma_wait3A_366] : memref<32x158x64xi32, #tpu.memory_space<hbm>> -> memref<1x1x64xi32, #tpu.memory_space<hbm>>
      %dma_wait3A_368 = tpu.memref_squeeze %dma_wait3A_367 : memref<1x1x64xi32, #tpu.memory_space<hbm>> -> memref<64xi32, #tpu.memory_space<hbm>>
      %dma_wait3A_369 = arith.constant 0 : i32
      %dma_wait3A_370 = tpu.memref_slice %arg7[%dma_wait3A_362, %dma_wait3A_369] : memref<3x64xi32, #tpu.memory_space<vmem>> -> memref<1x64xi32, #tpu.memory_space<vmem>>
      %dma_wait3A_371 = tpu.memref_squeeze %dma_wait3A_370 : memref<1x64xi32, #tpu.memory_space<vmem>> -> memref<64xi32, #tpu.memory_space<vmem>>
      %dma_wait3A_372 = arith.constant 0 : i32
      %dma_wait3A_373 = tpu.memref_slice %arg4[%add3A, %add3A_322, %dma_wait3A_372] : memref<32x158x64xi32, #tpu.memory_space<hbm>> -> memref<1x1x64xi32, #tpu.memory_space<hbm>>
      %dma_wait3A_374 = tpu.memref_squeeze %dma_wait3A_373 : memref<1x1x64xi32, #tpu.memory_space<hbm>> -> memref<64xi32, #tpu.memory_space<hbm>>
      tpu.wait_dma2 semaphore(%arg13 : memref<!tpu.dma_semaphore, #tpu.memory_space<semaphore_mem>>) src(%dma_wait3A_374 : memref<64xi32, #tpu.memory_space<hbm>>) dst(%dma_wait3A_371 : memref<64xi32, #tpu.memory_space<vmem>>)
      %dma_start3A_375 = arith.constant 0 : i32
      %dma_start3A_376 = arith.constant 0 : i32
      %dma_start3A_377 = tpu.memref_slice %arg7[%dma_start3A_375, %dma_start3A_376] : memref<3x64xi32, #tpu.memory_space<vmem>> -> memref<1x64xi32, #tpu.memory_space<vmem>>
      %dma_start3A_378 = tpu.memref_squeeze %dma_start3A_377 : memref<1x64xi32, #tpu.memory_space<vmem>> -> memref<64xi32, #tpu.memory_space<vmem>>
      %dma_start3A_379 = arith.constant 0 : i32
      %dma_start3A_380 = arith.constant 0 : i32
      %dma_start3A_381 = tpu.memref_slice %arg11[%dma_start3A_379, %dma_start3A_380] : memref<10240x128xf32, #tpu.memory_space<vmem_shared>> -> memref<10240x128xf32, #tpu.memory_space<vmem_shared>>
      tpu.enqueue_indirect_dma source(%arg8 : memref<64x128xf32, #tpu.memory_space<vmem>>) target(%dma_start3A_381 : memref<10240x128xf32, #tpu.memory_space<vmem_shared>>) offsets(%dma_start3A_378 : memref<64xi32, #tpu.memory_space<vmem>>) semaphore(%arg14 : memref<!tpu.dma_semaphore, #tpu.memory_space<semaphore_mem>>) {add = true}
      %add3A_382 = arith.constant 1 : i32
      %add3A_383 = arith.addi %mul3A_320, %add3A_382 : i32
      %dma_wait3A_384 = arith.constant 0 : i32
      %dma_wait3A_385 = arith.constant 0 : i32
      %dma_wait3A_386 = tpu.memref_slice %arg7[%dma_wait3A_384, %dma_wait3A_385] : memref<3x64xi32, #tpu.memory_space<vmem>> -> memref<1x64xi32, #tpu.memory_space<vmem>>
      %dma_wait3A_387 = tpu.memref_squeeze %dma_wait3A_386 : memref<1x64xi32, #tpu.memory_space<vmem>> -> memref<64xi32, #tpu.memory_space<vmem>>
      %dma_wait3A_388 = arith.constant 0 : i32
      %dma_wait3A_389 = arith.constant 0 : i32
      %dma_wait3A_390 = tpu.memref_slice %arg11[%dma_wait3A_388, %dma_wait3A_389] : memref<10240x128xf32, #tpu.memory_space<vmem_shared>> -> memref<10240x128xf32, #tpu.memory_space<vmem_shared>>
      tpu.wait_indirect_dma semaphore(%arg14 : memref<!tpu.dma_semaphore, #tpu.memory_space<semaphore_mem>>) src(%arg8 : memref<64x128xf32, #tpu.memory_space<vmem>>) dst(%dma_wait3A_390 : memref<10240x128xf32, #tpu.memory_space<vmem_shared>>)
      %add3A_391 = arith.constant 3 : i32
      %add3A_392 = arith.addi %add3A_383, %add3A_391 : i32
      %sub3A_393 = arith.constant 1 : i32
      %sub3A_394 = arith.subi %add3A_392, %sub3A_393 : i32
      %dma_start3A_395 = arith.constant 0 : i32
      %dma_start3A_396 = arith.constant 0 : i32
      %dma_start3A_397 = tpu.memref_slice %arg7[%dma_start3A_395, %dma_start3A_396] : memref<3x64xi32, #tpu.memory_space<vmem>> -> memref<1x64xi32, #tpu.memory_space<vmem>>
      %dma_start3A_398 = tpu.memref_squeeze %dma_start3A_397 : memref<1x64xi32, #tpu.memory_space<vmem>> -> memref<64xi32, #tpu.memory_space<vmem>>
      %dma_start3A_399 = arith.constant 0 : i32
      %dma_start3A_400 = tpu.memref_slice %arg4[%add3A, %sub3A_394, %dma_start3A_399] : memref<32x158x64xi32, #tpu.memory_space<hbm>> -> memref<1x1x64xi32, #tpu.memory_space<hbm>>
      %dma_start3A_401 = tpu.memref_squeeze %dma_start3A_400 : memref<1x1x64xi32, #tpu.memory_space<hbm>> -> memref<64xi32, #tpu.memory_space<hbm>>
      %dma_start3A_402 = arith.constant 0 : i32
      %dma_start3A_403 = tpu.memref_slice %arg7[%dma_start3A_395, %dma_start3A_402] : memref<3x64xi32, #tpu.memory_space<vmem>> -> memref<1x64xi32, #tpu.memory_space<vmem>>
      %dma_start3A_404 = tpu.memref_squeeze %dma_start3A_403 : memref<1x64xi32, #tpu.memory_space<vmem>> -> memref<64xi32, #tpu.memory_space<vmem>>
      %dma_start3A_405 = arith.constant 0 : i32
      %dma_start3A_406 = tpu.memref_slice %arg4[%add3A, %sub3A_394, %dma_start3A_405] : memref<32x158x64xi32, #tpu.memory_space<hbm>> -> memref<1x1x64xi32, #tpu.memory_space<hbm>>
      %dma_start3A_407 = tpu.memref_squeeze %dma_start3A_406 : memref<1x1x64xi32, #tpu.memory_space<hbm>> -> memref<64xi32, #tpu.memory_space<hbm>>
      tpu.enqueue_dma source(%dma_start3A_407 : memref<64xi32, #tpu.memory_space<hbm>>) target(%dma_start3A_404 : memref<64xi32, #tpu.memory_space<vmem>>) target_semaphore(%arg13 : memref<!tpu.dma_semaphore, #tpu.memory_space<semaphore_mem>>)
      %add3A_408 = arith.constant 3 : i32
      %add3A_409 = arith.addi %add3A_383, %add3A_408 : i32
      %sub3A_410 = arith.constant 1 : i32
      %sub3A_411 = arith.subi %add3A_409, %sub3A_410 : i32
      %mul3A_412 = arith.constant 64 : i32
      %mul3A_413 = arith.muli %sub3A_411, %mul3A_412 : i32
      %dma_start3A_414 = tpu.memref_slice %arg6[%mul3A_413] : memref<10112xi32, #tpu.memory_space<vmem>> -> memref<64xi32, #tpu.memory_space<vmem>>
      %dma_start3A_415 = arith.constant 0 : i32
      %dma_start3A_416 = arith.constant 0 : i32
      %dma_start3A_417 = tpu.memref_slice %arg2[%dma_start3A_415, %dma_start3A_416] : memref<10000x128xf32, #tpu.memory_space<hbm>> -> memref<10000x128xf32, #tpu.memory_space<hbm>>
      tpu.enqueue_indirect_dma source(%dma_start3A_417 : memref<10000x128xf32, #tpu.memory_space<hbm>>) target(%arg8 : memref<64x128xf32, #tpu.memory_space<vmem>>) offsets(%dma_start3A_414 : memref<64xi32, #tpu.memory_space<vmem>>) semaphore(%arg12 : memref<!tpu.dma_semaphore, #tpu.memory_space<semaphore_mem>>)
      %mul3A_418 = arith.constant 64 : i32
      %mul3A_419 = arith.muli %add3A_383, %mul3A_418 : i32
      %dma_wait3A_420 = tpu.memref_slice %arg6[%mul3A_419] : memref<10112xi32, #tpu.memory_space<vmem>> -> memref<64xi32, #tpu.memory_space<vmem>>
      %dma_wait3A_421 = arith.constant 0 : i32
      %dma_wait3A_422 = arith.constant 0 : i32
      %dma_wait3A_423 = tpu.memref_slice %arg2[%dma_wait3A_421, %dma_wait3A_422] : memref<10000x128xf32, #tpu.memory_space<hbm>> -> memref<10000x128xf32, #tpu.memory_space<hbm>>
      tpu.wait_indirect_dma semaphore(%arg12 : memref<!tpu.dma_semaphore, #tpu.memory_space<semaphore_mem>>) src(%dma_wait3A_423 : memref<10000x128xf32, #tpu.memory_space<hbm>>) dst(%arg9 : memref<64x128xf32, #tpu.memory_space<vmem>>)
      %dma_wait3A_424 = arith.constant 1 : i32
      %dma_wait3A_425 = arith.constant 0 : i32
      %dma_wait3A_426 = tpu.memref_slice %arg7[%dma_wait3A_424, %dma_wait3A_425] : memref<3x64xi32, #tpu.memory_space<vmem>> -> memref<1x64xi32, #tpu.memory_space<vmem>>
      %dma_wait3A_427 = tpu.memref_squeeze %dma_wait3A_426 : memref<1x64xi32, #tpu.memory_space<vmem>> -> memref<64xi32, #tpu.memory_space<vmem>>
      %dma_wait3A_428 = arith.constant 0 : i32
      %dma_wait3A_429 = tpu.memref_slice %arg4[%add3A, %add3A_383, %dma_wait3A_428] : memref<32x158x64xi32, #tpu.memory_space<hbm>> -> memref<1x1x64xi32, #tpu.memory_space<hbm>>
      %dma_wait3A_430 = tpu.memref_squeeze %dma_wait3A_429 : memref<1x1x64xi32, #tpu.memory_space<hbm>> -> memref<64xi32, #tpu.memory_space<hbm>>
      %dma_wait3A_431 = arith.constant 0 : i32
      %dma_wait3A_432 = tpu.memref_slice %arg7[%dma_wait3A_424, %dma_wait3A_431] : memref<3x64xi32, #tpu.memory_space<vmem>> -> memref<1x64xi32, #tpu.memory_space<vmem>>
      %dma_wait3A_433 = tpu.memref_squeeze %dma_wait3A_432 : memref<1x64xi32, #tpu.memory_space<vmem>> -> memref<64xi32, #tpu.memory_space<vmem>>
      %dma_wait3A_434 = arith.constant 0 : i32
      %dma_wait3A_435 = tpu.memref_slice %arg4[%add3A, %add3A_383, %dma_wait3A_434] : memref<32x158x64xi32, #tpu.memory_space<hbm>> -> memref<1x1x64xi32, #tpu.memory_space<hbm>>
      %dma_wait3A_436 = tpu.memref_squeeze %dma_wait3A_435 : memref<1x1x64xi32, #tpu.memory_space<hbm>> -> memref<64xi32, #tpu.memory_space<hbm>>
      tpu.wait_dma2 semaphore(%arg13 : memref<!tpu.dma_semaphore, #tpu.memory_space<semaphore_mem>>) src(%dma_wait3A_436 : memref<64xi32, #tpu.memory_space<hbm>>) dst(%dma_wait3A_433 : memref<64xi32, #tpu.memory_space<vmem>>)
      %dma_start3A_437 = arith.constant 1 : i32
      %dma_start3A_438 = arith.constant 0 : i32
      %dma_start3A_439 = tpu.memref_slice %arg7[%dma_start3A_437, %dma_start3A_438] : memref<3x64xi32, #tpu.memory_space<vmem>> -> memref<1x64xi32, #tpu.memory_space<vmem>>
      %dma_start3A_440 = tpu.memref_squeeze %dma_start3A_439 : memref<1x64xi32, #tpu.memory_space<vmem>> -> memref<64xi32, #tpu.memory_space<vmem>>
      %dma_start3A_441 = arith.constant 0 : i32
      %dma_start3A_442 = arith.constant 0 : i32
      %dma_start3A_443 = tpu.memref_slice %arg11[%dma_start3A_441, %dma_start3A_442] : memref<10240x128xf32, #tpu.memory_space<vmem_shared>> -> memref<10240x128xf32, #tpu.memory_space<vmem_shared>>
      tpu.enqueue_indirect_dma source(%arg9 : memref<64x128xf32, #tpu.memory_space<vmem>>) target(%dma_start3A_443 : memref<10240x128xf32, #tpu.memory_space<vmem_shared>>) offsets(%dma_start3A_440 : memref<64xi32, #tpu.memory_space<vmem>>) semaphore(%arg14 : memref<!tpu.dma_semaphore, #tpu.memory_space<semaphore_mem>>) {add = true}
      %add3A_444 = arith.constant 2 : i32
      %add3A_445 = arith.addi %mul3A_320, %add3A_444 : i32
      %dma_wait3A_446 = arith.constant 1 : i32
      %dma_wait3A_447 = arith.constant 0 : i32
      %dma_wait3A_448 = tpu.memref_slice %arg7[%dma_wait3A_446, %dma_wait3A_447] : memref<3x64xi32, #tpu.memory_space<vmem>> -> memref<1x64xi32, #tpu.memory_space<vmem>>
      %dma_wait3A_449 = tpu.memref_squeeze %dma_wait3A_448 : memref<1x64xi32, #tpu.memory_space<vmem>> -> memref<64xi32, #tpu.memory_space<vmem>>
      %dma_wait3A_450 = arith.constant 0 : i32
      %dma_wait3A_451 = arith.constant 0 : i32
      %dma_wait3A_452 = tpu.memref_slice %arg11[%dma_wait3A_450, %dma_wait3A_451] : memref<10240x128xf32, #tpu.memory_space<vmem_shared>> -> memref<10240x128xf32, #tpu.memory_space<vmem_shared>>
      tpu.wait_indirect_dma semaphore(%arg14 : memref<!tpu.dma_semaphore, #tpu.memory_space<semaphore_mem>>) src(%arg9 : memref<64x128xf32, #tpu.memory_space<vmem>>) dst(%dma_wait3A_452 : memref<10240x128xf32, #tpu.memory_space<vmem_shared>>)
      %add3A_453 = arith.constant 3 : i32
      %add3A_454 = arith.addi %add3A_445, %add3A_453 : i32
      %sub3A_455 = arith.constant 1 : i32
      %sub3A_456 = arith.subi %add3A_454, %sub3A_455 : i32
      %dma_start3A_457 = arith.constant 1 : i32
      %dma_start3A_458 = arith.constant 0 : i32
      %dma_start3A_459 = tpu.memref_slice %arg7[%dma_start3A_457, %dma_start3A_458] : memref<3x64xi32, #tpu.memory_space<vmem>> -> memref<1x64xi32, #tpu.memory_space<vmem>>
      %dma_start3A_460 = tpu.memref_squeeze %dma_start3A_459 : memref<1x64xi32, #tpu.memory_space<vmem>> -> memref<64xi32, #tpu.memory_space<vmem>>
      %dma_start3A_461 = arith.constant 0 : i32
      %dma_start3A_462 = tpu.memref_slice %arg4[%add3A, %sub3A_456, %dma_start3A_461] : memref<32x158x64xi32, #tpu.memory_space<hbm>> -> memref<1x1x64xi32, #tpu.memory_space<hbm>>
      %dma_start3A_463 = tpu.memref_squeeze %dma_start3A_462 : memref<1x1x64xi32, #tpu.memory_space<hbm>> -> memref<64xi32, #tpu.memory_space<hbm>>
      %dma_start3A_464 = arith.constant 0 : i32
      %dma_start3A_465 = tpu.memref_slice %arg7[%dma_start3A_457, %dma_start3A_464] : memref<3x64xi32, #tpu.memory_space<vmem>> -> memref<1x64xi32, #tpu.memory_space<vmem>>
      %dma_start3A_466 = tpu.memref_squeeze %dma_start3A_465 : memref<1x64xi32, #tpu.memory_space<vmem>> -> memref<64xi32, #tpu.memory_space<vmem>>
      %dma_start3A_467 = arith.constant 0 : i32
      %dma_start3A_468 = tpu.memref_slice %arg4[%add3A, %sub3A_456, %dma_start3A_467] : memref<32x158x64xi32, #tpu.memory_space<hbm>> -> memref<1x1x64xi32, #tpu.memory_space<hbm>>
      %dma_start3A_469 = tpu.memref_squeeze %dma_start3A_468 : memref<1x1x64xi32, #tpu.memory_space<hbm>> -> memref<64xi32, #tpu.memory_space<hbm>>
      tpu.enqueue_dma source(%dma_start3A_469 : memref<64xi32, #tpu.memory_space<hbm>>) target(%dma_start3A_466 : memref<64xi32, #tpu.memory_space<vmem>>) target_semaphore(%arg13 : memref<!tpu.dma_semaphore, #tpu.memory_space<semaphore_mem>>)
      %add3A_470 = arith.constant 3 : i32
      %add3A_471 = arith.addi %add3A_445, %add3A_470 : i32
      %sub3A_472 = arith.constant 1 : i32
      %sub3A_473 = arith.subi %add3A_471, %sub3A_472 : i32
      %mul3A_474 = arith.constant 64 : i32
      %mul3A_475 = arith.muli %sub3A_473, %mul3A_474 : i32
      %dma_start3A_476 = tpu.memref_slice %arg6[%mul3A_475] : memref<10112xi32, #tpu.memory_space<vmem>> -> memref<64xi32, #tpu.memory_space<vmem>>
      %dma_start3A_477 = arith.constant 0 : i32
      %dma_start3A_478 = arith.constant 0 : i32
      %dma_start3A_479 = tpu.memref_slice %arg2[%dma_start3A_477, %dma_start3A_478] : memref<10000x128xf32, #tpu.memory_space<hbm>> -> memref<10000x128xf32, #tpu.memory_space<hbm>>
      tpu.enqueue_indirect_dma source(%dma_start3A_479 : memref<10000x128xf32, #tpu.memory_space<hbm>>) target(%arg9 : memref<64x128xf32, #tpu.memory_space<vmem>>) offsets(%dma_start3A_476 : memref<64xi32, #tpu.memory_space<vmem>>) semaphore(%arg12 : memref<!tpu.dma_semaphore, #tpu.memory_space<semaphore_mem>>)
      %mul3A_480 = arith.constant 64 : i32
      %mul3A_481 = arith.muli %add3A_445, %mul3A_480 : i32
      %dma_wait3A_482 = tpu.memref_slice %arg6[%mul3A_481] : memref<10112xi32, #tpu.memory_space<vmem>> -> memref<64xi32, #tpu.memory_space<vmem>>
      %dma_wait3A_483 = arith.constant 0 : i32
      %dma_wait3A_484 = arith.constant 0 : i32
      %dma_wait3A_485 = tpu.memref_slice %arg2[%dma_wait3A_483, %dma_wait3A_484] : memref<10000x128xf32, #tpu.memory_space<hbm>> -> memref<10000x128xf32, #tpu.memory_space<hbm>>
      tpu.wait_indirect_dma semaphore(%arg12 : memref<!tpu.dma_semaphore, #tpu.memory_space<semaphore_mem>>) src(%dma_wait3A_485 : memref<10000x128xf32, #tpu.memory_space<hbm>>) dst(%arg10 : memref<64x128xf32, #tpu.memory_space<vmem>>)
      %dma_wait3A_486 = arith.constant 2 : i32
      %dma_wait3A_487 = arith.constant 0 : i32
      %dma_wait3A_488 = tpu.memref_slice %arg7[%dma_wait3A_486, %dma_wait3A_487] : memref<3x64xi32, #tpu.memory_space<vmem>> -> memref<1x64xi32, #tpu.memory_space<vmem>>
      %dma_wait3A_489 = tpu.memref_squeeze %dma_wait3A_488 : memref<1x64xi32, #tpu.memory_space<vmem>> -> memref<64xi32, #tpu.memory_space<vmem>>
      %dma_wait3A_490 = arith.constant 0 : i32
      %dma_wait3A_491 = tpu.memref_slice %arg4[%add3A, %add3A_445, %dma_wait3A_490] : memref<32x158x64xi32, #tpu.memory_space<hbm>> -> memref<1x1x64xi32, #tpu.memory_space<hbm>>
      %dma_wait3A_492 = tpu.memref_squeeze %dma_wait3A_491 : memref<1x1x64xi32, #tpu.memory_space<hbm>> -> memref<64xi32, #tpu.memory_space<hbm>>
      %dma_wait3A_493 = arith.constant 0 : i32
      %dma_wait3A_494 = tpu.memref_slice %arg7[%dma_wait3A_486, %dma_wait3A_493] : memref<3x64xi32, #tpu.memory_space<vmem>> -> memref<1x64xi32, #tpu.memory_space<vmem>>
      %dma_wait3A_495 = tpu.memref_squeeze %dma_wait3A_494 : memref<1x64xi32, #tpu.memory_space<vmem>> -> memref<64xi32, #tpu.memory_space<vmem>>
      %dma_wait3A_496 = arith.constant 0 : i32
      %dma_wait3A_497 = tpu.memref_slice %arg4[%add3A, %add3A_445, %dma_wait3A_496] : memref<32x158x64xi32, #tpu.memory_space<hbm>> -> memref<1x1x64xi32, #tpu.memory_space<hbm>>
      %dma_wait3A_498 = tpu.memref_squeeze %dma_wait3A_497 : memref<1x1x64xi32, #tpu.memory_space<hbm>> -> memref<64xi32, #tpu.memory_space<hbm>>
      tpu.wait_dma2 semaphore(%arg13 : memref<!tpu.dma_semaphore, #tpu.memory_space<semaphore_mem>>) src(%dma_wait3A_498 : memref<64xi32, #tpu.memory_space<hbm>>) dst(%dma_wait3A_495 : memref<64xi32, #tpu.memory_space<vmem>>)
      %dma_start3A_499 = arith.constant 2 : i32
      %dma_start3A_500 = arith.constant 0 : i32
      %dma_start3A_501 = tpu.memref_slice %arg7[%dma_start3A_499, %dma_start3A_500] : memref<3x64xi32, #tpu.memory_space<vmem>> -> memref<1x64xi32, #tpu.memory_space<vmem>>
      %dma_start3A_502 = tpu.memref_squeeze %dma_start3A_501 : memref<1x64xi32, #tpu.memory_space<vmem>> -> memref<64xi32, #tpu.memory_space<vmem>>
      %dma_start3A_503 = arith.constant 0 : i32
      %dma_start3A_504 = arith.constant 0 : i32
      %dma_start3A_505 = tpu.memref_slice %arg11[%dma_start3A_503, %dma_start3A_504] : memref<10240x128xf32, #tpu.memory_space<vmem_shared>> -> memref<10240x128xf32, #tpu.memory_space<vmem_shared>>
      tpu.enqueue_indirect_dma source(%arg10 : memref<64x128xf32, #tpu.memory_space<vmem>>) target(%dma_start3A_505 : memref<10240x128xf32, #tpu.memory_space<vmem_shared>>) offsets(%dma_start3A_502 : memref<64xi32, #tpu.memory_space<vmem>>) semaphore(%arg14 : memref<!tpu.dma_semaphore, #tpu.memory_space<semaphore_mem>>) {add = true}
    }
    %scan3A_237 = arith.constant 51 : i32
    %dma_wait3A_238 = arith.constant 9984 : i32
    %dma_wait3A_239 = tpu.memref_slice %arg6[%dma_wait3A_238] : memref<10112xi32, #tpu.memory_space<vmem>> -> memref<64xi32, #tpu.memory_space<vmem>>
    %dma_wait3A_240 = arith.constant 0 : i32
    %dma_wait3A_241 = arith.constant 0 : i32
    %dma_wait3A_242 = tpu.memref_slice %arg2[%dma_wait3A_240, %dma_wait3A_241] : memref<10000x128xf32, #tpu.memory_space<hbm>> -> memref<10000x128xf32, #tpu.memory_space<hbm>>
    tpu.wait_indirect_dma semaphore(%arg12 : memref<!tpu.dma_semaphore, #tpu.memory_space<semaphore_mem>>) src(%dma_wait3A_242 : memref<10000x128xf32, #tpu.memory_space<hbm>>) dst(%arg8 : memref<64x128xf32, #tpu.memory_space<vmem>>)
    %dma_wait3A_243 = arith.constant 156 : i32
    %dma_wait3A_244 = arith.constant 0 : i32
    %dma_wait3A_245 = arith.constant 0 : i32
    %dma_wait3A_246 = tpu.memref_slice %arg7[%dma_wait3A_244, %dma_wait3A_245] : memref<3x64xi32, #tpu.memory_space<vmem>> -> memref<1x64xi32, #tpu.memory_space<vmem>>
    %dma_wait3A_247 = tpu.memref_squeeze %dma_wait3A_246 : memref<1x64xi32, #tpu.memory_space<vmem>> -> memref<64xi32, #tpu.memory_space<vmem>>
    %dma_wait3A_248 = arith.constant 0 : i32
    %dma_wait3A_249 = tpu.memref_slice %arg4[%add3A, %dma_wait3A_243, %dma_wait3A_248] : memref<32x158x64xi32, #tpu.memory_space<hbm>> -> memref<1x1x64xi32, #tpu.memory_space<hbm>>
    %dma_wait3A_250 = tpu.memref_squeeze %dma_wait3A_249 : memref<1x1x64xi32, #tpu.memory_space<hbm>> -> memref<64xi32, #tpu.memory_space<hbm>>
    %dma_wait3A_251 = arith.constant 0 : i32
    %dma_wait3A_252 = tpu.memref_slice %arg7[%dma_wait3A_244, %dma_wait3A_251] : memref<3x64xi32, #tpu.memory_space<vmem>> -> memref<1x64xi32, #tpu.memory_space<vmem>>
    %dma_wait3A_253 = tpu.memref_squeeze %dma_wait3A_252 : memref<1x64xi32, #tpu.memory_space<vmem>> -> memref<64xi32, #tpu.memory_space<vmem>>
    %dma_wait3A_254 = arith.constant 0 : i32
    %dma_wait3A_255 = tpu.memref_slice %arg4[%add3A, %dma_wait3A_243, %dma_wait3A_254] : memref<32x158x64xi32, #tpu.memory_space<hbm>> -> memref<1x1x64xi32, #tpu.memory_space<hbm>>
    %dma_wait3A_256 = tpu.memref_squeeze %dma_wait3A_255 : memref<1x1x64xi32, #tpu.memory_space<hbm>> -> memref<64xi32, #tpu.memory_space<hbm>>
    tpu.wait_dma2 semaphore(%arg13 : memref<!tpu.dma_semaphore, #tpu.memory_space<semaphore_mem>>) src(%dma_wait3A_256 : memref<64xi32, #tpu.memory_space<hbm>>) dst(%dma_wait3A_253 : memref<64xi32, #tpu.memory_space<vmem>>)
    %dma_start3A_257 = arith.constant 0 : i32
    %dma_start3A_258 = arith.constant 0 : i32
    %dma_start3A_259 = tpu.memref_slice %arg7[%dma_start3A_257, %dma_start3A_258] : memref<3x64xi32, #tpu.memory_space<vmem>> -> memref<1x64xi32, #tpu.memory_space<vmem>>
    %dma_start3A_260 = tpu.memref_squeeze %dma_start3A_259 : memref<1x64xi32, #tpu.memory_space<vmem>> -> memref<64xi32, #tpu.memory_space<vmem>>
    %dma_start3A_261 = arith.constant 0 : i32
    %dma_start3A_262 = arith.constant 0 : i32
    %dma_start3A_263 = tpu.memref_slice %arg11[%dma_start3A_261, %dma_start3A_262] : memref<10240x128xf32, #tpu.memory_space<vmem_shared>> -> memref<10240x128xf32, #tpu.memory_space<vmem_shared>>
    tpu.enqueue_indirect_dma source(%arg8 : memref<64x128xf32, #tpu.memory_space<vmem>>) target(%dma_start3A_263 : memref<10240x128xf32, #tpu.memory_space<vmem_shared>>) offsets(%dma_start3A_260 : memref<64xi32, #tpu.memory_space<vmem>>) semaphore(%arg14 : memref<!tpu.dma_semaphore, #tpu.memory_space<semaphore_mem>>) {add = true}
    %dma_wait3A_264 = arith.constant 10048 : i32
    %dma_wait3A_265 = tpu.memref_slice %arg6[%dma_wait3A_264] : memref<10112xi32, #tpu.memory_space<vmem>> -> memref<64xi32, #tpu.memory_space<vmem>>
    %dma_wait3A_266 = arith.constant 0 : i32
    %dma_wait3A_267 = arith.constant 0 : i32
    %dma_wait3A_268 = tpu.memref_slice %arg2[%dma_wait3A_266, %dma_wait3A_267] : memref<10000x128xf32, #tpu.memory_space<hbm>> -> memref<10000x128xf32, #tpu.memory_space<hbm>>
    tpu.wait_indirect_dma semaphore(%arg12 : memref<!tpu.dma_semaphore, #tpu.memory_space<semaphore_mem>>) src(%dma_wait3A_268 : memref<10000x128xf32, #tpu.memory_space<hbm>>) dst(%arg9 : memref<64x128xf32, #tpu.memory_space<vmem>>)
    %dma_wait3A_269 = arith.constant 157 : i32
    %dma_wait3A_270 = arith.constant 1 : i32
    %dma_wait3A_271 = arith.constant 0 : i32
    %dma_wait3A_272 = tpu.memref_slice %arg7[%dma_wait3A_270, %dma_wait3A_271] : memref<3x64xi32, #tpu.memory_space<vmem>> -> memref<1x64xi32, #tpu.memory_space<vmem>>
    %dma_wait3A_273 = tpu.memref_squeeze %dma_wait3A_272 : memref<1x64xi32, #tpu.memory_space<vmem>> -> memref<64xi32, #tpu.memory_space<vmem>>
    %dma_wait3A_274 = arith.constant 0 : i32
    %dma_wait3A_275 = tpu.memref_slice %arg4[%add3A, %dma_wait3A_269, %dma_wait3A_274] : memref<32x158x64xi32, #tpu.memory_space<hbm>> -> memref<1x1x64xi32, #tpu.memory_space<hbm>>
    %dma_wait3A_276 = tpu.memref_squeeze %dma_wait3A_275 : memref<1x1x64xi32, #tpu.memory_space<hbm>> -> memref<64xi32, #tpu.memory_space<hbm>>
    %dma_wait3A_277 = arith.constant 0 : i32
    %dma_wait3A_278 = tpu.memref_slice %arg7[%dma_wait3A_270, %dma_wait3A_277] : memref<3x64xi32, #tpu.memory_space<vmem>> -> memref<1x64xi32, #tpu.memory_space<vmem>>
    %dma_wait3A_279 = tpu.memref_squeeze %dma_wait3A_278 : memref<1x64xi32, #tpu.memory_space<vmem>> -> memref<64xi32, #tpu.memory_space<vmem>>
    %dma_wait3A_280 = arith.constant 0 : i32
    %dma_wait3A_281 = tpu.memref_slice %arg4[%add3A, %dma_wait3A_269, %dma_wait3A_280] : memref<32x158x64xi32, #tpu.memory_space<hbm>> -> memref<1x1x64xi32, #tpu.memory_space<hbm>>
    %dma_wait3A_282 = tpu.memref_squeeze %dma_wait3A_281 : memref<1x1x64xi32, #tpu.memory_space<hbm>> -> memref<64xi32, #tpu.memory_space<hbm>>
    tpu.wait_dma2 semaphore(%arg13 : memref<!tpu.dma_semaphore, #tpu.memory_space<semaphore_mem>>) src(%dma_wait3A_282 : memref<64xi32, #tpu.memory_space<hbm>>) dst(%dma_wait3A_279 : memref<64xi32, #tpu.memory_space<vmem>>)
    %dma_start3A_283 = arith.constant 1 : i32
    %dma_start3A_284 = arith.constant 0 : i32
    %dma_start3A_285 = tpu.memref_slice %arg7[%dma_start3A_283, %dma_start3A_284] : memref<3x64xi32, #tpu.memory_space<vmem>> -> memref<1x64xi32, #tpu.memory_space<vmem>>
    %dma_start3A_286 = tpu.memref_squeeze %dma_start3A_285 : memref<1x64xi32, #tpu.memory_space<vmem>> -> memref<64xi32, #tpu.memory_space<vmem>>
    %dma_start3A_287 = arith.constant 0 : i32
    %dma_start3A_288 = arith.constant 0 : i32
    %dma_start3A_289 = tpu.memref_slice %arg11[%dma_start3A_287, %dma_start3A_288] : memref<10240x128xf32, #tpu.memory_space<vmem_shared>> -> memref<10240x128xf32, #tpu.memory_space<vmem_shared>>
    tpu.enqueue_indirect_dma source(%arg9 : memref<64x128xf32, #tpu.memory_space<vmem>>) target(%dma_start3A_289 : memref<10240x128xf32, #tpu.memory_space<vmem_shared>>) offsets(%dma_start3A_286 : memref<64xi32, #tpu.memory_space<vmem>>) semaphore(%arg14 : memref<!tpu.dma_semaphore, #tpu.memory_space<semaphore_mem>>) {add = true}
    %dma_wait3A_290 = arith.constant 0 : i32
    %dma_wait3A_291 = arith.constant 0 : i32
    %dma_wait3A_292 = tpu.memref_slice %arg7[%dma_wait3A_290, %dma_wait3A_291] : memref<3x64xi32, #tpu.memory_space<vmem>> -> memref<1x64xi32, #tpu.memory_space<vmem>>
    %dma_wait3A_293 = tpu.memref_squeeze %dma_wait3A_292 : memref<1x64xi32, #tpu.memory_space<vmem>> -> memref<64xi32, #tpu.memory_space<vmem>>
    %dma_wait3A_294 = arith.constant 0 : i32
    %dma_wait3A_295 = arith.constant 0 : i32
    %dma_wait3A_296 = tpu.memref_slice %arg11[%dma_wait3A_294, %dma_wait3A_295] : memref<10240x128xf32, #tpu.memory_space<vmem_shared>> -> memref<10240x128xf32, #tpu.memory_space<vmem_shared>>
    tpu.wait_indirect_dma semaphore(%arg14 : memref<!tpu.dma_semaphore, #tpu.memory_space<semaphore_mem>>) src(%arg8 : memref<64x128xf32, #tpu.memory_space<vmem>>) dst(%dma_wait3A_296 : memref<10240x128xf32, #tpu.memory_space<vmem_shared>>)
    %dma_wait3A_297 = arith.constant 0 : i32
    %dma_wait3A_298 = arith.constant 0 : i32
    %dma_wait3A_299 = tpu.memref_slice %arg7[%dma_wait3A_297, %dma_wait3A_298] : memref<3x64xi32, #tpu.memory_space<vmem>> -> memref<1x64xi32, #tpu.memory_space<vmem>>
    %dma_wait3A_300 = tpu.memref_squeeze %dma_wait3A_299 : memref<1x64xi32, #tpu.memory_space<vmem>> -> memref<64xi32, #tpu.memory_space<vmem>>
    %dma_wait3A_301 = arith.constant 0 : i32
    %dma_wait3A_302 = arith.constant 0 : i32
    %dma_wait3A_303 = tpu.memref_slice %arg11[%dma_wait3A_301, %dma_wait3A_302] : memref<10240x128xf32, #tpu.memory_space<vmem_shared>> -> memref<10240x128xf32, #tpu.memory_space<vmem_shared>>
    tpu.wait_indirect_dma semaphore(%arg14 : memref<!tpu.dma_semaphore, #tpu.memory_space<semaphore_mem>>) src(%arg8 : memref<64x128xf32, #tpu.memory_space<vmem>>) dst(%dma_wait3A_303 : memref<10240x128xf32, #tpu.memory_space<vmem_shared>>)
    %dma_wait3A_304 = arith.constant 0 : i32
    %dma_wait3A_305 = arith.constant 0 : i32
    %dma_wait3A_306 = tpu.memref_slice %arg7[%dma_wait3A_304, %dma_wait3A_305] : memref<3x64xi32, #tpu.memory_space<vmem>> -> memref<1x64xi32, #tpu.memory_space<vmem>>
    %dma_wait3A_307 = tpu.memref_squeeze %dma_wait3A_306 : memref<1x64xi32, #tpu.memory_space<vmem>> -> memref<64xi32, #tpu.memory_space<vmem>>
    %dma_wait3A_308 = arith.constant 0 : i32
    %dma_wait3A_309 = arith.constant 0 : i32
    %dma_wait3A_310 = tpu.memref_slice %arg11[%dma_wait3A_308, %dma_wait3A_309] : memref<10240x128xf32, #tpu.memory_space<vmem_shared>> -> memref<10240x128xf32, #tpu.memory_space<vmem_shared>>
    tpu.wait_indirect_dma semaphore(%arg14 : memref<!tpu.dma_semaphore, #tpu.memory_space<semaphore_mem>>) src(%arg8 : memref<64x128xf32, #tpu.memory_space<vmem>>) dst(%dma_wait3A_310 : memref<10240x128xf32, #tpu.memory_space<vmem_shared>>)
    %barrier3A_311 = arith.constant 0 : index
    tpu.barrier barrier_id(%barrier3A_311)
    %mul3A_312 = arith.constant 640 : i32
    %mul3A_313 = arith.muli %arg1, %mul3A_312 : i32
    %mul3A_314 = arith.constant 640 : i32
    %mul3A_315 = arith.muli %arg1, %mul3A_314 : i32
    "tpu.region"() ({
      %run_scoped3A = tpu.sem_alloc : memref<!tpu.dma_semaphore, #tpu.memory_space<semaphore_mem>>
      %dma_start3A_316 = arith.constant 0 : i32
      %dma_start3A_317 = tpu.memref_slice %arg5[%arg0, %mul3A_315, %dma_start3A_316] : memref<2x10240x128xf32, #tpu.memory_space<hbm>> -> memref<1x640x128xf32, #tpu.memory_space<hbm>>
      %dma_start3A_318 = tpu.memref_squeeze %dma_start3A_317 : memref<1x640x128xf32, #tpu.memory_space<hbm>> -> memref<640x128xf32, #tpu.memory_space<hbm>>
      %dma_start3A_319 = arith.constant 0 : i32
      %dma_start3A_320 = tpu.memref_slice %arg11[%mul3A_313, %dma_start3A_319] : memref<10240x128xf32, #tpu.memory_space<vmem_shared>> -> memref<640x128xf32, #tpu.memory_space<vmem_shared>>
      tpu.enqueue_dma source(%dma_start3A_320 : memref<640x128xf32, #tpu.memory_space<vmem_shared>>) target(%dma_start3A_318 : memref<640x128xf32, #tpu.memory_space<hbm>>) target_semaphore(%run_scoped3A : memref<!tpu.dma_semaphore, #tpu.memory_space<semaphore_mem>>)
      %dma_wait3A_321 = arith.constant 0 : i32
      %dma_wait3A_322 = tpu.memref_slice %arg5[%arg0, %mul3A_315, %dma_wait3A_321] : memref<2x10240x128xf32, #tpu.memory_space<hbm>> -> memref<1x640x128xf32, #tpu.memory_space<hbm>>
      %dma_wait3A_323 = tpu.memref_squeeze %dma_wait3A_322 : memref<1x640x128xf32, #tpu.memory_space<hbm>> -> memref<640x128xf32, #tpu.memory_space<hbm>>
      %dma_wait3A_324 = arith.constant 0 : i32
      %dma_wait3A_325 = tpu.memref_slice %arg11[%mul3A_313, %dma_wait3A_324] : memref<10240x128xf32, #tpu.memory_space<vmem_shared>> -> memref<640x128xf32, #tpu.memory_space<vmem_shared>>
      tpu.wait_dma2 semaphore(%run_scoped3A : memref<!tpu.dma_semaphore, #tpu.memory_space<semaphore_mem>>) src(%dma_wait3A_325 : memref<640x128xf32, #tpu.memory_space<vmem_shared>>) dst(%dma_wait3A_323 : memref<640x128xf32, #tpu.memory_space<hbm>>)
      tpu.yield
    }) : () -> ()
    return
  }
}

module attributes {stable_mosaic.version = 14 : i64} {
  func.func @_layer_body(%arg0: memref<2x10240x128xf32, #tpu.memory_space<vmem>>, %arg1: memref<10000x128xf32, #tpu.memory_space<vmem>>, %arg2: memref<10000x128xf32, #tpu.memory_space<vmem>>, %arg3: memref<10000x1xf32, #tpu.memory_space<vmem>>, %arg4: memref<10000x1xf32, #tpu.memory_space<vmem>>, %arg5: memref<128x128xf32, #tpu.memory_space<vmem>>, %arg6: memref<128xf32, #tpu.memory_space<vmem>>, %arg7: memref<128x128xf32, #tpu.memory_space<vmem>>, %arg8: memref<128xf32, #tpu.memory_space<vmem>>, %arg9: memref<4x128xf32, #tpu.memory_space<vmem>>, %arg10: memref<128x4xf32, #tpu.memory_space<vmem>>, %arg11: memref<128xf32, #tpu.memory_space<vmem>>, %arg12: memref<128xf32, #tpu.memory_space<vmem>>, %arg13: memref<128x128xf32, #tpu.memory_space<vmem>>, %arg14: memref<128xf32, #tpu.memory_space<vmem>>, %arg15: memref<4x128xf32, #tpu.memory_space<vmem>>, %arg16: memref<128x4xf32, #tpu.memory_space<vmem>>, %arg17: memref<10000x128xf32, #tpu.memory_space<vmem>>, %arg18: memref<10000x128xf32, #tpu.memory_space<vmem>>) attributes {dimension_semantics = [], scalar_prefetch = 0 : i64, scratch_operands = 0 : i64, tpu.core_type = #tpu.core_type<tc>} {
    %get3A = arith.constant 0 : index
    %get3A_0 = arith.constant 0 : index
    %get3A_1 = arith.constant 0 : index
    %get3A_2 = vector.load %arg0[%get3A, %get3A_0, %get3A_1] : memref<2x10240x128xf32, #tpu.memory_space<vmem>>, vector<1x10000x128xf32>
    %get3A_3 = vector.shape_cast %get3A_2 : vector<1x10000x128xf32> to vector<10000x128xf32>
    %get3A_4 = arith.constant 1 : index
    %get3A_5 = arith.constant 0 : index
    %get3A_6 = arith.constant 0 : index
    %get3A_7 = vector.load %arg0[%get3A_4, %get3A_5, %get3A_6] : memref<2x10240x128xf32, #tpu.memory_space<vmem>>, vector<1x10000x128xf32>
    %get3A_8 = vector.shape_cast %get3A_7 : vector<1x10000x128xf32> to vector<10000x128xf32>
    %add3A = arith.addf %get3A_3, %get3A_8 : vector<10000x128xf32>
    %get3A_9 = arith.constant 0 : index
    %get3A_10 = arith.constant 0 : index
    %get3A_11 = vector.load %arg2[%get3A_9, %get3A_10] : memref<10000x128xf32, #tpu.memory_space<vmem>>, vector<10000x128xf32>
    %add3A_12 = arith.addf %add3A, %get3A_11 : vector<10000x128xf32>
    %get3A_13 = arith.constant 0 : index
    %get3A_14 = arith.constant 0 : index
    %get3A_15 = vector.load %arg3[%get3A_13, %get3A_14] : memref<10000x1xf32, #tpu.memory_space<vmem>>, vector<10000x1xf32>
    %mul3A = vector.broadcast %get3A_15 : vector<10000x1xf32> to vector<10000x128xf32>
    %mul3A_16 = arith.mulf %add3A_12, %mul3A : vector<10000x128xf32>
    %get3A_17 = arith.constant 0 : index
    %get3A_18 = arith.constant 0 : index
    %get3A_19 = vector.load %arg7[%get3A_17, %get3A_18] : memref<128x128xf32, #tpu.memory_space<vmem>>, vector<128x128xf32>
    %get3A_20 = arith.constant 0 : index
    %get3A_21 = arith.constant 0 : index
    %get3A_22 = vector.load %arg10[%get3A_20, %get3A_21] : memref<128x4xf32, #tpu.memory_space<vmem>>, vector<128x4xf32>
    %get3A_23 = arith.constant 0 : index
    %get3A_24 = arith.constant 0 : index
    %get3A_25 = vector.load %arg9[%get3A_23, %get3A_24] : memref<4x128xf32, #tpu.memory_space<vmem>>, vector<4x128xf32>
    %dot_general3A = arith.constant dense<0.000000e+00> : vector<128x128xf32>
    %dot_general3A_26 = tpu.matmul %get3A_22, %get3A_25, %dot_general3A {dimension_numbers = #tpu.dot_dimension_numbers<[1], [0], [0], [1], [0, 0, 1, 1], [], []>, transpose_lhs_hint = false} : vector<128x4xf32>, vector<4x128xf32>, vector<128x128xf32> -> vector<128x128xf32>
    %mul3A_27 = arith.constant 2.000000e+00 : f32
    %mul3A_28 = vector.broadcast %mul3A_27 : f32 to vector<128x128xf32>
    %mul3A_29 = arith.mulf %mul3A_28, %dot_general3A_26 : vector<128x128xf32>
    %add3A_30 = arith.addf %get3A_19, %mul3A_29 : vector<128x128xf32>
    %get3A_31 = arith.constant 0 : index
    %get3A_32 = arith.constant 0 : index
    %get3A_33 = vector.load %arg5[%get3A_31, %get3A_32] : memref<128x128xf32, #tpu.memory_space<vmem>>, vector<128x128xf32>
    %transpose3A = tpu.transpose %get3A_33, [1, 0] : vector<128x128xf32> -> vector<128x128xf32>
    %dot_general3A_34 = arith.constant dense<0.000000e+00> : vector<10000x128xf32>
    %dot_general3A_35 = tpu.matmul %mul3A_16, %transpose3A, %dot_general3A_34 {dimension_numbers = #tpu.dot_dimension_numbers<[1], [0], [0], [1], [0, 0, 1, 1], [], []>, transpose_lhs_hint = false} : vector<10000x128xf32>, vector<128x128xf32>, vector<10000x128xf32> -> vector<10000x128xf32>
    %get3A_36 = arith.constant 0 : index
    %get3A_37 = vector.load %arg6[%get3A_36] : memref<128xf32, #tpu.memory_space<vmem>>, vector<128xf32>
    %broadcast_in_dim3A = vector.shape_cast %get3A_37 : vector<128xf32> to vector<1x128xf32>
    %add3A_38 = vector.broadcast %broadcast_in_dim3A : vector<1x128xf32> to vector<10000x128xf32>
    %add3A_39 = arith.addf %dot_general3A_35, %add3A_38 : vector<10000x128xf32>
    %get3A_40 = arith.constant 0 : index
    %get3A_41 = arith.constant 0 : index
    %get3A_42 = vector.load %arg1[%get3A_40, %get3A_41] : memref<10000x128xf32, #tpu.memory_space<vmem>>, vector<10000x128xf32>
    %transpose3A_43 = tpu.transpose %add3A_30, [1, 0] : vector<128x128xf32> -> vector<128x128xf32>
    %dot_general3A_44 = arith.constant dense<0.000000e+00> : vector<10000x128xf32>
    %dot_general3A_45 = tpu.matmul %get3A_42, %transpose3A_43, %dot_general3A_44 {dimension_numbers = #tpu.dot_dimension_numbers<[1], [0], [0], [1], [0, 0, 1, 1], [], []>, transpose_lhs_hint = false} : vector<10000x128xf32>, vector<128x128xf32>, vector<10000x128xf32> -> vector<10000x128xf32>
    %add3A_46 = arith.addf %add3A_39, %dot_general3A_45 : vector<10000x128xf32>
    %get3A_47 = arith.constant 0 : index
    %get3A_48 = vector.load %arg8[%get3A_47] : memref<128xf32, #tpu.memory_space<vmem>>, vector<128xf32>
    %broadcast_in_dim3A_49 = vector.shape_cast %get3A_48 : vector<128xf32> to vector<1x128xf32>
    %add3A_50 = vector.broadcast %broadcast_in_dim3A_49 : vector<1x128xf32> to vector<10000x128xf32>
    %add3A_51 = arith.addf %add3A_46, %add3A_50 : vector<10000x128xf32>
    %reduce_sum3A = arith.constant dense<0.000000e+00> : vector<10000xf32>
    %reduce_sum3A_52 = vector.multi_reduction <add>, %add3A_51, %reduce_sum3A [1] : vector<10000x128xf32> to vector<10000xf32>
    %broadcast_in_dim3A_53 = vector.shape_cast %reduce_sum3A_52 : vector<10000xf32> to vector<10000x1xf32>
    %div3A = arith.constant 1.280000e+02 : f32
    %div3A_54 = vector.broadcast %div3A : f32 to vector<10000x1xf32>
    %div3A_55 = arith.divf %broadcast_in_dim3A_53, %div3A_54 : vector<10000x1xf32>
    %sub3A = vector.broadcast %div3A_55 : vector<10000x1xf32> to vector<10000x128xf32>
    %sub3A_56 = arith.subf %add3A_51, %sub3A : vector<10000x128xf32>
    %integer_pow3A = arith.mulf %sub3A_56, %sub3A_56 : vector<10000x128xf32>
    %reduce_sum3A_57 = arith.constant dense<0.000000e+00> : vector<10000xf32>
    %reduce_sum3A_58 = vector.multi_reduction <add>, %integer_pow3A, %reduce_sum3A_57 [1] : vector<10000x128xf32> to vector<10000xf32>
    %broadcast_in_dim3A_59 = vector.shape_cast %reduce_sum3A_58 : vector<10000xf32> to vector<10000x1xf32>
    %div3A_60 = arith.constant 1.280000e+02 : f32
    %div3A_61 = vector.broadcast %div3A_60 : f32 to vector<10000x1xf32>
    %div3A_62 = arith.divf %broadcast_in_dim3A_59, %div3A_61 : vector<10000x1xf32>
    %sub3A_63 = vector.broadcast %div3A_55 : vector<10000x1xf32> to vector<10000x128xf32>
    %sub3A_64 = arith.subf %add3A_51, %sub3A_63 : vector<10000x128xf32>
    %add3A_65 = arith.constant 9.99999974E-6 : f32
    %add3A_66 = vector.broadcast %add3A_65 : f32 to vector<10000x1xf32>
    %add3A_67 = arith.addf %div3A_62, %add3A_66 : vector<10000x1xf32>
    %rsqrt3A = math.rsqrt %add3A_67 : vector<10000x1xf32>
    %mul3A_68 = vector.broadcast %rsqrt3A : vector<10000x1xf32> to vector<10000x128xf32>
    %mul3A_69 = arith.mulf %sub3A_64, %mul3A_68 : vector<10000x128xf32>
    %get3A_70 = arith.constant 0 : index
    %get3A_71 = vector.load %arg11[%get3A_70] : memref<128xf32, #tpu.memory_space<vmem>>, vector<128xf32>
    %broadcast_in_dim3A_72 = vector.shape_cast %get3A_71 : vector<128xf32> to vector<1x128xf32>
    %mul3A_73 = vector.broadcast %broadcast_in_dim3A_72 : vector<1x128xf32> to vector<10000x128xf32>
    %mul3A_74 = arith.mulf %mul3A_69, %mul3A_73 : vector<10000x128xf32>
    %get3A_75 = arith.constant 0 : index
    %get3A_76 = vector.load %arg12[%get3A_75] : memref<128xf32, #tpu.memory_space<vmem>>, vector<128xf32>
    %broadcast_in_dim3A_77 = vector.shape_cast %get3A_76 : vector<128xf32> to vector<1x128xf32>
    %add3A_78 = vector.broadcast %broadcast_in_dim3A_77 : vector<1x128xf32> to vector<10000x128xf32>
    %add3A_79 = arith.addf %mul3A_74, %add3A_78 : vector<10000x128xf32>
    %mul3A_80 = arith.constant 5.000000e-01 : f32
    %mul3A_81 = vector.broadcast %mul3A_80 : f32 to vector<10000x128xf32>
    %mul3A_82 = arith.mulf %mul3A_81, %add3A_79 : vector<10000x128xf32>
    %mul3A_83 = arith.constant 0.707106769 : f32
    %mul3A_84 = vector.broadcast %mul3A_83 : f32 to vector<10000x128xf32>
    %mul3A_85 = arith.mulf %add3A_79, %mul3A_84 : vector<10000x128xf32>
    %erf3A = math.erf %mul3A_85 : vector<10000x128xf32>
    %add3A_86 = arith.constant 1.000000e+00 : f32
    %add3A_87 = vector.broadcast %add3A_86 : f32 to vector<10000x128xf32>
    %add3A_88 = arith.addf %add3A_87, %erf3A : vector<10000x128xf32>
    %mul3A_89 = arith.mulf %mul3A_82, %add3A_88 : vector<10000x128xf32>
    %get3A_90 = arith.constant 0 : index
    %get3A_91 = arith.constant 0 : index
    %get3A_92 = vector.load %arg1[%get3A_90, %get3A_91] : memref<10000x128xf32, #tpu.memory_space<vmem>>, vector<10000x128xf32>
    %add3A_93 = arith.addf %get3A_92, %mul3A_89 : vector<10000x128xf32>
    %swap3A = arith.constant 0 : index
    %swap3A_94 = arith.constant 0 : index
    %swap3A_95 = vector.load %arg17[%swap3A, %swap3A_94] : memref<10000x128xf32, #tpu.memory_space<vmem>>, vector<10000x128xf32>
    tpu.vector_store %arg17[%swap3A, %swap3A_94], %add3A_93 {strides = array<i32>} : memref<10000x128xf32, #tpu.memory_space<vmem>>, vector<10000x128xf32>,
    %get3A_96 = arith.constant 0 : index
    %get3A_97 = arith.constant 0 : index
    %get3A_98 = vector.load %arg4[%get3A_96, %get3A_97] : memref<10000x1xf32, #tpu.memory_space<vmem>>, vector<10000x1xf32>
    %mul3A_99 = vector.broadcast %get3A_98 : vector<10000x1xf32> to vector<10000x128xf32>
    %mul3A_100 = arith.mulf %add3A_93, %mul3A_99 : vector<10000x128xf32>
    %swap3A_101 = arith.constant 0 : index
    %swap3A_102 = arith.constant 0 : index
    %swap3A_103 = vector.load %arg18[%swap3A_101, %swap3A_102] : memref<10000x128xf32, #tpu.memory_space<vmem>>, vector<10000x128xf32>
    tpu.vector_store %arg18[%swap3A_101, %swap3A_102], %mul3A_100 {strides = array<i32>} : memref<10000x128xf32, #tpu.memory_space<vmem>>, vector<10000x128xf32>,
    return
  }
}

module attributes {stable_mosaic.version = 14 : i64} {
  func.func @_prologue_body(%arg0: memref<10000x128xf32, #tpu.memory_space<vmem>>, %arg1: memref<10000x128xf32, #tpu.memory_space<vmem>>, %arg2: memref<128x128xf32, #tpu.memory_space<vmem>>, %arg3: memref<128xf32, #tpu.memory_space<vmem>>, %arg4: memref<4x128xf32, #tpu.memory_space<vmem>>, %arg5: memref<128x4xf32, #tpu.memory_space<vmem>>, %arg6: memref<32x10000xf32, #tpu.memory_space<vmem>>, %arg7: memref<32x10000xf32, #tpu.memory_space<vmem>>, %arg8: memref<10000x128xf32, #tpu.memory_space<vmem>>, %arg9: memref<10000x128xf32, #tpu.memory_space<vmem>>, %arg10: memref<10000x1xf32, #tpu.memory_space<vmem>>, %arg11: memref<10000x1xf32, #tpu.memory_space<vmem>>) attributes {dimension_semantics = [], scalar_prefetch = 0 : i64, scratch_operands = 0 : i64, tpu.core_type = #tpu.core_type<tc>} {
    %get3A = arith.constant 0 : index
    %get3A_0 = arith.constant 0 : index
    %get3A_1 = vector.load %arg2[%get3A, %get3A_0] : memref<128x128xf32, #tpu.memory_space<vmem>>, vector<128x128xf32>
    %get3A_2 = arith.constant 0 : index
    %get3A_3 = arith.constant 0 : index
    %get3A_4 = vector.load %arg5[%get3A_2, %get3A_3] : memref<128x4xf32, #tpu.memory_space<vmem>>, vector<128x4xf32>
    %get3A_5 = arith.constant 0 : index
    %get3A_6 = arith.constant 0 : index
    %get3A_7 = vector.load %arg4[%get3A_5, %get3A_6] : memref<4x128xf32, #tpu.memory_space<vmem>>, vector<4x128xf32>
    %dot_general3A = arith.constant dense<0.000000e+00> : vector<128x128xf32>
    %dot_general3A_8 = tpu.matmul %get3A_4, %get3A_7, %dot_general3A {dimension_numbers = #tpu.dot_dimension_numbers<[1], [0], [0], [1], [0, 0, 1, 1], [], []>, transpose_lhs_hint = false} : vector<128x4xf32>, vector<4x128xf32>, vector<128x128xf32> -> vector<128x128xf32>
    %mul3A = arith.constant 2.000000e+00 : f32
    %mul3A_9 = vector.broadcast %mul3A : f32 to vector<128x128xf32>
    %mul3A_10 = arith.mulf %mul3A_9, %dot_general3A_8 : vector<128x128xf32>
    %add3A = arith.addf %get3A_1, %mul3A_10 : vector<128x128xf32>
    %get3A_11 = arith.constant 0 : index
    %get3A_12 = arith.constant 0 : index
    %get3A_13 = vector.load %arg0[%get3A_11, %get3A_12] : memref<10000x128xf32, #tpu.memory_space<vmem>>, vector<10000x128xf32>
    %transpose3A = tpu.transpose %add3A, [1, 0] : vector<128x128xf32> -> vector<128x128xf32>
    %dot_general3A_14 = arith.constant dense<0.000000e+00> : vector<10000x128xf32>
    %dot_general3A_15 = tpu.matmul %get3A_13, %transpose3A, %dot_general3A_14 {dimension_numbers = #tpu.dot_dimension_numbers<[1], [0], [0], [1], [0, 0, 1, 1], [], []>, transpose_lhs_hint = false} : vector<10000x128xf32>, vector<128x128xf32>, vector<10000x128xf32> -> vector<10000x128xf32>
    %get3A_16 = arith.constant 0 : index
    %get3A_17 = vector.load %arg3[%get3A_16] : memref<128xf32, #tpu.memory_space<vmem>>, vector<128xf32>
    %broadcast_in_dim3A = vector.shape_cast %get3A_17 : vector<128xf32> to vector<1x128xf32>
    %add3A_18 = vector.broadcast %broadcast_in_dim3A : vector<1x128xf32> to vector<10000x128xf32>
    %add3A_19 = arith.addf %dot_general3A_15, %add3A_18 : vector<10000x128xf32>
    %get3A_20 = arith.constant 0 : index
    %get3A_21 = arith.constant 0 : index
    %get3A_22 = vector.load %arg1[%get3A_20, %get3A_21] : memref<10000x128xf32, #tpu.memory_space<vmem>>, vector<10000x128xf32>
    %add3A_23 = arith.addf %add3A_19, %get3A_22 : vector<10000x128xf32>
    %get3A_24 = arith.constant 0 : index
    %get3A_25 = arith.constant 0 : index
    %get3A_26 = vector.load %arg6[%get3A_24, %get3A_25] : memref<32x10000xf32, #tpu.memory_space<vmem>>, vector<32x10000xf32>
    %reduce_sum3A = arith.constant dense<0.000000e+00> : vector<10000xf32>
    %reduce_sum3A_27 = vector.multi_reduction <add>, %get3A_26, %reduce_sum3A [0] : vector<32x10000xf32> to vector<10000xf32>
    %add3A_28 = arith.constant 1.000000e+00 : f32
    %add3A_29 = vector.broadcast %add3A_28 : f32 to vector<10000xf32>
    %add3A_30 = arith.addf %reduce_sum3A_27, %add3A_29 : vector<10000xf32>
    %rsqrt3A = math.rsqrt %add3A_30 : vector<10000xf32>
    %broadcast_in_dim3A_31 = vector.shape_cast %rsqrt3A : vector<10000xf32> to vector<10000x1xf32>
    %get3A_32 = arith.constant 0 : index
    %get3A_33 = arith.constant 0 : index
    %get3A_34 = vector.load %arg7[%get3A_32, %get3A_33] : memref<32x10000xf32, #tpu.memory_space<vmem>>, vector<32x10000xf32>
    %reduce_sum3A_35 = arith.constant dense<0.000000e+00> : vector<10000xf32>
    %reduce_sum3A_36 = vector.multi_reduction <add>, %get3A_34, %reduce_sum3A_35 [0] : vector<32x10000xf32> to vector<10000xf32>
    %add3A_37 = arith.constant 1.000000e+00 : f32
    %add3A_38 = vector.broadcast %add3A_37 : f32 to vector<10000xf32>
    %add3A_39 = arith.addf %reduce_sum3A_36, %add3A_38 : vector<10000xf32>
    %rsqrt3A_40 = math.rsqrt %add3A_39 : vector<10000xf32>
    %broadcast_in_dim3A_41 = vector.shape_cast %rsqrt3A_40 : vector<10000xf32> to vector<10000x1xf32>
    %swap3A = arith.constant 0 : index
    %swap3A_42 = arith.constant 0 : index
    %swap3A_43 = vector.load %arg8[%swap3A, %swap3A_42] : memref<10000x128xf32, #tpu.memory_space<vmem>>, vector<10000x128xf32>
    tpu.vector_store %arg8[%swap3A, %swap3A_42], %add3A_23 {strides = array<i32>} : memref<10000x128xf32, #tpu.memory_space<vmem>>, vector<10000x128xf32>,
    %mul3A_44 = vector.broadcast %broadcast_in_dim3A_31 : vector<10000x1xf32> to vector<10000x128xf32>
    %mul3A_45 = arith.mulf %add3A_23, %mul3A_44 : vector<10000x128xf32>
    %swap3A_46 = arith.constant 0 : index
    %swap3A_47 = arith.constant 0 : index
    %swap3A_48 = vector.load %arg9[%swap3A_46, %swap3A_47] : memref<10000x128xf32, #tpu.memory_space<vmem>>, vector<10000x128xf32>
    tpu.vector_store %arg9[%swap3A_46, %swap3A_47], %mul3A_45 {strides = array<i32>} : memref<10000x128xf32, #tpu.memory_space<vmem>>, vector<10000x128xf32>,
    %swap3A_49 = arith.constant 0 : index
    %swap3A_50 = arith.constant 0 : index
    %swap3A_51 = vector.load %arg10[%swap3A_49, %swap3A_50] : memref<10000x1xf32, #tpu.memory_space<vmem>>, vector<10000x1xf32>
    tpu.vector_store %arg10[%swap3A_49, %swap3A_50], %broadcast_in_dim3A_41 {strides = array<i32>} : memref<10000x1xf32, #tpu.memory_space<vmem>>, vector<10000x1xf32>,
    %swap3A_52 = arith.constant 0 : index
    %swap3A_53 = arith.constant 0 : index
    %swap3A_54 = vector.load %arg11[%swap3A_52, %swap3A_53] : memref<10000x1xf32, #tpu.memory_space<vmem>>, vector<10000x1xf32>
    tpu.vector_store %arg11[%swap3A_52, %swap3A_53], %broadcast_in_dim3A_31 {strides = array<i32>} : memref<10000x1xf32, #tpu.memory_space<vmem>>, vector<10000x1xf32>,
    return
  }
}

module attributes {stable_mosaic.version = 14 : i64} {
  func.func @_layer_body(%arg0: memref<2x10240x128xf32, #tpu.memory_space<vmem>>, %arg1: memref<10000x128xf32, #tpu.memory_space<vmem>>, %arg2: memref<10000x128xf32, #tpu.memory_space<vmem>>, %arg3: memref<10000x1xf32, #tpu.memory_space<vmem>>, %arg4: memref<10000x1xf32, #tpu.memory_space<vmem>>, %arg5: memref<128x128xf32, #tpu.memory_space<vmem>>, %arg6: memref<128xf32, #tpu.memory_space<vmem>>, %arg7: memref<128x128xf32, #tpu.memory_space<vmem>>, %arg8: memref<128xf32, #tpu.memory_space<vmem>>, %arg9: memref<4x128xf32, #tpu.memory_space<vmem>>, %arg10: memref<128x4xf32, #tpu.memory_space<vmem>>, %arg11: memref<128xf32, #tpu.memory_space<vmem>>, %arg12: memref<128xf32, #tpu.memory_space<vmem>>, %arg13: memref<128x128xf32, #tpu.memory_space<vmem>>, %arg14: memref<128xf32, #tpu.memory_space<vmem>>, %arg15: memref<4x128xf32, #tpu.memory_space<vmem>>, %arg16: memref<128x4xf32, #tpu.memory_space<vmem>>, %arg17: memref<10000x128xf32, #tpu.memory_space<vmem>>) attributes {dimension_semantics = [], scalar_prefetch = 0 : i64, scratch_operands = 0 : i64, tpu.core_type = #tpu.core_type<tc>} {
    %get3A = arith.constant 0 : index
    %get3A_0 = arith.constant 0 : index
    %get3A_1 = arith.constant 0 : index
    %get3A_2 = vector.load %arg0[%get3A, %get3A_0, %get3A_1] : memref<2x10240x128xf32, #tpu.memory_space<vmem>>, vector<1x10000x128xf32>
    %get3A_3 = vector.shape_cast %get3A_2 : vector<1x10000x128xf32> to vector<10000x128xf32>
    %get3A_4 = arith.constant 1 : index
    %get3A_5 = arith.constant 0 : index
    %get3A_6 = arith.constant 0 : index
    %get3A_7 = vector.load %arg0[%get3A_4, %get3A_5, %get3A_6] : memref<2x10240x128xf32, #tpu.memory_space<vmem>>, vector<1x10000x128xf32>
    %get3A_8 = vector.shape_cast %get3A_7 : vector<1x10000x128xf32> to vector<10000x128xf32>
    %add3A = arith.addf %get3A_3, %get3A_8 : vector<10000x128xf32>
    %get3A_9 = arith.constant 0 : index
    %get3A_10 = arith.constant 0 : index
    %get3A_11 = vector.load %arg2[%get3A_9, %get3A_10] : memref<10000x128xf32, #tpu.memory_space<vmem>>, vector<10000x128xf32>
    %add3A_12 = arith.addf %add3A, %get3A_11 : vector<10000x128xf32>
    %get3A_13 = arith.constant 0 : index
    %get3A_14 = arith.constant 0 : index
    %get3A_15 = vector.load %arg3[%get3A_13, %get3A_14] : memref<10000x1xf32, #tpu.memory_space<vmem>>, vector<10000x1xf32>
    %mul3A = vector.broadcast %get3A_15 : vector<10000x1xf32> to vector<10000x128xf32>
    %mul3A_16 = arith.mulf %add3A_12, %mul3A : vector<10000x128xf32>
    %get3A_17 = arith.constant 0 : index
    %get3A_18 = arith.constant 0 : index
    %get3A_19 = vector.load %arg7[%get3A_17, %get3A_18] : memref<128x128xf32, #tpu.memory_space<vmem>>, vector<128x128xf32>
    %get3A_20 = arith.constant 0 : index
    %get3A_21 = arith.constant 0 : index
    %get3A_22 = vector.load %arg10[%get3A_20, %get3A_21] : memref<128x4xf32, #tpu.memory_space<vmem>>, vector<128x4xf32>
    %get3A_23 = arith.constant 0 : index
    %get3A_24 = arith.constant 0 : index
    %get3A_25 = vector.load %arg9[%get3A_23, %get3A_24] : memref<4x128xf32, #tpu.memory_space<vmem>>, vector<4x128xf32>
    %dot_general3A = arith.constant dense<0.000000e+00> : vector<128x128xf32>
    %dot_general3A_26 = tpu.matmul %get3A_22, %get3A_25, %dot_general3A {dimension_numbers = #tpu.dot_dimension_numbers<[1], [0], [0], [1], [0, 0, 1, 1], [], []>, transpose_lhs_hint = false} : vector<128x4xf32>, vector<4x128xf32>, vector<128x128xf32> -> vector<128x128xf32>
    %mul3A_27 = arith.constant 2.000000e+00 : f32
    %mul3A_28 = vector.broadcast %mul3A_27 : f32 to vector<128x128xf32>
    %mul3A_29 = arith.mulf %mul3A_28, %dot_general3A_26 : vector<128x128xf32>
    %add3A_30 = arith.addf %get3A_19, %mul3A_29 : vector<128x128xf32>
    %get3A_31 = arith.constant 0 : index
    %get3A_32 = arith.constant 0 : index
    %get3A_33 = vector.load %arg5[%get3A_31, %get3A_32] : memref<128x128xf32, #tpu.memory_space<vmem>>, vector<128x128xf32>
    %transpose3A = tpu.transpose %get3A_33, [1, 0] : vector<128x128xf32> -> vector<128x128xf32>
    %dot_general3A_34 = arith.constant dense<0.000000e+00> : vector<10000x128xf32>
    %dot_general3A_35 = tpu.matmul %mul3A_16, %transpose3A, %dot_general3A_34 {dimension_numbers = #tpu.dot_dimension_numbers<[1], [0], [0], [1], [0, 0, 1, 1], [], []>, transpose_lhs_hint = false} : vector<10000x128xf32>, vector<128x128xf32>, vector<10000x128xf32> -> vector<10000x128xf32>
    %get3A_36 = arith.constant 0 : index
    %get3A_37 = vector.load %arg6[%get3A_36] : memref<128xf32, #tpu.memory_space<vmem>>, vector<128xf32>
    %broadcast_in_dim3A = vector.shape_cast %get3A_37 : vector<128xf32> to vector<1x128xf32>
    %add3A_38 = vector.broadcast %broadcast_in_dim3A : vector<1x128xf32> to vector<10000x128xf32>
    %add3A_39 = arith.addf %dot_general3A_35, %add3A_38 : vector<10000x128xf32>
    %get3A_40 = arith.constant 0 : index
    %get3A_41 = arith.constant 0 : index
    %get3A_42 = vector.load %arg1[%get3A_40, %get3A_41] : memref<10000x128xf32, #tpu.memory_space<vmem>>, vector<10000x128xf32>
    %transpose3A_43 = tpu.transpose %add3A_30, [1, 0] : vector<128x128xf32> -> vector<128x128xf32>
    %dot_general3A_44 = arith.constant dense<0.000000e+00> : vector<10000x128xf32>
    %dot_general3A_45 = tpu.matmul %get3A_42, %transpose3A_43, %dot_general3A_44 {dimension_numbers = #tpu.dot_dimension_numbers<[1], [0], [0], [1], [0, 0, 1, 1], [], []>, transpose_lhs_hint = false} : vector<10000x128xf32>, vector<128x128xf32>, vector<10000x128xf32> -> vector<10000x128xf32>
    %add3A_46 = arith.addf %add3A_39, %dot_general3A_45 : vector<10000x128xf32>
    %get3A_47 = arith.constant 0 : index
    %get3A_48 = vector.load %arg8[%get3A_47] : memref<128xf32, #tpu.memory_space<vmem>>, vector<128xf32>
    %broadcast_in_dim3A_49 = vector.shape_cast %get3A_48 : vector<128xf32> to vector<1x128xf32>
    %add3A_50 = vector.broadcast %broadcast_in_dim3A_49 : vector<1x128xf32> to vector<10000x128xf32>
    %add3A_51 = arith.addf %add3A_46, %add3A_50 : vector<10000x128xf32>
    %reduce_sum3A = arith.constant dense<0.000000e+00> : vector<10000xf32>
    %reduce_sum3A_52 = vector.multi_reduction <add>, %add3A_51, %reduce_sum3A [1] : vector<10000x128xf32> to vector<10000xf32>
    %broadcast_in_dim3A_53 = vector.shape_cast %reduce_sum3A_52 : vector<10000xf32> to vector<10000x1xf32>
    %div3A = arith.constant 1.280000e+02 : f32
    %div3A_54 = vector.broadcast %div3A : f32 to vector<10000x1xf32>
    %div3A_55 = arith.divf %broadcast_in_dim3A_53, %div3A_54 : vector<10000x1xf32>
    %sub3A = vector.broadcast %div3A_55 : vector<10000x1xf32> to vector<10000x128xf32>
    %sub3A_56 = arith.subf %add3A_51, %sub3A : vector<10000x128xf32>
    %integer_pow3A = arith.mulf %sub3A_56, %sub3A_56 : vector<10000x128xf32>
    %reduce_sum3A_57 = arith.constant dense<0.000000e+00> : vector<10000xf32>
    %reduce_sum3A_58 = vector.multi_reduction <add>, %integer_pow3A, %reduce_sum3A_57 [1] : vector<10000x128xf32> to vector<10000xf32>
    %broadcast_in_dim3A_59 = vector.shape_cast %reduce_sum3A_58 : vector<10000xf32> to vector<10000x1xf32>
    %div3A_60 = arith.constant 1.280000e+02 : f32
    %div3A_61 = vector.broadcast %div3A_60 : f32 to vector<10000x1xf32>
    %div3A_62 = arith.divf %broadcast_in_dim3A_59, %div3A_61 : vector<10000x1xf32>
    %sub3A_63 = vector.broadcast %div3A_55 : vector<10000x1xf32> to vector<10000x128xf32>
    %sub3A_64 = arith.subf %add3A_51, %sub3A_63 : vector<10000x128xf32>
    %add3A_65 = arith.constant 9.99999974E-6 : f32
    %add3A_66 = vector.broadcast %add3A_65 : f32 to vector<10000x1xf32>
    %add3A_67 = arith.addf %div3A_62, %add3A_66 : vector<10000x1xf32>
    %rsqrt3A = math.rsqrt %add3A_67 : vector<10000x1xf32>
    %mul3A_68 = vector.broadcast %rsqrt3A : vector<10000x1xf32> to vector<10000x128xf32>
    %mul3A_69 = arith.mulf %sub3A_64, %mul3A_68 : vector<10000x128xf32>
    %get3A_70 = arith.constant 0 : index
    %get3A_71 = vector.load %arg11[%get3A_70] : memref<128xf32, #tpu.memory_space<vmem>>, vector<128xf32>
    %broadcast_in_dim3A_72 = vector.shape_cast %get3A_71 : vector<128xf32> to vector<1x128xf32>
    %mul3A_73 = vector.broadcast %broadcast_in_dim3A_72 : vector<1x128xf32> to vector<10000x128xf32>
    %mul3A_74 = arith.mulf %mul3A_69, %mul3A_73 : vector<10000x128xf32>
    %get3A_75 = arith.constant 0 : index
    %get3A_76 = vector.load %arg12[%get3A_75] : memref<128xf32, #tpu.memory_space<vmem>>, vector<128xf32>
    %broadcast_in_dim3A_77 = vector.shape_cast %get3A_76 : vector<128xf32> to vector<1x128xf32>
    %add3A_78 = vector.broadcast %broadcast_in_dim3A_77 : vector<1x128xf32> to vector<10000x128xf32>
    %add3A_79 = arith.addf %mul3A_74, %add3A_78 : vector<10000x128xf32>
    %mul3A_80 = arith.constant 5.000000e-01 : f32
    %mul3A_81 = vector.broadcast %mul3A_80 : f32 to vector<10000x128xf32>
    %mul3A_82 = arith.mulf %mul3A_81, %add3A_79 : vector<10000x128xf32>
    %mul3A_83 = arith.constant 0.707106769 : f32
    %mul3A_84 = vector.broadcast %mul3A_83 : f32 to vector<10000x128xf32>
    %mul3A_85 = arith.mulf %add3A_79, %mul3A_84 : vector<10000x128xf32>
    %erf3A = math.erf %mul3A_85 : vector<10000x128xf32>
    %add3A_86 = arith.constant 1.000000e+00 : f32
    %add3A_87 = vector.broadcast %add3A_86 : f32 to vector<10000x128xf32>
    %add3A_88 = arith.addf %add3A_87, %erf3A : vector<10000x128xf32>
    %mul3A_89 = arith.mulf %mul3A_82, %add3A_88 : vector<10000x128xf32>
    %get3A_90 = arith.constant 0 : index
    %get3A_91 = arith.constant 0 : index
    %get3A_92 = vector.load %arg1[%get3A_90, %get3A_91] : memref<10000x128xf32, #tpu.memory_space<vmem>>, vector<10000x128xf32>
    %add3A_93 = arith.addf %get3A_92, %mul3A_89 : vector<10000x128xf32>
    %get3A_94 = arith.constant 0 : index
    %get3A_95 = arith.constant 0 : index
    %get3A_96 = vector.load %arg13[%get3A_94, %get3A_95] : memref<128x128xf32, #tpu.memory_space<vmem>>, vector<128x128xf32>
    %get3A_97 = arith.constant 0 : index
    %get3A_98 = arith.constant 0 : index
    %get3A_99 = vector.load %arg16[%get3A_97, %get3A_98] : memref<128x4xf32, #tpu.memory_space<vmem>>, vector<128x4xf32>
    %get3A_100 = arith.constant 0 : index
    %get3A_101 = arith.constant 0 : index
    %get3A_102 = vector.load %arg15[%get3A_100, %get3A_101] : memref<4x128xf32, #tpu.memory_space<vmem>>, vector<4x128xf32>
    %dot_general3A_103 = arith.constant dense<0.000000e+00> : vector<128x128xf32>
    %dot_general3A_104 = tpu.matmul %get3A_99, %get3A_102, %dot_general3A_103 {dimension_numbers = #tpu.dot_dimension_numbers<[1], [0], [0], [1], [0, 0, 1, 1], [], []>, transpose_lhs_hint = false} : vector<128x4xf32>, vector<4x128xf32>, vector<128x128xf32> -> vector<128x128xf32>
    %mul3A_105 = arith.constant 2.000000e+00 : f32
    %mul3A_106 = vector.broadcast %mul3A_105 : f32 to vector<128x128xf32>
    %mul3A_107 = arith.mulf %mul3A_106, %dot_general3A_104 : vector<128x128xf32>
    %add3A_108 = arith.addf %get3A_96, %mul3A_107 : vector<128x128xf32>
    %transpose3A_109 = tpu.transpose %add3A_108, [1, 0] : vector<128x128xf32> -> vector<128x128xf32>
    %dot_general3A_110 = arith.constant dense<0.000000e+00> : vector<10000x128xf32>
    %dot_general3A_111 = tpu.matmul %add3A_93, %transpose3A_109, %dot_general3A_110 {dimension_numbers = #tpu.dot_dimension_numbers<[1], [0], [0], [1], [0, 0, 1, 1], [], []>, transpose_lhs_hint = false} : vector<10000x128xf32>, vector<128x128xf32>, vector<10000x128xf32> -> vector<10000x128xf32>
    %get3A_112 = arith.constant 0 : index
    %get3A_113 = vector.load %arg14[%get3A_112] : memref<128xf32, #tpu.memory_space<vmem>>, vector<128xf32>
    %broadcast_in_dim3A_114 = vector.shape_cast %get3A_113 : vector<128xf32> to vector<1x128xf32>
    %add3A_115 = vector.broadcast %broadcast_in_dim3A_114 : vector<1x128xf32> to vector<10000x128xf32>
    %add3A_116 = arith.addf %dot_general3A_111, %add3A_115 : vector<10000x128xf32>
    %swap3A = arith.constant 0 : index
    %swap3A_117 = arith.constant 0 : index
    %swap3A_118 = vector.load %arg17[%swap3A, %swap3A_117] : memref<10000x128xf32, #tpu.memory_space<vmem>>, vector<10000x128xf32>
    tpu.vector_store %arg17[%swap3A, %swap3A_117], %add3A_116 {strides = array<i32>} : memref<10000x128xf32, #tpu.memory_space<vmem>>, vector<10000x128xf32>,
    return
  }
}

</mosaic_0001>

<sc_bundles>
// kernel: kernel.11.cloned.1.call-start
scs
__scs_entry_jumppad:
0x0: {  	(pc) =	sbr.rel $0x88, $3  }
0x1: {  	(tag) =	ssettag $0x0;
	lr =	simm.s32 $0x1  }
0x2: {  	[smem:$0x3F87] =	sst lr;
	_ =	strace $0xD0000000  }
0x3: {  	_ = 	snop  }
0x4: {  	_ = 	snop  }
0x5: {  	_ = 	snop  }
0x6: {  	_ = 	snop  }
0x7: {  	_ = 	snop  }
__scs_overlays_trampoline_lowered:
0x8: {  	[smem:$0x3F96] =	sst s0  }
0x9: {  	[smem:$0x3F97] =	sst s1  }
0xa: {  	[smem:$0x3F98] =	sst s2  }
0xb: {  	[smem:$0x3F99] =	sst s3  }
0xc: {  	[smem:$0x3F9A] =	sst s4  }
0xd: {  	[smem:$0x3F9B] =	sst s5  }
0xe: {  	[smem:$0x3F9C] =	sst s6  }
0xf: {  	[smem:$0x3F9D] =	sst s7  }
0x10: {  	[smem:$0x3F9E] =	sst s8  }
0x11: {  	[smem:$0x3F9F] =	sst s9;
	s0 =	simm.s32 @!p0 $0x0  }
0x12: {  	s1 =	sld [smem:$0x3F85];
	s0 =	simm.s32 @p0 $0x1  }
0x13: {  	[smem:$0x3FA0] =	sst s0;
	s0 =	simm.s32 @!p1 $0x0  }
0x14: {  	s2 =	sld [smem:$0x3F84];
	s0 =	simm.s32 @p1 $0x1  }
0x15: {  	[smem:$0x3FA1] =	sst s0;
	s0 =	simm.s32 @!p2 $0x0  }
0x16: {  	s3 =	sld [smem:$0x3FDB];
	s0 =	simm.s32 @p2 $0x1  }
0x17: {  	s4 =	simm.s32 $0x1BF5;
	[smem:$0x3FA3] =	sst s0  }
0x18: {  	s0 =	sld [smem:$0x3F86];
	_ =	swait.ge [sflag:s4], $0x0  }
0x19: {  	s7 =	sld [smem:$0x3F87]  }
0x1a: {  	s8 =	sadd.s32 $0xFFFFE003, lr  }
0x1b: {  	s9 =	sadd.s32 $0xFFFFFEF7, lr;
	s5 =	simm.s32 $0xFFFFFFFF;
	p2 =	slt.u32 s8, $0xFFFFF086  }
0x1c: {  	p1 =	slt.u32 s9, $0xF7A;
	s5 =	simm.s32 @!p2 $0x0  }
0x1d: {  	s5 =	simm.s32 @p1 $0x1;
	p0 =	seq.s32 s7, s2  }
0x1e: {  	s7 =	smul.u32 @!p0 $0xF7A, s2;
	p2 =	seq.s32 @!p0 s5, $0x0  }
0x1f: {  	s9 =	smul.u32 $0xF7A, s1;
	s8 =	simm.s32 @!p0 $0x1BF5;
	p2 =	por !p2, p0  }
0x20: {  	[sflag:s8] =	ssyncset.s32 @!p0 $0xFFFFF086;
	s6 =	sadd.s32 @!p0 s3, s7;
	s7 =	simm.s32 @!p0 $0x108  }
0x21: {  	s3 =	sadd.s32 s3, s9;
	s6 =	sadd.s32 @!p0 $0x88, s6;
	s7 =	simm.s32 @p2 $0x1082  }
0x22: {  	[simem:s7], [sflag:s8] =	dma.local @!p0 [hbm:s6], $0xF7A  }
0x23: {  	s9 =	sor.u32 $0xD0000000, s2;
	s6 =	simm.s32 $0x108;
	_ =	swait.ge @!p0 [sflag:s8], $0x0  }
0x24: {  	s3 =	sadd.s32 $0x88, s3;
	s6 =	simm.s32 @!p1 $0x1082;
	[sflag:s4] =	ssyncset.s32 $0xFFFFF086  }
0x25: {  	[simem:s6], [sflag:s4] =	dma.local [hbm:s3], $0xF7A  }
0x26: {  	[smem:$0x3F87] =	sst s1;
	(tag) =	ssettag s2;
	_ =	strace s9  }
0x27: {  	s1 =	sld [smem:$0x3F97]  }
0x28: {  	s2 =	sld [smem:$0x3F98]  }
0x29: {  	s4 =	sld [smem:$0x3F9A]  }
0x2a: {  	p0 =	seq.s32 s5, $0x0;
	s5 =	sld [smem:$0x3F9B]  }
0x2b: {  	s6 =	sld [smem:$0x3F9C]  }
0x2c: {  	s7 =	sld [smem:$0x3F9D]  }
0x2d: {  	s3 =	simm.s32 $0x108;
	s8 =	sld [smem:$0x3F9E]  }
0x2e: {  	s3 =	simm.s32 @!p0 $0x1082;
	s9 =	sld [smem:$0x3F9F]  }
0x2f: {  	lr =	sadd.s32 s0, s3;
	s0 =	sld [smem:$0x3F96]  }
0x30: {  	s3 =	sld [smem:$0x3F99]  }
0x31: {  	[smem:$0x3FA2] =	sst s10  }
0x32: {  	s10 =	sld [smem:$0x3FA0];
	_ =	sdelay $0x3  }
0x33: {  	p0 =	seq.s32 s10, $0x1;
	s10 =	sld [smem:$0x3FA2];
	_ =	sdelay $0x3  }
0x34: {  	[smem:$0x3FA2] =	sst s10  }
0x35: {  	s10 =	sld [smem:$0x3FA1];
	_ =	sdelay $0x3  }
0x36: {  	p1 =	seq.s32 s10, $0x1;
	s10 =	sld [smem:$0x3FA2];
	_ =	sdelay $0x3  }
0x37: {  	[smem:$0x3FA2] =	sst s10  }
0x38: {  	s10 =	sld [smem:$0x3FA3]  }
0x39: {  	_ = 	snop;
	(pc) =	sbr.ind lr, $3  }
0x3a: {  	_ = 	snop  }
0x3b: {  	_ = 	snop  }
0x3c: {  	p2 =	seq.s32 s10, $0x1;
	s10 =	sld [smem:$0x3FA2]  }
0x3d: {  	_ =	shalt  }
0x3e: {  	_ =	shalt  }
0x3f: {  	_ =	shalt  }
0x40: {  	_ =	shalt  }
0x41: {  	_ =	shalt  }
0x42: {  	_ =	shalt  }
0x43: {  	_ =	shalt  }
0x44: {  	_ =	shalt  }
0x45: {  	_ =	shalt  }
0x46: {  	_ =	shalt  }
0x47: {  	_ =	shalt  }
0x48: {  	_ =	shalt  }
0x49: {  	_ =	shalt  }
0x4a: {  	_ =	shalt  }
0x4b: {  	_ =	shalt  }
0x4c: {  	_ =	shalt  }
0x4d: {  	_ =	shalt  }
0x4e: {  	_ =	shalt  }
0x4f: {  	_ =	shalt  }
0x50: {  	_ =	shalt  }
0x51: {  	_ =	shalt  }
0x52: {  	_ =	shalt  }
0x53: {  	_ =	shalt  }
0x54: {  	_ =	shalt  }
0x55: {  	_ =	shalt  }
0x56: {  	_ =	shalt  }
0x57: {  	_ =	shalt  }
0x58: {  	_ =	shalt  }
0x59: {  	_ =	shalt  }
0x5a: {  	_ =	shalt  }
0x5b: {  	_ =	shalt  }
0x5c: {  	_ =	shalt  }
0x5d: {  	_ =	shalt  }
0x5e: {  	_ =	shalt  }
0x5f: {  	_ =	shalt  }
0x60: {  	_ =	shalt  }
0x61: {  	_ =	shalt  }
0x62: {  	_ =	shalt  }
0x63: {  	_ =	shalt  }
0x64: {  	_ =	shalt  }
0x65: {  	_ =	shalt  }
0x66: {  	_ =	shalt  }
0x67: {  	_ =	shalt  }
0x68: {  	_ =	shalt  }
0x69: {  	_ =	shalt  }
0x6a: {  	_ =	shalt  }
0x6b: {  	_ =	shalt  }
0x6c: {  	_ =	shalt  }
0x6d: {  	_ =	shalt  }
0x6e: {  	_ =	shalt  }
0x6f: {  	_ =	shalt  }
0x70: {  	_ =	shalt  }
0x71: {  	_ =	shalt  }
0x72: {  	_ =	shalt  }
0x73: {  	_ =	shalt  }
0x74: {  	_ =	shalt  }
0x75: {  	_ =	shalt  }
0x76: {  	_ =	shalt  }
0x77: {  	_ =	shalt  }
0x78: {  	_ =	shalt  }
0x79: {  	_ =	shalt  }
0x7a: {  	_ =	shalt  }
0x7b: {  	_ =	shalt  }
0x7c: {  	_ =	shalt  }
0x7d: {  	_ =	shalt  }
0x7e: {  	_ =	shalt  }
0x7f: {  	_ =	shalt  }
0x80: {  	_ =	shalt  }
0x81: {  	_ =	shalt  }
0x82: {  	_ =	shalt  }
0x83: {  	_ =	shalt  }
0x84: {  	_ =	shalt  }
0x85: {  	_ =	shalt  }
0x86: {  	_ =	shalt  }
0x87: {  	_ =	shalt  }
.Lfunc_end0:
.L_simem_size_0:
called_computation.1_lowered:
.L_overlay_start_0:
0x88: {  	s2 =	sld [smem:$0x3FD9]  }
0x89: {  	s3 =	sld [smem:$0x3FFE];
	_ =	sdelay $0x1  }
0x8a: {  	s1 =	srdreg.scid  }
0x8b: {  	s0 =	sand.u32 $0x1, s1  }
0x8c: {  	s16 =	sshll.u32 s0, $0xA;
	s2 =	sadd.s32 s3, s2  }
0x8d: {  	s2 =	sadd.s32 s2, s16  }
0x8e: {  	[smem:$0x3FAE] =	sst s2  }
0x8f: {  	_ = 	snop  }
0x90: {  	(tm) =	ssettm $0x1  }
0x91: {  	s17 =	sld [smem:$0x3FFB];
	_ =	sdelay $0x3  }
0x92: {  	_ =	strace s17  }
0x93: {  	s2 =	sld [smem:$0x3FFC];
	_ =	sdelay $0x3  }
0x94: {  	_ =	strace s2  }
0x95: {  	s2 =	sld [smem:$0x3FFD];
	_ =	sdelay $0x3  }
0x96: {  	_ =	strace s2  }
0x97: {  	_ =	strace $0x8FFFFFFF  }
0x98: {  	s18 =	sld [smem:$0x3FDB];
	_ =	sdelay $0x1  }
0x99: {  	s19 =	simm.s32 $_scs_section_size  }
0x9a: {  	s4 =	simm.s32 $_size__tile_overlayer_lowered;
	s5 =	simm.s32 $_tile_overlayer_lowered  }
0x9b: {  	s22 =	simm.s32 $0x1BFF;
	s21 =	sshll.u32 s5, $0x1;
	s2 =	sadd.s32 s19, s18  }
0x9c: {  	s6 =	simm.s32 $0x0;
	s20 =	sshll.u32 s4, $0x1;
	s4 =	sadd.s32 s21, s2  }
0x9d: {  	[timem:s6], [sflag:s22] =	dma.local [hbm:s4], s20  }
0x9e: {  	_ =	swait.ge [sflag:s22], s20  }
0x9f: {  	s3 =	ssub.s32 $0x0, s20;
	[sflag:s22] =	ssyncset.done $0x0  }
0xa0: {  	[sflag:s22] =	ssyncadd.s32 s3;
	_ =	sdelay $0x1  }
0xa1: {  	s23 =	simm.s32 $0x1B8B  }
0xa2: {  	_ =	swait.ge [sflag:s23], $0x1  }
0xa3: {  	[sflag:s23] =	ssyncset.done $0x0  }
0xa4: {  	s25 =	simm.s32 $0x1B8E;
	s24 =	sld [smem:$0x3FFE];
	[sflag:s23] =	ssyncadd.s32 $0xFFFFFFFF  }
0xa5: {  	s26 =	simm.s32 $execute0_lowered;
	[smem:$0x3FD2] =	sst s25  }
0xa6: {  	s4 =	sshll.u32 s26, $0x1;
	_ =	strace $0x80000049;
	[dreg:$0x1] =	wrdreg $0xFFFFFFFF  }
0xa7: {  	s28 =	simm.s32 $_size_execute0_lowered;
	s2 =	sadd.s32 s2, s4;
	[dreg:$0x0] =	wrdreg $0x0  }
0xa8: {  	s4 =	sshll.u32 s28, $0x1;
	[dreg:$0x2] =	wrdreg s2  }
0xa9: {  	[dreg:$0x3] =	wrdreg s4  }
0xaa: {  	[dreg:$0x4] =	wrdreg $0xC0  }
0xab: {  	_ =	task [dreg:s6], $0x5FFFF  }
0xac: {  	[dreg:$0x1] =	wrdreg $0xFFFFFFFF  }
0xad: {  	[dreg:$0x0] =	wrdreg $0x60  }
0xae: {  	[dreg:$0x2] =	wrdreg s24  }
0xaf: {  	[dreg:$0x3] =	wrdreg $0x89800  }
0xb0: {  	[dreg:$0x4] =	wrdreg $0x9  }
0xb1: {  	_ =	task.clear_ibuf [dreg:s6], $0x5FFFF;
	_ =	strace $0x90000049  }
0xb2: {  	s29 =	simm.s32 $0x9;
	_ =	strace $0x8000004B  }
0xb3: {  	_ =	swait.ge [sflag:s29], $0x1  }
0xb4: {  	[sflag:s29] =	ssyncadd.s32 $0xFFFFFFFF  }
0xb5: {  	_ =	strace $0x9000004B  }
0xb6: {  	_ =	sfence  }
0xb7: {  	s30 =	sld [smem:$0x0];
	_ =	sdelay $0x2  }
0xb8: {  	s31 =	sshll.u32 s1, $0xD;
	s1 =	sshrl.u32 s1, $0x2  }
0xb9: {  	s3 =	sand.u32 $0x4000, s31;
	s1 =	sadd.s32 s1, s30  }
0xba: {  	s0 =	sor.u32 s3, s0;
	s1 =	sshll.u32 s1, $0x11  }
0xbb: {  	s0 =	sor.u32 s1, s0  }
0xbc: {  	s0 =	sadd.s32 $0x8F2B, s0  }
0xbd: {  	[sflag:s0] =	ssyncadd.remote.s32 $0x1  }
0xbe: {  	_ =	sfence.sel $0xFFFF  }
0xbf: {  	[dreg:$0x0] =	wrdreg $0xFFFFFFFF;
	(pc) =	sbr.abs _section_cstart, $3  }
0xc0: {  	[dreg:$0x1] =	wrdreg $0xFFFFFFFF  }
0xc1: {  	_ =	task.clear_ibuf [dreg:s6], $0x2FFFF;
	_ =	strace $0x9FFFFFFF  }
0xc2: {  	(tm) =	ssettm $0x7FFFFFFF  }
0xc3: {  	_ =	shalt  }
tec
execute0_lowered:
.L_overlay_start_1:
0x0: {  	(tag) =	ssettag $0x1  }
0x1: {  	s0 =	srdreg.scid  }
0x2: {  	s0 =	sand.u32 $0x1, s0  }
0x3: {  	s9 =	stileid.u32;
	s3 =	sshll.u32 s0, $0x4  }
0x4: {  	s8 =	smul.u32 $0x14000, s9;
	s7 =	sor.u32 s9, s3  }
0x5: {  	s6 =	smul.u32 $0x140000, s0;
	s4 =	sshrl.u32 s7, $0x3  }
0x6: {  	s1 =	rddreg [dreg:$0x0];
	s5 =	sshll.u32 s9, $0x7;
	s4 =	smul.u32 $0x13C00, s4  }
0x7: {  	s2 =	rddreg [dreg:$0x1];
	s28 =	simm.s32 $0x80;
	s5 =	sand.u32 $0x380, s5  }
0x8: {  	s9 =	smul.u32 $0x50000, s9;
	s6 =	sadd.s32 s8, s6;
	s5 =	sor.u32 s5, s4  }
0x9: {  	s3 =	simm.s32 $0x0;
	s6 =	sshrl.u32 s6, $0x3;
	s5 =	sshrl.u32 s5, $0x3  }
0xa: {  	s13 =	sshrl.u32 s9, $0x2;
	s4 =	sadd.s32 $0x41600, s1;
	s10 =	sadd.s32 s5, s1  }
0xb: {  	s5 =	sadd.s32 $0x2D600, s1;
	s1 =	sadd.s32 s6, s1;
	s6 =	sadd.s32 s13, s2  }
0xc: {  	s30 =	simm.s32 $0x2780;
	[smem:$0x7FF] =	sst s3;
	s8 =	sadd.s32 $0x2000, s6  }
0xd: {  	_ =	strace $0x8000004A;
	s15 =	sadd.s32 $0x4000, s6;
	[dreg:$0x3] =	wrdreg s8  }
0xe: {  	s31 =	simm.s32 $0x40;
	s16 =	sadd.s32 $0x6000, s6;
	[dreg:$0x4] =	wrdreg s15  }
0xf: {  	s29 =	simm.s32 $0x4980;
	s17 =	sadd.s32 $0x8000, s6;
	[dreg:$0x5] =	wrdreg s16  }
0x10: {  	s11 =	simm.s32 $0x3;
	s18 =	sadd.s32 $0xA000, s6;
	[dreg:$0x6] =	wrdreg s17  }
0x11: {  	s12 =	simm.s32 $0x0;
	s19 =	sadd.s32 $0xC000, s6;
	[dreg:$0x7] =	wrdreg s18  }
0x12: {  	s0 =	ssub.s32 $0x2, s0;
	s21 =	sadd.s32 $0xE000, s6;
	[dreg:$0x8] =	wrdreg s19  }
0x13: {  	s14 =	sshrl.u32 s0, $0x1;
	s22 =	sadd.s32 $0x10000, s6;
	[dreg:$0x9] =	wrdreg s21  }
0x14: {  	s0 =	ssub.s32 s0, s14;
	s23 =	sadd.s32 $0x12000, s6;
	[dreg:$0xa] =	wrdreg s22  }
0x15: {  	s24 =	sadd.s32 $0x23800, s10;
	s8 =	smul.u32 $0x5000, s7;
	[dreg:$0xb] =	wrdreg s23  }
0x16: {  	s9 =	simm.s32 $0x1;
	s10 =	simm.s32 $0x2;
	[dreg:$0xc] =	wrdreg s24  }
0x17: {  	s23 =	sadd.s32 $0x8FA00, s1;
	s24 =	smax.u32 s0, $0x1;
	s20 =	sshrl.u32 s8, $0x3  }
0x18: {  	s1 =	simm.s32 $0x2800;
	s0 =	simm.s32 $0x2880;
	s16 =	sadd.s32 s5, s20  }
0x19: {  	s7 =	simm.s32 $0x6980;
	s25 =	sadd.s32 $0x10, s16;
	s26 =	sadd.s32 $0x20, s16  }
0x1a: {  	s21 =	sadd.s32 $0x30, s16;
	s22 =	sadd.s32 $0x40, s16;
	[dreg:$0xd] =	wrdreg s25  }
0x1b: {  	v0 =	vimm.f32 $0.0e+00;
	[dreg:$0xe] =	wrdreg s26;
	s25 =	simm.s32 $0x2980;
	s26 =	simm.s32 $0x4  }
.LBB2_1:
0x1c: {  	s13 =	simm.s32 $0x0;
	s14 =	simm.s32 $0x200  }
.LBB2_2:
0x1d: {  	p0 =	sne.s32 s14, $0x7E00;
	[tilespmem:s13+$0x29F0] =	vst v0  }
0x1e: {  	[tilespmem:s13+$0x2980] =	vst v0  }
0x1f: {  	[tilespmem:s13+$0x2990] =	vst v0  }
.Ltmp0:
0x20: {  	[tilespmem:s13+$0x29A0] =	vst v0;
	(pc) =	sbr.rel @p0 .LBB2_2-.Ltmp0, $4  }
0x21: {  	[tilespmem:s13+$0x29B0] =	vst v0  }
0x22: {  	[tilespmem:s13+$0x29C0] =	vst v0  }
0x23: {  	[tilespmem:s13+$0x29D0] =	vst v0  }
0x24: {  	[tilespmem:s13+$0x29E0] =	vst v0;
	s13 =	sshra.s32 s14, $0x2;
	s14 =	sadd.s32 $0x200, s14  }
0x25: {  	[tilespmem:s13+$0x29F0] =	vst v0  }
0x26: {  	[tilespmem:s13+$0x2980] =	vst v0  }
0x27: {  	[tilespmem:s13+$0x2990] =	vst v0  }
0x28: {  	[tilespmem:s13+$0x29A0] =	vst v0  }
0x29: {  	[tilespmem:s13+$0x29B0] =	vst v0  }
0x2a: {  	[tilespmem:s13+$0x29C0] =	vst v0  }
0x2b: {  	[tilespmem:s13+$0x29D0] =	vst v0  }
0x2c: {  	[tilespmem:s13+$0x29E0] =	vst v0  }
0x2d: {  	[spmem:s6] =	stream.linear.scatter [tilespmem:s25], [sflag:$0x4], $0x2000, $0x38;
	[tilespmem:$0x1C980] =	vst v63  }
0x2e: {  	_ =	swait.ge [sflag:s26], $0x2000  }
0x2f: {  	[sflag:s26] =	ssyncset.done $0x0  }
0x30: {  	s14 =	rddreg [dreg:$0x3];
	[sflag:s26] =	ssyncadd.s32 $0xFFFFE000  }
0x31: {  	[spmem:s14] =	stream.linear.scatter [tilespmem:s25], [sflag:$0x4], $0x2000, $0x38;
	[tilespmem:$0x1C980] =	vst v63  }
0x32: {  	_ =	swait.ge [sflag:s26], $0x2000  }
0x33: {  	[sflag:s26] =	ssyncset.done $0x0  }
0x34: {  	s15 =	rddreg [dreg:$0x4];
	[sflag:s26] =	ssyncadd.s32 $0xFFFFE000  }
0x35: {  	[spmem:s15] =	stream.linear.scatter [tilespmem:s25], [sflag:$0x4], $0x2000, $0x38;
	[tilespmem:$0x1C980] =	vst v63  }
0x36: {  	_ =	swait.ge [sflag:s26], $0x2000  }
0x37: {  	[sflag:s26] =	ssyncset.done $0x0  }
0x38: {  	s17 =	rddreg [dreg:$0x5];
	[sflag:s26] =	ssyncadd.s32 $0xFFFFE000  }
0x39: {  	[spmem:s17] =	stream.linear.scatter [tilespmem:s25], [sflag:$0x4], $0x2000, $0x38;
	[tilespmem:$0x1C980] =	vst v63  }
0x3a: {  	_ =	swait.ge [sflag:s26], $0x2000  }
0x3b: {  	[sflag:s26] =	ssyncset.done $0x0  }
0x3c: {  	s18 =	rddreg [dreg:$0x6];
	[sflag:s26] =	ssyncadd.s32 $0xFFFFE000  }
0x3d: {  	[spmem:s18] =	stream.linear.scatter [tilespmem:s25], [sflag:$0x4], $0x2000, $0x38;
	[tilespmem:$0x1C980] =	vst v63  }
0x3e: {  	_ =	swait.ge [sflag:s26], $0x2000  }
0x3f: {  	[sflag:s26] =	ssyncset.done $0x0  }
0x40: {  	s19 =	rddreg [dreg:$0x7];
	[sflag:s26] =	ssyncadd.s32 $0xFFFFE000  }
0x41: {  	[spmem:s19] =	stream.linear.scatter [tilespmem:s25], [sflag:$0x4], $0x2000, $0x38;
	[tilespmem:$0x1C980] =	vst v63  }
0x42: {  	_ =	swait.ge [sflag:s26], $0x2000  }
0x43: {  	[sflag:s26] =	ssyncset.done $0x0  }
0x44: {  	s20 =	rddreg [dreg:$0x8];
	[sflag:s26] =	ssyncadd.s32 $0xFFFFE000  }
0x45: {  	[spmem:s20] =	stream.linear.scatter [tilespmem:s25], [sflag:$0x4], $0x2000, $0x38;
	[tilespmem:$0x1C980] =	vst v63  }
0x46: {  	_ =	swait.ge [sflag:s26], $0x2000  }
0x47: {  	[sflag:s26] =	ssyncset.done $0x0  }
0x48: {  	s14 =	rddreg [dreg:$0x9];
	[sflag:s26] =	ssyncadd.s32 $0xFFFFE000  }
0x49: {  	[spmem:s14] =	stream.linear.scatter [tilespmem:s25], [sflag:$0x4], $0x2000, $0x38;
	[tilespmem:$0x1C980] =	vst v63  }
0x4a: {  	_ =	swait.ge [sflag:s26], $0x2000  }
0x4b: {  	[sflag:s26] =	ssyncset.done $0x0  }
0x4c: {  	s15 =	rddreg [dreg:$0xa];
	[sflag:s26] =	ssyncadd.s32 $0xFFFFE000  }
0x4d: {  	[spmem:s15] =	stream.linear.scatter [tilespmem:s25], [sflag:$0x4], $0x2000, $0x38;
	[tilespmem:$0x1C980] =	vst v63  }
0x4e: {  	_ =	swait.ge [sflag:s26], $0x2000  }
0x4f: {  	[sflag:s26] =	ssyncset.done $0x0  }
0x50: {  	s17 =	rddreg [dreg:$0xb];
	[sflag:s26] =	ssyncadd.s32 $0xFFFFE000  }
0x51: {  	[spmem:s17] =	stream.linear.scatter [tilespmem:s25], [sflag:$0x4], $0x2000, $0x38;
	[tilespmem:$0x1C980] =	vst v63  }
0x52: {  	_ =	swait.ge [sflag:s26], $0x2000  }
0x53: {  	[sflag:s26] =	ssyncset.done $0x0  }
0x54: {  	s14 =	simm.s32 $0x400;
	s18 =	rddreg [dreg:$0xc];
	[sflag:s26] =	ssyncadd.s32 $0xFFFFE000  }
0x55: {  	[tilespmem:s3], [sflag:$0x4] =	stream.strided.gather [hbm4b:s18+s28], $0x2780, s14, s28, $0x38;
	[tilespmem:$0x1C980] =	vst v63  }
0x56: {  	_ =	swait.ge [sflag:s26], $0x2780  }
0x57: {  	[sflag:s26] =	ssyncset.done $0x0  }
0x58: {  	[sflag:s26] =	ssyncadd.s32 $0xFFFFD880  }
0x59: {  	[bflag:$0x0] =	sbarrier.arrive $0xFFFF  }
0x5a: {  	[tilespmem:s30], [sflag:$0x2] =	stream.linear.gather [hbm4b:s16+s3], $0x80, $0x38;
	[tilespmem:$0x1C980] =	vst v63  }
0x5b: {  	_ = 	snop  }
0x5c: {  	[tilespmem:s25], [sflag:$0x1] =	stream.indirect.gather [hbm4b:s4+s31], $0x80, s3, s31, $0xb8;
	[tilespmem:$0x1C980] =	vst v63  }
0x5d: {  	s19 =	rddreg [dreg:$0xd]  }
0x5e: {  	[tilespmem:s1], [sflag:$0x2] =	stream.linear.gather [hbm4b:s19+s3], $0x80, $0x38;
	[tilespmem:$0x1C980] =	vst v63  }
0x5f: {  	_ = 	snop  }
0x60: {  	[tilespmem:s29], [sflag:$0x1] =	stream.indirect.gather [hbm4b:s4+s31], $0x80, s31, s31, $0xb8;
	[tilespmem:$0x1C980] =	vst v63  }
0x61: {  	s20 =	rddreg [dreg:$0xe]  }
0x62: {  	[tilespmem:s0], [sflag:$0x2] =	stream.linear.gather [hbm4b:s20+s3], $0x80, $0x38;
	[tilespmem:$0x1C980] =	vst v63  }
0x63: {  	_ = 	snop  }
0x64: {  	[tilespmem:s7], [sflag:$0x1] =	stream.indirect.gather [hbm4b:s4+s31], $0x80, s28, s31, $0xb8;
	[tilespmem:$0x1C980] =	vst v63  }
0x65: {  	_ =	swait.ge [sflag:s9], $0x2000  }
0x66: {  	[sflag:s9] =	ssyncset.done $0x0  }
0x67: {  	[sflag:s9] =	ssyncadd.s32 $0xFFFFE000  }
0x68: {  	_ =	swait.ge [sflag:s10], $0x80  }
0x69: {  	[sflag:s10] =	ssyncset.done $0x0  }
0x6a: {  	[sflag:s10] =	ssyncadd.s32 $0xFFFFFF80  }
0x6b: {  	[spmem:s2] =	stream.indirect.scatter.add.f32 [tilespmem:s25], [sflag:$0x3], $0x80, s30, s31, $0xb8;
	[tilespmem:$0x1C980] =	vst v63  }
0x6c: {  	_ =	swait.ge [sflag:s11], $0x2000  }
0x6d: {  	[sflag:s11] =	ssyncset.done $0x0  }
0x6e: {  	[sflag:s11] =	ssyncadd.s32 $0xFFFFE000  }
0x6f: {  	[tilespmem:s30], [sflag:$0x2] =	stream.linear.gather [hbm4b:s21+s3], $0x80, $0x38;
	[tilespmem:$0x1C980] =	vst v63  }
0x70: {  	s14 =	simm.s32 $0xC0  }
0x71: {  	[tilespmem:s25], [sflag:$0x1] =	stream.indirect.gather [hbm4b:s4+s31], $0x80, s14, s31, $0xb8;
	[tilespmem:$0x1C980] =	vst v63  }
0x72: {  	_ =	swait.ge [sflag:s9], $0x2000  }
0x73: {  	[sflag:s9] =	ssyncset.done $0x0  }
0x74: {  	[sflag:s9] =	ssyncadd.s32 $0xFFFFE000  }
0x75: {  	_ =	swait.ge [sflag:s10], $0x80  }
0x76: {  	[sflag:s10] =	ssyncset.done $0x0  }
0x77: {  	[sflag:s10] =	ssyncadd.s32 $0xFFFFFF80  }
0x78: {  	[spmem:s2] =	stream.indirect.scatter.add.f32 [tilespmem:s29], [sflag:$0x3], $0x80, s1, s31, $0xb8;
	[tilespmem:$0x1C980] =	vst v63  }
0x79: {  	_ =	swait.ge [sflag:s11], $0x2000  }
0x7a: {  	[sflag:s11] =	ssyncset.done $0x0  }
0x7b: {  	[sflag:s11] =	ssyncadd.s32 $0xFFFFE000  }
0x7c: {  	[tilespmem:s1], [sflag:$0x2] =	stream.linear.gather [hbm4b:s22+s3], $0x80, $0x38;
	[tilespmem:$0x1C980] =	vst v63  }
0x7d: {  	s15 =	simm.s32 $0x100  }
0x7e: {  	[tilespmem:s29], [sflag:$0x1] =	stream.indirect.gather [hbm4b:s4+s31], $0x80, s15, s31, $0xb8;
	[tilespmem:$0x1C980] =	vst v63  }
0x7f: {  	_ =	swait.ge [sflag:s9], $0x2000  }
0x80: {  	[sflag:s9] =	ssyncset.done $0x0  }
0x81: {  	[sflag:s9] =	ssyncadd.s32 $0xFFFFE000  }
0x82: {  	s17 =	simm.s32 $0x280;
	_ =	swait.ge [sflag:s10], $0x80  }
0x83: {  	s18 =	sand.u32 $0x1FC00, s17;
	[sflag:s10] =	ssyncset.done $0x0  }
0x84: {  	s13 =	sand.u32 $0x380, s17;
	s14 =	sadd.s32 s8, s18;
	[sflag:s10] =	ssyncadd.s32 $0xFFFFFF80  }
0x85: {  	[spmem:s2] =	stream.indirect.scatter.add.f32 [tilespmem:s7], [sflag:$0x3], $0x80, s0, s31, $0xb8;
	[tilespmem:$0x1C980] =	vst v63  }
0x86: {  	s13 =	sor.u32 s13, s14;
	_ =	swait.ge [sflag:s11], $0x2000  }
0x87: {  	s13 =	sshrl.u32 s13, $0x3;
	[sflag:s11] =	ssyncset.done $0x0  }
0x88: {  	s13 =	sadd.s32 s5, s13;
	[sflag:s11] =	ssyncadd.s32 $0xFFFFE000  }
0x89: {  	[tilespmem:s0], [sflag:$0x2] =	stream.linear.gather [hbm4b:s13+s3], $0x80, $0x38;
	[tilespmem:$0x1C980] =	vst v63  }
0x8a: {  	s19 =	simm.s32 $0x140  }
0x8b: {  	[tilespmem:s7], [sflag:$0x1] =	stream.indirect.gather [hbm4b:s4+s31], $0x80, s19, s31, $0xb8;
	[tilespmem:$0x1C980] =	vst v63  }
0x8c: {  	_ =	swait.ge [sflag:s9], $0x2000  }
0x8d: {  	[sflag:s9] =	ssyncset.done $0x0  }
0x8e: {  	[sflag:s9] =	ssyncadd.s32 $0xFFFFE000  }
0x8f: {  	s20 =	simm.s32 $0x300;
	_ =	swait.ge [sflag:s10], $0x80  }
0x90: {  	s15 =	sand.u32 $0x1FC00, s20;
	[sflag:s10] =	ssyncset.done $0x0  }
0x91: {  	s14 =	sadd.s32 s8, s15;
	s13 =	sand.u32 $0x380, s20;
	[sflag:s10] =	ssyncadd.s32 $0xFFFFFF80  }
0x92: {  	[spmem:s2] =	stream.indirect.scatter.add.f32 [tilespmem:s25], [sflag:$0x3], $0x80, s30, s31, $0xb8;
	[tilespmem:$0x1C980] =	vst v63  }
0x93: {  	s13 =	sor.u32 s13, s14;
	_ =	swait.ge [sflag:s11], $0x2000  }
0x94: {  	s13 =	sshrl.u32 s13, $0x3;
	[sflag:s11] =	ssyncset.done $0x0  }
0x95: {  	s13 =	sadd.s32 s5, s13;
	[sflag:s11] =	ssyncadd.s32 $0xFFFFE000  }
0x96: {  	[tilespmem:s30], [sflag:$0x2] =	stream.linear.gather [hbm4b:s13+s3], $0x80, $0x38;
	[tilespmem:$0x1C980] =	vst v63  }
0x97: {  	s17 =	simm.s32 $0x180  }
0x98: {  	[tilespmem:s25], [sflag:$0x1] =	stream.indirect.gather [hbm4b:s4+s31], $0x80, s17, s31, $0xb8;
	[tilespmem:$0x1C980] =	vst v63  }
0x99: {  	_ =	swait.ge [sflag:s9], $0x2000  }
0x9a: {  	[sflag:s9] =	ssyncset.done $0x0  }
0x9b: {  	[sflag:s9] =	ssyncadd.s32 $0xFFFFE000  }
0x9c: {  	s18 =	simm.s32 $0x380;
	_ =	swait.ge [sflag:s10], $0x80  }
0x9d: {  	s19 =	sand.u32 $0x1FC00, s18;
	[sflag:s10] =	ssyncset.done $0x0  }
0x9e: {  	s14 =	sadd.s32 s8, s19;
	s13 =	sand.u32 $0x380, s18;
	[sflag:s10] =	ssyncadd.s32 $0xFFFFFF80  }
0x9f: {  	[spmem:s2] =	stream.indirect.scatter.add.f32 [tilespmem:s29], [sflag:$0x3], $0x80, s1, s31, $0xb8;
	[tilespmem:$0x1C980] =	vst v63  }
0xa0: {  	s13 =	sor.u32 s13, s14;
	_ =	swait.ge [sflag:s11], $0x2000  }
0xa1: {  	s13 =	sshrl.u32 s13, $0x3;
	[sflag:s11] =	ssyncset.done $0x0  }
0xa2: {  	s13 =	sadd.s32 s5, s13;
	[sflag:s11] =	ssyncadd.s32 $0xFFFFE000  }
0xa3: {  	[tilespmem:s1], [sflag:$0x2] =	stream.linear.gather [hbm4b:s13+s3], $0x80, $0x38;
	[tilespmem:$0x1C980] =	vst v63  }
0xa4: {  	s15 =	simm.s32 $0x680;
	s20 =	simm.s32 $0x1C0;
	s18 =	simm.s32 $0x400  }
0xa5: {  	[tilespmem:s29], [sflag:$0x1] =	stream.indirect.gather [hbm4b:s4+s31], $0x80, s20, s31, $0xb8;
	[tilespmem:$0x1C980] =	vst v63  }
0xa6: {  	s14 =	simm.s32 $0x500;
	s13 =	simm.s32 $0x280;
	_ =	swait.ge [sflag:s9], $0x2000  }
.LBB2_4:
0xa7: {  	s20 =	sand.u32 $0x1FC00, s18  }
0xa8: {  	[sflag:s9] =	ssyncset.done $0x0;
	s17 =	smov.u32 s15;
	s19 =	sadd.s32 $0x180, s15  }
0xa9: {  	s18 =	sand.u32 $0x380, s18;
	s20 =	sadd.s32 s8, s20;
	[sflag:s9] =	ssyncadd.s32 $0xFFFFE000  }
0xaa: {  	p0 =	sne.s32 s15, $0x4E80;
	s15 =	sor.u32 s18, s20;
	_ =	swait.ge [sflag:s10], $0x80  }
0xab: {  	s15 =	sshrl.u32 s15, $0x3;
	[sflag:s10] =	ssyncset.done $0x0  }
0xac: {  	[sflag:s10] =	ssyncadd.s32 $0xFFFFFF80  }
0xad: {  	[spmem:s2] =	stream.indirect.scatter.add.f32 [tilespmem:s7], [sflag:$0x3], $0x80, s0, s31, $0xb8;
	[tilespmem:$0x1C980] =	vst v63  }
0xae: {  	_ =	swait.ge [sflag:s11], $0x2000  }
0xaf: {  	s15 =	sadd.s32 s5, s15;
	[sflag:s11] =	ssyncset.done $0x0  }
0xb0: {  	[sflag:s11] =	ssyncadd.s32 $0xFFFFE000  }
0xb1: {  	[tilespmem:s0], [sflag:$0x2] =	stream.linear.gather [hbm4b:s15+s3], $0x80, $0x38;
	[tilespmem:$0x1C980] =	vst v63  }
0xb2: {  	s15 =	sadd.s32 $0xFFFFFF80, s13  }
0xb3: {  	[tilespmem:s7], [sflag:$0x1] =	stream.indirect.gather [hbm4b:s4+s31], $0x80, s15, s31, $0xb8;
	[tilespmem:$0x1C980] =	vst v63  }
0xb4: {  	_ =	swait.ge [sflag:s9], $0x2000  }
0xb5: {  	[sflag:s9] =	ssyncset.done $0x0  }
0xb6: {  	[sflag:s9] =	ssyncadd.s32 $0xFFFFE000  }
0xb7: {  	s15 =	sadd.s32 $0xFFFFFF80, s14;
	_ =	swait.ge [sflag:s10], $0x80  }
0xb8: {  	s18 =	sand.u32 $0x1FC00, s15;
	[sflag:s10] =	ssyncset.done $0x0  }
0xb9: {  	s15 =	sand.u32 $0x380, s15;
	s18 =	sadd.s32 s8, s18;
	[sflag:s10] =	ssyncadd.s32 $0xFFFFFF80  }
0xba: {  	[spmem:s2] =	stream.indirect.scatter.add.f32 [tilespmem:s25], [sflag:$0x3], $0x80, s30, s31, $0xb8;
	[tilespmem:$0x1C980] =	vst v63  }
0xbb: {  	s15 =	sor.u32 s15, s18;
	_ =	swait.ge [sflag:s11], $0x2000  }
0xbc: {  	s15 =	sshrl.u32 s15, $0x3;
	[sflag:s11] =	ssyncset.done $0x0  }
0xbd: {  	s15 =	sadd.s32 s5, s15;
	[sflag:s11] =	ssyncadd.s32 $0xFFFFE000  }
0xbe: {  	[tilespmem:s30], [sflag:$0x2] =	stream.linear.gather [hbm4b:s15+s3], $0x80, $0x38;
	[tilespmem:$0x1C980] =	vst v63  }
0xbf: {  	s15 =	sadd.s32 $0xFFFFFFC0, s13  }
0xc0: {  	[tilespmem:s25], [sflag:$0x1] =	stream.indirect.gather [hbm4b:s4+s31], $0x80, s15, s31, $0xb8;
	[tilespmem:$0x1C980] =	vst v63  }
0xc1: {  	_ =	swait.ge [sflag:s9], $0x2000  }
0xc2: {  	[sflag:s9] =	ssyncset.done $0x0  }
0xc3: {  	[sflag:s9] =	ssyncadd.s32 $0xFFFFE000  }
0xc4: {  	_ =	swait.ge [sflag:s10], $0x80  }
0xc5: {  	[sflag:s10] =	ssyncset.done $0x0  }
0xc6: {  	s18 =	sand.u32 $0x380, s14;
	s15 =	sand.u32 $0x1FC00, s14;
	[sflag:s10] =	ssyncadd.s32 $0xFFFFFF80  }
0xc7: {  	[spmem:s2] =	stream.indirect.scatter.add.f32 [tilespmem:s29], [sflag:$0x3], $0x80, s1, s31, $0xb8;
	[tilespmem:$0x1C980] =	vst v63  }
0xc8: {  	s14 =	smov.u32 s17;
	s15 =	sadd.s32 s8, s15;
	_ =	swait.ge [sflag:s11], $0x2000  }
0xc9: {  	s15 =	sor.u32 s18, s15;
	[sflag:s11] =	ssyncset.done $0x0  }
0xca: {  	s15 =	sshrl.u32 s15, $0x3;
	[sflag:s11] =	ssyncadd.s32 $0xFFFFE000  }
.Ltmp1:
0xcb: {  	s15 =	sadd.s32 s5, s15;
	(pc) =	sbr.rel @p0 .LBB2_4-.Ltmp1, $4  }
0xcc: {  	[tilespmem:s1], [sflag:$0x2] =	stream.linear.gather [hbm4b:s15+s3], $0x80, $0x38;
	[tilespmem:$0x1C980] =	vst v63  }
0xcd: {  	s18 =	sadd.s32 $0xFFFFFF00, s14  }
0xce: {  	[tilespmem:s29], [sflag:$0x1] =	stream.indirect.gather [hbm4b:s4+s31], $0x80, s13, s31, $0xb8;
	[tilespmem:$0x1C980] =	vst v63  }
0xcf: {  	s15 =	smov.u32 s19;
	s13 =	sadd.s32 $0xC0, s13;
	_ =	swait.ge [sflag:s9], $0x2000  }
0xd0: {  	[sflag:s9] =	ssyncset.done $0x0  }
0xd1: {  	[sflag:s9] =	ssyncadd.s32 $0xFFFFE000  }
0xd2: {  	_ =	swait.ge [sflag:s10], $0x80  }
0xd3: {  	s15 =	sand.u32 $0x1FC00, s18;
	[sflag:s10] =	ssyncset.done $0x0  }
0xd4: {  	s17 =	sand.u32 $0x380, s18;
	s15 =	sadd.s32 s8, s15;
	[sflag:s10] =	ssyncadd.s32 $0xFFFFFF80  }
0xd5: {  	[spmem:s2] =	stream.indirect.scatter.add.f32 [tilespmem:s7], [sflag:$0x3], $0x80, s0, s31, $0xb8;
	[tilespmem:$0x1C980] =	vst v63  }
0xd6: {  	s15 =	sor.u32 s17, s15;
	_ =	swait.ge [sflag:s11], $0x2000  }
0xd7: {  	s15 =	sshrl.u32 s15, $0x3;
	[sflag:s11] =	ssyncset.done $0x0  }
0xd8: {  	s15 =	sadd.s32 s5, s15;
	[sflag:s11] =	ssyncadd.s32 $0xFFFFE000  }
0xd9: {  	[tilespmem:s0], [sflag:$0x2] =	stream.linear.gather [hbm4b:s15+s3], $0x80, $0x38;
	[tilespmem:$0x1C980] =	vst v63  }
0xda: {  	s17 =	sadd.s32 $0xFFFFFF80, s13  }
0xdb: {  	[tilespmem:s7], [sflag:$0x1] =	stream.indirect.gather [hbm4b:s4+s31], $0x80, s17, s31, $0xb8;
	[tilespmem:$0x1C980] =	vst v63  }
0xdc: {  	_ =	swait.ge [sflag:s9], $0x2000  }
0xdd: {  	[sflag:s9] =	ssyncset.done $0x0  }
0xde: {  	[sflag:s9] =	ssyncadd.s32 $0xFFFFE000  }
0xdf: {  	s18 =	sadd.s32 $0xFFFFFF80, s14;
	_ =	swait.ge [sflag:s10], $0x80  }
0xe0: {  	s19 =	sand.u32 $0x1FC00, s18;
	[sflag:s10] =	ssyncset.done $0x0  }
0xe1: {  	s15 =	sand.u32 $0x380, s18;
	s17 =	sadd.s32 s8, s19;
	[sflag:s10] =	ssyncadd.s32 $0xFFFFFF80  }
0xe2: {  	[spmem:s2] =	stream.indirect.scatter.add.f32 [tilespmem:s25], [sflag:$0x3], $0x80, s30, s31, $0xb8;
	[tilespmem:$0x1C980] =	vst v63  }
0xe3: {  	s15 =	sor.u32 s15, s17;
	_ =	swait.ge [sflag:s11], $0x2000  }
0xe4: {  	s15 =	sshrl.u32 s15, $0x3;
	[sflag:s11] =	ssyncset.done $0x0  }
0xe5: {  	s15 =	sadd.s32 s5, s15;
	[sflag:s11] =	ssyncadd.s32 $0xFFFFE000  }
0xe6: {  	[tilespmem:s30], [sflag:$0x2] =	stream.linear.gather [hbm4b:s15+s3], $0x80, $0x38;
	[tilespmem:$0x1C980] =	vst v63  }
0xe7: {  	s20 =	sadd.s32 $0xFFFFFFC0, s13  }
0xe8: {  	[tilespmem:s25], [sflag:$0x1] =	stream.indirect.gather [hbm4b:s4+s31], $0x80, s20, s31, $0xb8;
	[tilespmem:$0x1C980] =	vst v63  }
0xe9: {  	_ =	swait.ge [sflag:s9], $0x2000  }
0xea: {  	[sflag:s9] =	ssyncset.done $0x0  }
0xeb: {  	[sflag:s9] =	ssyncadd.s32 $0xFFFFE000  }
0xec: {  	_ =	swait.ge [sflag:s10], $0x80  }
0xed: {  	s17 =	sand.u32 $0x1FC00, s14;
	[sflag:s10] =	ssyncset.done $0x0  }
0xee: {  	s18 =	sand.u32 $0x380, s14;
	s15 =	sadd.s32 s8, s17;
	[sflag:s10] =	ssyncadd.s32 $0xFFFFFF80  }
0xef: {  	[spmem:s2] =	stream.indirect.scatter.add.f32 [tilespmem:s29], [sflag:$0x3], $0x80, s1, s31, $0xb8;
	[tilespmem:$0x1C980] =	vst v63  }
0xf0: {  	s14 =	sor.u32 s18, s15;
	_ =	swait.ge [sflag:s11], $0x2000  }
0xf1: {  	s14 =	sshrl.u32 s14, $0x3;
	[sflag:s11] =	ssyncset.done $0x0  }
0xf2: {  	s14 =	sadd.s32 s5, s14;
	[sflag:s11] =	ssyncadd.s32 $0xFFFFE000  }
0xf3: {  	[tilespmem:s1], [sflag:$0x2] =	stream.linear.gather [hbm4b:s14+s3], $0x80, $0x38;
	[tilespmem:$0x1C980] =	vst v63  }
0xf4: {  	_ = 	snop  }
0xf5: {  	[tilespmem:s29], [sflag:$0x1] =	stream.indirect.gather [hbm4b:s4+s31], $0x80, s13, s31, $0xb8;
	[tilespmem:$0x1C980] =	vst v63  }
0xf6: {  	_ =	swait.ge [sflag:s9], $0x2000  }
0xf7: {  	[sflag:s9] =	ssyncset.done $0x0  }
0xf8: {  	[sflag:s9] =	ssyncadd.s32 $0xFFFFE000  }
0xf9: {  	_ =	swait.ge [sflag:s10], $0x80  }
0xfa: {  	[sflag:s10] =	ssyncset.done $0x0  }
0xfb: {  	[sflag:s10] =	ssyncadd.s32 $0xFFFFFF80  }
0xfc: {  	[spmem:s2] =	stream.indirect.scatter.add.f32 [tilespmem:s7], [sflag:$0x3], $0x80, s0, s31, $0xb8;
	[tilespmem:$0x1C980] =	vst v63  }
0xfd: {  	_ =	swait.ge [sflag:s9], $0x2000  }
0xfe: {  	[sflag:s9] =	ssyncset.done $0x0  }
0xff: {  	[sflag:s9] =	ssyncadd.s32 $0xFFFFE000  }
0x100: {  	_ =	swait.ge [sflag:s10], $0x80  }
0x101: {  	[sflag:s10] =	ssyncset.done $0x0  }
0x102: {  	[sflag:s10] =	ssyncadd.s32 $0xFFFFFF80  }
0x103: {  	[spmem:s2] =	stream.indirect.scatter.add.f32 [tilespmem:s25], [sflag:$0x3], $0x80, s30, s31, $0xb8;
	[tilespmem:$0x1C980] =	vst v63  }
0x104: {  	_ =	swait.ge [sflag:s9], $0x2000  }
0x105: {  	[sflag:s9] =	ssyncset.done $0x0  }
0x106: {  	[sflag:s9] =	ssyncadd.s32 $0xFFFFE000  }
0x107: {  	_ =	swait.ge [sflag:s10], $0x80  }
0x108: {  	[sflag:s10] =	ssyncset.done $0x0  }
0x109: {  	[sflag:s10] =	ssyncadd.s32 $0xFFFFFF80  }
0x10a: {  	[spmem:s2] =	stream.indirect.scatter.add.f32 [tilespmem:s29], [sflag:$0x3], $0x80, s1, s31, $0xb8;
	[tilespmem:$0x1C980] =	vst v63  }
0x10b: {  	_ =	swait.ge [sflag:s11], $0x2000  }
0x10c: {  	[sflag:s11] =	ssyncset.done $0x0  }
0x10d: {  	[sflag:s11] =	ssyncadd.s32 $0xFFFFE000  }
0x10e: {  	_ =	swait.ge [sflag:s11], $0x2000  }
0x10f: {  	[sflag:s11] =	ssyncset.done $0x0  }
0x110: {  	[sflag:s11] =	ssyncadd.s32 $0xFFFFE000  }
0x111: {  	s12 =	sadd.s32 $0x1, s12;
	_ =	swait.ge [sflag:s11], $0x2000  }
0x112: {  	p0 =	sne.s32 s12, s24;
	s19 =	stileid.u32;
	[sflag:s11] =	ssyncset.done $0x0  }
0x113: {  	s20 =	sshrl.u32 s6, $0x3;
	s13 =	sshll.u32 s19, $0x6;
	[sflag:s11] =	ssyncadd.s32 $0xFFFFE000  }
.Ltmp2:
0x114: {  	s13 =	sor.u32 $0x1C04, s13;
	[bflag:$0x0] =	sbarrier.arrive $0xFFFF;
	(pc) =	sbr.rel @p0 .LBB2_1-.Ltmp2, $4  }
0x115: {  	[hbm:s23], [sflag:s13] =	dma.local [spmem:s20], $0x2800  }
0x116: {  	_ =	swait.ge [sflag:s26], $0x2800  }
0x117: {  	[sflag:s26] =	ssyncset.done $0x0  }
0x118: {  	[sflag:s26] =	ssyncadd.s32 $0xFFFFD800  }
0x119: {  	_ =	sfence.sel $0x180000  }
0x11a: {  	[bflag:$0x0] =	sbarrier.arrive $0xFFFF  }
0x11b: {  	_ =	strace $0x9000004A  }
0x11c: {  	s0 =	stileid.u32;
	[bflag:$0x2] =	sbarrier.arrive $0xFFFF  }
0x11d: {  	p0 =	sne.s32 s0, $0x0;
	s0 =	rddreg [dreg:$0x2]  }
0x11e: {  	s0 =	sadd.s32 @!p0 $0x100000, s0  }
0x11f: {  	[sflag:s0] =	ssyncadd.tile.s32 @!p0 $0x1;
	_ =	shalt  }
.Lfunc_end2:
_tile_overlayer_lowered:
.L_overlay_start_2:
0x120: {  	(tag) =	ssettag $0x2  }
0x121: {  	s0 =	rddreg [dreg:$0x0];
	s2 =	stileid.u32  }
0x122: {  	s1 =	rddreg [dreg:$0x1];
	p0 =	sne.s32 s2, $0x0  }
0x123: {  	s3 =	rddreg [dreg:$0x2];
	[bflag:$0x3] =	sbarrier.arrive $0xFFFF;
	s2 =	simm.s32 @!p0 $0x1C04  }
0x124: {  	[timem:s3], [sflag:s2] =	dma.local @!p0 [hbm:s0], s1  }
0x125: {  	s0 =	simm.s32 @!p0 $0x4  }
0x126: {  	_ =	swait.ge @!p0 [sflag:s0], s1  }
0x127: {  	s1 =	ssub.s32 @!p0 $0x0, s1;
	[sflag:s0] =	ssyncset.done @!p0 $0x0  }
0x128: {  	[sflag:s0] =	ssyncadd.s32 @!p0 s1  }
0x129: {  	[bflag:$0x3] =	sbarrier.arrive $0xFFFF  }
0x12a: {  	_ =	shalt  }

// kernel: kernel.14.cloned.1.call-start
scs
__scs_entry_jumppad:
0x0: {  	(pc) =	sbr.rel $0x88, $3  }
0x1: {  	(tag) =	ssettag $0x0;
	lr =	simm.s32 $0x1  }
0x2: {  	[smem:$0x3F87] =	sst lr;
	_ =	strace $0xD0000000  }
0x3: {  	_ = 	snop  }
0x4: {  	_ = 	snop  }
0x5: {  	_ = 	snop  }
0x6: {  	_ = 	snop  }
0x7: {  	_ = 	snop  }
__scs_overlays_trampoline_lowered:
0x8: {  	[smem:$0x3F96] =	sst s0  }
0x9: {  	[smem:$0x3F97] =	sst s1  }
0xa: {  	[smem:$0x3F98] =	sst s2  }
0xb: {  	[smem:$0x3F99] =	sst s3  }
0xc: {  	[smem:$0x3F9A] =	sst s4  }
0xd: {  	[smem:$0x3F9B] =	sst s5  }
0xe: {  	[smem:$0x3F9C] =	sst s6  }
0xf: {  	[smem:$0x3F9D] =	sst s7  }
0x10: {  	[smem:$0x3F9E] =	sst s8  }
0x11: {  	[smem:$0x3F9F] =	sst s9;
	s0 =	simm.s32 @!p0 $0x0  }
0x12: {  	s1 =	sld [smem:$0x3F85];
	s0 =	simm.s32 @p0 $0x1  }
0x13: {  	[smem:$0x3FA0] =	sst s0;
	s0 =	simm.s32 @!p1 $0x0  }
0x14: {  	s2 =	sld [smem:$0x3F84];
	s0 =	simm.s32 @p1 $0x1  }
0x15: {  	[smem:$0x3FA1] =	sst s0;
	s0 =	simm.s32 @!p2 $0x0  }
0x16: {  	s3 =	sld [smem:$0x3FDB];
	s0 =	simm.s32 @p2 $0x1  }
0x17: {  	s4 =	simm.s32 $0x1BF5;
	[smem:$0x3FA3] =	sst s0  }
0x18: {  	s0 =	sld [smem:$0x3F86];
	_ =	swait.ge [sflag:s4], $0x0  }
0x19: {  	s7 =	sld [smem:$0x3F87]  }
0x1a: {  	s8 =	sadd.s32 $0xFFFFE003, lr  }
0x1b: {  	s9 =	sadd.s32 $0xFFFFFEF7, lr;
	s5 =	simm.s32 $0xFFFFFFFF;
	p2 =	slt.u32 s8, $0xFFFFF086  }
0x1c: {  	p1 =	slt.u32 s9, $0xF7A;
	s5 =	simm.s32 @!p2 $0x0  }
0x1d: {  	s5 =	simm.s32 @p1 $0x1;
	p0 =	seq.s32 s7, s2  }
0x1e: {  	s7 =	smul.u32 @!p0 $0xF7A, s2;
	p2 =	seq.s32 @!p0 s5, $0x0  }
0x1f: {  	s9 =	smul.u32 $0xF7A, s1;
	s8 =	simm.s32 @!p0 $0x1BF5;
	p2 =	por !p2, p0  }
0x20: {  	[sflag:s8] =	ssyncset.s32 @!p0 $0xFFFFF086;
	s6 =	sadd.s32 @!p0 s3, s7;
	s7 =	simm.s32 @!p0 $0x108  }
0x21: {  	s3 =	sadd.s32 s3, s9;
	s6 =	sadd.s32 @!p0 $0x88, s6;
	s7 =	simm.s32 @p2 $0x1082  }
0x22: {  	[simem:s7], [sflag:s8] =	dma.local @!p0 [hbm:s6], $0xF7A  }
0x23: {  	s9 =	sor.u32 $0xD0000000, s2;
	s6 =	simm.s32 $0x108;
	_ =	swait.ge @!p0 [sflag:s8], $0x0  }
0x24: {  	s3 =	sadd.s32 $0x88, s3;
	s6 =	simm.s32 @!p1 $0x1082;
	[sflag:s4] =	ssyncset.s32 $0xFFFFF086  }
0x25: {  	[simem:s6], [sflag:s4] =	dma.local [hbm:s3], $0xF7A  }
0x26: {  	[smem:$0x3F87] =	sst s1;
	(tag) =	ssettag s2;
	_ =	strace s9  }
0x27: {  	s1 =	sld [smem:$0x3F97]  }
0x28: {  	s2 =	sld [smem:$0x3F98]  }
0x29: {  	s4 =	sld [smem:$0x3F9A]  }
0x2a: {  	p0 =	seq.s32 s5, $0x0;
	s5 =	sld [smem:$0x3F9B]  }
0x2b: {  	s6 =	sld [smem:$0x3F9C]  }
0x2c: {  	s7 =	sld [smem:$0x3F9D]  }
0x2d: {  	s3 =	simm.s32 $0x108;
	s8 =	sld [smem:$0x3F9E]  }
0x2e: {  	s3 =	simm.s32 @!p0 $0x1082;
	s9 =	sld [smem:$0x3F9F]  }
0x2f: {  	lr =	sadd.s32 s0, s3;
	s0 =	sld [smem:$0x3F96]  }
0x30: {  	s3 =	sld [smem:$0x3F99]  }
0x31: {  	[smem:$0x3FA2] =	sst s10  }
0x32: {  	s10 =	sld [smem:$0x3FA0];
	_ =	sdelay $0x3  }
0x33: {  	p0 =	seq.s32 s10, $0x1;
	s10 =	sld [smem:$0x3FA2];
	_ =	sdelay $0x3  }
0x34: {  	[smem:$0x3FA2] =	sst s10  }
0x35: {  	s10 =	sld [smem:$0x3FA1];
	_ =	sdelay $0x3  }
0x36: {  	p1 =	seq.s32 s10, $0x1;
	s10 =	sld [smem:$0x3FA2];
	_ =	sdelay $0x3  }
0x37: {  	[smem:$0x3FA2] =	sst s10  }
0x38: {  	s10 =	sld [smem:$0x3FA3]  }
0x39: {  	_ = 	snop;
	(pc) =	sbr.ind lr, $3  }
0x3a: {  	_ = 	snop  }
0x3b: {  	_ = 	snop  }
0x3c: {  	p2 =	seq.s32 s10, $0x1;
	s10 =	sld [smem:$0x3FA2]  }
0x3d: {  	_ =	shalt  }
0x3e: {  	_ =	shalt  }
0x3f: {  	_ =	shalt  }
0x40: {  	_ =	shalt  }
0x41: {  	_ =	shalt  }
0x42: {  	_ =	shalt  }
0x43: {  	_ =	shalt  }
0x44: {  	_ =	shalt  }
0x45: {  	_ =	shalt  }
0x46: {  	_ =	shalt  }
0x47: {  	_ =	shalt  }
0x48: {  	_ =	shalt  }
0x49: {  	_ =	shalt  }
0x4a: {  	_ =	shalt  }
0x4b: {  	_ =	shalt  }
0x4c: {  	_ =	shalt  }
0x4d: {  	_ =	shalt  }
0x4e: {  	_ =	shalt  }
0x4f: {  	_ =	shalt  }
0x50: {  	_ =	shalt  }
0x51: {  	_ =	shalt  }
0x52: {  	_ =	shalt  }
0x53: {  	_ =	shalt  }
0x54: {  	_ =	shalt  }
0x55: {  	_ =	shalt  }
0x56: {  	_ =	shalt  }
0x57: {  	_ =	shalt  }
0x58: {  	_ =	shalt  }
0x59: {  	_ =	shalt  }
0x5a: {  	_ =	shalt  }
0x5b: {  	_ =	shalt  }
0x5c: {  	_ =	shalt  }
0x5d: {  	_ =	shalt  }
0x5e: {  	_ =	shalt  }
0x5f: {  	_ =	shalt  }
0x60: {  	_ =	shalt  }
0x61: {  	_ =	shalt  }
0x62: {  	_ =	shalt  }
0x63: {  	_ =	shalt  }
0x64: {  	_ =	shalt  }
0x65: {  	_ =	shalt  }
0x66: {  	_ =	shalt  }
0x67: {  	_ =	shalt  }
0x68: {  	_ =	shalt  }
0x69: {  	_ =	shalt  }
0x6a: {  	_ =	shalt  }
0x6b: {  	_ =	shalt  }
0x6c: {  	_ =	shalt  }
0x6d: {  	_ =	shalt  }
0x6e: {  	_ =	shalt  }
0x6f: {  	_ =	shalt  }
0x70: {  	_ =	shalt  }
0x71: {  	_ =	shalt  }
0x72: {  	_ =	shalt  }
0x73: {  	_ =	shalt  }
0x74: {  	_ =	shalt  }
0x75: {  	_ =	shalt  }
0x76: {  	_ =	shalt  }
0x77: {  	_ =	shalt  }
0x78: {  	_ =	shalt  }
0x79: {  	_ =	shalt  }
0x7a: {  	_ =	shalt  }
0x7b: {  	_ =	shalt  }
0x7c: {  	_ =	shalt  }
0x7d: {  	_ =	shalt  }
0x7e: {  	_ =	shalt  }
0x7f: {  	_ =	shalt  }
0x80: {  	_ =	shalt  }
0x81: {  	_ =	shalt  }
0x82: {  	_ =	shalt  }
0x83: {  	_ =	shalt  }
0x84: {  	_ =	shalt  }
0x85: {  	_ =	shalt  }
0x86: {  	_ =	shalt  }
0x87: {  	_ =	shalt  }
.Lfunc_end0:
.L_simem_size_0:
called_computation.2_lowered:
.L_overlay_start_0:
0x88: {  	s2 =	sld [smem:$0x3FD9]  }
0x89: {  	s3 =	sld [smem:$0x3FFE];
	_ =	sdelay $0x1  }
0x8a: {  	s1 =	srdreg.scid  }
0x8b: {  	s0 =	sand.u32 $0x1, s1  }
0x8c: {  	s17 =	sshll.u32 s0, $0xA;
	s2 =	sadd.s32 s3, s2  }
0x8d: {  	s2 =	sadd.s32 s2, s17  }
0x8e: {  	[smem:$0x3FAE] =	sst s2  }
0x8f: {  	_ = 	snop  }
0x90: {  	s2 =	sld [smem:$0x3FD0];
	(tm) =	ssettm $0x1  }
0x91: {  	s18 =	sld [smem:$0x3FFB];
	_ =	sdelay $0x3  }
0x92: {  	_ =	strace s18  }
0x93: {  	s3 =	sld [smem:$0x3FFC];
	_ =	sdelay $0x3  }
0x94: {  	_ =	strace s3  }
0x95: {  	s3 =	sld [smem:$0x3FFD];
	_ =	sdelay $0x3  }
0x96: {  	_ =	strace s3  }
0x97: {  	_ =	strace $0x8FFFFFFF  }
0x98: {  	s19 =	sld [smem:$0x3FDB];
	_ =	sdelay $0x1  }
0x99: {  	s4 =	simm.s32 $_scs_section_size  }
0x9a: {  	s5 =	simm.s32 $_size__tile_overlayer_lowered;
	s6 =	simm.s32 $_tile_overlayer_lowered  }
0x9b: {  	s22 =	simm.s32 $0x1BFF;
	s21 =	sshll.u32 s6, $0x1;
	s3 =	sadd.s32 s4, s19  }
0x9c: {  	s7 =	simm.s32 $0x0;
	s20 =	sshll.u32 s5, $0x1;
	s5 =	sadd.s32 s21, s3  }
0x9d: {  	[timem:s7], [sflag:s22] =	dma.local [hbm:s5], s20  }
0x9e: {  	_ =	swait.ge [sflag:s22], s20  }
0x9f: {  	s4 =	ssub.s32 $0x0, s20;
	[sflag:s22] =	ssyncset.done $0x0  }
0xa0: {  	[sflag:s22] =	ssyncadd.s32 s4;
	_ =	sdelay $0x1  }
0xa1: {  	s23 =	simm.s32 $0x1B8B  }
0xa2: {  	_ =	swait.ge [sflag:s23], $0x1  }
0xa3: {  	[sflag:s23] =	ssyncset.done $0x0  }
0xa4: {  	s25 =	simm.s32 $0x1B8E;
	s24 =	sld [smem:$0x3FFE];
	[sflag:s23] =	ssyncadd.s32 $0xFFFFFFFF  }
0xa5: {  	s26 =	simm.s32 $execute0_lowered;
	[smem:$0x3FD2] =	sst s25  }
0xa6: {  	s5 =	sshll.u32 s26, $0x1;
	_ =	strace $0x8000004C;
	[dreg:$0x1] =	wrdreg $0xFFFFFFFF  }
0xa7: {  	s28 =	simm.s32 $_size_execute0_lowered;
	s3 =	sadd.s32 s3, s5;
	[dreg:$0x0] =	wrdreg $0x0  }
0xa8: {  	s5 =	sshll.u32 s28, $0x1;
	[dreg:$0x2] =	wrdreg s3  }
0xa9: {  	[dreg:$0x3] =	wrdreg s5  }
0xaa: {  	[dreg:$0x4] =	wrdreg $0xC0  }
0xab: {  	_ =	task [dreg:s7], $0x5FFFF  }
0xac: {  	[dreg:$0x1] =	wrdreg $0xFFFFFFFF  }
0xad: {  	[dreg:$0x0] =	wrdreg $0x60  }
0xae: {  	[dreg:$0x2] =	wrdreg s2  }
0xaf: {  	[dreg:$0x3] =	wrdreg s24  }
0xb0: {  	[dreg:$0x4] =	wrdreg $0x89800  }
0xb1: {  	[dreg:$0x5] =	wrdreg $0x9  }
0xb2: {  	_ =	task.clear_ibuf [dreg:s7], $0x6FFFF;
	_ =	strace $0x9000004C  }
0xb3: {  	s29 =	simm.s32 $0x9;
	_ =	strace $0x8000004E  }
0xb4: {  	_ =	swait.ge [sflag:s29], $0x1  }
0xb5: {  	[sflag:s29] =	ssyncadd.s32 $0xFFFFFFFF  }
0xb6: {  	_ =	strace $0x9000004E  }
0xb7: {  	_ =	sfence  }
0xb8: {  	s30 =	sld [smem:$0x0];
	_ =	sdelay $0x2  }
0xb9: {  	s31 =	sshll.u32 s1, $0xD;
	s1 =	sshrl.u32 s1, $0x2  }
0xba: {  	s3 =	sand.u32 $0x4000, s31;
	s1 =	sadd.s32 s1, s30  }
0xbb: {  	s0 =	sor.u32 s3, s0;
	s1 =	sshll.u32 s1, $0x11  }
0xbc: {  	s0 =	sor.u32 s1, s0  }
0xbd: {  	s0 =	sadd.s32 $0x8F2B, s0  }
0xbe: {  	[sflag:s0] =	ssyncadd.remote.s32 $0x1  }
0xbf: {  	_ =	sfence.sel $0xFFFF  }
0xc0: {  	[dreg:$0x0] =	wrdreg $0xFFFFFFFF;
	(pc) =	sbr.abs _section_cstart, $3  }
0xc1: {  	[dreg:$0x1] =	wrdreg $0xFFFFFFFF  }
0xc2: {  	_ =	task.clear_ibuf [dreg:s7], $0x2FFFF;
	_ =	strace $0x9FFFFFFF  }
0xc3: {  	(tm) =	ssettm $0x7FFFFFFF  }
tec
execute0_lowered:
.L_overlay_start_1:
0x0: {  	(tag) =	ssettag $0x1  }
0x1: {  	s0 =	srdreg.scid  }
0x2: {  	s0 =	sand.u32 $0x1, s0  }
0x3: {  	s9 =	stileid.u32;
	s2 =	sshll.u32 s0, $0x4  }
0x4: {  	s2 =	sor.u32 s9, s2  }
0x5: {  	s1 =	rddreg [dreg:$0x0];
	s12 =	smul.u32 $0x14000, s9;
	s4 =	sshrl.u32 s2, $0x3  }
0x6: {  	s6 =	rddreg [dreg:$0x1];
	s7 =	sshll.u32 s9, $0x7;
	s5 =	smul.u32 $0x13C00, s4  }
0x7: {  	s3 =	rddreg [dreg:$0x2];
	s7 =	sand.u32 $0x380, s7;
	s8 =	smul.u32 $0x140000, s0  }
0x8: {  	s28 =	simm.s32 $0x80;
	s9 =	smul.u32 $0x50000, s9;
	s5 =	sor.u32 s7, s5  }
0x9: {  	s4 =	simm.s32 $0x0;
	s7 =	sadd.s32 s12, s8;
	s5 =	sshrl.u32 s5, $0x3  }
0xa: {  	s13 =	sshrl.u32 s9, $0x2;
	s7 =	sshrl.u32 s7, $0x3;
	s10 =	sadd.s32 s5, s6  }
0xb: {  	s5 =	sadd.s32 $0x2D600, s6;
	s7 =	sadd.s32 s7, s6;
	s6 =	sadd.s32 s13, s3  }
0xc: {  	s30 =	simm.s32 $0x2780;
	[smem:$0x7FF] =	sst s4;
	s8 =	sadd.s32 $0x2000, s6  }
0xd: {  	_ =	strace $0x8000004D;
	s15 =	sadd.s32 $0x4000, s6;
	[dreg:$0x4] =	wrdreg s8  }
0xe: {  	s31 =	simm.s32 $0x40;
	s16 =	sadd.s32 $0x6000, s6;
	[dreg:$0x5] =	wrdreg s15  }
0xf: {  	s29 =	simm.s32 $0x4980;
	s17 =	sadd.s32 $0x8000, s6;
	[dreg:$0x6] =	wrdreg s16  }
0x10: {  	s11 =	simm.s32 $0x3;
	s18 =	sadd.s32 $0xA000, s6;
	[dreg:$0x7] =	wrdreg s17  }
0x11: {  	s0 =	ssub.s32 $0x2, s0;
	s19 =	sadd.s32 $0xC000, s6;
	[dreg:$0x8] =	wrdreg s18  }
0x12: {  	s14 =	sshrl.u32 s0, $0x1;
	s21 =	sadd.s32 $0xE000, s6;
	[dreg:$0x9] =	wrdreg s19  }
0x13: {  	s0 =	ssub.s32 s0, s14;
	s22 =	sadd.s32 $0x10000, s6;
	[dreg:$0xa] =	wrdreg s21  }
0x14: {  	s9 =	simm.s32 $0x1;
	s23 =	sadd.s32 $0x12000, s6;
	[dreg:$0xb] =	wrdreg s22  }
0x15: {  	s24 =	sadd.s32 $0x23800, s10;
	s8 =	smul.u32 $0x5000, s2;
	[dreg:$0xc] =	wrdreg s23  }
0x16: {  	s12 =	simm.s32 $0x0;
	s10 =	simm.s32 $0x2;
	[dreg:$0xd] =	wrdreg s24  }
0x17: {  	s23 =	sadd.s32 $0x8FA00, s7;
	s24 =	smax.u32 s0, $0x1;
	s20 =	sshrl.u32 s8, $0x3  }
0x18: {  	s2 =	simm.s32 $0x2800;
	s0 =	simm.s32 $0x2880;
	s16 =	sadd.s32 s5, s20  }
0x19: {  	s7 =	simm.s32 $0x6980;
	s25 =	sadd.s32 $0x10, s16;
	s26 =	sadd.s32 $0x20, s16  }
0x1a: {  	s21 =	sadd.s32 $0x30, s16;
	s22 =	sadd.s32 $0x40, s16;
	[dreg:$0xe] =	wrdreg s25  }
0x1b: {  	v0 =	vimm.f32 $0.0e+00;
	[dreg:$0xf] =	wrdreg s26;
	s25 =	simm.s32 $0x2980;
	s26 =	simm.s32 $0x4  }
.LBB2_1:
0x1c: {  	s13 =	simm.s32 $0x0;
	s14 =	simm.s32 $0x200  }
.LBB2_2:
0x1d: {  	p0 =	sne.s32 s14, $0x7E00;
	[tilespmem:s13+$0x29F0] =	vst v0  }
0x1e: {  	[tilespmem:s13+$0x2980] =	vst v0  }
0x1f: {  	[tilespmem:s13+$0x2990] =	vst v0  }
.Ltmp0:
0x20: {  	[tilespmem:s13+$0x29A0] =	vst v0;
	(pc) =	sbr.rel @p0 .LBB2_2-.Ltmp0, $4  }
0x21: {  	[tilespmem:s13+$0x29B0] =	vst v0  }
0x22: {  	[tilespmem:s13+$0x29C0] =	vst v0  }
0x23: {  	[tilespmem:s13+$0x29D0] =	vst v0  }
0x24: {  	[tilespmem:s13+$0x29E0] =	vst v0;
	s13 =	sshra.s32 s14, $0x2;
	s14 =	sadd.s32 $0x200, s14  }
0x25: {  	[tilespmem:s13+$0x29F0] =	vst v0  }
0x26: {  	[tilespmem:s13+$0x2980] =	vst v0  }
0x27: {  	[tilespmem:s13+$0x2990] =	vst v0  }
0x28: {  	[tilespmem:s13+$0x29A0] =	vst v0  }
0x29: {  	[tilespmem:s13+$0x29B0] =	vst v0  }
0x2a: {  	[tilespmem:s13+$0x29C0] =	vst v0  }
0x2b: {  	[tilespmem:s13+$0x29D0] =	vst v0  }
0x2c: {  	[tilespmem:s13+$0x29E0] =	vst v0  }
0x2d: {  	[spmem:s6] =	stream.linear.scatter [tilespmem:s25], [sflag:$0x4], $0x2000, $0x38;
	[tilespmem:$0x1C980] =	vst v63  }
0x2e: {  	_ =	swait.ge [sflag:s26], $0x2000  }
0x2f: {  	[sflag:s26] =	ssyncset.done $0x0  }
0x30: {  	s14 =	rddreg [dreg:$0x4];
	[sflag:s26] =	ssyncadd.s32 $0xFFFFE000  }
0x31: {  	[spmem:s14] =	stream.linear.scatter [tilespmem:s25], [sflag:$0x4], $0x2000, $0x38;
	[tilespmem:$0x1C980] =	vst v63  }
0x32: {  	_ =	swait.ge [sflag:s26], $0x2000  }
0x33: {  	[sflag:s26] =	ssyncset.done $0x0  }
0x34: {  	s15 =	rddreg [dreg:$0x5];
	[sflag:s26] =	ssyncadd.s32 $0xFFFFE000  }
0x35: {  	[spmem:s15] =	stream.linear.scatter [tilespmem:s25], [sflag:$0x4], $0x2000, $0x38;
	[tilespmem:$0x1C980] =	vst v63  }
0x36: {  	_ =	swait.ge [sflag:s26], $0x2000  }
0x37: {  	[sflag:s26] =	ssyncset.done $0x0  }
0x38: {  	s17 =	rddreg [dreg:$0x6];
	[sflag:s26] =	ssyncadd.s32 $0xFFFFE000  }
0x39: {  	[spmem:s17] =	stream.linear.scatter [tilespmem:s25], [sflag:$0x4], $0x2000, $0x38;
	[tilespmem:$0x1C980] =	vst v63  }
0x3a: {  	_ =	swait.ge [sflag:s26], $0x2000  }
0x3b: {  	[sflag:s26] =	ssyncset.done $0x0  }
0x3c: {  	s18 =	rddreg [dreg:$0x7];
	[sflag:s26] =	ssyncadd.s32 $0xFFFFE000  }
0x3d: {  	[spmem:s18] =	stream.linear.scatter [tilespmem:s25], [sflag:$0x4], $0x2000, $0x38;
	[tilespmem:$0x1C980] =	vst v63  }
0x3e: {  	_ =	swait.ge [sflag:s26], $0x2000  }
0x3f: {  	[sflag:s26] =	ssyncset.done $0x0  }
0x40: {  	s19 =	rddreg [dreg:$0x8];
	[sflag:s26] =	ssyncadd.s32 $0xFFFFE000  }
0x41: {  	[spmem:s19] =	stream.linear.scatter [tilespmem:s25], [sflag:$0x4], $0x2000, $0x38;
	[tilespmem:$0x1C980] =	vst v63  }
0x42: {  	_ =	swait.ge [sflag:s26], $0x2000  }
0x43: {  	[sflag:s26] =	ssyncset.done $0x0  }
0x44: {  	s20 =	rddreg [dreg:$0x9];
	[sflag:s26] =	ssyncadd.s32 $0xFFFFE000  }
0x45: {  	[spmem:s20] =	stream.linear.scatter [tilespmem:s25], [sflag:$0x4], $0x2000, $0x38;
	[tilespmem:$0x1C980] =	vst v63  }
0x46: {  	_ =	swait.ge [sflag:s26], $0x2000  }
0x47: {  	[sflag:s26] =	ssyncset.done $0x0  }
0x48: {  	s14 =	rddreg [dreg:$0xa];
	[sflag:s26] =	ssyncadd.s32 $0xFFFFE000  }
0x49: {  	[spmem:s14] =	stream.linear.scatter [tilespmem:s25], [sflag:$0x4], $0x2000, $0x38;
	[tilespmem:$0x1C980] =	vst v63  }
0x4a: {  	_ =	swait.ge [sflag:s26], $0x2000  }
0x4b: {  	[sflag:s26] =	ssyncset.done $0x0  }
0x4c: {  	s15 =	rddreg [dreg:$0xb];
	[sflag:s26] =	ssyncadd.s32 $0xFFFFE000  }
0x4d: {  	[spmem:s15] =	stream.linear.scatter [tilespmem:s25], [sflag:$0x4], $0x2000, $0x38;
	[tilespmem:$0x1C980] =	vst v63  }
0x4e: {  	_ =	swait.ge [sflag:s26], $0x2000  }
0x4f: {  	[sflag:s26] =	ssyncset.done $0x0  }
0x50: {  	s17 =	rddreg [dreg:$0xc];
	[sflag:s26] =	ssyncadd.s32 $0xFFFFE000  }
0x51: {  	[spmem:s17] =	stream.linear.scatter [tilespmem:s25], [sflag:$0x4], $0x2000, $0x38;
	[tilespmem:$0x1C980] =	vst v63  }
0x52: {  	_ =	swait.ge [sflag:s26], $0x2000  }
0x53: {  	[sflag:s26] =	ssyncset.done $0x0  }
0x54: {  	s14 =	simm.s32 $0x400;
	s18 =	rddreg [dreg:$0xd];
	[sflag:s26] =	ssyncadd.s32 $0xFFFFE000  }
0x55: {  	[tilespmem:s4], [sflag:$0x4] =	stream.strided.gather [hbm4b:s18+s28], $0x2780, s14, s28, $0x38;
	[tilespmem:$0x1C980] =	vst v63  }
0x56: {  	_ =	swait.ge [sflag:s26], $0x2780  }
0x57: {  	[sflag:s26] =	ssyncset.done $0x0  }
0x58: {  	[sflag:s26] =	ssyncadd.s32 $0xFFFFD880  }
0x59: {  	[bflag:$0x0] =	sbarrier.arrive $0xFFFF  }
0x5a: {  	[tilespmem:s30], [sflag:$0x2] =	stream.linear.gather [hbm4b:s16+s4], $0x80, $0x38;
	[tilespmem:$0x1C980] =	vst v63  }
0x5b: {  	_ = 	snop  }
0x5c: {  	[tilespmem:s25], [sflag:$0x1] =	stream.indirect.gather [hbm4b:s1+s31], $0x80, s4, s31, $0xb8;
	[tilespmem:$0x1C980] =	vst v63  }
0x5d: {  	s19 =	rddreg [dreg:$0xe]  }
0x5e: {  	[tilespmem:s2], [sflag:$0x2] =	stream.linear.gather [hbm4b:s19+s4], $0x80, $0x38;
	[tilespmem:$0x1C980] =	vst v63  }
0x5f: {  	_ = 	snop  }
0x60: {  	[tilespmem:s29], [sflag:$0x1] =	stream.indirect.gather [hbm4b:s1+s31], $0x80, s31, s31, $0xb8;
	[tilespmem:$0x1C980] =	vst v63  }
0x61: {  	s20 =	rddreg [dreg:$0xf]  }
0x62: {  	[tilespmem:s0], [sflag:$0x2] =	stream.linear.gather [hbm4b:s20+s4], $0x80, $0x38;
	[tilespmem:$0x1C980] =	vst v63  }
0x63: {  	_ = 	snop  }
0x64: {  	[tilespmem:s7], [sflag:$0x1] =	stream.indirect.gather [hbm4b:s1+s31], $0x80, s28, s31, $0xb8;
	[tilespmem:$0x1C980] =	vst v63  }
0x65: {  	_ =	swait.ge [sflag:s9], $0x2000  }
0x66: {  	[sflag:s9] =	ssyncset.done $0x0  }
0x67: {  	[sflag:s9] =	ssyncadd.s32 $0xFFFFE000  }
0x68: {  	_ =	swait.ge [sflag:s10], $0x80  }
0x69: {  	[sflag:s10] =	ssyncset.done $0x0  }
0x6a: {  	[sflag:s10] =	ssyncadd.s32 $0xFFFFFF80  }
0x6b: {  	[spmem:s3] =	stream.indirect.scatter.add.f32 [tilespmem:s25], [sflag:$0x3], $0x80, s30, s31, $0xb8;
	[tilespmem:$0x1C980] =	vst v63  }
0x6c: {  	_ =	swait.ge [sflag:s11], $0x2000  }
0x6d: {  	[sflag:s11] =	ssyncset.done $0x0  }
0x6e: {  	[sflag:s11] =	ssyncadd.s32 $0xFFFFE000  }
0x6f: {  	[tilespmem:s30], [sflag:$0x2] =	stream.linear.gather [hbm4b:s21+s4], $0x80, $0x38;
	[tilespmem:$0x1C980] =	vst v63  }
0x70: {  	s14 =	simm.s32 $0xC0  }
0x71: {  	[tilespmem:s25], [sflag:$0x1] =	stream.indirect.gather [hbm4b:s1+s31], $0x80, s14, s31, $0xb8;
	[tilespmem:$0x1C980] =	vst v63  }
0x72: {  	_ =	swait.ge [sflag:s9], $0x2000  }
0x73: {  	[sflag:s9] =	ssyncset.done $0x0  }
0x74: {  	[sflag:s9] =	ssyncadd.s32 $0xFFFFE000  }
0x75: {  	_ =	swait.ge [sflag:s10], $0x80  }
0x76: {  	[sflag:s10] =	ssyncset.done $0x0  }
0x77: {  	[sflag:s10] =	ssyncadd.s32 $0xFFFFFF80  }
0x78: {  	[spmem:s3] =	stream.indirect.scatter.add.f32 [tilespmem:s29], [sflag:$0x3], $0x80, s2, s31, $0xb8;
	[tilespmem:$0x1C980] =	vst v63  }
0x79: {  	_ =	swait.ge [sflag:s11], $0x2000  }
0x7a: {  	[sflag:s11] =	ssyncset.done $0x0  }
0x7b: {  	[sflag:s11] =	ssyncadd.s32 $0xFFFFE000  }
0x7c: {  	[tilespmem:s2], [sflag:$0x2] =	stream.linear.gather [hbm4b:s22+s4], $0x80, $0x38;
	[tilespmem:$0x1C980] =	vst v63  }
0x7d: {  	s15 =	simm.s32 $0x100  }
0x7e: {  	[tilespmem:s29], [sflag:$0x1] =	stream.indirect.gather [hbm4b:s1+s31], $0x80, s15, s31, $0xb8;
	[tilespmem:$0x1C980] =	vst v63  }
0x7f: {  	_ =	swait.ge [sflag:s9], $0x2000  }
0x80: {  	[sflag:s9] =	ssyncset.done $0x0  }
0x81: {  	[sflag:s9] =	ssyncadd.s32 $0xFFFFE000  }
0x82: {  	s17 =	simm.s32 $0x280;
	_ =	swait.ge [sflag:s10], $0x80  }
0x83: {  	s18 =	sand.u32 $0x1FC00, s17;
	[sflag:s10] =	ssyncset.done $0x0  }
0x84: {  	s13 =	sand.u32 $0x380, s17;
	s14 =	sadd.s32 s8, s18;
	[sflag:s10] =	ssyncadd.s32 $0xFFFFFF80  }
0x85: {  	[spmem:s3] =	stream.indirect.scatter.add.f32 [tilespmem:s7], [sflag:$0x3], $0x80, s0, s31, $0xb8;
	[tilespmem:$0x1C980] =	vst v63  }
0x86: {  	s13 =	sor.u32 s13, s14;
	_ =	swait.ge [sflag:s11], $0x2000  }
0x87: {  	s13 =	sshrl.u32 s13, $0x3;
	[sflag:s11] =	ssyncset.done $0x0  }
0x88: {  	s13 =	sadd.s32 s5, s13;
	[sflag:s11] =	ssyncadd.s32 $0xFFFFE000  }
0x89: {  	[tilespmem:s0], [sflag:$0x2] =	stream.linear.gather [hbm4b:s13+s4], $0x80, $0x38;
	[tilespmem:$0x1C980] =	vst v63  }
0x8a: {  	s19 =	simm.s32 $0x140  }
0x8b: {  	[tilespmem:s7], [sflag:$0x1] =	stream.indirect.gather [hbm4b:s1+s31], $0x80, s19, s31, $0xb8;
	[tilespmem:$0x1C980] =	vst v63  }
0x8c: {  	_ =	swait.ge [sflag:s9], $0x2000  }
0x8d: {  	[sflag:s9] =	ssyncset.done $0x0  }
0x8e: {  	[sflag:s9] =	ssyncadd.s32 $0xFFFFE000  }
0x8f: {  	s20 =	simm.s32 $0x300;
	_ =	swait.ge [sflag:s10], $0x80  }
0x90: {  	s15 =	sand.u32 $0x1FC00, s20;
	[sflag:s10] =	ssyncset.done $0x0  }
0x91: {  	s14 =	sadd.s32 s8, s15;
	s13 =	sand.u32 $0x380, s20;
	[sflag:s10] =	ssyncadd.s32 $0xFFFFFF80  }
0x92: {  	[spmem:s3] =	stream.indirect.scatter.add.f32 [tilespmem:s25], [sflag:$0x3], $0x80, s30, s31, $0xb8;
	[tilespmem:$0x1C980] =	vst v63  }
0x93: {  	s13 =	sor.u32 s13, s14;
	_ =	swait.ge [sflag:s11], $0x2000  }
0x94: {  	s13 =	sshrl.u32 s13, $0x3;
	[sflag:s11] =	ssyncset.done $0x0  }
0x95: {  	s13 =	sadd.s32 s5, s13;
	[sflag:s11] =	ssyncadd.s32 $0xFFFFE000  }
0x96: {  	[tilespmem:s30], [sflag:$0x2] =	stream.linear.gather [hbm4b:s13+s4], $0x80, $0x38;
	[tilespmem:$0x1C980] =	vst v63  }
0x97: {  	s17 =	simm.s32 $0x180  }
0x98: {  	[tilespmem:s25], [sflag:$0x1] =	stream.indirect.gather [hbm4b:s1+s31], $0x80, s17, s31, $0xb8;
	[tilespmem:$0x1C980] =	vst v63  }
0x99: {  	_ =	swait.ge [sflag:s9], $0x2000  }
0x9a: {  	[sflag:s9] =	ssyncset.done $0x0  }
0x9b: {  	[sflag:s9] =	ssyncadd.s32 $0xFFFFE000  }
0x9c: {  	s18 =	simm.s32 $0x380;
	_ =	swait.ge [sflag:s10], $0x80  }
0x9d: {  	s19 =	sand.u32 $0x1FC00, s18;
	[sflag:s10] =	ssyncset.done $0x0  }
0x9e: {  	s14 =	sadd.s32 s8, s19;
	s13 =	sand.u32 $0x380, s18;
	[sflag:s10] =	ssyncadd.s32 $0xFFFFFF80  }
0x9f: {  	[spmem:s3] =	stream.indirect.scatter.add.f32 [tilespmem:s29], [sflag:$0x3], $0x80, s2, s31, $0xb8;
	[tilespmem:$0x1C980] =	vst v63  }
0xa0: {  	s13 =	sor.u32 s13, s14;
	_ =	swait.ge [sflag:s11], $0x2000  }
0xa1: {  	s13 =	sshrl.u32 s13, $0x3;
	[sflag:s11] =	ssyncset.done $0x0  }
0xa2: {  	s13 =	sadd.s32 s5, s13;
	[sflag:s11] =	ssyncadd.s32 $0xFFFFE000  }
0xa3: {  	[tilespmem:s2], [sflag:$0x2] =	stream.linear.gather [hbm4b:s13+s4], $0x80, $0x38;
	[tilespmem:$0x1C980] =	vst v63  }
0xa4: {  	s15 =	simm.s32 $0x680;
	s20 =	simm.s32 $0x1C0;
	s18 =	simm.s32 $0x400  }
0xa5: {  	[tilespmem:s29], [sflag:$0x1] =	stream.indirect.gather [hbm4b:s1+s31], $0x80, s20, s31, $0xb8;
	[tilespmem:$0x1C980] =	vst v63  }
0xa6: {  	s14 =	simm.s32 $0x500;
	s13 =	simm.s32 $0x280;
	_ =	swait.ge [sflag:s9], $0x2000  }
.LBB2_4:
0xa7: {  	s20 =	sand.u32 $0x1FC00, s18  }
0xa8: {  	[sflag:s9] =	ssyncset.done $0x0;
	s17 =	smov.u32 s15;
	s19 =	sadd.s32 $0x180, s15  }
0xa9: {  	s18 =	sand.u32 $0x380, s18;
	s20 =	sadd.s32 s8, s20;
	[sflag:s9] =	ssyncadd.s32 $0xFFFFE000  }
0xaa: {  	p0 =	sne.s32 s15, $0x4E80;
	s15 =	sor.u32 s18, s20;
	_ =	swait.ge [sflag:s10], $0x80  }
0xab: {  	s15 =	sshrl.u32 s15, $0x3;
	[sflag:s10] =	ssyncset.done $0x0  }
0xac: {  	[sflag:s10] =	ssyncadd.s32 $0xFFFFFF80  }
0xad: {  	[spmem:s3] =	stream.indirect.scatter.add.f32 [tilespmem:s7], [sflag:$0x3], $0x80, s0, s31, $0xb8;
	[tilespmem:$0x1C980] =	vst v63  }
0xae: {  	_ =	swait.ge [sflag:s11], $0x2000  }
0xaf: {  	s15 =	sadd.s32 s5, s15;
	[sflag:s11] =	ssyncset.done $0x0  }
0xb0: {  	[sflag:s11] =	ssyncadd.s32 $0xFFFFE000  }
0xb1: {  	[tilespmem:s0], [sflag:$0x2] =	stream.linear.gather [hbm4b:s15+s4], $0x80, $0x38;
	[tilespmem:$0x1C980] =	vst v63  }
0xb2: {  	s15 =	sadd.s32 $0xFFFFFF80, s13  }
0xb3: {  	[tilespmem:s7], [sflag:$0x1] =	stream.indirect.gather [hbm4b:s1+s31], $0x80, s15, s31, $0xb8;
	[tilespmem:$0x1C980] =	vst v63  }
0xb4: {  	_ =	swait.ge [sflag:s9], $0x2000  }
0xb5: {  	[sflag:s9] =	ssyncset.done $0x0  }
0xb6: {  	[sflag:s9] =	ssyncadd.s32 $0xFFFFE000  }
0xb7: {  	s15 =	sadd.s32 $0xFFFFFF80, s14;
	_ =	swait.ge [sflag:s10], $0x80  }
0xb8: {  	s18 =	sand.u32 $0x1FC00, s15;
	[sflag:s10] =	ssyncset.done $0x0  }
0xb9: {  	s15 =	sand.u32 $0x380, s15;
	s18 =	sadd.s32 s8, s18;
	[sflag:s10] =	ssyncadd.s32 $0xFFFFFF80  }
0xba: {  	[spmem:s3] =	stream.indirect.scatter.add.f32 [tilespmem:s25], [sflag:$0x3], $0x80, s30, s31, $0xb8;
	[tilespmem:$0x1C980] =	vst v63  }
0xbb: {  	s15 =	sor.u32 s15, s18;
	_ =	swait.ge [sflag:s11], $0x2000  }
0xbc: {  	s15 =	sshrl.u32 s15, $0x3;
	[sflag:s11] =	ssyncset.done $0x0  }
0xbd: {  	s15 =	sadd.s32 s5, s15;
	[sflag:s11] =	ssyncadd.s32 $0xFFFFE000  }
0xbe: {  	[tilespmem:s30], [sflag:$0x2] =	stream.linear.gather [hbm4b:s15+s4], $0x80, $0x38;
	[tilespmem:$0x1C980] =	vst v63  }
0xbf: {  	s15 =	sadd.s32 $0xFFFFFFC0, s13  }
0xc0: {  	[tilespmem:s25], [sflag:$0x1] =	stream.indirect.gather [hbm4b:s1+s31], $0x80, s15, s31, $0xb8;
	[tilespmem:$0x1C980] =	vst v63  }
0xc1: {  	_ =	swait.ge [sflag:s9], $0x2000  }
0xc2: {  	[sflag:s9] =	ssyncset.done $0x0  }
0xc3: {  	[sflag:s9] =	ssyncadd.s32 $0xFFFFE000  }
0xc4: {  	_ =	swait.ge [sflag:s10], $0x80  }
0xc5: {  	[sflag:s10] =	ssyncset.done $0x0  }
0xc6: {  	s18 =	sand.u32 $0x380, s14;
	s15 =	sand.u32 $0x1FC00, s14;
	[sflag:s10] =	ssyncadd.s32 $0xFFFFFF80  }
0xc7: {  	[spmem:s3] =	stream.indirect.scatter.add.f32 [tilespmem:s29], [sflag:$0x3], $0x80, s2, s31, $0xb8;
	[tilespmem:$0x1C980] =	vst v63  }
0xc8: {  	s14 =	smov.u32 s17;
	s15 =	sadd.s32 s8, s15;
	_ =	swait.ge [sflag:s11], $0x2000  }
0xc9: {  	s15 =	sor.u32 s18, s15;
	[sflag:s11] =	ssyncset.done $0x0  }
0xca: {  	s15 =	sshrl.u32 s15, $0x3;
	[sflag:s11] =	ssyncadd.s32 $0xFFFFE000  }
.Ltmp1:
0xcb: {  	s15 =	sadd.s32 s5, s15;
	(pc) =	sbr.rel @p0 .LBB2_4-.Ltmp1, $4  }
0xcc: {  	[tilespmem:s2], [sflag:$0x2] =	stream.linear.gather [hbm4b:s15+s4], $0x80, $0x38;
	[tilespmem:$0x1C980] =	vst v63  }
0xcd: {  	s18 =	sadd.s32 $0xFFFFFF00, s14  }
0xce: {  	[tilespmem:s29], [sflag:$0x1] =	stream.indirect.gather [hbm4b:s1+s31], $0x80, s13, s31, $0xb8;
	[tilespmem:$0x1C980] =	vst v63  }
0xcf: {  	s15 =	smov.u32 s19;
	s13 =	sadd.s32 $0xC0, s13;
	_ =	swait.ge [sflag:s9], $0x2000  }
0xd0: {  	[sflag:s9] =	ssyncset.done $0x0  }
0xd1: {  	[sflag:s9] =	ssyncadd.s32 $0xFFFFE000  }
0xd2: {  	_ =	swait.ge [sflag:s10], $0x80  }
0xd3: {  	s15 =	sand.u32 $0x1FC00, s18;
	[sflag:s10] =	ssyncset.done $0x0  }
0xd4: {  	s17 =	sand.u32 $0x380, s18;
	s15 =	sadd.s32 s8, s15;
	[sflag:s10] =	ssyncadd.s32 $0xFFFFFF80  }
0xd5: {  	[spmem:s3] =	stream.indirect.scatter.add.f32 [tilespmem:s7], [sflag:$0x3], $0x80, s0, s31, $0xb8;
	[tilespmem:$0x1C980] =	vst v63  }
0xd6: {  	s15 =	sor.u32 s17, s15;
	_ =	swait.ge [sflag:s11], $0x2000  }
0xd7: {  	s15 =	sshrl.u32 s15, $0x3;
	[sflag:s11] =	ssyncset.done $0x0  }
0xd8: {  	s15 =	sadd.s32 s5, s15;
	[sflag:s11] =	ssyncadd.s32 $0xFFFFE000  }
0xd9: {  	[tilespmem:s0], [sflag:$0x2] =	stream.linear.gather [hbm4b:s15+s4], $0x80, $0x38;
	[tilespmem:$0x1C980] =	vst v63  }
0xda: {  	s17 =	sadd.s32 $0xFFFFFF80, s13  }
0xdb: {  	[tilespmem:s7], [sflag:$0x1] =	stream.indirect.gather [hbm4b:s1+s31], $0x80, s17, s31, $0xb8;
	[tilespmem:$0x1C980] =	vst v63  }
0xdc: {  	_ =	swait.ge [sflag:s9], $0x2000  }
0xdd: {  	[sflag:s9] =	ssyncset.done $0x0  }
0xde: {  	[sflag:s9] =	ssyncadd.s32 $0xFFFFE000  }
0xdf: {  	s18 =	sadd.s32 $0xFFFFFF80, s14;
	_ =	swait.ge [sflag:s10], $0x80  }
0xe0: {  	s19 =	sand.u32 $0x1FC00, s18;
	[sflag:s10] =	ssyncset.done $0x0  }
0xe1: {  	s15 =	sand.u32 $0x380, s18;
	s17 =	sadd.s32 s8, s19;
	[sflag:s10] =	ssyncadd.s32 $0xFFFFFF80  }
0xe2: {  	[spmem:s3] =	stream.indirect.scatter.add.f32 [tilespmem:s25], [sflag:$0x3], $0x80, s30, s31, $0xb8;
	[tilespmem:$0x1C980] =	vst v63  }
0xe3: {  	s15 =	sor.u32 s15, s17;
	_ =	swait.ge [sflag:s11], $0x2000  }
0xe4: {  	s15 =	sshrl.u32 s15, $0x3;
	[sflag:s11] =	ssyncset.done $0x0  }
0xe5: {  	s15 =	sadd.s32 s5, s15;
	[sflag:s11] =	ssyncadd.s32 $0xFFFFE000  }
0xe6: {  	[tilespmem:s30], [sflag:$0x2] =	stream.linear.gather [hbm4b:s15+s4], $0x80, $0x38;
	[tilespmem:$0x1C980] =	vst v63  }
0xe7: {  	s20 =	sadd.s32 $0xFFFFFFC0, s13  }
0xe8: {  	[tilespmem:s25], [sflag:$0x1] =	stream.indirect.gather [hbm4b:s1+s31], $0x80, s20, s31, $0xb8;
	[tilespmem:$0x1C980] =	vst v63  }
0xe9: {  	_ =	swait.ge [sflag:s9], $0x2000  }
0xea: {  	[sflag:s9] =	ssyncset.done $0x0  }
0xeb: {  	[sflag:s9] =	ssyncadd.s32 $0xFFFFE000  }
0xec: {  	_ =	swait.ge [sflag:s10], $0x80  }
0xed: {  	s17 =	sand.u32 $0x1FC00, s14;
	[sflag:s10] =	ssyncset.done $0x0  }
0xee: {  	s18 =	sand.u32 $0x380, s14;
	s15 =	sadd.s32 s8, s17;
	[sflag:s10] =	ssyncadd.s32 $0xFFFFFF80  }
0xef: {  	[spmem:s3] =	stream.indirect.scatter.add.f32 [tilespmem:s29], [sflag:$0x3], $0x80, s2, s31, $0xb8;
	[tilespmem:$0x1C980] =	vst v63  }
0xf0: {  	s14 =	sor.u32 s18, s15;
	_ =	swait.ge [sflag:s11], $0x2000  }
0xf1: {  	s14 =	sshrl.u32 s14, $0x3;
	[sflag:s11] =	ssyncset.done $0x0  }
0xf2: {  	s14 =	sadd.s32 s5, s14;
	[sflag:s11] =	ssyncadd.s32 $0xFFFFE000  }
0xf3: {  	[tilespmem:s2], [sflag:$0x2] =	stream.linear.gather [hbm4b:s14+s4], $0x80, $0x38;
	[tilespmem:$0x1C980] =	vst v63  }
0xf4: {  	_ = 	snop  }
0xf5: {  	[tilespmem:s29], [sflag:$0x1] =	stream.indirect.gather [hbm4b:s1+s31], $0x80, s13, s31, $0xb8;
	[tilespmem:$0x1C980] =	vst v63  }
0xf6: {  	_ =	swait.ge [sflag:s9], $0x2000  }
0xf7: {  	[sflag:s9] =	ssyncset.done $0x0  }
0xf8: {  	[sflag:s9] =	ssyncadd.s32 $0xFFFFE000  }
0xf9: {  	_ =	swait.ge [sflag:s10], $0x80  }
0xfa: {  	[sflag:s10] =	ssyncset.done $0x0  }
0xfb: {  	[sflag:s10] =	ssyncadd.s32 $0xFFFFFF80  }
0xfc: {  	[spmem:s3] =	stream.indirect.scatter.add.f32 [tilespmem:s7], [sflag:$0x3], $0x80, s0, s31, $0xb8;
	[tilespmem:$0x1C980] =	vst v63  }
0xfd: {  	_ =	swait.ge [sflag:s9], $0x2000  }
0xfe: {  	[sflag:s9] =	ssyncset.done $0x0  }
0xff: {  	[sflag:s9] =	ssyncadd.s32 $0xFFFFE000  }
0x100: {  	_ =	swait.ge [sflag:s10], $0x80  }
0x101: {  	[sflag:s10] =	ssyncset.done $0x0  }
0x102: {  	[sflag:s10] =	ssyncadd.s32 $0xFFFFFF80  }
0x103: {  	[spmem:s3] =	stream.indirect.scatter.add.f32 [tilespmem:s25], [sflag:$0x3], $0x80, s30, s31, $0xb8;
	[tilespmem:$0x1C980] =	vst v63  }
0x104: {  	_ =	swait.ge [sflag:s9], $0x2000  }
0x105: {  	[sflag:s9] =	ssyncset.done $0x0  }
0x106: {  	[sflag:s9] =	ssyncadd.s32 $0xFFFFE000  }
0x107: {  	_ =	swait.ge [sflag:s10], $0x80  }
0x108: {  	[sflag:s10] =	ssyncset.done $0x0  }
0x109: {  	[sflag:s10] =	ssyncadd.s32 $0xFFFFFF80  }
0x10a: {  	[spmem:s3] =	stream.indirect.scatter.add.f32 [tilespmem:s29], [sflag:$0x3], $0x80, s2, s31, $0xb8;
	[tilespmem:$0x1C980] =	vst v63  }
0x10b: {  	_ =	swait.ge [sflag:s11], $0x2000  }
0x10c: {  	[sflag:s11] =	ssyncset.done $0x0  }
0x10d: {  	[sflag:s11] =	ssyncadd.s32 $0xFFFFE000  }
0x10e: {  	_ =	swait.ge [sflag:s11], $0x2000  }
0x10f: {  	[sflag:s11] =	ssyncset.done $0x0  }
0x110: {  	[sflag:s11] =	ssyncadd.s32 $0xFFFFE000  }
0x111: {  	s12 =	sadd.s32 $0x1, s12;
	_ =	swait.ge [sflag:s11], $0x2000  }
0x112: {  	p0 =	sne.s32 s12, s24;
	s19 =	stileid.u32;
	[sflag:s11] =	ssyncset.done $0x0  }
0x113: {  	s20 =	sshrl.u32 s6, $0x3;
	s13 =	sshll.u32 s19, $0x6;
	[sflag:s11] =	ssyncadd.s32 $0xFFFFE000  }
.Ltmp2:
0x114: {  	s13 =	sor.u32 $0x1C04, s13;
	[bflag:$0x0] =	sbarrier.arrive $0xFFFF;
	(pc) =	sbr.rel @p0 .LBB2_1-.Ltmp2, $4  }
0x115: {  	[hbm:s23], [sflag:s13] =	dma.local [spmem:s20], $0x2800  }
0x116: {  	_ =	swait.ge [sflag:s26], $0x2800  }
0x117: {  	[sflag:s26] =	ssyncset.done $0x0  }
0x118: {  	[sflag:s26] =	ssyncadd.s32 $0xFFFFD800  }
0x119: {  	_ =	sfence.sel $0x180000  }
0x11a: {  	[bflag:$0x0] =	sbarrier.arrive $0xFFFF  }
0x11b: {  	_ =	strace $0x9000004D  }
0x11c: {  	s0 =	stileid.u32;
	[bflag:$0x2] =	sbarrier.arrive $0xFFFF  }
0x11d: {  	p0 =	sne.s32 s0, $0x0;
	s0 =	rddreg [dreg:$0x3]  }
0x11e: {  	s0 =	sadd.s32 @!p0 $0x100000, s0  }
0x11f: {  	[sflag:s0] =	ssyncadd.tile.s32 @!p0 $0x1;
	_ =	shalt  }
.Lfunc_end2:
_tile_overlayer_lowered:
.L_overlay_start_2:
0x120: {  	(tag) =	ssettag $0x2  }
0x121: {  	s0 =	rddreg [dreg:$0x0];
	s2 =	stileid.u32  }
0x122: {  	s1 =	rddreg [dreg:$0x1];
	p0 =	sne.s32 s2, $0x0  }
0x123: {  	s3 =	rddreg [dreg:$0x2];
	[bflag:$0x3] =	sbarrier.arrive $0xFFFF;
	s2 =	simm.s32 @!p0 $0x1C04  }
0x124: {  	[timem:s3], [sflag:s2] =	dma.local @!p0 [hbm:s0], s1  }
0x125: {  	s0 =	simm.s32 @!p0 $0x4  }
0x126: {  	_ =	swait.ge @!p0 [sflag:s0], s1  }
0x127: {  	s1 =	ssub.s32 @!p0 $0x0, s1;
	[sflag:s0] =	ssyncset.done @!p0 $0x0  }
0x128: {  	[sflag:s0] =	ssyncadd.s32 @!p0 s1  }
0x129: {  	[bflag:$0x3] =	sbarrier.arrive $0xFFFF  }
0x12a: {  	_ =	shalt  }

// kernel: kernel.8.cloned.1.call-start
scs
__scs_entry_jumppad:
0x0: {  	(pc) =	sbr.rel $0x88, $3  }
0x1: {  	(tag) =	ssettag $0x0;
	lr =	simm.s32 $0x1  }
0x2: {  	[smem:$0x3F87] =	sst lr;
	_ =	strace $0xD0000000  }
0x3: {  	_ = 	snop  }
0x4: {  	_ = 	snop  }
0x5: {  	_ = 	snop  }
0x6: {  	_ = 	snop  }
0x7: {  	_ = 	snop  }
__scs_overlays_trampoline_lowered:
0x8: {  	[smem:$0x3F96] =	sst s0  }
0x9: {  	[smem:$0x3F97] =	sst s1  }
0xa: {  	[smem:$0x3F98] =	sst s2  }
0xb: {  	[smem:$0x3F99] =	sst s3  }
0xc: {  	[smem:$0x3F9A] =	sst s4  }
0xd: {  	[smem:$0x3F9B] =	sst s5  }
0xe: {  	[smem:$0x3F9C] =	sst s6  }
0xf: {  	[smem:$0x3F9D] =	sst s7  }
0x10: {  	[smem:$0x3F9E] =	sst s8  }
0x11: {  	[smem:$0x3F9F] =	sst s9;
	s0 =	simm.s32 @!p0 $0x0  }
0x12: {  	s1 =	sld [smem:$0x3F85];
	s0 =	simm.s32 @p0 $0x1  }
0x13: {  	[smem:$0x3FA0] =	sst s0;
	s0 =	simm.s32 @!p1 $0x0  }
0x14: {  	s2 =	sld [smem:$0x3F84];
	s0 =	simm.s32 @p1 $0x1  }
0x15: {  	[smem:$0x3FA1] =	sst s0;
	s0 =	simm.s32 @!p2 $0x0  }
0x16: {  	s3 =	sld [smem:$0x3FDB];
	s0 =	simm.s32 @p2 $0x1  }
0x17: {  	s4 =	simm.s32 $0x1BF5;
	[smem:$0x3FA3] =	sst s0  }
0x18: {  	s0 =	sld [smem:$0x3F86];
	_ =	swait.ge [sflag:s4], $0x0  }
0x19: {  	s7 =	sld [smem:$0x3F87]  }
0x1a: {  	s8 =	sadd.s32 $0xFFFFE003, lr  }
0x1b: {  	s9 =	sadd.s32 $0xFFFFFEF7, lr;
	s5 =	simm.s32 $0xFFFFFFFF;
	p2 =	slt.u32 s8, $0xFFFFF086  }
0x1c: {  	p1 =	slt.u32 s9, $0xF7A;
	s5 =	simm.s32 @!p2 $0x0  }
0x1d: {  	s5 =	simm.s32 @p1 $0x1;
	p0 =	seq.s32 s7, s2  }
0x1e: {  	s7 =	smul.u32 @!p0 $0xF7A, s2;
	p2 =	seq.s32 @!p0 s5, $0x0  }
0x1f: {  	s9 =	smul.u32 $0xF7A, s1;
	s8 =	simm.s32 @!p0 $0x1BF5;
	p2 =	por !p2, p0  }
0x20: {  	[sflag:s8] =	ssyncset.s32 @!p0 $0xFFFFF086;
	s6 =	sadd.s32 @!p0 s3, s7;
	s7 =	simm.s32 @!p0 $0x108  }
0x21: {  	s3 =	sadd.s32 s3, s9;
	s6 =	sadd.s32 @!p0 $0x88, s6;
	s7 =	simm.s32 @p2 $0x1082  }
0x22: {  	[simem:s7], [sflag:s8] =	dma.local @!p0 [hbm:s6], $0xF7A  }
0x23: {  	s9 =	sor.u32 $0xD0000000, s2;
	s6 =	simm.s32 $0x108;
	_ =	swait.ge @!p0 [sflag:s8], $0x0  }
0x24: {  	s3 =	sadd.s32 $0x88, s3;
	s6 =	simm.s32 @!p1 $0x1082;
	[sflag:s4] =	ssyncset.s32 $0xFFFFF086  }
0x25: {  	[simem:s6], [sflag:s4] =	dma.local [hbm:s3], $0xF7A  }
0x26: {  	[smem:$0x3F87] =	sst s1;
	(tag) =	ssettag s2;
	_ =	strace s9  }
0x27: {  	s1 =	sld [smem:$0x3F97]  }
0x28: {  	s2 =	sld [smem:$0x3F98]  }
0x29: {  	s4 =	sld [smem:$0x3F9A]  }
0x2a: {  	p0 =	seq.s32 s5, $0x0;
	s5 =	sld [smem:$0x3F9B]  }
0x2b: {  	s6 =	sld [smem:$0x3F9C]  }
0x2c: {  	s7 =	sld [smem:$0x3F9D]  }
0x2d: {  	s3 =	simm.s32 $0x108;
	s8 =	sld [smem:$0x3F9E]  }
0x2e: {  	s3 =	simm.s32 @!p0 $0x1082;
	s9 =	sld [smem:$0x3F9F]  }
0x2f: {  	lr =	sadd.s32 s0, s3;
	s0 =	sld [smem:$0x3F96]  }
0x30: {  	s3 =	sld [smem:$0x3F99]  }
0x31: {  	[smem:$0x3FA2] =	sst s10  }
0x32: {  	s10 =	sld [smem:$0x3FA0];
	_ =	sdelay $0x3  }
0x33: {  	p0 =	seq.s32 s10, $0x1;
	s10 =	sld [smem:$0x3FA2];
	_ =	sdelay $0x3  }
0x34: {  	[smem:$0x3FA2] =	sst s10  }
0x35: {  	s10 =	sld [smem:$0x3FA1];
	_ =	sdelay $0x3  }
0x36: {  	p1 =	seq.s32 s10, $0x1;
	s10 =	sld [smem:$0x3FA2];
	_ =	sdelay $0x3  }
0x37: {  	[smem:$0x3FA2] =	sst s10  }
0x38: {  	s10 =	sld [smem:$0x3FA3]  }
0x39: {  	_ = 	snop;
	(pc) =	sbr.ind lr, $3  }
0x3a: {  	_ = 	snop  }
0x3b: {  	_ = 	snop  }
0x3c: {  	p2 =	seq.s32 s10, $0x1;
	s10 =	sld [smem:$0x3FA2]  }
0x3d: {  	_ =	shalt  }
0x3e: {  	_ =	shalt  }
0x3f: {  	_ =	shalt  }
0x40: {  	_ =	shalt  }
0x41: {  	_ =	shalt  }
0x42: {  	_ =	shalt  }
0x43: {  	_ =	shalt  }
0x44: {  	_ =	shalt  }
0x45: {  	_ =	shalt  }
0x46: {  	_ =	shalt  }
0x47: {  	_ =	shalt  }
0x48: {  	_ =	shalt  }
0x49: {  	_ =	shalt  }
0x4a: {  	_ =	shalt  }
0x4b: {  	_ =	shalt  }
0x4c: {  	_ =	shalt  }
0x4d: {  	_ =	shalt  }
0x4e: {  	_ =	shalt  }
0x4f: {  	_ =	shalt  }
0x50: {  	_ =	shalt  }
0x51: {  	_ =	shalt  }
0x52: {  	_ =	shalt  }
0x53: {  	_ =	shalt  }
0x54: {  	_ =	shalt  }
0x55: {  	_ =	shalt  }
0x56: {  	_ =	shalt  }
0x57: {  	_ =	shalt  }
0x58: {  	_ =	shalt  }
0x59: {  	_ =	shalt  }
0x5a: {  	_ =	shalt  }
0x5b: {  	_ =	shalt  }
0x5c: {  	_ =	shalt  }
0x5d: {  	_ =	shalt  }
0x5e: {  	_ =	shalt  }
0x5f: {  	_ =	shalt  }
0x60: {  	_ =	shalt  }
0x61: {  	_ =	shalt  }
0x62: {  	_ =	shalt  }
0x63: {  	_ =	shalt  }
0x64: {  	_ =	shalt  }
0x65: {  	_ =	shalt  }
0x66: {  	_ =	shalt  }
0x67: {  	_ =	shalt  }
0x68: {  	_ =	shalt  }
0x69: {  	_ =	shalt  }
0x6a: {  	_ =	shalt  }
0x6b: {  	_ =	shalt  }
0x6c: {  	_ =	shalt  }
0x6d: {  	_ =	shalt  }
0x6e: {  	_ =	shalt  }
0x6f: {  	_ =	shalt  }
0x70: {  	_ =	shalt  }
0x71: {  	_ =	shalt  }
0x72: {  	_ =	shalt  }
0x73: {  	_ =	shalt  }
0x74: {  	_ =	shalt  }
0x75: {  	_ =	shalt  }
0x76: {  	_ =	shalt  }
0x77: {  	_ =	shalt  }
0x78: {  	_ =	shalt  }
0x79: {  	_ =	shalt  }
0x7a: {  	_ =	shalt  }
0x7b: {  	_ =	shalt  }
0x7c: {  	_ =	shalt  }
0x7d: {  	_ =	shalt  }
0x7e: {  	_ =	shalt  }
0x7f: {  	_ =	shalt  }
0x80: {  	_ =	shalt  }
0x81: {  	_ =	shalt  }
0x82: {  	_ =	shalt  }
0x83: {  	_ =	shalt  }
0x84: {  	_ =	shalt  }
0x85: {  	_ =	shalt  }
0x86: {  	_ =	shalt  }
0x87: {  	_ =	shalt  }
.Lfunc_end0:
.L_simem_size_0:
called_computation_lowered:
.L_overlay_start_0:
0x88: {  	s2 =	sld [smem:$0x3FD9]  }
0x89: {  	s3 =	sld [smem:$0x3FFE];
	_ =	sdelay $0x1  }
0x8a: {  	s1 =	srdreg.scid  }
0x8b: {  	s0 =	sand.u32 $0x1, s1  }
0x8c: {  	s17 =	sshll.u32 s0, $0xA;
	s2 =	sadd.s32 s3, s2  }
0x8d: {  	s2 =	sadd.s32 s2, s17  }
0x8e: {  	[smem:$0x3FAE] =	sst s2  }
0x8f: {  	_ = 	snop  }
0x90: {  	s2 =	sld [smem:$0x3FD0];
	(tm) =	ssettm $0x1  }
0x91: {  	s18 =	sld [smem:$0x3FFB];
	_ =	sdelay $0x3  }
0x92: {  	_ =	strace s18  }
0x93: {  	s3 =	sld [smem:$0x3FFC];
	_ =	sdelay $0x3  }
0x94: {  	_ =	strace s3  }
0x95: {  	s3 =	sld [smem:$0x3FFD];
	_ =	sdelay $0x3  }
0x96: {  	_ =	strace s3  }
0x97: {  	_ =	strace $0x8FFFFFFF  }
0x98: {  	s19 =	sld [smem:$0x3FDB];
	_ =	sdelay $0x1  }
0x99: {  	s4 =	simm.s32 $_scs_section_size  }
0x9a: {  	s5 =	simm.s32 $_size__tile_overlayer_lowered;
	s6 =	simm.s32 $_tile_overlayer_lowered  }
0x9b: {  	s22 =	simm.s32 $0x1BFF;
	s21 =	sshll.u32 s6, $0x1;
	s3 =	sadd.s32 s4, s19  }
0x9c: {  	s7 =	simm.s32 $0x0;
	s20 =	sshll.u32 s5, $0x1;
	s5 =	sadd.s32 s21, s3  }
0x9d: {  	[timem:s7], [sflag:s22] =	dma.local [hbm:s5], s20  }
0x9e: {  	_ =	swait.ge [sflag:s22], s20  }
0x9f: {  	s4 =	ssub.s32 $0x0, s20;
	[sflag:s22] =	ssyncset.done $0x0  }
0xa0: {  	[sflag:s22] =	ssyncadd.s32 s4;
	_ =	sdelay $0x1  }
0xa1: {  	s23 =	simm.s32 $0x1B8B  }
0xa2: {  	_ =	swait.ge [sflag:s23], $0x1  }
0xa3: {  	[sflag:s23] =	ssyncset.done $0x0  }
0xa4: {  	s25 =	simm.s32 $0x1B8E;
	s24 =	sld [smem:$0x3FFE];
	[sflag:s23] =	ssyncadd.s32 $0xFFFFFFFF  }
0xa5: {  	s26 =	simm.s32 $execute0_lowered;
	[smem:$0x3FD2] =	sst s25  }
0xa6: {  	s5 =	sshll.u32 s26, $0x1;
	_ =	strace $0x80000046;
	[dreg:$0x1] =	wrdreg $0xFFFFFFFF  }
0xa7: {  	s28 =	simm.s32 $_size_execute0_lowered;
	s3 =	sadd.s32 s3, s5;
	[dreg:$0x0] =	wrdreg $0x0  }
0xa8: {  	s5 =	sshll.u32 s28, $0x1;
	[dreg:$0x2] =	wrdreg s3  }
0xa9: {  	[dreg:$0x3] =	wrdreg s5  }
0xaa: {  	[dreg:$0x4] =	wrdreg $0xC0  }
0xab: {  	_ =	task [dreg:s7], $0x5FFFF  }
0xac: {  	[dreg:$0x1] =	wrdreg $0xFFFFFFFF  }
0xad: {  	[dreg:$0x0] =	wrdreg $0x60  }
0xae: {  	[dreg:$0x2] =	wrdreg s24  }
0xaf: {  	[dreg:$0x3] =	wrdreg s2  }
0xb0: {  	[dreg:$0x4] =	wrdreg $0x9  }
0xb1: {  	_ =	task.clear_ibuf [dreg:s7], $0x5FFFF;
	_ =	strace $0x90000046  }
0xb2: {  	s29 =	simm.s32 $0x9;
	_ =	strace $0x80000048  }
0xb3: {  	_ =	swait.ge [sflag:s29], $0x1  }
0xb4: {  	[sflag:s29] =	ssyncadd.s32 $0xFFFFFFFF  }
0xb5: {  	_ =	strace $0x90000048  }
0xb6: {  	_ =	sfence  }
0xb7: {  	s30 =	sld [smem:$0x0];
	_ =	sdelay $0x2  }
0xb8: {  	s31 =	sshll.u32 s1, $0xD;
	s1 =	sshrl.u32 s1, $0x2  }
0xb9: {  	s3 =	sand.u32 $0x4000, s31;
	s1 =	sadd.s32 s1, s30  }
0xba: {  	s0 =	sor.u32 s3, s0;
	s1 =	sshll.u32 s1, $0x11  }
0xbb: {  	s0 =	sor.u32 s1, s0  }
0xbc: {  	s0 =	sadd.s32 $0x8F2B, s0  }
0xbd: {  	[sflag:s0] =	ssyncadd.remote.s32 $0x1  }
0xbe: {  	_ =	sfence.sel $0xFFFF  }
0xbf: {  	[dreg:$0x0] =	wrdreg $0xFFFFFFFF;
	(pc) =	sbr.abs _section_cstart, $3  }
0xc0: {  	[dreg:$0x1] =	wrdreg $0xFFFFFFFF  }
0xc1: {  	_ =	task.clear_ibuf [dreg:s7], $0x2FFFF;
	_ =	strace $0x9FFFFFFF  }
0xc2: {  	(tm) =	ssettm $0x7FFFFFFF  }
0xc3: {  	_ =	shalt  }
tec
execute0_lowered:
.L_overlay_start_1:
0x0: {  	(tag) =	ssettag $0x1  }
0x1: {  	s4 =	rddreg [dreg:$0x0]  }
0x2: {  	s0 =	srdreg.scid;
	s7 =	rddreg [dreg:$0x1];
	s2 =	simm.s32 $0x0  }
0x3: {  	s13 =	simm.s32 $0x7680;
	s14 =	simm.s32 $0x80;
	s15 =	simm.s32 $0x400  }
0x4: {  	s16 =	simm.s32 $0x9E00;
	s17 =	simm.s32 $0x0;
	s3 =	sand.u32 $0x1, s0  }
0x5: {  	s0 =	stileid.u32;
	[smem:$0x7FF] =	sst s2;
	s1 =	sshll.u32 s3, $0x4  }
0x6: {  	s8 =	sshll.u32 s0, $0x7;
	s3 =	ssub.s32 $0x2, s3;
	s5 =	sor.u32 s0, s1  }
0x7: {  	s1 =	rddreg [dreg:$0x2];
	_ =	strace $0x80000047;
	s9 =	smul.u32 $0x4E2, s5  }
0x8: {  	s31 =	sshrl.u32 s3, $0x1;
	s6 =	sshrl.u32 s5, $0x3;
	s5 =	smul.u32 $0xA00, s5  }
0x9: {  	s8 =	sand.u32 $0x380, s8;
	s12 =	ssub.s32 s3, s31;
	s6 =	smul.u32 $0x13C00, s6  }
0xa: {  	s29 =	sadd.s32 s9, s4;
	s10 =	sadd.s32 s5, s4;
	s9 =	smax.u32 s12, $0x1  }
0xb: {  	s12 =	simm.s32 $0x4F00;
	s6 =	sor.u32 s8, s6;
	s3 =	sadd.s32 $0xFC00, s29  }
0xc: {  	s30 =	sshrl.u32 s6, $0x3;
	s6 =	sadd.s32 $0x2D600, s10;
	s10 =	simm.s32 $0x1  }
0xd: {  	s11 =	sadd.s32 s30, s4;
	s4 =	sadd.s32 $0x5E00, s29;
	s7 =	sadd.s32 s7, s30  }
0xe: {  	v0 =	vimm.s32 $0x0;
	v1 =	vimm.f32 $0.0e+00;
	v2 =	vimm.f32 $1.000000000e+00;
	s5 =	sadd.s32 $0x23800, s11;
	s8 =	sadd.s32 $0x19A00, s11;
	s11 =	simm.s32 $0x2780  }
.LBB2_1:
0xf: {  	[tilespmem:s2], [sflag:$0x1] =	stream.linear.gather [hbm4b:s3+s2], $0x2710, $0x38;
	[tilespmem:$0xEE00] =	vst v63  }
0x10: {  	_ =	swait.ge [sflag:s10], $0x2710  }
0x11: {  	[sflag:s10] =	ssyncset.done $0x0  }
0x12: {  	[sflag:s10] =	ssyncadd.s32 $0xFFFFD8F0  }
0x13: {  	[tilespmem:s11], [sflag:$0x1] =	stream.linear.gather [hbm4b:s4+s2], $0x2710, $0x38;
	[tilespmem:$0xEE00] =	vst v63  }
0x14: {  	_ =	swait.ge [sflag:s10], $0x2710  }
0x15: {  	[sflag:s10] =	ssyncset.done $0x0  }
0x16: {  	[sflag:s10] =	ssyncadd.s32 $0xFFFFD8F0  }
0x17: {  	[tilespmem:$0x2710] =	vst v0  }
0x18: {  	[tilespmem:$0x4E90] =	vst v0  }
0x19: {  	[tilespmem:$0x2720] =	vst v0  }
0x1a: {  	[tilespmem:$0x4EA0] =	vst v0  }
0x1b: {  	[tilespmem:$0x2730] =	vst v0  }
0x1c: {  	[tilespmem:$0x4EB0] =	vst v0  }
0x1d: {  	[tilespmem:$0x2740] =	vst v0  }
0x1e: {  	[tilespmem:$0x4EC0] =	vst v0  }
0x1f: {  	[tilespmem:$0x2750] =	vst v0  }
0x20: {  	[tilespmem:$0x4ED0] =	vst v0  }
0x21: {  	[tilespmem:$0x2760] =	vst v0  }
0x22: {  	[tilespmem:$0x4EE0] =	vst v0  }
0x23: {  	[tilespmem:$0x2770] =	vst v0  }
0x24: {  	s18 =	simm.s32 $0x0;
	[tilespmem:$0x4EF0] =	vst v0  }
.LBB2_2:
0x25: {  	p0 =	sne.s32 s18, $0x9C00  }
.Ltmp0:
0x26: {  	_ = 	snop;
	(pc) =	sbr.rel @p0 .LBB2_2-.Ltmp0, $4  }
0x27: {  	_ = 	snop  }
0x28: {  	s19 =	sshra.s32 s18, $0x2  }
0x29: {  	[tilespmem:s19+$0x4F00] =	vst v1  }
0x2a: {  	s18 =	sadd.s32 $0x40, s18;
	[tilespmem:s19+$0x7680] =	vst v1  }
0x2b: {  	s19 =	simm.s32 $0x0  }
0x2c: {  	v3 =	vld [tilespmem:s19+$0x0]  }
0x2d: {  	v4 =	vld [tilespmem:s19+$0x2780];
	_ =	sdelay $0x4  }
0x2e: {  	vm0 =	veq.s32 v3, v4  }
0x2f: {  	v5 =	vsel vm0, $0x0, v2  }
0x30: {  	[tilespmem:v3+s12+$0x0] =	vst.idx.add.f32.msk $0xffff, v5  }
0x31: {  	s18 =	simm.s32 $0x9E80;
	v3 =	vsel vm0, $0x2710, v4;
	[tilespmem:v4+s13+$0x0] =	vst.idx.add.f32.msk $0xffff, v5  }
0x32: {  	[tilespmem:s18+$0xFFFFFF80] =	vst v3  }
0x33: {  	v3 =	vld [tilespmem:s19+$0x10]  }
0x34: {  	v4 =	vld [tilespmem:s19+$0x2790];
	_ =	sdelay $0x4  }
0x35: {  	vm9 =	veq.s32 v3, v4  }
0x36: {  	v5 =	vsel vm9, $0x0, v2  }
0x37: {  	[tilespmem:v3+s12+$0x0] =	vst.idx.add.f32.msk $0xffff, v5  }
0x38: {  	v3 =	vsel vm9, $0x2710, v4;
	[tilespmem:v4+s13+$0x0] =	vst.idx.add.f32.msk $0xffff, v5  }
0x39: {  	[tilespmem:s18+$0xFFFFFF90] =	vst v3  }
0x3a: {  	v3 =	vld [tilespmem:s19+$0x20]  }
0x3b: {  	v4 =	vld [tilespmem:s19+$0x27A0];
	_ =	sdelay $0x4  }
0x3c: {  	vm10 =	veq.s32 v3, v4  }
0x3d: {  	v5 =	vsel vm10, $0x0, v2  }
0x3e: {  	[tilespmem:v3+s12+$0x0] =	vst.idx.add.f32.msk $0xffff, v5  }
0x3f: {  	v3 =	vsel vm10, $0x2710, v4;
	[tilespmem:v4+s13+$0x0] =	vst.idx.add.f32.msk $0xffff, v5  }
0x40: {  	[tilespmem:s18+$0xFFFFFFA0] =	vst v3  }
0x41: {  	v3 =	vld [tilespmem:s19+$0x30]  }
0x42: {  	v4 =	vld [tilespmem:s19+$0x27B0];
	_ =	sdelay $0x4  }
0x43: {  	vm11 =	veq.s32 v3, v4  }
0x44: {  	v5 =	vsel vm11, $0x0, v2  }
0x45: {  	[tilespmem:v3+s12+$0x0] =	vst.idx.add.f32.msk $0xffff, v5  }
0x46: {  	v3 =	vsel vm11, $0x2710, v4;
	[tilespmem:v4+s13+$0x0] =	vst.idx.add.f32.msk $0xffff, v5  }
0x47: {  	[tilespmem:s18+$0xFFFFFFB0] =	vst v3  }
0x48: {  	v3 =	vld [tilespmem:s19+$0x40]  }
0x49: {  	v4 =	vld [tilespmem:s19+$0x27C0];
	_ =	sdelay $0x4  }
0x4a: {  	vm12 =	veq.s32 v3, v4  }
0x4b: {  	v5 =	vsel vm12, $0x0, v2  }
0x4c: {  	[tilespmem:v3+s12+$0x0] =	vst.idx.add.f32.msk $0xffff, v5  }
0x4d: {  	v3 =	vsel vm12, $0x2710, v4;
	[tilespmem:v4+s13+$0x0] =	vst.idx.add.f32.msk $0xffff, v5  }
0x4e: {  	[tilespmem:s18+$0x0] =	vst v3  }
0x4f: {  	v3 =	vld [tilespmem:s19+$0x50]  }
0x50: {  	v4 =	vld [tilespmem:s19+$0x27D0];
	_ =	sdelay $0x4  }
0x51: {  	vm13 =	veq.s32 v3, v4  }
0x52: {  	v5 =	vsel vm13, $0x0, v2  }
0x53: {  	[tilespmem:v3+s12+$0x0] =	vst.idx.add.f32.msk $0xffff, v5  }
0x54: {  	v3 =	vsel vm13, $0x2710, v4;
	[tilespmem:v4+s13+$0x0] =	vst.idx.add.f32.msk $0xffff, v5  }
0x55: {  	[tilespmem:s18+$0x10] =	vst v3  }
0x56: {  	v3 =	vld [tilespmem:s19+$0x60]  }
0x57: {  	v4 =	vld [tilespmem:s19+$0x27E0];
	_ =	sdelay $0x4  }
0x58: {  	vm14 =	veq.s32 v3, v4  }
0x59: {  	v5 =	vsel vm14, $0x0, v2  }
0x5a: {  	[tilespmem:v3+s12+$0x0] =	vst.idx.add.f32.msk $0xffff, v5  }
0x5b: {  	v3 =	vsel vm14, $0x2710, v4;
	[tilespmem:v4+s13+$0x0] =	vst.idx.add.f32.msk $0xffff, v5  }
0x5c: {  	[tilespmem:s18+$0x20] =	vst v3  }
0x5d: {  	v3 =	vld [tilespmem:s19+$0x70]  }
0x5e: {  	v4 =	vld [tilespmem:s19+$0x27F0];
	_ =	sdelay $0x4  }
0x5f: {  	vm15 =	veq.s32 v3, v4  }
0x60: {  	v5 =	vsel vm15, $0x0, v2  }
0x61: {  	[tilespmem:v3+s12+$0x0] =	vst.idx.add.f32.msk $0xffff, v5  }
0x62: {  	s22 =	simm.s32 $0x400;
	s19 =	simm.s32 $0x200;
	v3 =	vsel vm15, $0x2710, v4;
	[tilespmem:v4+s13+$0x0] =	vst.idx.add.f32.msk $0xffff, v5  }
.LBB2_4:
0x63: {  	s21 =	sshra.s32 s19, $0x2  }
0x64: {  	[tilespmem:s18+$0x30] =	vst v3;
	s18 =	sadd.s32 $0x100, s18;
	s19 =	smov.u32 s22;
	s20 =	sadd.s32 $0x200, s22  }
0x65: {  	p0 =	sne.s32 s22, $0x9C00;
	v3 =	vld [tilespmem:s21+$0x0]  }
0x66: {  	v4 =	vld [tilespmem:s21+$0x2780];
	_ =	sdelay $0x4  }
0x67: {  	vm0 =	veq.s32 v3, v4  }
0x68: {  	v5 =	vsel vm0, $0x0, v2;
	v6 =	vsel vm0, $0x2710, v4  }
0x69: {  	[tilespmem:v3+s12+$0x0] =	vst.idx.add.f32.msk $0xffff, v5  }
0x6a: {  	[tilespmem:v4+s13+$0x0] =	vst.idx.add.f32.msk $0xffff, v5  }
0x6b: {  	[tilespmem:s18+$0xFFFFFF80] =	vst v6  }
0x6c: {  	v3 =	vld [tilespmem:s21+$0x10]  }
0x6d: {  	v4 =	vld [tilespmem:s21+$0x2790];
	_ =	sdelay $0x4  }
0x6e: {  	vm0 =	veq.s32 v3, v4  }
0x6f: {  	v5 =	vsel vm0, $0x0, v2;
	v6 =	vsel vm0, $0x2710, v4  }
0x70: {  	[tilespmem:v3+s12+$0x0] =	vst.idx.add.f32.msk $0xffff, v5  }
0x71: {  	[tilespmem:v4+s13+$0x0] =	vst.idx.add.f32.msk $0xffff, v5  }
0x72: {  	[tilespmem:s18+$0xFFFFFF90] =	vst v6  }
0x73: {  	v3 =	vld [tilespmem:s21+$0x20]  }
0x74: {  	v4 =	vld [tilespmem:s21+$0x27A0];
	_ =	sdelay $0x4  }
0x75: {  	vm0 =	veq.s32 v3, v4  }
0x76: {  	v5 =	vsel vm0, $0x0, v2;
	v6 =	vsel vm0, $0x2710, v4  }
0x77: {  	[tilespmem:v3+s12+$0x0] =	vst.idx.add.f32.msk $0xffff, v5  }
0x78: {  	[tilespmem:v4+s13+$0x0] =	vst.idx.add.f32.msk $0xffff, v5  }
0x79: {  	[tilespmem:s18+$0xFFFFFFA0] =	vst v6  }
0x7a: {  	v3 =	vld [tilespmem:s21+$0x30]  }
0x7b: {  	v4 =	vld [tilespmem:s21+$0x27B0];
	_ =	sdelay $0x4  }
0x7c: {  	vm0 =	veq.s32 v3, v4  }
0x7d: {  	v5 =	vsel vm0, $0x0, v2;
	v6 =	vsel vm0, $0x2710, v4  }
0x7e: {  	[tilespmem:v3+s12+$0x0] =	vst.idx.add.f32.msk $0xffff, v5  }
0x7f: {  	[tilespmem:v4+s13+$0x0] =	vst.idx.add.f32.msk $0xffff, v5  }
0x80: {  	[tilespmem:s18+$0xFFFFFFB0] =	vst v6  }
0x81: {  	v3 =	vld [tilespmem:s21+$0x40]  }
0x82: {  	v4 =	vld [tilespmem:s21+$0x27C0];
	_ =	sdelay $0x4  }
0x83: {  	vm0 =	veq.s32 v3, v4  }
0x84: {  	v5 =	vsel vm0, $0x0, v2;
	v6 =	vsel vm0, $0x2710, v4  }
0x85: {  	[tilespmem:v3+s12+$0x0] =	vst.idx.add.f32.msk $0xffff, v5  }
0x86: {  	[tilespmem:v4+s13+$0x0] =	vst.idx.add.f32.msk $0xffff, v5  }
0x87: {  	[tilespmem:s18+$0x0] =	vst v6  }
0x88: {  	v3 =	vld [tilespmem:s21+$0x50]  }
0x89: {  	v4 =	vld [tilespmem:s21+$0x27D0];
	_ =	sdelay $0x4  }
0x8a: {  	vm0 =	veq.s32 v3, v4  }
0x8b: {  	v5 =	vsel vm0, $0x0, v2;
	v6 =	vsel vm0, $0x2710, v4  }
0x8c: {  	[tilespmem:v3+s12+$0x0] =	vst.idx.add.f32.msk $0xffff, v5  }
0x8d: {  	[tilespmem:v4+s13+$0x0] =	vst.idx.add.f32.msk $0xffff, v5  }
0x8e: {  	[tilespmem:s18+$0x10] =	vst v6  }
0x8f: {  	v3 =	vld [tilespmem:s21+$0x60]  }
0x90: {  	v4 =	vld [tilespmem:s21+$0x27E0];
	_ =	sdelay $0x4  }
0x91: {  	vm0 =	veq.s32 v3, v4  }
0x92: {  	v5 =	vsel vm0, $0x0, v2;
	v6 =	vsel vm0, $0x2710, v4  }
0x93: {  	[tilespmem:v3+s12+$0x0] =	vst.idx.add.f32.msk $0xffff, v5  }
0x94: {  	[tilespmem:v4+s13+$0x0] =	vst.idx.add.f32.msk $0xffff, v5  }
0x95: {  	[tilespmem:s18+$0x20] =	vst v6  }
0x96: {  	v4 =	vld [tilespmem:s21+$0x70]  }
0x97: {  	v5 =	vld [tilespmem:s21+$0x27F0];
	_ =	sdelay $0x3  }
.Ltmp1:
0x98: {  	(pc) =	sbr.rel @p0 .LBB2_4-.Ltmp1, $4  }
0x99: {  	vm0 =	veq.s32 v4, v5  }
0x9a: {  	v6 =	vsel vm0, $0x0, v2;
	v3 =	vsel vm0, $0x2710, v5  }
0x9b: {  	[tilespmem:v4+s12+$0x0] =	vst.idx.add.f32.msk $0xffff, v6  }
0x9c: {  	s22 =	smov.u32 s20;
	[tilespmem:v5+s13+$0x0] =	vst.idx.add.f32.msk $0xffff, v6  }
0x9d: {  	s19 =	sshra.s32 s19, $0x2;
	[tilespmem:s18+$0x30] =	vst v3  }
0x9e: {  	v3 =	vld [tilespmem:s19+$0x0]  }
0x9f: {  	v4 =	vld [tilespmem:s19+$0x2780];
	_ =	sdelay $0x4  }
0xa0: {  	vm0 =	veq.s32 v3, v4  }
0xa1: {  	v5 =	vsel vm0, $0x0, v2  }
0xa2: {  	[tilespmem:v3+s12+$0x0] =	vst.idx.add.f32.msk $0xffff, v5  }
0xa3: {  	s31 =	sadd.s32 $0x100, s18;
	v3 =	vsel vm0, $0x2710, v4;
	[tilespmem:v4+s13+$0x0] =	vst.idx.add.f32.msk $0xffff, v5  }
0xa4: {  	[tilespmem:s31+$0xFFFFFF80] =	vst v3  }
0xa5: {  	v3 =	vld [tilespmem:s19+$0x10]  }
0xa6: {  	v4 =	vld [tilespmem:s19+$0x2790];
	_ =	sdelay $0x4  }
0xa7: {  	vm9 =	veq.s32 v3, v4  }
0xa8: {  	v57 =	vsel vm9, $0x0, v2  }
0xa9: {  	[tilespmem:v3+s12+$0x0] =	vst.idx.add.f32.msk $0xffff, v57  }
0xaa: {  	v3 =	vsel vm9, $0x2710, v4;
	[tilespmem:v4+s13+$0x0] =	vst.idx.add.f32.msk $0xffff, v57  }
0xab: {  	[tilespmem:s31+$0xFFFFFF90] =	vst v3  }
0xac: {  	v3 =	vld [tilespmem:s19+$0x20]  }
0xad: {  	v4 =	vld [tilespmem:s19+$0x27A0];
	_ =	sdelay $0x4  }
0xae: {  	vm10 =	veq.s32 v3, v4  }
0xaf: {  	v58 =	vsel vm10, $0x0, v2  }
0xb0: {  	[tilespmem:v3+s12+$0x0] =	vst.idx.add.f32.msk $0xffff, v58  }
0xb1: {  	v3 =	vsel vm10, $0x2710, v4;
	[tilespmem:v4+s13+$0x0] =	vst.idx.add.f32.msk $0xffff, v58  }
0xb2: {  	[tilespmem:s31+$0xFFFFFFA0] =	vst v3  }
0xb3: {  	v3 =	vld [tilespmem:s19+$0x30]  }
0xb4: {  	v4 =	vld [tilespmem:s19+$0x27B0];
	_ =	sdelay $0x4  }
0xb5: {  	vm11 =	veq.s32 v3, v4  }
0xb6: {  	v59 =	vsel vm11, $0x0, v2  }
0xb7: {  	[tilespmem:v3+s12+$0x0] =	vst.idx.add.f32.msk $0xffff, v59  }
0xb8: {  	v3 =	vsel vm11, $0x2710, v4;
	[tilespmem:v4+s13+$0x0] =	vst.idx.add.f32.msk $0xffff, v59  }
0xb9: {  	[tilespmem:s31+$0xFFFFFFB0] =	vst v3  }
0xba: {  	v3 =	vld [tilespmem:s19+$0x40]  }
0xbb: {  	v4 =	vld [tilespmem:s19+$0x27C0];
	_ =	sdelay $0x4  }
0xbc: {  	vm12 =	veq.s32 v3, v4  }
0xbd: {  	v60 =	vsel vm12, $0x0, v2  }
0xbe: {  	[tilespmem:v3+s12+$0x0] =	vst.idx.add.f32.msk $0xffff, v60  }
0xbf: {  	v3 =	vsel vm12, $0x2710, v4;
	[tilespmem:v4+s13+$0x0] =	vst.idx.add.f32.msk $0xffff, v60  }
0xc0: {  	[tilespmem:s31+$0x0] =	vst v3  }
0xc1: {  	v3 =	vld [tilespmem:s19+$0x50]  }
0xc2: {  	v4 =	vld [tilespmem:s19+$0x27D0];
	_ =	sdelay $0x4  }
0xc3: {  	vm13 =	veq.s32 v3, v4  }
0xc4: {  	v61 =	vsel vm13, $0x0, v2  }
0xc5: {  	[tilespmem:v3+s12+$0x0] =	vst.idx.add.f32.msk $0xffff, v61  }
0xc6: {  	v3 =	vsel vm13, $0x2710, v4;
	[tilespmem:v4+s13+$0x0] =	vst.idx.add.f32.msk $0xffff, v61  }
0xc7: {  	[tilespmem:s31+$0x10] =	vst v3  }
0xc8: {  	v3 =	vld [tilespmem:s19+$0x60]  }
0xc9: {  	v4 =	vld [tilespmem:s19+$0x27E0];
	_ =	sdelay $0x4  }
0xca: {  	vm14 =	veq.s32 v3, v4  }
0xcb: {  	v62 =	vsel vm14, $0x0, v2  }
0xcc: {  	[tilespmem:v3+s12+$0x0] =	vst.idx.add.f32.msk $0xffff, v62  }
0xcd: {  	v3 =	vsel vm14, $0x2710, v4;
	[tilespmem:v4+s13+$0x0] =	vst.idx.add.f32.msk $0xffff, v62  }
0xce: {  	[tilespmem:s31+$0x20] =	vst v3  }
0xcf: {  	v3 =	vld [tilespmem:s19+$0x70]  }
0xd0: {  	v4 =	vld [tilespmem:s19+$0x27F0];
	_ =	sdelay $0x4  }
0xd1: {  	vm15 =	veq.s32 v3, v4  }
0xd2: {  	v63 =	vsel vm15, $0x0, v2  }
0xd3: {  	[tilespmem:v3+s12+$0x0] =	vst.idx.add.f32.msk $0xffff, v63  }
0xd4: {  	v3 =	vsel vm15, $0x2710, v4;
	[tilespmem:v4+s13+$0x0] =	vst.idx.add.f32.msk $0xffff, v63  }
0xd5: {  	[tilespmem:s31+$0x30] =	vst v3  }
0xd6: {  	[hbm4b:s5+s14] =	stream.strided.scatter [tilespmem:s2], [sflag:$0x1], $0x2780, s15, s14, $0x38;
	[tilespmem:$0xEE00] =	vst v63  }
0xd7: {  	_ =	swait.ge [sflag:s10], $0x2780  }
0xd8: {  	[sflag:s10] =	ssyncset.done $0x0  }
0xd9: {  	[sflag:s10] =	ssyncadd.s32 $0xFFFFD880  }
0xda: {  	[hbm4b:s6+s2] =	stream.linear.scatter [tilespmem:s16], [sflag:$0x1], $0x4F00, $0x38;
	[tilespmem:$0xEE00] =	vst v63  }
0xdb: {  	_ =	swait.ge [sflag:s10], $0x4F00  }
0xdc: {  	[sflag:s10] =	ssyncset.done $0x0  }
0xdd: {  	[sflag:s10] =	ssyncadd.s32 $0xFFFFB100  }
0xde: {  	[hbm4b:s7+s14] =	stream.strided.scatter [tilespmem:s12], [sflag:$0x1], $0x2780, s15, s14, $0x38;
	[tilespmem:$0xEE00] =	vst v63  }
0xdf: {  	s17 =	sadd.s32 $0x1, s17;
	_ =	swait.ge [sflag:s10], $0x2780  }
0xe0: {  	p0 =	sne.s32 s17, s9;
	[sflag:s10] =	ssyncset.done $0x0  }
.Ltmp2:
0xe1: {  	[sflag:s10] =	ssyncadd.s32 $0xFFFFD880;
	(pc) =	sbr.rel @p0 .LBB2_1-.Ltmp2, $4  }
0xe2: {  	[hbm4b:s8+s14] =	stream.strided.scatter [tilespmem:s13], [sflag:$0x1], $0x2780, s15, s14, $0x38;
	[tilespmem:$0xEE00] =	vst v63  }
0xe3: {  	_ =	swait.ge [sflag:s10], $0x2780  }
0xe4: {  	[sflag:s10] =	ssyncset.done $0x0  }
0xe5: {  	[sflag:s10] =	ssyncadd.s32 $0xFFFFD880  }
0xe6: {  	_ =	sfence.sel $0x180000  }
0xe7: {  	[bflag:$0x0] =	sbarrier.arrive $0xFFFF  }
0xe8: {  	p0 =	sne.s32 s0, $0x0;
	_ =	strace $0x90000047  }
0xe9: {  	s0 =	sadd.s32 @!p0 $0x100000, s1;
	[bflag:$0x2] =	sbarrier.arrive $0xFFFF  }
0xea: {  	[sflag:s0] =	ssyncadd.tile.s32 @!p0 $0x1;
	_ =	shalt  }
.Lfunc_end2:
_tile_overlayer_lowered:
.L_overlay_start_2:
0xeb: {  	(tag) =	ssettag $0x2  }
0xec: {  	s0 =	rddreg [dreg:$0x0];
	s2 =	stileid.u32  }
0xed: {  	s1 =	rddreg [dreg:$0x1];
	p0 =	sne.s32 s2, $0x0  }
0xee: {  	s3 =	rddreg [dreg:$0x2];
	[bflag:$0x3] =	sbarrier.arrive $0xFFFF;
	s2 =	simm.s32 @!p0 $0x1C01  }
0xef: {  	[timem:s3], [sflag:s2] =	dma.local @!p0 [hbm:s0], s1  }
0xf0: {  	s0 =	simm.s32 @!p0 $0x1  }
0xf1: {  	_ =	swait.ge @!p0 [sflag:s0], s1  }
0xf2: {  	s1 =	ssub.s32 @!p0 $0x0, s1;
	[sflag:s0] =	ssyncset.done @!p0 $0x0  }
0xf3: {  	[sflag:s0] =	ssyncadd.s32 @!p0 s1  }
0xf4: {  	[bflag:$0x3] =	sbarrier.arrive $0xFFFF  }
0xf5: {  	_ =	shalt  }

</sc_bundles>
